<compile_context>
chip_gen: v7x
topology: tpu7x:2x2x1
jax: 0.10.2.dev20260603
libtpu: 0.0.44.dev20260713+nightly
codegen_flags: <defaults>
</compile_context>

<pallas_src>
import jax
import jax.numpy as jnp
from jax import lax
from jax.experimental import pallas as pl
from jax.experimental.pallas import tpu as pltpu
from jax.experimental.pallas import tpu_sc as plsc

_NC = 2
_NS = 16
_NW = _NC * _NS
_L = 16
_K = 32
_B = 16384
_BPW = _B // _NW
_NCH = 4
_CH = _BPW // _NCH
_GPC = _CH // _L


def _mf_body(x_hbm, w_hbm, h_hbm, out_hbm,
             xv, uv0, uv1, vv0, vv1, ov, sem0, sem1):
    wid = lax.axis_index("s") * _NC + lax.axis_index("c")
    base = wid * _BPW
    pltpu.sync_copy(x_hbm.at[pl.ds(base * 2, _BPW * 2)], xv)

    ubufs = (uv0, uv1)
    vbufs = (vv0, vv1)
    sems = (sem0, sem1)
    lanes = lax.iota(jnp.int32, _L)

    def fire_chunk(c):
        ub = ubufs[c % 2]
        vb = vbufs[c % 2]
        sem = sems[c % 2]

        def fire(g, carry):
            off = c * _CH * 2 + g * _L
            vec = xv[pl.ds(off, _L)]
            for j in range(_L // 2):
                s = (g * _L) // 2 + j
                pltpu.async_copy(w_hbm.at[pl.ds(vec[2 * j], 1)],
                                 ub.at[pl.ds(s, 1)], sem)
                pltpu.async_copy(h_hbm.at[pl.ds(vec[2 * j + 1], 1)],
                                 vb.at[pl.ds(s, 1)], sem)
            return carry

        lax.fori_loop(0, 2 * _CH // _L, fire, 0)

    def drain_chunk(c):
        sem = sems[c % 2]
        pltpu.make_async_copy(w_hbm.at[pl.ds(0, _CH)], ubufs[c % 2], sem).wait()
        pltpu.make_async_copy(h_hbm.at[pl.ds(0, _CH)], vbufs[c % 2], sem).wait()

    def compute_chunk(c):
        ub = ubufs[c % 2]
        vb = vbufs[c % 2]

        def dot(g, carry):
            rows = g * _L + lanes
            col0 = jnp.zeros((_L,), jnp.int32)
            acc = plsc.load_gather(ub, [rows, col0]) * plsc.load_gather(vb, [rows, col0])
            for k in range(1, _K):
                colk = jnp.full((_L,), k, jnp.int32)
                acc = acc + plsc.load_gather(ub, [rows, colk]) * plsc.load_gather(vb, [rows, colk])
            ov[pl.ds(c * _CH + g * _L, _L)] = 1.0 / (1.0 + jnp.exp(-acc))
            return carry

        lax.fori_loop(0, _GPC, dot, 0)

    fire_chunk(0)
    for c in range(_NCH):
        if c + 1 < _NCH:
            fire_chunk(c + 1)
        drain_chunk(c)
        compute_chunk(c)

    pltpu.sync_copy(ov, out_hbm.at[pl.ds(base, _BPW)])


@jax.jit
def kernel(x, W, H):
    mesh = plsc.VectorSubcoreMesh(
        core_axis_name="c", subcore_axis_name="s",
        num_cores=_NC, num_subcores=_NS)
    f = pl.kernel(
        _mf_body,
        out_type=jax.ShapeDtypeStruct((_B,), jnp.float32),
        mesh=mesh,
        compiler_params=pltpu.CompilerParams(needs_layout_passes=False),
        scratch_types=[
            pltpu.VMEM((_BPW * 2,), jnp.int32),
            pltpu.VMEM((_CH, _K), jnp.float32),
            pltpu.VMEM((_CH, _K), jnp.float32),
            pltpu.VMEM((_CH, _K), jnp.float32),
            pltpu.VMEM((_CH, _K), jnp.float32),
            pltpu.VMEM((_BPW,), jnp.float32),
            pltpu.SemaphoreType.DMA,
            pltpu.SemaphoreType.DMA,
        ],
    )
    return f(x.reshape(-1), W, H)

# --- scband reference (transcript-rebuilt; emitter-appended) ---
"""Pipeline reference for scband-mf-10866267259502 (READ-ONLY COPY).

The authoritative reference and input builder live on the scoring server;
editing this copy changes nothing except your own understanding.
"""

import jax, jax.numpy as jnp
import numpy as np

NUM_USERS = 1000000
NUM_ITEMS = 1000000
EMBED_K = 32
BATCH = 16384


def setup_inputs(seed: int = 0) -> dict:
    key = jax.random.key(seed)
    k1, k2, k3 = jax.random.split(key, 3)
    x = jax.random.randint(k1, (BATCH, 2), 0, NUM_USERS, dtype=jnp.int64) if jax.config.jax_enable_x64 else jax.random.randint(k1, (BATCH, 2), 0, NUM_USERS, dtype=jnp.int32)
    W = jax.random.normal(k2, (NUM_USERS, EMBED_K), dtype=jnp.float32)
    H = jax.random.normal(k3, (NUM_ITEMS, EMBED_K), dtype=jnp.float32)
    return {"x": x, "W": W, "H": H}


def reference(x, W, H):
    # Faithful translation of MF.forward (is_training=False path)
    user_idx = x[:, 0]
    item_idx = x[:, 1]
    U_emb = jnp.take(W, user_idx, axis=0)
    V_emb = jnp.take(H, item_idx, axis=0)
    out = jax.nn.sigmoid(jnp.sum(U_emb * V_emb, axis=1))
    return out

if __name__ == "__main__":
    import jax
    _d = setup_inputs()
    print(jax.jit(kernel)(*tuple(_d.values())))

</pallas_src>

<mosaic_0001>
#map = affine_map<(d0, d1) -> (0)>
#map1 = affine_map<(d0, d1) -> (0, 0)>
module attributes {stable_mosaic.version = 14 : i64} {
  func.func @_mf_body(%arg0: i32, %arg1: i32, %arg2: memref<32768xi32, #tpu.memory_space<hbm>>, %arg3: memref<1000000x32xf32, #tpu.memory_space<hbm>>, %arg4: memref<1000000x32xf32, #tpu.memory_space<hbm>>, %arg5: memref<16384xf32, #tpu.memory_space<hbm>>, %arg6: memref<1024xi32, #tpu.memory_space<vmem>>, %arg7: memref<128x32xf32, #tpu.memory_space<vmem>>, %arg8: memref<128x32xf32, #tpu.memory_space<vmem>>, %arg9: memref<128x32xf32, #tpu.memory_space<vmem>>, %arg10: memref<128x32xf32, #tpu.memory_space<vmem>>, %arg11: memref<512xf32, #tpu.memory_space<vmem>>, %arg12: memref<!tpu.dma_semaphore, #tpu.memory_space<semaphore_mem>>, %arg13: memref<!tpu.dma_semaphore, #tpu.memory_space<semaphore_mem>>) attributes {dimension_semantics = [#tpu.dimension_semantics<core_parallel>, #tpu.dimension_semantics<subcore_parallel>], iteration_bounds = array<i64: 2, 16>, scalar_prefetch = 0 : i64, scratch_operands = 8 : i64, tpu.core_type = #tpu.core_type<sc_vector_subcore>, window_params = [{transform_indices = #map}, {transform_indices = #map1}, {transform_indices = #map1}, {transform_indices = #map}]} {
    %mul3A = arith.constant 2 : i32
    %mul3A_0 = arith.muli %arg1, %mul3A : i32
    %add3A = arith.addi %mul3A_0, %arg0 : i32
    %mul3A_1 = arith.constant 512 : i32
    %mul3A_2 = arith.muli %add3A, %mul3A_1 : i32
    %mul3A_3 = arith.constant 2 : i32
    %mul3A_4 = arith.muli %mul3A_2, %mul3A_3 : i32
    "tpu.region"() ({
      %run_scoped3A = tpu.sem_alloc : memref<!tpu.dma_semaphore, #tpu.memory_space<semaphore_mem>>
      %dma_start3A = tpu.memref_slice %arg2[%mul3A_4] : memref<32768xi32, #tpu.memory_space<hbm>> -> memref<1024xi32, #tpu.memory_space<hbm>>
      %dma_start3A_99 = tpu.memref_slice %arg2[%mul3A_4] : memref<32768xi32, #tpu.memory_space<hbm>> -> memref<1024xi32, #tpu.memory_space<hbm>>
      tpu.enqueue_dma source(%dma_start3A_99 : memref<1024xi32, #tpu.memory_space<hbm>>) target(%arg6 : memref<1024xi32, #tpu.memory_space<vmem>>) target_semaphore(%run_scoped3A : memref<!tpu.dma_semaphore, #tpu.memory_space<semaphore_mem>>)
      %dma_wait3A_100 = tpu.memref_slice %arg2[%mul3A_4] : memref<32768xi32, #tpu.memory_space<hbm>> -> memref<1024xi32, #tpu.memory_space<hbm>>
      %dma_wait3A_101 = tpu.memref_slice %arg2[%mul3A_4] : memref<32768xi32, #tpu.memory_space<hbm>> -> memref<1024xi32, #tpu.memory_space<hbm>>
      tpu.wait_dma2 semaphore(%run_scoped3A : memref<!tpu.dma_semaphore, #tpu.memory_space<semaphore_mem>>) src(%dma_wait3A_101 : memref<1024xi32, #tpu.memory_space<hbm>>) dst(%arg6 : memref<1024xi32, #tpu.memory_space<vmem>>)
      tpu.yield
    }) : () -> ()
    %iota3A = tpu.iota {dimensions = array<i32: 0>} : vector<16xi32>
    %scan3A = arith.constant 0 : i32
    %scan3A_5 = arith.constant 0 : i32
    %scan3A_6 = arith.constant 16 : i32
    %scan3A_7 = arith.addi %scan3A_5, %scan3A_6 : i32
    %scan3A_8 = arith.constant 1 : i32
    scf.for %scan3A_99 = %scan3A_5 to %scan3A_7 step %scan3A_8  : i32 {
      %mul3A_100 = arith.constant 16 : i32
      %mul3A_101 = arith.muli %scan3A_99, %mul3A_100 : i32
      %add3A_102 = arith.constant 0 : i32
      %add3A_103 = arith.addi %add3A_102, %mul3A_101 : i32
      %get3A = arith.index_cast %add3A_103 : i32 to index
      %get3A_104 = tpu.vector_load %arg6[%get3A] {strides = array<i32>} : memref<1024xi32, #tpu.memory_space<vmem>>, vector<16xi32>,
      %mul3A_105 = arith.constant 16 : i32
      %mul3A_106 = arith.muli %scan3A_99, %mul3A_105 : i32
      %jit3A = arith.constant 2 : i32
      %div3A = arith.divsi %mul3A_106, %jit3A : i32
      %sign3A = arith.constant 0 : i32
      %sign3A_107 = arith.cmpi sgt, %mul3A_106, %sign3A : i32
      %sign3A_108 = arith.extui %sign3A_107 : i1 to i32
      %sign3A_109 = arith.constant 0 : i32
      %sign3A_110 = arith.cmpi slt, %mul3A_106, %sign3A_109 : i32
      %sign3A_111 = arith.extui %sign3A_110 : i1 to i32
      %sign3A_112 = arith.subi %sign3A_108, %sign3A_111 : i32
      %sign3A_113 = arith.constant 0 : i32
      %sign3A_114 = arith.cmpi sgt, %jit3A, %sign3A_113 : i32
      %sign3A_115 = arith.extui %sign3A_114 : i1 to i32
      %sign3A_116 = arith.constant 0 : i32
      %sign3A_117 = arith.cmpi slt, %jit3A, %sign3A_116 : i32
      %sign3A_118 = arith.extui %sign3A_117 : i1 to i32
      %sign3A_119 = arith.subi %sign3A_115, %sign3A_118 : i32
      %ne3A = arith.cmpi ne, %sign3A_112, %sign3A_119 : i32
      %rem3A = arith.remsi %mul3A_106, %jit3A : i32
      %ne3A_120 = arith.constant 0 : i32
      %ne3A_121 = arith.cmpi ne, %rem3A, %ne3A_120 : i32
      %and3A = arith.andi %ne3A, %ne3A_121 : i1
      %sub3A = arith.constant 1 : i32
      %sub3A_122 = arith.subi %div3A, %sub3A : i32
      %select_n3A = arith.select %and3A, %sub3A_122, %div3A : i32
      %add3A_123 = arith.constant 0 : i32
      %add3A_124 = arith.addi %select_n3A, %add3A_123 : i32
      %slice3A = vector.extract_strided_slice %get3A_104 {offsets = [0], sizes = [1], strides = [1]} : vector<16xi32> to vector<1xi32>
      %squeeze3A = vector.extract %slice3A[0] : i32 from vector<1xi32>
      %dma_start3A = arith.constant 0 : i32
      %dma_start3A_125 = tpu.memref_slice %arg7[%add3A_124, %dma_start3A] : memref<128x32xf32, #tpu.memory_space<vmem>> -> memref<1x32xf32, #tpu.memory_space<vmem>>
      %dma_start3A_126 = arith.constant 0 : i32
      %dma_start3A_127 = tpu.memref_slice %arg3[%squeeze3A, %dma_start3A_126] : memref<1000000x32xf32, #tpu.memory_space<hbm>> -> memref<1x32xf32, #tpu.memory_space<hbm>>
      %dma_start3A_128 = arith.constant 0 : i32
      %dma_start3A_129 = tpu.memref_slice %arg7[%add3A_124, %dma_start3A_128] : memref<128x32xf32, #tpu.memory_space<vmem>> -> memref<1x32xf32, #tpu.memory_space<vmem>>
      %dma_start3A_130 = arith.constant 0 : i32
      %dma_start3A_131 = tpu.memref_slice %arg3[%squeeze3A, %dma_start3A_130] : memref<1000000x32xf32, #tpu.memory_space<hbm>> -> memref<1x32xf32, #tpu.memory_space<hbm>>
      tpu.enqueue_dma source(%dma_start3A_131 : memref<1x32xf32, #tpu.memory_space<hbm>>) target(%dma_start3A_129 : memref<1x32xf32, #tpu.memory_space<vmem>>) target_semaphore(%arg12 : memref<!tpu.dma_semaphore, #tpu.memory_space<semaphore_mem>>)
      %slice3A_132 = vector.extract_strided_slice %get3A_104 {offsets = [1], sizes = [1], strides = [1]} : vector<16xi32> to vector<1xi32>
      %squeeze3A_133 = vector.extract %slice3A_132[0] : i32 from vector<1xi32>
      %dma_start3A_134 = arith.constant 0 : i32
      %dma_start3A_135 = tpu.memref_slice %arg9[%add3A_124, %dma_start3A_134] : memref<128x32xf32, #tpu.memory_space<vmem>> -> memref<1x32xf32, #tpu.memory_space<vmem>>
      %dma_start3A_136 = arith.constant 0 : i32
      %dma_start3A_137 = tpu.memref_slice %arg4[%squeeze3A_133, %dma_start3A_136] : memref<1000000x32xf32, #tpu.memory_space<hbm>> -> memref<1x32xf32, #tpu.memory_space<hbm>>
      %dma_start3A_138 = arith.constant 0 : i32
      %dma_start3A_139 = tpu.memref_slice %arg9[%add3A_124, %dma_start3A_138] : memref<128x32xf32, #tpu.memory_space<vmem>> -> memref<1x32xf32, #tpu.memory_space<vmem>>
      %dma_start3A_140 = arith.constant 0 : i32
      %dma_start3A_141 = tpu.memref_slice %arg4[%squeeze3A_133, %dma_start3A_140] : memref<1000000x32xf32, #tpu.memory_space<hbm>> -> memref<1x32xf32, #tpu.memory_space<hbm>>
      tpu.enqueue_dma source(%dma_start3A_141 : memref<1x32xf32, #tpu.memory_space<hbm>>) target(%dma_start3A_139 : memref<1x32xf32, #tpu.memory_space<vmem>>) target_semaphore(%arg12 : memref<!tpu.dma_semaphore, #tpu.memory_space<semaphore_mem>>)
      %mul3A_142 = arith.constant 16 : i32
      %mul3A_143 = arith.muli %scan3A_99, %mul3A_142 : i32
      %jit3A_144 = arith.constant 2 : i32
      %div3A_145 = arith.divsi %mul3A_143, %jit3A_144 : i32
      %sign3A_146 = arith.constant 0 : i32
      %sign3A_147 = arith.cmpi sgt, %mul3A_143, %sign3A_146 : i32
      %sign3A_148 = arith.extui %sign3A_147 : i1 to i32
      %sign3A_149 = arith.constant 0 : i32
      %sign3A_150 = arith.cmpi slt, %mul3A_143, %sign3A_149 : i32
      %sign3A_151 = arith.extui %sign3A_150 : i1 to i32
      %sign3A_152 = arith.subi %sign3A_148, %sign3A_151 : i32
      %sign3A_153 = arith.constant 0 : i32
      %sign3A_154 = arith.cmpi sgt, %jit3A_144, %sign3A_153 : i32
      %sign3A_155 = arith.extui %sign3A_154 : i1 to i32
      %sign3A_156 = arith.constant 0 : i32
      %sign3A_157 = arith.cmpi slt, %jit3A_144, %sign3A_156 : i32
      %sign3A_158 = arith.extui %sign3A_157 : i1 to i32
      %sign3A_159 = arith.subi %sign3A_155, %sign3A_158 : i32
      %ne3A_160 = arith.cmpi ne, %sign3A_152, %sign3A_159 : i32
      %rem3A_161 = arith.remsi %mul3A_143, %jit3A_144 : i32
      %ne3A_162 = arith.constant 0 : i32
      %ne3A_163 = arith.cmpi ne, %rem3A_161, %ne3A_162 : i32
      %and3A_164 = arith.andi %ne3A_160, %ne3A_163 : i1
      %sub3A_165 = arith.constant 1 : i32
      %sub3A_166 = arith.subi %div3A_145, %sub3A_165 : i32
      %select_n3A_167 = arith.select %and3A_164, %sub3A_166, %div3A_145 : i32
      %add3A_168 = arith.constant 1 : i32
      %add3A_169 = arith.addi %select_n3A_167, %add3A_168 : i32
      %slice3A_170 = vector.extract_strided_slice %get3A_104 {offsets = [2], sizes = [1], strides = [1]} : vector<16xi32> to vector<1xi32>
      %squeeze3A_171 = vector.extract %slice3A_170[0] : i32 from vector<1xi32>
      %dma_start3A_172 = arith.constant 0 : i32
      %dma_start3A_173 = tpu.memref_slice %arg7[%add3A_169, %dma_start3A_172] : memref<128x32xf32, #tpu.memory_space<vmem>> -> memref<1x32xf32, #tpu.memory_space<vmem>>
      %dma_start3A_174 = arith.constant 0 : i32
      %dma_start3A_175 = tpu.memref_slice %arg3[%squeeze3A_171, %dma_start3A_174] : memref<1000000x32xf32, #tpu.memory_space<hbm>> -> memref<1x32xf32, #tpu.memory_space<hbm>>
      %dma_start3A_176 = arith.constant 0 : i32
      %dma_start3A_177 = tpu.memref_slice %arg7[%add3A_169, %dma_start3A_176] : memref<128x32xf32, #tpu.memory_space<vmem>> -> memref<1x32xf32, #tpu.memory_space<vmem>>
      %dma_start3A_178 = arith.constant 0 : i32
      %dma_start3A_179 = tpu.memref_slice %arg3[%squeeze3A_171, %dma_start3A_178] : memref<1000000x32xf32, #tpu.memory_space<hbm>> -> memref<1x32xf32, #tpu.memory_space<hbm>>
      tpu.enqueue_dma source(%dma_start3A_179 : memref<1x32xf32, #tpu.memory_space<hbm>>) target(%dma_start3A_177 : memref<1x32xf32, #tpu.memory_space<vmem>>) target_semaphore(%arg12 : memref<!tpu.dma_semaphore, #tpu.memory_space<semaphore_mem>>)
      %slice3A_180 = vector.extract_strided_slice %get3A_104 {offsets = [3], sizes = [1], strides = [1]} : vector<16xi32> to vector<1xi32>
      %squeeze3A_181 = vector.extract %slice3A_180[0] : i32 from vector<1xi32>
      %dma_start3A_182 = arith.constant 0 : i32
      %dma_start3A_183 = tpu.memref_slice %arg9[%add3A_169, %dma_start3A_182] : memref<128x32xf32, #tpu.memory_space<vmem>> -> memref<1x32xf32, #tpu.memory_space<vmem>>
      %dma_start3A_184 = arith.constant 0 : i32
      %dma_start3A_185 = tpu.memref_slice %arg4[%squeeze3A_181, %dma_start3A_184] : memref<1000000x32xf32, #tpu.memory_space<hbm>> -> memref<1x32xf32, #tpu.memory_space<hbm>>
      %dma_start3A_186 = arith.constant 0 : i32
      %dma_start3A_187 = tpu.memref_slice %arg9[%add3A_169, %dma_start3A_186] : memref<128x32xf32, #tpu.memory_space<vmem>> -> memref<1x32xf32, #tpu.memory_space<vmem>>
      %dma_start3A_188 = arith.constant 0 : i32
      %dma_start3A_189 = tpu.memref_slice %arg4[%squeeze3A_181, %dma_start3A_188] : memref<1000000x32xf32, #tpu.memory_space<hbm>> -> memref<1x32xf32, #tpu.memory_space<hbm>>
      tpu.enqueue_dma source(%dma_start3A_189 : memref<1x32xf32, #tpu.memory_space<hbm>>) target(%dma_start3A_187 : memref<1x32xf32, #tpu.memory_space<vmem>>) target_semaphore(%arg12 : memref<!tpu.dma_semaphore, #tpu.memory_space<semaphore_mem>>)
      %mul3A_190 = arith.constant 16 : i32
      %mul3A_191 = arith.muli %scan3A_99, %mul3A_190 : i32
      %jit3A_192 = arith.constant 2 : i32
      %div3A_193 = arith.divsi %mul3A_191, %jit3A_192 : i32
      %sign3A_194 = arith.constant 0 : i32
      %sign3A_195 = arith.cmpi sgt, %mul3A_191, %sign3A_194 : i32
      %sign3A_196 = arith.extui %sign3A_195 : i1 to i32
      %sign3A_197 = arith.constant 0 : i32
      %sign3A_198 = arith.cmpi slt, %mul3A_191, %sign3A_197 : i32
      %sign3A_199 = arith.extui %sign3A_198 : i1 to i32
      %sign3A_200 = arith.subi %sign3A_196, %sign3A_199 : i32
      %sign3A_201 = arith.constant 0 : i32
      %sign3A_202 = arith.cmpi sgt, %jit3A_192, %sign3A_201 : i32
      %sign3A_203 = arith.extui %sign3A_202 : i1 to i32
      %sign3A_204 = arith.constant 0 : i32
      %sign3A_205 = arith.cmpi slt, %jit3A_192, %sign3A_204 : i32
      %sign3A_206 = arith.extui %sign3A_205 : i1 to i32
      %sign3A_207 = arith.subi %sign3A_203, %sign3A_206 : i32
      %ne3A_208 = arith.cmpi ne, %sign3A_200, %sign3A_207 : i32
      %rem3A_209 = arith.remsi %mul3A_191, %jit3A_192 : i32
      %ne3A_210 = arith.constant 0 : i32
      %ne3A_211 = arith.cmpi ne, %rem3A_209, %ne3A_210 : i32
      %and3A_212 = arith.andi %ne3A_208, %ne3A_211 : i1
      %sub3A_213 = arith.constant 1 : i32
      %sub3A_214 = arith.subi %div3A_193, %sub3A_213 : i32
      %select_n3A_215 = arith.select %and3A_212, %sub3A_214, %div3A_193 : i32
      %add3A_216 = arith.constant 2 : i32
      %add3A_217 = arith.addi %select_n3A_215, %add3A_216 : i32
      %slice3A_218 = vector.extract_strided_slice %get3A_104 {offsets = [4], sizes = [1], strides = [1]} : vector<16xi32> to vector<1xi32>
      %squeeze3A_219 = vector.extract %slice3A_218[0] : i32 from vector<1xi32>
      %dma_start3A_220 = arith.constant 0 : i32
      %dma_start3A_221 = tpu.memref_slice %arg7[%add3A_217, %dma_start3A_220] : memref<128x32xf32, #tpu.memory_space<vmem>> -> memref<1x32xf32, #tpu.memory_space<vmem>>
      %dma_start3A_222 = arith.constant 0 : i32
      %dma_start3A_223 = tpu.memref_slice %arg3[%squeeze3A_219, %dma_start3A_222] : memref<1000000x32xf32, #tpu.memory_space<hbm>> -> memref<1x32xf32, #tpu.memory_space<hbm>>
      %dma_start3A_224 = arith.constant 0 : i32
      %dma_start3A_225 = tpu.memref_slice %arg7[%add3A_217, %dma_start3A_224] : memref<128x32xf32, #tpu.memory_space<vmem>> -> memref<1x32xf32, #tpu.memory_space<vmem>>
      %dma_start3A_226 = arith.constant 0 : i32
      %dma_start3A_227 = tpu.memref_slice %arg3[%squeeze3A_219, %dma_start3A_226] : memref<1000000x32xf32, #tpu.memory_space<hbm>> -> memref<1x32xf32, #tpu.memory_space<hbm>>
      tpu.enqueue_dma source(%dma_start3A_227 : memref<1x32xf32, #tpu.memory_space<hbm>>) target(%dma_start3A_225 : memref<1x32xf32, #tpu.memory_space<vmem>>) target_semaphore(%arg12 : memref<!tpu.dma_semaphore, #tpu.memory_space<semaphore_mem>>)
      %slice3A_228 = vector.extract_strided_slice %get3A_104 {offsets = [5], sizes = [1], strides = [1]} : vector<16xi32> to vector<1xi32>
      %squeeze3A_229 = vector.extract %slice3A_228[0] : i32 from vector<1xi32>
      %dma_start3A_230 = arith.constant 0 : i32
      %dma_start3A_231 = tpu.memref_slice %arg9[%add3A_217, %dma_start3A_230] : memref<128x32xf32, #tpu.memory_space<vmem>> -> memref<1x32xf32, #tpu.memory_space<vmem>>
      %dma_start3A_232 = arith.constant 0 : i32
      %dma_start3A_233 = tpu.memref_slice %arg4[%squeeze3A_229, %dma_start3A_232] : memref<1000000x32xf32, #tpu.memory_space<hbm>> -> memref<1x32xf32, #tpu.memory_space<hbm>>
      %dma_start3A_234 = arith.constant 0 : i32
      %dma_start3A_235 = tpu.memref_slice %arg9[%add3A_217, %dma_start3A_234] : memref<128x32xf32, #tpu.memory_space<vmem>> -> memref<1x32xf32, #tpu.memory_space<vmem>>
      %dma_start3A_236 = arith.constant 0 : i32
      %dma_start3A_237 = tpu.memref_slice %arg4[%squeeze3A_229, %dma_start3A_236] : memref<1000000x32xf32, #tpu.memory_space<hbm>> -> memref<1x32xf32, #tpu.memory_space<hbm>>
      tpu.enqueue_dma source(%dma_start3A_237 : memref<1x32xf32, #tpu.memory_space<hbm>>) target(%dma_start3A_235 : memref<1x32xf32, #tpu.memory_space<vmem>>) target_semaphore(%arg12 : memref<!tpu.dma_semaphore, #tpu.memory_space<semaphore_mem>>)
      %mul3A_238 = arith.constant 16 : i32
      %mul3A_239 = arith.muli %scan3A_99, %mul3A_238 : i32
      %jit3A_240 = arith.constant 2 : i32
      %div3A_241 = arith.divsi %mul3A_239, %jit3A_240 : i32
      %sign3A_242 = arith.constant 0 : i32
      %sign3A_243 = arith.cmpi sgt, %mul3A_239, %sign3A_242 : i32
      %sign3A_244 = arith.extui %sign3A_243 : i1 to i32
      %sign3A_245 = arith.constant 0 : i32
      %sign3A_246 = arith.cmpi slt, %mul3A_239, %sign3A_245 : i32
      %sign3A_247 = arith.extui %sign3A_246 : i1 to i32
      %sign3A_248 = arith.subi %sign3A_244, %sign3A_247 : i32
      %sign3A_249 = arith.constant 0 : i32
      %sign3A_250 = arith.cmpi sgt, %jit3A_240, %sign3A_249 : i32
      %sign3A_251 = arith.extui %sign3A_250 : i1 to i32
      %sign3A_252 = arith.constant 0 : i32
      %sign3A_253 = arith.cmpi slt, %jit3A_240, %sign3A_252 : i32
      %sign3A_254 = arith.extui %sign3A_253 : i1 to i32
      %sign3A_255 = arith.subi %sign3A_251, %sign3A_254 : i32
      %ne3A_256 = arith.cmpi ne, %sign3A_248, %sign3A_255 : i32
      %rem3A_257 = arith.remsi %mul3A_239, %jit3A_240 : i32
      %ne3A_258 = arith.constant 0 : i32
      %ne3A_259 = arith.cmpi ne, %rem3A_257, %ne3A_258 : i32
      %and3A_260 = arith.andi %ne3A_256, %ne3A_259 : i1
      %sub3A_261 = arith.constant 1 : i32
      %sub3A_262 = arith.subi %div3A_241, %sub3A_261 : i32
      %select_n3A_263 = arith.select %and3A_260, %sub3A_262, %div3A_241 : i32
      %add3A_264 = arith.constant 3 : i32
      %add3A_265 = arith.addi %select_n3A_263, %add3A_264 : i32
      %slice3A_266 = vector.extract_strided_slice %get3A_104 {offsets = [6], sizes = [1], strides = [1]} : vector<16xi32> to vector<1xi32>
      %squeeze3A_267 = vector.extract %slice3A_266[0] : i32 from vector<1xi32>
      %dma_start3A_268 = arith.constant 0 : i32
      %dma_start3A_269 = tpu.memref_slice %arg7[%add3A_265, %dma_start3A_268] : memref<128x32xf32, #tpu.memory_space<vmem>> -> memref<1x32xf32, #tpu.memory_space<vmem>>
      %dma_start3A_270 = arith.constant 0 : i32
      %dma_start3A_271 = tpu.memref_slice %arg3[%squeeze3A_267, %dma_start3A_270] : memref<1000000x32xf32, #tpu.memory_space<hbm>> -> memref<1x32xf32, #tpu.memory_space<hbm>>
      %dma_start3A_272 = arith.constant 0 : i32
      %dma_start3A_273 = tpu.memref_slice %arg7[%add3A_265, %dma_start3A_272] : memref<128x32xf32, #tpu.memory_space<vmem>> -> memref<1x32xf32, #tpu.memory_space<vmem>>
      %dma_start3A_274 = arith.constant 0 : i32
      %dma_start3A_275 = tpu.memref_slice %arg3[%squeeze3A_267, %dma_start3A_274] : memref<1000000x32xf32, #tpu.memory_space<hbm>> -> memref<1x32xf32, #tpu.memory_space<hbm>>
      tpu.enqueue_dma source(%dma_start3A_275 : memref<1x32xf32, #tpu.memory_space<hbm>>) target(%dma_start3A_273 : memref<1x32xf32, #tpu.memory_space<vmem>>) target_semaphore(%arg12 : memref<!tpu.dma_semaphore, #tpu.memory_space<semaphore_mem>>)
      %slice3A_276 = vector.extract_strided_slice %get3A_104 {offsets = [7], sizes = [1], strides = [1]} : vector<16xi32> to vector<1xi32>
      %squeeze3A_277 = vector.extract %slice3A_276[0] : i32 from vector<1xi32>
      %dma_start3A_278 = arith.constant 0 : i32
      %dma_start3A_279 = tpu.memref_slice %arg9[%add3A_265, %dma_start3A_278] : memref<128x32xf32, #tpu.memory_space<vmem>> -> memref<1x32xf32, #tpu.memory_space<vmem>>
      %dma_start3A_280 = arith.constant 0 : i32
      %dma_start3A_281 = tpu.memref_slice %arg4[%squeeze3A_277, %dma_start3A_280] : memref<1000000x32xf32, #tpu.memory_space<hbm>> -> memref<1x32xf32, #tpu.memory_space<hbm>>
      %dma_start3A_282 = arith.constant 0 : i32
      %dma_start3A_283 = tpu.memref_slice %arg9[%add3A_265, %dma_start3A_282] : memref<128x32xf32, #tpu.memory_space<vmem>> -> memref<1x32xf32, #tpu.memory_space<vmem>>
      %dma_start3A_284 = arith.constant 0 : i32
      %dma_start3A_285 = tpu.memref_slice %arg4[%squeeze3A_277, %dma_start3A_284] : memref<1000000x32xf32, #tpu.memory_space<hbm>> -> memref<1x32xf32, #tpu.memory_space<hbm>>
      tpu.enqueue_dma source(%dma_start3A_285 : memref<1x32xf32, #tpu.memory_space<hbm>>) target(%dma_start3A_283 : memref<1x32xf32, #tpu.memory_space<vmem>>) target_semaphore(%arg12 : memref<!tpu.dma_semaphore, #tpu.memory_space<semaphore_mem>>)
      %mul3A_286 = arith.constant 16 : i32
      %mul3A_287 = arith.muli %scan3A_99, %mul3A_286 : i32
      %jit3A_288 = arith.constant 2 : i32
      %div3A_289 = arith.divsi %mul3A_287, %jit3A_288 : i32
      %sign3A_290 = arith.constant 0 : i32
      %sign3A_291 = arith.cmpi sgt, %mul3A_287, %sign3A_290 : i32
      %sign3A_292 = arith.extui %sign3A_291 : i1 to i32
      %sign3A_293 = arith.constant 0 : i32
      %sign3A_294 = arith.cmpi slt, %mul3A_287, %sign3A_293 : i32
      %sign3A_295 = arith.extui %sign3A_294 : i1 to i32
      %sign3A_296 = arith.subi %sign3A_292, %sign3A_295 : i32
      %sign3A_297 = arith.constant 0 : i32
      %sign3A_298 = arith.cmpi sgt, %jit3A_288, %sign3A_297 : i32
      %sign3A_299 = arith.extui %sign3A_298 : i1 to i32
      %sign3A_300 = arith.constant 0 : i32
      %sign3A_301 = arith.cmpi slt, %jit3A_288, %sign3A_300 : i32
      %sign3A_302 = arith.extui %sign3A_301 : i1 to i32
      %sign3A_303 = arith.subi %sign3A_299, %sign3A_302 : i32
      %ne3A_304 = arith.cmpi ne, %sign3A_296, %sign3A_303 : i32
      %rem3A_305 = arith.remsi %mul3A_287, %jit3A_288 : i32
      %ne3A_306 = arith.constant 0 : i32
      %ne3A_307 = arith.cmpi ne, %rem3A_305, %ne3A_306 : i32
      %and3A_308 = arith.andi %ne3A_304, %ne3A_307 : i1
      %sub3A_309 = arith.constant 1 : i32
      %sub3A_310 = arith.subi %div3A_289, %sub3A_309 : i32
      %select_n3A_311 = arith.select %and3A_308, %sub3A_310, %div3A_289 : i32
      %add3A_312 = arith.constant 4 : i32
      %add3A_313 = arith.addi %select_n3A_311, %add3A_312 : i32
      %slice3A_314 = vector.extract_strided_slice %get3A_104 {offsets = [8], sizes = [1], strides = [1]} : vector<16xi32> to vector<1xi32>
      %squeeze3A_315 = vector.extract %slice3A_314[0] : i32 from vector<1xi32>
      %dma_start3A_316 = arith.constant 0 : i32
      %dma_start3A_317 = tpu.memref_slice %arg7[%add3A_313, %dma_start3A_316] : memref<128x32xf32, #tpu.memory_space<vmem>> -> memref<1x32xf32, #tpu.memory_space<vmem>>
      %dma_start3A_318 = arith.constant 0 : i32
      %dma_start3A_319 = tpu.memref_slice %arg3[%squeeze3A_315, %dma_start3A_318] : memref<1000000x32xf32, #tpu.memory_space<hbm>> -> memref<1x32xf32, #tpu.memory_space<hbm>>
      %dma_start3A_320 = arith.constant 0 : i32
      %dma_start3A_321 = tpu.memref_slice %arg7[%add3A_313, %dma_start3A_320] : memref<128x32xf32, #tpu.memory_space<vmem>> -> memref<1x32xf32, #tpu.memory_space<vmem>>
      %dma_start3A_322 = arith.constant 0 : i32
      %dma_start3A_323 = tpu.memref_slice %arg3[%squeeze3A_315, %dma_start3A_322] : memref<1000000x32xf32, #tpu.memory_space<hbm>> -> memref<1x32xf32, #tpu.memory_space<hbm>>
      tpu.enqueue_dma source(%dma_start3A_323 : memref<1x32xf32, #tpu.memory_space<hbm>>) target(%dma_start3A_321 : memref<1x32xf32, #tpu.memory_space<vmem>>) target_semaphore(%arg12 : memref<!tpu.dma_semaphore, #tpu.memory_space<semaphore_mem>>)
      %slice3A_324 = vector.extract_strided_slice %get3A_104 {offsets = [9], sizes = [1], strides = [1]} : vector<16xi32> to vector<1xi32>
      %squeeze3A_325 = vector.extract %slice3A_324[0] : i32 from vector<1xi32>
      %dma_start3A_326 = arith.constant 0 : i32
      %dma_start3A_327 = tpu.memref_slice %arg9[%add3A_313, %dma_start3A_326] : memref<128x32xf32, #tpu.memory_space<vmem>> -> memref<1x32xf32, #tpu.memory_space<vmem>>
      %dma_start3A_328 = arith.constant 0 : i32
      %dma_start3A_329 = tpu.memref_slice %arg4[%squeeze3A_325, %dma_start3A_328] : memref<1000000x32xf32, #tpu.memory_space<hbm>> -> memref<1x32xf32, #tpu.memory_space<hbm>>
      %dma_start3A_330 = arith.constant 0 : i32
      %dma_start3A_331 = tpu.memref_slice %arg9[%add3A_313, %dma_start3A_330] : memref<128x32xf32, #tpu.memory_space<vmem>> -> memref<1x32xf32, #tpu.memory_space<vmem>>
      %dma_start3A_332 = arith.constant 0 : i32
      %dma_start3A_333 = tpu.memref_slice %arg4[%squeeze3A_325, %dma_start3A_332] : memref<1000000x32xf32, #tpu.memory_space<hbm>> -> memref<1x32xf32, #tpu.memory_space<hbm>>
      tpu.enqueue_dma source(%dma_start3A_333 : memref<1x32xf32, #tpu.memory_space<hbm>>) target(%dma_start3A_331 : memref<1x32xf32, #tpu.memory_space<vmem>>) target_semaphore(%arg12 : memref<!tpu.dma_semaphore, #tpu.memory_space<semaphore_mem>>)
      %mul3A_334 = arith.constant 16 : i32
      %mul3A_335 = arith.muli %scan3A_99, %mul3A_334 : i32
      %jit3A_336 = arith.constant 2 : i32
      %div3A_337 = arith.divsi %mul3A_335, %jit3A_336 : i32
      %sign3A_338 = arith.constant 0 : i32
      %sign3A_339 = arith.cmpi sgt, %mul3A_335, %sign3A_338 : i32
      %sign3A_340 = arith.extui %sign3A_339 : i1 to i32
      %sign3A_341 = arith.constant 0 : i32
      %sign3A_342 = arith.cmpi slt, %mul3A_335, %sign3A_341 : i32
      %sign3A_343 = arith.extui %sign3A_342 : i1 to i32
      %sign3A_344 = arith.subi %sign3A_340, %sign3A_343 : i32
      %sign3A_345 = arith.constant 0 : i32
      %sign3A_346 = arith.cmpi sgt, %jit3A_336, %sign3A_345 : i32
      %sign3A_347 = arith.extui %sign3A_346 : i1 to i32
      %sign3A_348 = arith.constant 0 : i32
      %sign3A_349 = arith.cmpi slt, %jit3A_336, %sign3A_348 : i32
      %sign3A_350 = arith.extui %sign3A_349 : i1 to i32
      %sign3A_351 = arith.subi %sign3A_347, %sign3A_350 : i32
      %ne3A_352 = arith.cmpi ne, %sign3A_344, %sign3A_351 : i32
      %rem3A_353 = arith.remsi %mul3A_335, %jit3A_336 : i32
      %ne3A_354 = arith.constant 0 : i32
      %ne3A_355 = arith.cmpi ne, %rem3A_353, %ne3A_354 : i32
      %and3A_356 = arith.andi %ne3A_352, %ne3A_355 : i1
      %sub3A_357 = arith.constant 1 : i32
      %sub3A_358 = arith.subi %div3A_337, %sub3A_357 : i32
      %select_n3A_359 = arith.select %and3A_356, %sub3A_358, %div3A_337 : i32
      %add3A_360 = arith.constant 5 : i32
      %add3A_361 = arith.addi %select_n3A_359, %add3A_360 : i32
      %slice3A_362 = vector.extract_strided_slice %get3A_104 {offsets = [10], sizes = [1], strides = [1]} : vector<16xi32> to vector<1xi32>
      %squeeze3A_363 = vector.extract %slice3A_362[0] : i32 from vector<1xi32>
      %dma_start3A_364 = arith.constant 0 : i32
      %dma_start3A_365 = tpu.memref_slice %arg7[%add3A_361, %dma_start3A_364] : memref<128x32xf32, #tpu.memory_space<vmem>> -> memref<1x32xf32, #tpu.memory_space<vmem>>
      %dma_start3A_366 = arith.constant 0 : i32
      %dma_start3A_367 = tpu.memref_slice %arg3[%squeeze3A_363, %dma_start3A_366] : memref<1000000x32xf32, #tpu.memory_space<hbm>> -> memref<1x32xf32, #tpu.memory_space<hbm>>
      %dma_start3A_368 = arith.constant 0 : i32
      %dma_start3A_369 = tpu.memref_slice %arg7[%add3A_361, %dma_start3A_368] : memref<128x32xf32, #tpu.memory_space<vmem>> -> memref<1x32xf32, #tpu.memory_space<vmem>>
      %dma_start3A_370 = arith.constant 0 : i32
      %dma_start3A_371 = tpu.memref_slice %arg3[%squeeze3A_363, %dma_start3A_370] : memref<1000000x32xf32, #tpu.memory_space<hbm>> -> memref<1x32xf32, #tpu.memory_space<hbm>>
      tpu.enqueue_dma source(%dma_start3A_371 : memref<1x32xf32, #tpu.memory_space<hbm>>) target(%dma_start3A_369 : memref<1x32xf32, #tpu.memory_space<vmem>>) target_semaphore(%arg12 : memref<!tpu.dma_semaphore, #tpu.memory_space<semaphore_mem>>)
      %slice3A_372 = vector.extract_strided_slice %get3A_104 {offsets = [11], sizes = [1], strides = [1]} : vector<16xi32> to vector<1xi32>
      %squeeze3A_373 = vector.extract %slice3A_372[0] : i32 from vector<1xi32>
      %dma_start3A_374 = arith.constant 0 : i32
      %dma_start3A_375 = tpu.memref_slice %arg9[%add3A_361, %dma_start3A_374] : memref<128x32xf32, #tpu.memory_space<vmem>> -> memref<1x32xf32, #tpu.memory_space<vmem>>
      %dma_start3A_376 = arith.constant 0 : i32
      %dma_start3A_377 = tpu.memref_slice %arg4[%squeeze3A_373, %dma_start3A_376] : memref<1000000x32xf32, #tpu.memory_space<hbm>> -> memref<1x32xf32, #tpu.memory_space<hbm>>
      %dma_start3A_378 = arith.constant 0 : i32
      %dma_start3A_379 = tpu.memref_slice %arg9[%add3A_361, %dma_start3A_378] : memref<128x32xf32, #tpu.memory_space<vmem>> -> memref<1x32xf32, #tpu.memory_space<vmem>>
      %dma_start3A_380 = arith.constant 0 : i32
      %dma_start3A_381 = tpu.memref_slice %arg4[%squeeze3A_373, %dma_start3A_380] : memref<1000000x32xf32, #tpu.memory_space<hbm>> -> memref<1x32xf32, #tpu.memory_space<hbm>>
      tpu.enqueue_dma source(%dma_start3A_381 : memref<1x32xf32, #tpu.memory_space<hbm>>) target(%dma_start3A_379 : memref<1x32xf32, #tpu.memory_space<vmem>>) target_semaphore(%arg12 : memref<!tpu.dma_semaphore, #tpu.memory_space<semaphore_mem>>)
      %mul3A_382 = arith.constant 16 : i32
      %mul3A_383 = arith.muli %scan3A_99, %mul3A_382 : i32
      %jit3A_384 = arith.constant 2 : i32
      %div3A_385 = arith.divsi %mul3A_383, %jit3A_384 : i32
      %sign3A_386 = arith.constant 0 : i32
      %sign3A_387 = arith.cmpi sgt, %mul3A_383, %sign3A_386 : i32
      %sign3A_388 = arith.extui %sign3A_387 : i1 to i32
      %sign3A_389 = arith.constant 0 : i32
      %sign3A_390 = arith.cmpi slt, %mul3A_383, %sign3A_389 : i32
      %sign3A_391 = arith.extui %sign3A_390 : i1 to i32
      %sign3A_392 = arith.subi %sign3A_388, %sign3A_391 : i32
      %sign3A_393 = arith.constant 0 : i32
      %sign3A_394 = arith.cmpi sgt, %jit3A_384, %sign3A_393 : i32
      %sign3A_395 = arith.extui %sign3A_394 : i1 to i32
      %sign3A_396 = arith.constant 0 : i32
      %sign3A_397 = arith.cmpi slt, %jit3A_384, %sign3A_396 : i32
      %sign3A_398 = arith.extui %sign3A_397 : i1 to i32
      %sign3A_399 = arith.subi %sign3A_395, %sign3A_398 : i32
      %ne3A_400 = arith.cmpi ne, %sign3A_392, %sign3A_399 : i32
      %rem3A_401 = arith.remsi %mul3A_383, %jit3A_384 : i32
      %ne3A_402 = arith.constant 0 : i32
      %ne3A_403 = arith.cmpi ne, %rem3A_401, %ne3A_402 : i32
      %and3A_404 = arith.andi %ne3A_400, %ne3A_403 : i1
      %sub3A_405 = arith.constant 1 : i32
      %sub3A_406 = arith.subi %div3A_385, %sub3A_405 : i32
      %select_n3A_407 = arith.select %and3A_404, %sub3A_406, %div3A_385 : i32
      %add3A_408 = arith.constant 6 : i32
      %add3A_409 = arith.addi %select_n3A_407, %add3A_408 : i32
      %slice3A_410 = vector.extract_strided_slice %get3A_104 {offsets = [12], sizes = [1], strides = [1]} : vector<16xi32> to vector<1xi32>
      %squeeze3A_411 = vector.extract %slice3A_410[0] : i32 from vector<1xi32>
      %dma_start3A_412 = arith.constant 0 : i32
      %dma_start3A_413 = tpu.memref_slice %arg7[%add3A_409, %dma_start3A_412] : memref<128x32xf32, #tpu.memory_space<vmem>> -> memref<1x32xf32, #tpu.memory_space<vmem>>
      %dma_start3A_414 = arith.constant 0 : i32
      %dma_start3A_415 = tpu.memref_slice %arg3[%squeeze3A_411, %dma_start3A_414] : memref<1000000x32xf32, #tpu.memory_space<hbm>> -> memref<1x32xf32, #tpu.memory_space<hbm>>
      %dma_start3A_416 = arith.constant 0 : i32
      %dma_start3A_417 = tpu.memref_slice %arg7[%add3A_409, %dma_start3A_416] : memref<128x32xf32, #tpu.memory_space<vmem>> -> memref<1x32xf32, #tpu.memory_space<vmem>>
      %dma_start3A_418 = arith.constant 0 : i32
      %dma_start3A_419 = tpu.memref_slice %arg3[%squeeze3A_411, %dma_start3A_418] : memref<1000000x32xf32, #tpu.memory_space<hbm>> -> memref<1x32xf32, #tpu.memory_space<hbm>>
      tpu.enqueue_dma source(%dma_start3A_419 : memref<1x32xf32, #tpu.memory_space<hbm>>) target(%dma_start3A_417 : memref<1x32xf32, #tpu.memory_space<vmem>>) target_semaphore(%arg12 : memref<!tpu.dma_semaphore, #tpu.memory_space<semaphore_mem>>)
      %slice3A_420 = vector.extract_strided_slice %get3A_104 {offsets = [13], sizes = [1], strides = [1]} : vector<16xi32> to vector<1xi32>
      %squeeze3A_421 = vector.extract %slice3A_420[0] : i32 from vector<1xi32>
      %dma_start3A_422 = arith.constant 0 : i32
      %dma_start3A_423 = tpu.memref_slice %arg9[%add3A_409, %dma_start3A_422] : memref<128x32xf32, #tpu.memory_space<vmem>> -> memref<1x32xf32, #tpu.memory_space<vmem>>
      %dma_start3A_424 = arith.constant 0 : i32
      %dma_start3A_425 = tpu.memref_slice %arg4[%squeeze3A_421, %dma_start3A_424] : memref<1000000x32xf32, #tpu.memory_space<hbm>> -> memref<1x32xf32, #tpu.memory_space<hbm>>
      %dma_start3A_426 = arith.constant 0 : i32
      %dma_start3A_427 = tpu.memref_slice %arg9[%add3A_409, %dma_start3A_426] : memref<128x32xf32, #tpu.memory_space<vmem>> -> memref<1x32xf32, #tpu.memory_space<vmem>>
      %dma_start3A_428 = arith.constant 0 : i32
      %dma_start3A_429 = tpu.memref_slice %arg4[%squeeze3A_421, %dma_start3A_428] : memref<1000000x32xf32, #tpu.memory_space<hbm>> -> memref<1x32xf32, #tpu.memory_space<hbm>>
      tpu.enqueue_dma source(%dma_start3A_429 : memref<1x32xf32, #tpu.memory_space<hbm>>) target(%dma_start3A_427 : memref<1x32xf32, #tpu.memory_space<vmem>>) target_semaphore(%arg12 : memref<!tpu.dma_semaphore, #tpu.memory_space<semaphore_mem>>)
      %mul3A_430 = arith.constant 16 : i32
      %mul3A_431 = arith.muli %scan3A_99, %mul3A_430 : i32
      %jit3A_432 = arith.constant 2 : i32
      %div3A_433 = arith.divsi %mul3A_431, %jit3A_432 : i32
      %sign3A_434 = arith.constant 0 : i32
      %sign3A_435 = arith.cmpi sgt, %mul3A_431, %sign3A_434 : i32
      %sign3A_436 = arith.extui %sign3A_435 : i1 to i32
      %sign3A_437 = arith.constant 0 : i32
      %sign3A_438 = arith.cmpi slt, %mul3A_431, %sign3A_437 : i32
      %sign3A_439 = arith.extui %sign3A_438 : i1 to i32
      %sign3A_440 = arith.subi %sign3A_436, %sign3A_439 : i32
      %sign3A_441 = arith.constant 0 : i32
      %sign3A_442 = arith.cmpi sgt, %jit3A_432, %sign3A_441 : i32
      %sign3A_443 = arith.extui %sign3A_442 : i1 to i32
      %sign3A_444 = arith.constant 0 : i32
      %sign3A_445 = arith.cmpi slt, %jit3A_432, %sign3A_444 : i32
      %sign3A_446 = arith.extui %sign3A_445 : i1 to i32
      %sign3A_447 = arith.subi %sign3A_443, %sign3A_446 : i32
      %ne3A_448 = arith.cmpi ne, %sign3A_440, %sign3A_447 : i32
      %rem3A_449 = arith.remsi %mul3A_431, %jit3A_432 : i32
      %ne3A_450 = arith.constant 0 : i32
      %ne3A_451 = arith.cmpi ne, %rem3A_449, %ne3A_450 : i32
      %and3A_452 = arith.andi %ne3A_448, %ne3A_451 : i1
      %sub3A_453 = arith.constant 1 : i32
      %sub3A_454 = arith.subi %div3A_433, %sub3A_453 : i32
      %select_n3A_455 = arith.select %and3A_452, %sub3A_454, %div3A_433 : i32
      %add3A_456 = arith.constant 7 : i32
      %add3A_457 = arith.addi %select_n3A_455, %add3A_456 : i32
      %slice3A_458 = vector.extract_strided_slice %get3A_104 {offsets = [14], sizes = [1], strides = [1]} : vector<16xi32> to vector<1xi32>
      %squeeze3A_459 = vector.extract %slice3A_458[0] : i32 from vector<1xi32>
      %dma_start3A_460 = arith.constant 0 : i32
      %dma_start3A_461 = tpu.memref_slice %arg7[%add3A_457, %dma_start3A_460] : memref<128x32xf32, #tpu.memory_space<vmem>> -> memref<1x32xf32, #tpu.memory_space<vmem>>
      %dma_start3A_462 = arith.constant 0 : i32
      %dma_start3A_463 = tpu.memref_slice %arg3[%squeeze3A_459, %dma_start3A_462] : memref<1000000x32xf32, #tpu.memory_space<hbm>> -> memref<1x32xf32, #tpu.memory_space<hbm>>
      %dma_start3A_464 = arith.constant 0 : i32
      %dma_start3A_465 = tpu.memref_slice %arg7[%add3A_457, %dma_start3A_464] : memref<128x32xf32, #tpu.memory_space<vmem>> -> memref<1x32xf32, #tpu.memory_space<vmem>>
      %dma_start3A_466 = arith.constant 0 : i32
      %dma_start3A_467 = tpu.memref_slice %arg3[%squeeze3A_459, %dma_start3A_466] : memref<1000000x32xf32, #tpu.memory_space<hbm>> -> memref<1x32xf32, #tpu.memory_space<hbm>>
      tpu.enqueue_dma source(%dma_start3A_467 : memref<1x32xf32, #tpu.memory_space<hbm>>) target(%dma_start3A_465 : memref<1x32xf32, #tpu.memory_space<vmem>>) target_semaphore(%arg12 : memref<!tpu.dma_semaphore, #tpu.memory_space<semaphore_mem>>)
      %slice3A_468 = vector.extract_strided_slice %get3A_104 {offsets = [15], sizes = [1], strides = [1]} : vector<16xi32> to vector<1xi32>
      %squeeze3A_469 = vector.extract %slice3A_468[0] : i32 from vector<1xi32>
      %dma_start3A_470 = arith.constant 0 : i32
      %dma_start3A_471 = tpu.memref_slice %arg9[%add3A_457, %dma_start3A_470] : memref<128x32xf32, #tpu.memory_space<vmem>> -> memref<1x32xf32, #tpu.memory_space<vmem>>
      %dma_start3A_472 = arith.constant 0 : i32
      %dma_start3A_473 = tpu.memref_slice %arg4[%squeeze3A_469, %dma_start3A_472] : memref<1000000x32xf32, #tpu.memory_space<hbm>> -> memref<1x32xf32, #tpu.memory_space<hbm>>
      %dma_start3A_474 = arith.constant 0 : i32
      %dma_start3A_475 = tpu.memref_slice %arg9[%add3A_457, %dma_start3A_474] : memref<128x32xf32, #tpu.memory_space<vmem>> -> memref<1x32xf32, #tpu.memory_space<vmem>>
      %dma_start3A_476 = arith.constant 0 : i32
      %dma_start3A_477 = tpu.memref_slice %arg4[%squeeze3A_469, %dma_start3A_476] : memref<1000000x32xf32, #tpu.memory_space<hbm>> -> memref<1x32xf32, #tpu.memory_space<hbm>>
      tpu.enqueue_dma source(%dma_start3A_477 : memref<1x32xf32, #tpu.memory_space<hbm>>) target(%dma_start3A_475 : memref<1x32xf32, #tpu.memory_space<vmem>>) target_semaphore(%arg12 : memref<!tpu.dma_semaphore, #tpu.memory_space<semaphore_mem>>)
    }
    %scan3A_9 = arith.constant 16 : i32
    %scan3A_10 = arith.constant 0 : i32
    %scan3A_11 = arith.constant 0 : i32
    %scan3A_12 = arith.constant 16 : i32
    %scan3A_13 = arith.addi %scan3A_11, %scan3A_12 : i32
    %scan3A_14 = arith.constant 1 : i32
    scf.for %scan3A_99 = %scan3A_11 to %scan3A_13 step %scan3A_14  : i32 {
      %mul3A_100 = arith.constant 16 : i32
      %mul3A_101 = arith.muli %scan3A_99, %mul3A_100 : i32
      %add3A_102 = arith.constant 256 : i32
      %add3A_103 = arith.addi %add3A_102, %mul3A_101 : i32
      %get3A = arith.index_cast %add3A_103 : i32 to index
      %get3A_104 = tpu.vector_load %arg6[%get3A] {strides = array<i32>} : memref<1024xi32, #tpu.memory_space<vmem>>, vector<16xi32>,
      %mul3A_105 = arith.constant 16 : i32
      %mul3A_106 = arith.muli %scan3A_99, %mul3A_105 : i32
      %jit3A = arith.constant 2 : i32
      %div3A = arith.divsi %mul3A_106, %jit3A : i32
      %sign3A = arith.constant 0 : i32
      %sign3A_107 = arith.cmpi sgt, %mul3A_106, %sign3A : i32
      %sign3A_108 = arith.extui %sign3A_107 : i1 to i32
      %sign3A_109 = arith.constant 0 : i32
      %sign3A_110 = arith.cmpi slt, %mul3A_106, %sign3A_109 : i32
      %sign3A_111 = arith.extui %sign3A_110 : i1 to i32
      %sign3A_112 = arith.subi %sign3A_108, %sign3A_111 : i32
      %sign3A_113 = arith.constant 0 : i32
      %sign3A_114 = arith.cmpi sgt, %jit3A, %sign3A_113 : i32
      %sign3A_115 = arith.extui %sign3A_114 : i1 to i32
      %sign3A_116 = arith.constant 0 : i32
      %sign3A_117 = arith.cmpi slt, %jit3A, %sign3A_116 : i32
      %sign3A_118 = arith.extui %sign3A_117 : i1 to i32
      %sign3A_119 = arith.subi %sign3A_115, %sign3A_118 : i32
      %ne3A = arith.cmpi ne, %sign3A_112, %sign3A_119 : i32
      %rem3A = arith.remsi %mul3A_106, %jit3A : i32
      %ne3A_120 = arith.constant 0 : i32
      %ne3A_121 = arith.cmpi ne, %rem3A, %ne3A_120 : i32
      %and3A = arith.andi %ne3A, %ne3A_121 : i1
      %sub3A = arith.constant 1 : i32
      %sub3A_122 = arith.subi %div3A, %sub3A : i32
      %select_n3A = arith.select %and3A, %sub3A_122, %div3A : i32
      %add3A_123 = arith.constant 0 : i32
      %add3A_124 = arith.addi %select_n3A, %add3A_123 : i32
      %slice3A = vector.extract_strided_slice %get3A_104 {offsets = [0], sizes = [1], strides = [1]} : vector<16xi32> to vector<1xi32>
      %squeeze3A = vector.extract %slice3A[0] : i32 from vector<1xi32>
      %dma_start3A = arith.constant 0 : i32
      %dma_start3A_125 = tpu.memref_slice %arg8[%add3A_124, %dma_start3A] : memref<128x32xf32, #tpu.memory_space<vmem>> -> memref<1x32xf32, #tpu.memory_space<vmem>>
      %dma_start3A_126 = arith.constant 0 : i32
      %dma_start3A_127 = tpu.memref_slice %arg3[%squeeze3A, %dma_start3A_126] : memref<1000000x32xf32, #tpu.memory_space<hbm>> -> memref<1x32xf32, #tpu.memory_space<hbm>>
      %dma_start3A_128 = arith.constant 0 : i32
      %dma_start3A_129 = tpu.memref_slice %arg8[%add3A_124, %dma_start3A_128] : memref<128x32xf32, #tpu.memory_space<vmem>> -> memref<1x32xf32, #tpu.memory_space<vmem>>
      %dma_start3A_130 = arith.constant 0 : i32
      %dma_start3A_131 = tpu.memref_slice %arg3[%squeeze3A, %dma_start3A_130] : memref<1000000x32xf32, #tpu.memory_space<hbm>> -> memref<1x32xf32, #tpu.memory_space<hbm>>
      tpu.enqueue_dma source(%dma_start3A_131 : memref<1x32xf32, #tpu.memory_space<hbm>>) target(%dma_start3A_129 : memref<1x32xf32, #tpu.memory_space<vmem>>) target_semaphore(%arg13 : memref<!tpu.dma_semaphore, #tpu.memory_space<semaphore_mem>>)
      %slice3A_132 = vector.extract_strided_slice %get3A_104 {offsets = [1], sizes = [1], strides = [1]} : vector<16xi32> to vector<1xi32>
      %squeeze3A_133 = vector.extract %slice3A_132[0] : i32 from vector<1xi32>
      %dma_start3A_134 = arith.constant 0 : i32
      %dma_start3A_135 = tpu.memref_slice %arg10[%add3A_124, %dma_start3A_134] : memref<128x32xf32, #tpu.memory_space<vmem>> -> memref<1x32xf32, #tpu.memory_space<vmem>>
      %dma_start3A_136 = arith.constant 0 : i32
      %dma_start3A_137 = tpu.memref_slice %arg4[%squeeze3A_133, %dma_start3A_136] : memref<1000000x32xf32, #tpu.memory_space<hbm>> -> memref<1x32xf32, #tpu.memory_space<hbm>>
      %dma_start3A_138 = arith.constant 0 : i32
      %dma_start3A_139 = tpu.memref_slice %arg10[%add3A_124, %dma_start3A_138] : memref<128x32xf32, #tpu.memory_space<vmem>> -> memref<1x32xf32, #tpu.memory_space<vmem>>
      %dma_start3A_140 = arith.constant 0 : i32
      %dma_start3A_141 = tpu.memref_slice %arg4[%squeeze3A_133, %dma_start3A_140] : memref<1000000x32xf32, #tpu.memory_space<hbm>> -> memref<1x32xf32, #tpu.memory_space<hbm>>
      tpu.enqueue_dma source(%dma_start3A_141 : memref<1x32xf32, #tpu.memory_space<hbm>>) target(%dma_start3A_139 : memref<1x32xf32, #tpu.memory_space<vmem>>) target_semaphore(%arg13 : memref<!tpu.dma_semaphore, #tpu.memory_space<semaphore_mem>>)
      %mul3A_142 = arith.constant 16 : i32
      %mul3A_143 = arith.muli %scan3A_99, %mul3A_142 : i32
      %jit3A_144 = arith.constant 2 : i32
      %div3A_145 = arith.divsi %mul3A_143, %jit3A_144 : i32
      %sign3A_146 = arith.constant 0 : i32
      %sign3A_147 = arith.cmpi sgt, %mul3A_143, %sign3A_146 : i32
      %sign3A_148 = arith.extui %sign3A_147 : i1 to i32
      %sign3A_149 = arith.constant 0 : i32
      %sign3A_150 = arith.cmpi slt, %mul3A_143, %sign3A_149 : i32
      %sign3A_151 = arith.extui %sign3A_150 : i1 to i32
      %sign3A_152 = arith.subi %sign3A_148, %sign3A_151 : i32
      %sign3A_153 = arith.constant 0 : i32
      %sign3A_154 = arith.cmpi sgt, %jit3A_144, %sign3A_153 : i32
      %sign3A_155 = arith.extui %sign3A_154 : i1 to i32
      %sign3A_156 = arith.constant 0 : i32
      %sign3A_157 = arith.cmpi slt, %jit3A_144, %sign3A_156 : i32
      %sign3A_158 = arith.extui %sign3A_157 : i1 to i32
      %sign3A_159 = arith.subi %sign3A_155, %sign3A_158 : i32
      %ne3A_160 = arith.cmpi ne, %sign3A_152, %sign3A_159 : i32
      %rem3A_161 = arith.remsi %mul3A_143, %jit3A_144 : i32
      %ne3A_162 = arith.constant 0 : i32
      %ne3A_163 = arith.cmpi ne, %rem3A_161, %ne3A_162 : i32
      %and3A_164 = arith.andi %ne3A_160, %ne3A_163 : i1
      %sub3A_165 = arith.constant 1 : i32
      %sub3A_166 = arith.subi %div3A_145, %sub3A_165 : i32
      %select_n3A_167 = arith.select %and3A_164, %sub3A_166, %div3A_145 : i32
      %add3A_168 = arith.constant 1 : i32
      %add3A_169 = arith.addi %select_n3A_167, %add3A_168 : i32
      %slice3A_170 = vector.extract_strided_slice %get3A_104 {offsets = [2], sizes = [1], strides = [1]} : vector<16xi32> to vector<1xi32>
      %squeeze3A_171 = vector.extract %slice3A_170[0] : i32 from vector<1xi32>
      %dma_start3A_172 = arith.constant 0 : i32
      %dma_start3A_173 = tpu.memref_slice %arg8[%add3A_169, %dma_start3A_172] : memref<128x32xf32, #tpu.memory_space<vmem>> -> memref<1x32xf32, #tpu.memory_space<vmem>>
      %dma_start3A_174 = arith.constant 0 : i32
      %dma_start3A_175 = tpu.memref_slice %arg3[%squeeze3A_171, %dma_start3A_174] : memref<1000000x32xf32, #tpu.memory_space<hbm>> -> memref<1x32xf32, #tpu.memory_space<hbm>>
      %dma_start3A_176 = arith.constant 0 : i32
      %dma_start3A_177 = tpu.memref_slice %arg8[%add3A_169, %dma_start3A_176] : memref<128x32xf32, #tpu.memory_space<vmem>> -> memref<1x32xf32, #tpu.memory_space<vmem>>
      %dma_start3A_178 = arith.constant 0 : i32
      %dma_start3A_179 = tpu.memref_slice %arg3[%squeeze3A_171, %dma_start3A_178] : memref<1000000x32xf32, #tpu.memory_space<hbm>> -> memref<1x32xf32, #tpu.memory_space<hbm>>
      tpu.enqueue_dma source(%dma_start3A_179 : memref<1x32xf32, #tpu.memory_space<hbm>>) target(%dma_start3A_177 : memref<1x32xf32, #tpu.memory_space<vmem>>) target_semaphore(%arg13 : memref<!tpu.dma_semaphore, #tpu.memory_space<semaphore_mem>>)
      %slice3A_180 = vector.extract_strided_slice %get3A_104 {offsets = [3], sizes = [1], strides = [1]} : vector<16xi32> to vector<1xi32>
      %squeeze3A_181 = vector.extract %slice3A_180[0] : i32 from vector<1xi32>
      %dma_start3A_182 = arith.constant 0 : i32
      %dma_start3A_183 = tpu.memref_slice %arg10[%add3A_169, %dma_start3A_182] : memref<128x32xf32, #tpu.memory_space<vmem>> -> memref<1x32xf32, #tpu.memory_space<vmem>>
      %dma_start3A_184 = arith.constant 0 : i32
      %dma_start3A_185 = tpu.memref_slice %arg4[%squeeze3A_181, %dma_start3A_184] : memref<1000000x32xf32, #tpu.memory_space<hbm>> -> memref<1x32xf32, #tpu.memory_space<hbm>>
      %dma_start3A_186 = arith.constant 0 : i32
      %dma_start3A_187 = tpu.memref_slice %arg10[%add3A_169, %dma_start3A_186] : memref<128x32xf32, #tpu.memory_space<vmem>> -> memref<1x32xf32, #tpu.memory_space<vmem>>
      %dma_start3A_188 = arith.constant 0 : i32
      %dma_start3A_189 = tpu.memref_slice %arg4[%squeeze3A_181, %dma_start3A_188] : memref<1000000x32xf32, #tpu.memory_space<hbm>> -> memref<1x32xf32, #tpu.memory_space<hbm>>
      tpu.enqueue_dma source(%dma_start3A_189 : memref<1x32xf32, #tpu.memory_space<hbm>>) target(%dma_start3A_187 : memref<1x32xf32, #tpu.memory_space<vmem>>) target_semaphore(%arg13 : memref<!tpu.dma_semaphore, #tpu.memory_space<semaphore_mem>>)
      %mul3A_190 = arith.constant 16 : i32
      %mul3A_191 = arith.muli %scan3A_99, %mul3A_190 : i32
      %jit3A_192 = arith.constant 2 : i32
      %div3A_193 = arith.divsi %mul3A_191, %jit3A_192 : i32
      %sign3A_194 = arith.constant 0 : i32
      %sign3A_195 = arith.cmpi sgt, %mul3A_191, %sign3A_194 : i32
      %sign3A_196 = arith.extui %sign3A_195 : i1 to i32
      %sign3A_197 = arith.constant 0 : i32
      %sign3A_198 = arith.cmpi slt, %mul3A_191, %sign3A_197 : i32
      %sign3A_199 = arith.extui %sign3A_198 : i1 to i32
      %sign3A_200 = arith.subi %sign3A_196, %sign3A_199 : i32
      %sign3A_201 = arith.constant 0 : i32
      %sign3A_202 = arith.cmpi sgt, %jit3A_192, %sign3A_201 : i32
      %sign3A_203 = arith.extui %sign3A_202 : i1 to i32
      %sign3A_204 = arith.constant 0 : i32
      %sign3A_205 = arith.cmpi slt, %jit3A_192, %sign3A_204 : i32
      %sign3A_206 = arith.extui %sign3A_205 : i1 to i32
      %sign3A_207 = arith.subi %sign3A_203, %sign3A_206 : i32
      %ne3A_208 = arith.cmpi ne, %sign3A_200, %sign3A_207 : i32
      %rem3A_209 = arith.remsi %mul3A_191, %jit3A_192 : i32
      %ne3A_210 = arith.constant 0 : i32
      %ne3A_211 = arith.cmpi ne, %rem3A_209, %ne3A_210 : i32
      %and3A_212 = arith.andi %ne3A_208, %ne3A_211 : i1
      %sub3A_213 = arith.constant 1 : i32
      %sub3A_214 = arith.subi %div3A_193, %sub3A_213 : i32
      %select_n3A_215 = arith.select %and3A_212, %sub3A_214, %div3A_193 : i32
      %add3A_216 = arith.constant 2 : i32
      %add3A_217 = arith.addi %select_n3A_215, %add3A_216 : i32
      %slice3A_218 = vector.extract_strided_slice %get3A_104 {offsets = [4], sizes = [1], strides = [1]} : vector<16xi32> to vector<1xi32>
      %squeeze3A_219 = vector.extract %slice3A_218[0] : i32 from vector<1xi32>
      %dma_start3A_220 = arith.constant 0 : i32
      %dma_start3A_221 = tpu.memref_slice %arg8[%add3A_217, %dma_start3A_220] : memref<128x32xf32, #tpu.memory_space<vmem>> -> memref<1x32xf32, #tpu.memory_space<vmem>>
      %dma_start3A_222 = arith.constant 0 : i32
      %dma_start3A_223 = tpu.memref_slice %arg3[%squeeze3A_219, %dma_start3A_222] : memref<1000000x32xf32, #tpu.memory_space<hbm>> -> memref<1x32xf32, #tpu.memory_space<hbm>>
      %dma_start3A_224 = arith.constant 0 : i32
      %dma_start3A_225 = tpu.memref_slice %arg8[%add3A_217, %dma_start3A_224] : memref<128x32xf32, #tpu.memory_space<vmem>> -> memref<1x32xf32, #tpu.memory_space<vmem>>
      %dma_start3A_226 = arith.constant 0 : i32
      %dma_start3A_227 = tpu.memref_slice %arg3[%squeeze3A_219, %dma_start3A_226] : memref<1000000x32xf32, #tpu.memory_space<hbm>> -> memref<1x32xf32, #tpu.memory_space<hbm>>
      tpu.enqueue_dma source(%dma_start3A_227 : memref<1x32xf32, #tpu.memory_space<hbm>>) target(%dma_start3A_225 : memref<1x32xf32, #tpu.memory_space<vmem>>) target_semaphore(%arg13 : memref<!tpu.dma_semaphore, #tpu.memory_space<semaphore_mem>>)
      %slice3A_228 = vector.extract_strided_slice %get3A_104 {offsets = [5], sizes = [1], strides = [1]} : vector<16xi32> to vector<1xi32>
      %squeeze3A_229 = vector.extract %slice3A_228[0] : i32 from vector<1xi32>
      %dma_start3A_230 = arith.constant 0 : i32
      %dma_start3A_231 = tpu.memref_slice %arg10[%add3A_217, %dma_start3A_230] : memref<128x32xf32, #tpu.memory_space<vmem>> -> memref<1x32xf32, #tpu.memory_space<vmem>>
      %dma_start3A_232 = arith.constant 0 : i32
      %dma_start3A_233 = tpu.memref_slice %arg4[%squeeze3A_229, %dma_start3A_232] : memref<1000000x32xf32, #tpu.memory_space<hbm>> -> memref<1x32xf32, #tpu.memory_space<hbm>>
      %dma_start3A_234 = arith.constant 0 : i32
      %dma_start3A_235 = tpu.memref_slice %arg10[%add3A_217, %dma_start3A_234] : memref<128x32xf32, #tpu.memory_space<vmem>> -> memref<1x32xf32, #tpu.memory_space<vmem>>
      %dma_start3A_236 = arith.constant 0 : i32
      %dma_start3A_237 = tpu.memref_slice %arg4[%squeeze3A_229, %dma_start3A_236] : memref<1000000x32xf32, #tpu.memory_space<hbm>> -> memref<1x32xf32, #tpu.memory_space<hbm>>
      tpu.enqueue_dma source(%dma_start3A_237 : memref<1x32xf32, #tpu.memory_space<hbm>>) target(%dma_start3A_235 : memref<1x32xf32, #tpu.memory_space<vmem>>) target_semaphore(%arg13 : memref<!tpu.dma_semaphore, #tpu.memory_space<semaphore_mem>>)
      %mul3A_238 = arith.constant 16 : i32
      %mul3A_239 = arith.muli %scan3A_99, %mul3A_238 : i32
      %jit3A_240 = arith.constant 2 : i32
      %div3A_241 = arith.divsi %mul3A_239, %jit3A_240 : i32
      %sign3A_242 = arith.constant 0 : i32
      %sign3A_243 = arith.cmpi sgt, %mul3A_239, %sign3A_242 : i32
      %sign3A_244 = arith.extui %sign3A_243 : i1 to i32
      %sign3A_245 = arith.constant 0 : i32
      %sign3A_246 = arith.cmpi slt, %mul3A_239, %sign3A_245 : i32
      %sign3A_247 = arith.extui %sign3A_246 : i1 to i32
      %sign3A_248 = arith.subi %sign3A_244, %sign3A_247 : i32
      %sign3A_249 = arith.constant 0 : i32
      %sign3A_250 = arith.cmpi sgt, %jit3A_240, %sign3A_249 : i32
      %sign3A_251 = arith.extui %sign3A_250 : i1 to i32
      %sign3A_252 = arith.constant 0 : i32
      %sign3A_253 = arith.cmpi slt, %jit3A_240, %sign3A_252 : i32
      %sign3A_254 = arith.extui %sign3A_253 : i1 to i32
      %sign3A_255 = arith.subi %sign3A_251, %sign3A_254 : i32
      %ne3A_256 = arith.cmpi ne, %sign3A_248, %sign3A_255 : i32
      %rem3A_257 = arith.remsi %mul3A_239, %jit3A_240 : i32
      %ne3A_258 = arith.constant 0 : i32
      %ne3A_259 = arith.cmpi ne, %rem3A_257, %ne3A_258 : i32
      %and3A_260 = arith.andi %ne3A_256, %ne3A_259 : i1
      %sub3A_261 = arith.constant 1 : i32
      %sub3A_262 = arith.subi %div3A_241, %sub3A_261 : i32
      %select_n3A_263 = arith.select %and3A_260, %sub3A_262, %div3A_241 : i32
      %add3A_264 = arith.constant 3 : i32
      %add3A_265 = arith.addi %select_n3A_263, %add3A_264 : i32
      %slice3A_266 = vector.extract_strided_slice %get3A_104 {offsets = [6], sizes = [1], strides = [1]} : vector<16xi32> to vector<1xi32>
      %squeeze3A_267 = vector.extract %slice3A_266[0] : i32 from vector<1xi32>
      %dma_start3A_268 = arith.constant 0 : i32
      %dma_start3A_269 = tpu.memref_slice %arg8[%add3A_265, %dma_start3A_268] : memref<128x32xf32, #tpu.memory_space<vmem>> -> memref<1x32xf32, #tpu.memory_space<vmem>>
      %dma_start3A_270 = arith.constant 0 : i32
      %dma_start3A_271 = tpu.memref_slice %arg3[%squeeze3A_267, %dma_start3A_270] : memref<1000000x32xf32, #tpu.memory_space<hbm>> -> memref<1x32xf32, #tpu.memory_space<hbm>>
      %dma_start3A_272 = arith.constant 0 : i32
      %dma_start3A_273 = tpu.memref_slice %arg8[%add3A_265, %dma_start3A_272] : memref<128x32xf32, #tpu.memory_space<vmem>> -> memref<1x32xf32, #tpu.memory_space<vmem>>
      %dma_start3A_274 = arith.constant 0 : i32
      %dma_start3A_275 = tpu.memref_slice %arg3[%squeeze3A_267, %dma_start3A_274] : memref<1000000x32xf32, #tpu.memory_space<hbm>> -> memref<1x32xf32, #tpu.memory_space<hbm>>
      tpu.enqueue_dma source(%dma_start3A_275 : memref<1x32xf32, #tpu.memory_space<hbm>>) target(%dma_start3A_273 : memref<1x32xf32, #tpu.memory_space<vmem>>) target_semaphore(%arg13 : memref<!tpu.dma_semaphore, #tpu.memory_space<semaphore_mem>>)
      %slice3A_276 = vector.extract_strided_slice %get3A_104 {offsets = [7], sizes = [1], strides = [1]} : vector<16xi32> to vector<1xi32>
      %squeeze3A_277 = vector.extract %slice3A_276[0] : i32 from vector<1xi32>
      %dma_start3A_278 = arith.constant 0 : i32
      %dma_start3A_279 = tpu.memref_slice %arg10[%add3A_265, %dma_start3A_278] : memref<128x32xf32, #tpu.memory_space<vmem>> -> memref<1x32xf32, #tpu.memory_space<vmem>>
      %dma_start3A_280 = arith.constant 0 : i32
      %dma_start3A_281 = tpu.memref_slice %arg4[%squeeze3A_277, %dma_start3A_280] : memref<1000000x32xf32, #tpu.memory_space<hbm>> -> memref<1x32xf32, #tpu.memory_space<hbm>>
      %dma_start3A_282 = arith.constant 0 : i32
      %dma_start3A_283 = tpu.memref_slice %arg10[%add3A_265, %dma_start3A_282] : memref<128x32xf32, #tpu.memory_space<vmem>> -> memref<1x32xf32, #tpu.memory_space<vmem>>
      %dma_start3A_284 = arith.constant 0 : i32
      %dma_start3A_285 = tpu.memref_slice %arg4[%squeeze3A_277, %dma_start3A_284] : memref<1000000x32xf32, #tpu.memory_space<hbm>> -> memref<1x32xf32, #tpu.memory_space<hbm>>
      tpu.enqueue_dma source(%dma_start3A_285 : memref<1x32xf32, #tpu.memory_space<hbm>>) target(%dma_start3A_283 : memref<1x32xf32, #tpu.memory_space<vmem>>) target_semaphore(%arg13 : memref<!tpu.dma_semaphore, #tpu.memory_space<semaphore_mem>>)
      %mul3A_286 = arith.constant 16 : i32
      %mul3A_287 = arith.muli %scan3A_99, %mul3A_286 : i32
      %jit3A_288 = arith.constant 2 : i32
      %div3A_289 = arith.divsi %mul3A_287, %jit3A_288 : i32
      %sign3A_290 = arith.constant 0 : i32
      %sign3A_291 = arith.cmpi sgt, %mul3A_287, %sign3A_290 : i32
      %sign3A_292 = arith.extui %sign3A_291 : i1 to i32
      %sign3A_293 = arith.constant 0 : i32
      %sign3A_294 = arith.cmpi slt, %mul3A_287, %sign3A_293 : i32
      %sign3A_295 = arith.extui %sign3A_294 : i1 to i32
      %sign3A_296 = arith.subi %sign3A_292, %sign3A_295 : i32
      %sign3A_297 = arith.constant 0 : i32
      %sign3A_298 = arith.cmpi sgt, %jit3A_288, %sign3A_297 : i32
      %sign3A_299 = arith.extui %sign3A_298 : i1 to i32
      %sign3A_300 = arith.constant 0 : i32
      %sign3A_301 = arith.cmpi slt, %jit3A_288, %sign3A_300 : i32
      %sign3A_302 = arith.extui %sign3A_301 : i1 to i32
      %sign3A_303 = arith.subi %sign3A_299, %sign3A_302 : i32
      %ne3A_304 = arith.cmpi ne, %sign3A_296, %sign3A_303 : i32
      %rem3A_305 = arith.remsi %mul3A_287, %jit3A_288 : i32
      %ne3A_306 = arith.constant 0 : i32
      %ne3A_307 = arith.cmpi ne, %rem3A_305, %ne3A_306 : i32
      %and3A_308 = arith.andi %ne3A_304, %ne3A_307 : i1
      %sub3A_309 = arith.constant 1 : i32
      %sub3A_310 = arith.subi %div3A_289, %sub3A_309 : i32
      %select_n3A_311 = arith.select %and3A_308, %sub3A_310, %div3A_289 : i32
      %add3A_312 = arith.constant 4 : i32
      %add3A_313 = arith.addi %select_n3A_311, %add3A_312 : i32
      %slice3A_314 = vector.extract_strided_slice %get3A_104 {offsets = [8], sizes = [1], strides = [1]} : vector<16xi32> to vector<1xi32>
      %squeeze3A_315 = vector.extract %slice3A_314[0] : i32 from vector<1xi32>
      %dma_start3A_316 = arith.constant 0 : i32
      %dma_start3A_317 = tpu.memref_slice %arg8[%add3A_313, %dma_start3A_316] : memref<128x32xf32, #tpu.memory_space<vmem>> -> memref<1x32xf32, #tpu.memory_space<vmem>>
      %dma_start3A_318 = arith.constant 0 : i32
      %dma_start3A_319 = tpu.memref_slice %arg3[%squeeze3A_315, %dma_start3A_318] : memref<1000000x32xf32, #tpu.memory_space<hbm>> -> memref<1x32xf32, #tpu.memory_space<hbm>>
      %dma_start3A_320 = arith.constant 0 : i32
      %dma_start3A_321 = tpu.memref_slice %arg8[%add3A_313, %dma_start3A_320] : memref<128x32xf32, #tpu.memory_space<vmem>> -> memref<1x32xf32, #tpu.memory_space<vmem>>
      %dma_start3A_322 = arith.constant 0 : i32
      %dma_start3A_323 = tpu.memref_slice %arg3[%squeeze3A_315, %dma_start3A_322] : memref<1000000x32xf32, #tpu.memory_space<hbm>> -> memref<1x32xf32, #tpu.memory_space<hbm>>
      tpu.enqueue_dma source(%dma_start3A_323 : memref<1x32xf32, #tpu.memory_space<hbm>>) target(%dma_start3A_321 : memref<1x32xf32, #tpu.memory_space<vmem>>) target_semaphore(%arg13 : memref<!tpu.dma_semaphore, #tpu.memory_space<semaphore_mem>>)
      %slice3A_324 = vector.extract_strided_slice %get3A_104 {offsets = [9], sizes = [1], strides = [1]} : vector<16xi32> to vector<1xi32>
      %squeeze3A_325 = vector.extract %slice3A_324[0] : i32 from vector<1xi32>
      %dma_start3A_326 = arith.constant 0 : i32
      %dma_start3A_327 = tpu.memref_slice %arg10[%add3A_313, %dma_start3A_326] : memref<128x32xf32, #tpu.memory_space<vmem>> -> memref<1x32xf32, #tpu.memory_space<vmem>>
      %dma_start3A_328 = arith.constant 0 : i32
      %dma_start3A_329 = tpu.memref_slice %arg4[%squeeze3A_325, %dma_start3A_328] : memref<1000000x32xf32, #tpu.memory_space<hbm>> -> memref<1x32xf32, #tpu.memory_space<hbm>>
      %dma_start3A_330 = arith.constant 0 : i32
      %dma_start3A_331 = tpu.memref_slice %arg10[%add3A_313, %dma_start3A_330] : memref<128x32xf32, #tpu.memory_space<vmem>> -> memref<1x32xf32, #tpu.memory_space<vmem>>
      %dma_start3A_332 = arith.constant 0 : i32
      %dma_start3A_333 = tpu.memref_slice %arg4[%squeeze3A_325, %dma_start3A_332] : memref<1000000x32xf32, #tpu.memory_space<hbm>> -> memref<1x32xf32, #tpu.memory_space<hbm>>
      tpu.enqueue_dma source(%dma_start3A_333 : memref<1x32xf32, #tpu.memory_space<hbm>>) target(%dma_start3A_331 : memref<1x32xf32, #tpu.memory_space<vmem>>) target_semaphore(%arg13 : memref<!tpu.dma_semaphore, #tpu.memory_space<semaphore_mem>>)
      %mul3A_334 = arith.constant 16 : i32
      %mul3A_335 = arith.muli %scan3A_99, %mul3A_334 : i32
      %jit3A_336 = arith.constant 2 : i32
      %div3A_337 = arith.divsi %mul3A_335, %jit3A_336 : i32
      %sign3A_338 = arith.constant 0 : i32
      %sign3A_339 = arith.cmpi sgt, %mul3A_335, %sign3A_338 : i32
      %sign3A_340 = arith.extui %sign3A_339 : i1 to i32
      %sign3A_341 = arith.constant 0 : i32
      %sign3A_342 = arith.cmpi slt, %mul3A_335, %sign3A_341 : i32
      %sign3A_343 = arith.extui %sign3A_342 : i1 to i32
      %sign3A_344 = arith.subi %sign3A_340, %sign3A_343 : i32
      %sign3A_345 = arith.constant 0 : i32
      %sign3A_346 = arith.cmpi sgt, %jit3A_336, %sign3A_345 : i32
      %sign3A_347 = arith.extui %sign3A_346 : i1 to i32
      %sign3A_348 = arith.constant 0 : i32
      %sign3A_349 = arith.cmpi slt, %jit3A_336, %sign3A_348 : i32
      %sign3A_350 = arith.extui %sign3A_349 : i1 to i32
      %sign3A_351 = arith.subi %sign3A_347, %sign3A_350 : i32
      %ne3A_352 = arith.cmpi ne, %sign3A_344, %sign3A_351 : i32
      %rem3A_353 = arith.remsi %mul3A_335, %jit3A_336 : i32
      %ne3A_354 = arith.constant 0 : i32
      %ne3A_355 = arith.cmpi ne, %rem3A_353, %ne3A_354 : i32
      %and3A_356 = arith.andi %ne3A_352, %ne3A_355 : i1
      %sub3A_357 = arith.constant 1 : i32
      %sub3A_358 = arith.subi %div3A_337, %sub3A_357 : i32
      %select_n3A_359 = arith.select %and3A_356, %sub3A_358, %div3A_337 : i32
      %add3A_360 = arith.constant 5 : i32
      %add3A_361 = arith.addi %select_n3A_359, %add3A_360 : i32
      %slice3A_362 = vector.extract_strided_slice %get3A_104 {offsets = [10], sizes = [1], strides = [1]} : vector<16xi32> to vector<1xi32>
      %squeeze3A_363 = vector.extract %slice3A_362[0] : i32 from vector<1xi32>
      %dma_start3A_364 = arith.constant 0 : i32
      %dma_start3A_365 = tpu.memref_slice %arg8[%add3A_361, %dma_start3A_364] : memref<128x32xf32, #tpu.memory_space<vmem>> -> memref<1x32xf32, #tpu.memory_space<vmem>>
      %dma_start3A_366 = arith.constant 0 : i32
      %dma_start3A_367 = tpu.memref_slice %arg3[%squeeze3A_363, %dma_start3A_366] : memref<1000000x32xf32, #tpu.memory_space<hbm>> -> memref<1x32xf32, #tpu.memory_space<hbm>>
      %dma_start3A_368 = arith.constant 0 : i32
      %dma_start3A_369 = tpu.memref_slice %arg8[%add3A_361, %dma_start3A_368] : memref<128x32xf32, #tpu.memory_space<vmem>> -> memref<1x32xf32, #tpu.memory_space<vmem>>
      %dma_start3A_370 = arith.constant 0 : i32
      %dma_start3A_371 = tpu.memref_slice %arg3[%squeeze3A_363, %dma_start3A_370] : memref<1000000x32xf32, #tpu.memory_space<hbm>> -> memref<1x32xf32, #tpu.memory_space<hbm>>
      tpu.enqueue_dma source(%dma_start3A_371 : memref<1x32xf32, #tpu.memory_space<hbm>>) target(%dma_start3A_369 : memref<1x32xf32, #tpu.memory_space<vmem>>) target_semaphore(%arg13 : memref<!tpu.dma_semaphore, #tpu.memory_space<semaphore_mem>>)
      %slice3A_372 = vector.extract_strided_slice %get3A_104 {offsets = [11], sizes = [1], strides = [1]} : vector<16xi32> to vector<1xi32>
      %squeeze3A_373 = vector.extract %slice3A_372[0] : i32 from vector<1xi32>
      %dma_start3A_374 = arith.constant 0 : i32
      %dma_start3A_375 = tpu.memref_slice %arg10[%add3A_361, %dma_start3A_374] : memref<128x32xf32, #tpu.memory_space<vmem>> -> memref<1x32xf32, #tpu.memory_space<vmem>>
      %dma_start3A_376 = arith.constant 0 : i32
      %dma_start3A_377 = tpu.memref_slice %arg4[%squeeze3A_373, %dma_start3A_376] : memref<1000000x32xf32, #tpu.memory_space<hbm>> -> memref<1x32xf32, #tpu.memory_space<hbm>>
      %dma_start3A_378 = arith.constant 0 : i32
      %dma_start3A_379 = tpu.memref_slice %arg10[%add3A_361, %dma_start3A_378] : memref<128x32xf32, #tpu.memory_space<vmem>> -> memref<1x32xf32, #tpu.memory_space<vmem>>
      %dma_start3A_380 = arith.constant 0 : i32
      %dma_start3A_381 = tpu.memref_slice %arg4[%squeeze3A_373, %dma_start3A_380] : memref<1000000x32xf32, #tpu.memory_space<hbm>> -> memref<1x32xf32, #tpu.memory_space<hbm>>
      tpu.enqueue_dma source(%dma_start3A_381 : memref<1x32xf32, #tpu.memory_space<hbm>>) target(%dma_start3A_379 : memref<1x32xf32, #tpu.memory_space<vmem>>) target_semaphore(%arg13 : memref<!tpu.dma_semaphore, #tpu.memory_space<semaphore_mem>>)
      %mul3A_382 = arith.constant 16 : i32
      %mul3A_383 = arith.muli %scan3A_99, %mul3A_382 : i32
      %jit3A_384 = arith.constant 2 : i32
      %div3A_385 = arith.divsi %mul3A_383, %jit3A_384 : i32
      %sign3A_386 = arith.constant 0 : i32
      %sign3A_387 = arith.cmpi sgt, %mul3A_383, %sign3A_386 : i32
      %sign3A_388 = arith.extui %sign3A_387 : i1 to i32
      %sign3A_389 = arith.constant 0 : i32
      %sign3A_390 = arith.cmpi slt, %mul3A_383, %sign3A_389 : i32
      %sign3A_391 = arith.extui %sign3A_390 : i1 to i32
      %sign3A_392 = arith.subi %sign3A_388, %sign3A_391 : i32
      %sign3A_393 = arith.constant 0 : i32
      %sign3A_394 = arith.cmpi sgt, %jit3A_384, %sign3A_393 : i32
      %sign3A_395 = arith.extui %sign3A_394 : i1 to i32
      %sign3A_396 = arith.constant 0 : i32
      %sign3A_397 = arith.cmpi slt, %jit3A_384, %sign3A_396 : i32
      %sign3A_398 = arith.extui %sign3A_397 : i1 to i32
      %sign3A_399 = arith.subi %sign3A_395, %sign3A_398 : i32
      %ne3A_400 = arith.cmpi ne, %sign3A_392, %sign3A_399 : i32
      %rem3A_401 = arith.remsi %mul3A_383, %jit3A_384 : i32
      %ne3A_402 = arith.constant 0 : i32
      %ne3A_403 = arith.cmpi ne, %rem3A_401, %ne3A_402 : i32
      %and3A_404 = arith.andi %ne3A_400, %ne3A_403 : i1
      %sub3A_405 = arith.constant 1 : i32
      %sub3A_406 = arith.subi %div3A_385, %sub3A_405 : i32
      %select_n3A_407 = arith.select %and3A_404, %sub3A_406, %div3A_385 : i32
      %add3A_408 = arith.constant 6 : i32
      %add3A_409 = arith.addi %select_n3A_407, %add3A_408 : i32
      %slice3A_410 = vector.extract_strided_slice %get3A_104 {offsets = [12], sizes = [1], strides = [1]} : vector<16xi32> to vector<1xi32>
      %squeeze3A_411 = vector.extract %slice3A_410[0] : i32 from vector<1xi32>
      %dma_start3A_412 = arith.constant 0 : i32
      %dma_start3A_413 = tpu.memref_slice %arg8[%add3A_409, %dma_start3A_412] : memref<128x32xf32, #tpu.memory_space<vmem>> -> memref<1x32xf32, #tpu.memory_space<vmem>>
      %dma_start3A_414 = arith.constant 0 : i32
      %dma_start3A_415 = tpu.memref_slice %arg3[%squeeze3A_411, %dma_start3A_414] : memref<1000000x32xf32, #tpu.memory_space<hbm>> -> memref<1x32xf32, #tpu.memory_space<hbm>>
      %dma_start3A_416 = arith.constant 0 : i32
      %dma_start3A_417 = tpu.memref_slice %arg8[%add3A_409, %dma_start3A_416] : memref<128x32xf32, #tpu.memory_space<vmem>> -> memref<1x32xf32, #tpu.memory_space<vmem>>
      %dma_start3A_418 = arith.constant 0 : i32
      %dma_start3A_419 = tpu.memref_slice %arg3[%squeeze3A_411, %dma_start3A_418] : memref<1000000x32xf32, #tpu.memory_space<hbm>> -> memref<1x32xf32, #tpu.memory_space<hbm>>
      tpu.enqueue_dma source(%dma_start3A_419 : memref<1x32xf32, #tpu.memory_space<hbm>>) target(%dma_start3A_417 : memref<1x32xf32, #tpu.memory_space<vmem>>) target_semaphore(%arg13 : memref<!tpu.dma_semaphore, #tpu.memory_space<semaphore_mem>>)
      %slice3A_420 = vector.extract_strided_slice %get3A_104 {offsets = [13], sizes = [1], strides = [1]} : vector<16xi32> to vector<1xi32>
      %squeeze3A_421 = vector.extract %slice3A_420[0] : i32 from vector<1xi32>
      %dma_start3A_422 = arith.constant 0 : i32
      %dma_start3A_423 = tpu.memref_slice %arg10[%add3A_409, %dma_start3A_422] : memref<128x32xf32, #tpu.memory_space<vmem>> -> memref<1x32xf32, #tpu.memory_space<vmem>>
      %dma_start3A_424 = arith.constant 0 : i32
      %dma_start3A_425 = tpu.memref_slice %arg4[%squeeze3A_421, %dma_start3A_424] : memref<1000000x32xf32, #tpu.memory_space<hbm>> -> memref<1x32xf32, #tpu.memory_space<hbm>>
      %dma_start3A_426 = arith.constant 0 : i32
      %dma_start3A_427 = tpu.memref_slice %arg10[%add3A_409, %dma_start3A_426] : memref<128x32xf32, #tpu.memory_space<vmem>> -> memref<1x32xf32, #tpu.memory_space<vmem>>
      %dma_start3A_428 = arith.constant 0 : i32
      %dma_start3A_429 = tpu.memref_slice %arg4[%squeeze3A_421, %dma_start3A_428] : memref<1000000x32xf32, #tpu.memory_space<hbm>> -> memref<1x32xf32, #tpu.memory_space<hbm>>
      tpu.enqueue_dma source(%dma_start3A_429 : memref<1x32xf32, #tpu.memory_space<hbm>>) target(%dma_start3A_427 : memref<1x32xf32, #tpu.memory_space<vmem>>) target_semaphore(%arg13 : memref<!tpu.dma_semaphore, #tpu.memory_space<semaphore_mem>>)
      %mul3A_430 = arith.constant 16 : i32
      %mul3A_431 = arith.muli %scan3A_99, %mul3A_430 : i32
      %jit3A_432 = arith.constant 2 : i32
      %div3A_433 = arith.divsi %mul3A_431, %jit3A_432 : i32
      %sign3A_434 = arith.constant 0 : i32
      %sign3A_435 = arith.cmpi sgt, %mul3A_431, %sign3A_434 : i32
      %sign3A_436 = arith.extui %sign3A_435 : i1 to i32
      %sign3A_437 = arith.constant 0 : i32
      %sign3A_438 = arith.cmpi slt, %mul3A_431, %sign3A_437 : i32
      %sign3A_439 = arith.extui %sign3A_438 : i1 to i32
      %sign3A_440 = arith.subi %sign3A_436, %sign3A_439 : i32
      %sign3A_441 = arith.constant 0 : i32
      %sign3A_442 = arith.cmpi sgt, %jit3A_432, %sign3A_441 : i32
      %sign3A_443 = arith.extui %sign3A_442 : i1 to i32
      %sign3A_444 = arith.constant 0 : i32
      %sign3A_445 = arith.cmpi slt, %jit3A_432, %sign3A_444 : i32
      %sign3A_446 = arith.extui %sign3A_445 : i1 to i32
      %sign3A_447 = arith.subi %sign3A_443, %sign3A_446 : i32
      %ne3A_448 = arith.cmpi ne, %sign3A_440, %sign3A_447 : i32
      %rem3A_449 = arith.remsi %mul3A_431, %jit3A_432 : i32
      %ne3A_450 = arith.constant 0 : i32
      %ne3A_451 = arith.cmpi ne, %rem3A_449, %ne3A_450 : i32
      %and3A_452 = arith.andi %ne3A_448, %ne3A_451 : i1
      %sub3A_453 = arith.constant 1 : i32
      %sub3A_454 = arith.subi %div3A_433, %sub3A_453 : i32
      %select_n3A_455 = arith.select %and3A_452, %sub3A_454, %div3A_433 : i32
      %add3A_456 = arith.constant 7 : i32
      %add3A_457 = arith.addi %select_n3A_455, %add3A_456 : i32
      %slice3A_458 = vector.extract_strided_slice %get3A_104 {offsets = [14], sizes = [1], strides = [1]} : vector<16xi32> to vector<1xi32>
      %squeeze3A_459 = vector.extract %slice3A_458[0] : i32 from vector<1xi32>
      %dma_start3A_460 = arith.constant 0 : i32
      %dma_start3A_461 = tpu.memref_slice %arg8[%add3A_457, %dma_start3A_460] : memref<128x32xf32, #tpu.memory_space<vmem>> -> memref<1x32xf32, #tpu.memory_space<vmem>>
      %dma_start3A_462 = arith.constant 0 : i32
      %dma_start3A_463 = tpu.memref_slice %arg3[%squeeze3A_459, %dma_start3A_462] : memref<1000000x32xf32, #tpu.memory_space<hbm>> -> memref<1x32xf32, #tpu.memory_space<hbm>>
      %dma_start3A_464 = arith.constant 0 : i32
      %dma_start3A_465 = tpu.memref_slice %arg8[%add3A_457, %dma_start3A_464] : memref<128x32xf32, #tpu.memory_space<vmem>> -> memref<1x32xf32, #tpu.memory_space<vmem>>
      %dma_start3A_466 = arith.constant 0 : i32
      %dma_start3A_467 = tpu.memref_slice %arg3[%squeeze3A_459, %dma_start3A_466] : memref<1000000x32xf32, #tpu.memory_space<hbm>> -> memref<1x32xf32, #tpu.memory_space<hbm>>
      tpu.enqueue_dma source(%dma_start3A_467 : memref<1x32xf32, #tpu.memory_space<hbm>>) target(%dma_start3A_465 : memref<1x32xf32, #tpu.memory_space<vmem>>) target_semaphore(%arg13 : memref<!tpu.dma_semaphore, #tpu.memory_space<semaphore_mem>>)
      %slice3A_468 = vector.extract_strided_slice %get3A_104 {offsets = [15], sizes = [1], strides = [1]} : vector<16xi32> to vector<1xi32>
      %squeeze3A_469 = vector.extract %slice3A_468[0] : i32 from vector<1xi32>
      %dma_start3A_470 = arith.constant 0 : i32
      %dma_start3A_471 = tpu.memref_slice %arg10[%add3A_457, %dma_start3A_470] : memref<128x32xf32, #tpu.memory_space<vmem>> -> memref<1x32xf32, #tpu.memory_space<vmem>>
      %dma_start3A_472 = arith.constant 0 : i32
      %dma_start3A_473 = tpu.memref_slice %arg4[%squeeze3A_469, %dma_start3A_472] : memref<1000000x32xf32, #tpu.memory_space<hbm>> -> memref<1x32xf32, #tpu.memory_space<hbm>>
      %dma_start3A_474 = arith.constant 0 : i32
      %dma_start3A_475 = tpu.memref_slice %arg10[%add3A_457, %dma_start3A_474] : memref<128x32xf32, #tpu.memory_space<vmem>> -> memref<1x32xf32, #tpu.memory_space<vmem>>
      %dma_start3A_476 = arith.constant 0 : i32
      %dma_start3A_477 = tpu.memref_slice %arg4[%squeeze3A_469, %dma_start3A_476] : memref<1000000x32xf32, #tpu.memory_space<hbm>> -> memref<1x32xf32, #tpu.memory_space<hbm>>
      tpu.enqueue_dma source(%dma_start3A_477 : memref<1x32xf32, #tpu.memory_space<hbm>>) target(%dma_start3A_475 : memref<1x32xf32, #tpu.memory_space<vmem>>) target_semaphore(%arg13 : memref<!tpu.dma_semaphore, #tpu.memory_space<semaphore_mem>>)
    }
    %scan3A_15 = arith.constant 16 : i32
    %dma_wait3A = arith.constant 0 : i32
    %dma_wait3A_16 = arith.constant 0 : i32
    %dma_wait3A_17 = tpu.memref_slice %arg3[%dma_wait3A, %dma_wait3A_16] : memref<1000000x32xf32, #tpu.memory_space<hbm>> -> memref<128x32xf32, #tpu.memory_space<hbm>>
    %dma_wait3A_18 = arith.constant 0 : i32
    %dma_wait3A_19 = arith.constant 0 : i32
    %dma_wait3A_20 = tpu.memref_slice %arg3[%dma_wait3A_18, %dma_wait3A_19] : memref<1000000x32xf32, #tpu.memory_space<hbm>> -> memref<128x32xf32, #tpu.memory_space<hbm>>
    tpu.wait_dma2 semaphore(%arg12 : memref<!tpu.dma_semaphore, #tpu.memory_space<semaphore_mem>>) src(%dma_wait3A_20 : memref<128x32xf32, #tpu.memory_space<hbm>>) dst(%arg7 : memref<128x32xf32, #tpu.memory_space<vmem>>)
    %dma_wait3A_21 = arith.constant 0 : i32
    %dma_wait3A_22 = arith.constant 0 : i32
    %dma_wait3A_23 = tpu.memref_slice %arg4[%dma_wait3A_21, %dma_wait3A_22] : memref<1000000x32xf32, #tpu.memory_space<hbm>> -> memref<128x32xf32, #tpu.memory_space<hbm>>
    %dma_wait3A_24 = arith.constant 0 : i32
    %dma_wait3A_25 = arith.constant 0 : i32
    %dma_wait3A_26 = tpu.memref_slice %arg4[%dma_wait3A_24, %dma_wait3A_25] : memref<1000000x32xf32, #tpu.memory_space<hbm>> -> memref<128x32xf32, #tpu.memory_space<hbm>>
    tpu.wait_dma2 semaphore(%arg12 : memref<!tpu.dma_semaphore, #tpu.memory_space<semaphore_mem>>) src(%dma_wait3A_26 : memref<128x32xf32, #tpu.memory_space<hbm>>) dst(%arg9 : memref<128x32xf32, #tpu.memory_space<vmem>>)
    %scan3A_27 = arith.constant 0 : i32
    %scan3A_28 = arith.constant 0 : i32
    %scan3A_29 = arith.constant 8 : i32
    %scan3A_30 = arith.addi %scan3A_28, %scan3A_29 : i32
    %scan3A_31 = arith.constant 1 : i32
    scf.for %scan3A_99 = %scan3A_28 to %scan3A_30 step %scan3A_31  : i32 {
      %mul3A_100 = arith.constant 16 : i32
      %mul3A_101 = arith.muli %scan3A_99, %mul3A_100 : i32
      %add3A_102 = vector.broadcast %mul3A_101 : i32 to vector<16xi32>
      %add3A_103 = arith.addi %add3A_102, %iota3A : vector<16xi32>
      %broadcast_in_dim3A = arith.constant 0 : i32
      %broadcast_in_dim3A_104 = vector.broadcast %broadcast_in_dim3A : i32 to vector<16xi32>
      %gather3A = tpu.vector_load_idx %arg7[%add3A_103, %broadcast_in_dim3A_104] : memref<128x32xf32, #tpu.memory_space<vmem>>[vector<16xi32>, vector<16xi32>], vector<16xf32>,
      %gather3A_105 = tpu.vector_load_idx %arg9[%add3A_103, %broadcast_in_dim3A_104] : memref<128x32xf32, #tpu.memory_space<vmem>>[vector<16xi32>, vector<16xi32>], vector<16xf32>,
      %mul3A_106 = arith.mulf %gather3A, %gather3A_105 : vector<16xf32>
      %broadcast_in_dim3A_107 = arith.constant 1 : i32
      %broadcast_in_dim3A_108 = vector.broadcast %broadcast_in_dim3A_107 : i32 to vector<16xi32>
      %gather3A_109 = tpu.vector_load_idx %arg7[%add3A_103, %broadcast_in_dim3A_108] : memref<128x32xf32, #tpu.memory_space<vmem>>[vector<16xi32>, vector<16xi32>], vector<16xf32>,
      %gather3A_110 = tpu.vector_load_idx %arg9[%add3A_103, %broadcast_in_dim3A_108] : memref<128x32xf32, #tpu.memory_space<vmem>>[vector<16xi32>, vector<16xi32>], vector<16xf32>,
      %mul3A_111 = arith.mulf %gather3A_109, %gather3A_110 : vector<16xf32>
      %add3A_112 = arith.addf %mul3A_106, %mul3A_111 : vector<16xf32>
      %broadcast_in_dim3A_113 = arith.constant 2 : i32
      %broadcast_in_dim3A_114 = vector.broadcast %broadcast_in_dim3A_113 : i32 to vector<16xi32>
      %gather3A_115 = tpu.vector_load_idx %arg7[%add3A_103, %broadcast_in_dim3A_114] : memref<128x32xf32, #tpu.memory_space<vmem>>[vector<16xi32>, vector<16xi32>], vector<16xf32>,
      %gather3A_116 = tpu.vector_load_idx %arg9[%add3A_103, %broadcast_in_dim3A_114] : memref<128x32xf32, #tpu.memory_space<vmem>>[vector<16xi32>, vector<16xi32>], vector<16xf32>,
      %mul3A_117 = arith.mulf %gather3A_115, %gather3A_116 : vector<16xf32>
      %add3A_118 = arith.addf %add3A_112, %mul3A_117 : vector<16xf32>
      %broadcast_in_dim3A_119 = arith.constant 3 : i32
      %broadcast_in_dim3A_120 = vector.broadcast %broadcast_in_dim3A_119 : i32 to vector<16xi32>
      %gather3A_121 = tpu.vector_load_idx %arg7[%add3A_103, %broadcast_in_dim3A_120] : memref<128x32xf32, #tpu.memory_space<vmem>>[vector<16xi32>, vector<16xi32>], vector<16xf32>,
      %gather3A_122 = tpu.vector_load_idx %arg9[%add3A_103, %broadcast_in_dim3A_120] : memref<128x32xf32, #tpu.memory_space<vmem>>[vector<16xi32>, vector<16xi32>], vector<16xf32>,
      %mul3A_123 = arith.mulf %gather3A_121, %gather3A_122 : vector<16xf32>
      %add3A_124 = arith.addf %add3A_118, %mul3A_123 : vector<16xf32>
      %broadcast_in_dim3A_125 = arith.constant 4 : i32
      %broadcast_in_dim3A_126 = vector.broadcast %broadcast_in_dim3A_125 : i32 to vector<16xi32>
      %gather3A_127 = tpu.vector_load_idx %arg7[%add3A_103, %broadcast_in_dim3A_126] : memref<128x32xf32, #tpu.memory_space<vmem>>[vector<16xi32>, vector<16xi32>], vector<16xf32>,
      %gather3A_128 = tpu.vector_load_idx %arg9[%add3A_103, %broadcast_in_dim3A_126] : memref<128x32xf32, #tpu.memory_space<vmem>>[vector<16xi32>, vector<16xi32>], vector<16xf32>,
      %mul3A_129 = arith.mulf %gather3A_127, %gather3A_128 : vector<16xf32>
      %add3A_130 = arith.addf %add3A_124, %mul3A_129 : vector<16xf32>
      %broadcast_in_dim3A_131 = arith.constant 5 : i32
      %broadcast_in_dim3A_132 = vector.broadcast %broadcast_in_dim3A_131 : i32 to vector<16xi32>
      %gather3A_133 = tpu.vector_load_idx %arg7[%add3A_103, %broadcast_in_dim3A_132] : memref<128x32xf32, #tpu.memory_space<vmem>>[vector<16xi32>, vector<16xi32>], vector<16xf32>,
      %gather3A_134 = tpu.vector_load_idx %arg9[%add3A_103, %broadcast_in_dim3A_132] : memref<128x32xf32, #tpu.memory_space<vmem>>[vector<16xi32>, vector<16xi32>], vector<16xf32>,
      %mul3A_135 = arith.mulf %gather3A_133, %gather3A_134 : vector<16xf32>
      %add3A_136 = arith.addf %add3A_130, %mul3A_135 : vector<16xf32>
      %broadcast_in_dim3A_137 = arith.constant 6 : i32
      %broadcast_in_dim3A_138 = vector.broadcast %broadcast_in_dim3A_137 : i32 to vector<16xi32>
      %gather3A_139 = tpu.vector_load_idx %arg7[%add3A_103, %broadcast_in_dim3A_138] : memref<128x32xf32, #tpu.memory_space<vmem>>[vector<16xi32>, vector<16xi32>], vector<16xf32>,
      %gather3A_140 = tpu.vector_load_idx %arg9[%add3A_103, %broadcast_in_dim3A_138] : memref<128x32xf32, #tpu.memory_space<vmem>>[vector<16xi32>, vector<16xi32>], vector<16xf32>,
      %mul3A_141 = arith.mulf %gather3A_139, %gather3A_140 : vector<16xf32>
      %add3A_142 = arith.addf %add3A_136, %mul3A_141 : vector<16xf32>
      %broadcast_in_dim3A_143 = arith.constant 7 : i32
      %broadcast_in_dim3A_144 = vector.broadcast %broadcast_in_dim3A_143 : i32 to vector<16xi32>
      %gather3A_145 = tpu.vector_load_idx %arg7[%add3A_103, %broadcast_in_dim3A_144] : memref<128x32xf32, #tpu.memory_space<vmem>>[vector<16xi32>, vector<16xi32>], vector<16xf32>,
      %gather3A_146 = tpu.vector_load_idx %arg9[%add3A_103, %broadcast_in_dim3A_144] : memref<128x32xf32, #tpu.memory_space<vmem>>[vector<16xi32>, vector<16xi32>], vector<16xf32>,
      %mul3A_147 = arith.mulf %gather3A_145, %gather3A_146 : vector<16xf32>
      %add3A_148 = arith.addf %add3A_142, %mul3A_147 : vector<16xf32>
      %broadcast_in_dim3A_149 = arith.constant 8 : i32
      %broadcast_in_dim3A_150 = vector.broadcast %broadcast_in_dim3A_149 : i32 to vector<16xi32>
      %gather3A_151 = tpu.vector_load_idx %arg7[%add3A_103, %broadcast_in_dim3A_150] : memref<128x32xf32, #tpu.memory_space<vmem>>[vector<16xi32>, vector<16xi32>], vector<16xf32>,
      %gather3A_152 = tpu.vector_load_idx %arg9[%add3A_103, %broadcast_in_dim3A_150] : memref<128x32xf32, #tpu.memory_space<vmem>>[vector<16xi32>, vector<16xi32>], vector<16xf32>,
      %mul3A_153 = arith.mulf %gather3A_151, %gather3A_152 : vector<16xf32>
      %add3A_154 = arith.addf %add3A_148, %mul3A_153 : vector<16xf32>
      %broadcast_in_dim3A_155 = arith.constant 9 : i32
      %broadcast_in_dim3A_156 = vector.broadcast %broadcast_in_dim3A_155 : i32 to vector<16xi32>
      %gather3A_157 = tpu.vector_load_idx %arg7[%add3A_103, %broadcast_in_dim3A_156] : memref<128x32xf32, #tpu.memory_space<vmem>>[vector<16xi32>, vector<16xi32>], vector<16xf32>,
      %gather3A_158 = tpu.vector_load_idx %arg9[%add3A_103, %broadcast_in_dim3A_156] : memref<128x32xf32, #tpu.memory_space<vmem>>[vector<16xi32>, vector<16xi32>], vector<16xf32>,
      %mul3A_159 = arith.mulf %gather3A_157, %gather3A_158 : vector<16xf32>
      %add3A_160 = arith.addf %add3A_154, %mul3A_159 : vector<16xf32>
      %broadcast_in_dim3A_161 = arith.constant 10 : i32
      %broadcast_in_dim3A_162 = vector.broadcast %broadcast_in_dim3A_161 : i32 to vector<16xi32>
      %gather3A_163 = tpu.vector_load_idx %arg7[%add3A_103, %broadcast_in_dim3A_162] : memref<128x32xf32, #tpu.memory_space<vmem>>[vector<16xi32>, vector<16xi32>], vector<16xf32>,
      %gather3A_164 = tpu.vector_load_idx %arg9[%add3A_103, %broadcast_in_dim3A_162] : memref<128x32xf32, #tpu.memory_space<vmem>>[vector<16xi32>, vector<16xi32>], vector<16xf32>,
      %mul3A_165 = arith.mulf %gather3A_163, %gather3A_164 : vector<16xf32>
      %add3A_166 = arith.addf %add3A_160, %mul3A_165 : vector<16xf32>
      %broadcast_in_dim3A_167 = arith.constant 11 : i32
      %broadcast_in_dim3A_168 = vector.broadcast %broadcast_in_dim3A_167 : i32 to vector<16xi32>
      %gather3A_169 = tpu.vector_load_idx %arg7[%add3A_103, %broadcast_in_dim3A_168] : memref<128x32xf32, #tpu.memory_space<vmem>>[vector<16xi32>, vector<16xi32>], vector<16xf32>,
      %gather3A_170 = tpu.vector_load_idx %arg9[%add3A_103, %broadcast_in_dim3A_168] : memref<128x32xf32, #tpu.memory_space<vmem>>[vector<16xi32>, vector<16xi32>], vector<16xf32>,
      %mul3A_171 = arith.mulf %gather3A_169, %gather3A_170 : vector<16xf32>
      %add3A_172 = arith.addf %add3A_166, %mul3A_171 : vector<16xf32>
      %broadcast_in_dim3A_173 = arith.constant 12 : i32
      %broadcast_in_dim3A_174 = vector.broadcast %broadcast_in_dim3A_173 : i32 to vector<16xi32>
      %gather3A_175 = tpu.vector_load_idx %arg7[%add3A_103, %broadcast_in_dim3A_174] : memref<128x32xf32, #tpu.memory_space<vmem>>[vector<16xi32>, vector<16xi32>], vector<16xf32>,
      %gather3A_176 = tpu.vector_load_idx %arg9[%add3A_103, %broadcast_in_dim3A_174] : memref<128x32xf32, #tpu.memory_space<vmem>>[vector<16xi32>, vector<16xi32>], vector<16xf32>,
      %mul3A_177 = arith.mulf %gather3A_175, %gather3A_176 : vector<16xf32>
      %add3A_178 = arith.addf %add3A_172, %mul3A_177 : vector<16xf32>
      %broadcast_in_dim3A_179 = arith.constant 13 : i32
      %broadcast_in_dim3A_180 = vector.broadcast %broadcast_in_dim3A_179 : i32 to vector<16xi32>
      %gather3A_181 = tpu.vector_load_idx %arg7[%add3A_103, %broadcast_in_dim3A_180] : memref<128x32xf32, #tpu.memory_space<vmem>>[vector<16xi32>, vector<16xi32>], vector<16xf32>,
      %gather3A_182 = tpu.vector_load_idx %arg9[%add3A_103, %broadcast_in_dim3A_180] : memref<128x32xf32, #tpu.memory_space<vmem>>[vector<16xi32>, vector<16xi32>], vector<16xf32>,
      %mul3A_183 = arith.mulf %gather3A_181, %gather3A_182 : vector<16xf32>
      %add3A_184 = arith.addf %add3A_178, %mul3A_183 : vector<16xf32>
      %broadcast_in_dim3A_185 = arith.constant 14 : i32
      %broadcast_in_dim3A_186 = vector.broadcast %broadcast_in_dim3A_185 : i32 to vector<16xi32>
      %gather3A_187 = tpu.vector_load_idx %arg7[%add3A_103, %broadcast_in_dim3A_186] : memref<128x32xf32, #tpu.memory_space<vmem>>[vector<16xi32>, vector<16xi32>], vector<16xf32>,
      %gather3A_188 = tpu.vector_load_idx %arg9[%add3A_103, %broadcast_in_dim3A_186] : memref<128x32xf32, #tpu.memory_space<vmem>>[vector<16xi32>, vector<16xi32>], vector<16xf32>,
      %mul3A_189 = arith.mulf %gather3A_187, %gather3A_188 : vector<16xf32>
      %add3A_190 = arith.addf %add3A_184, %mul3A_189 : vector<16xf32>
      %broadcast_in_dim3A_191 = arith.constant 15 : i32
      %broadcast_in_dim3A_192 = vector.broadcast %broadcast_in_dim3A_191 : i32 to vector<16xi32>
      %gather3A_193 = tpu.vector_load_idx %arg7[%add3A_103, %broadcast_in_dim3A_192] : memref<128x32xf32, #tpu.memory_space<vmem>>[vector<16xi32>, vector<16xi32>], vector<16xf32>,
      %gather3A_194 = tpu.vector_load_idx %arg9[%add3A_103, %broadcast_in_dim3A_192] : memref<128x32xf32, #tpu.memory_space<vmem>>[vector<16xi32>, vector<16xi32>], vector<16xf32>,
      %mul3A_195 = arith.mulf %gather3A_193, %gather3A_194 : vector<16xf32>
      %add3A_196 = arith.addf %add3A_190, %mul3A_195 : vector<16xf32>
      %broadcast_in_dim3A_197 = arith.constant 16 : i32
      %broadcast_in_dim3A_198 = vector.broadcast %broadcast_in_dim3A_197 : i32 to vector<16xi32>
      %gather3A_199 = tpu.vector_load_idx %arg7[%add3A_103, %broadcast_in_dim3A_198] : memref<128x32xf32, #tpu.memory_space<vmem>>[vector<16xi32>, vector<16xi32>], vector<16xf32>,
      %gather3A_200 = tpu.vector_load_idx %arg9[%add3A_103, %broadcast_in_dim3A_198] : memref<128x32xf32, #tpu.memory_space<vmem>>[vector<16xi32>, vector<16xi32>], vector<16xf32>,
      %mul3A_201 = arith.mulf %gather3A_199, %gather3A_200 : vector<16xf32>
      %add3A_202 = arith.addf %add3A_196, %mul3A_201 : vector<16xf32>
      %broadcast_in_dim3A_203 = arith.constant 17 : i32
      %broadcast_in_dim3A_204 = vector.broadcast %broadcast_in_dim3A_203 : i32 to vector<16xi32>
      %gather3A_205 = tpu.vector_load_idx %arg7[%add3A_103, %broadcast_in_dim3A_204] : memref<128x32xf32, #tpu.memory_space<vmem>>[vector<16xi32>, vector<16xi32>], vector<16xf32>,
      %gather3A_206 = tpu.vector_load_idx %arg9[%add3A_103, %broadcast_in_dim3A_204] : memref<128x32xf32, #tpu.memory_space<vmem>>[vector<16xi32>, vector<16xi32>], vector<16xf32>,
      %mul3A_207 = arith.mulf %gather3A_205, %gather3A_206 : vector<16xf32>
      %add3A_208 = arith.addf %add3A_202, %mul3A_207 : vector<16xf32>
      %broadcast_in_dim3A_209 = arith.constant 18 : i32
      %broadcast_in_dim3A_210 = vector.broadcast %broadcast_in_dim3A_209 : i32 to vector<16xi32>
      %gather3A_211 = tpu.vector_load_idx %arg7[%add3A_103, %broadcast_in_dim3A_210] : memref<128x32xf32, #tpu.memory_space<vmem>>[vector<16xi32>, vector<16xi32>], vector<16xf32>,
      %gather3A_212 = tpu.vector_load_idx %arg9[%add3A_103, %broadcast_in_dim3A_210] : memref<128x32xf32, #tpu.memory_space<vmem>>[vector<16xi32>, vector<16xi32>], vector<16xf32>,
      %mul3A_213 = arith.mulf %gather3A_211, %gather3A_212 : vector<16xf32>
      %add3A_214 = arith.addf %add3A_208, %mul3A_213 : vector<16xf32>
      %broadcast_in_dim3A_215 = arith.constant 19 : i32
      %broadcast_in_dim3A_216 = vector.broadcast %broadcast_in_dim3A_215 : i32 to vector<16xi32>
      %gather3A_217 = tpu.vector_load_idx %arg7[%add3A_103, %broadcast_in_dim3A_216] : memref<128x32xf32, #tpu.memory_space<vmem>>[vector<16xi32>, vector<16xi32>], vector<16xf32>,
      %gather3A_218 = tpu.vector_load_idx %arg9[%add3A_103, %broadcast_in_dim3A_216] : memref<128x32xf32, #tpu.memory_space<vmem>>[vector<16xi32>, vector<16xi32>], vector<16xf32>,
      %mul3A_219 = arith.mulf %gather3A_217, %gather3A_218 : vector<16xf32>
      %add3A_220 = arith.addf %add3A_214, %mul3A_219 : vector<16xf32>
      %broadcast_in_dim3A_221 = arith.constant 20 : i32
      %broadcast_in_dim3A_222 = vector.broadcast %broadcast_in_dim3A_221 : i32 to vector<16xi32>
      %gather3A_223 = tpu.vector_load_idx %arg7[%add3A_103, %broadcast_in_dim3A_222] : memref<128x32xf32, #tpu.memory_space<vmem>>[vector<16xi32>, vector<16xi32>], vector<16xf32>,
      %gather3A_224 = tpu.vector_load_idx %arg9[%add3A_103, %broadcast_in_dim3A_222] : memref<128x32xf32, #tpu.memory_space<vmem>>[vector<16xi32>, vector<16xi32>], vector<16xf32>,
      %mul3A_225 = arith.mulf %gather3A_223, %gather3A_224 : vector<16xf32>
      %add3A_226 = arith.addf %add3A_220, %mul3A_225 : vector<16xf32>
      %broadcast_in_dim3A_227 = arith.constant 21 : i32
      %broadcast_in_dim3A_228 = vector.broadcast %broadcast_in_dim3A_227 : i32 to vector<16xi32>
      %gather3A_229 = tpu.vector_load_idx %arg7[%add3A_103, %broadcast_in_dim3A_228] : memref<128x32xf32, #tpu.memory_space<vmem>>[vector<16xi32>, vector<16xi32>], vector<16xf32>,
      %gather3A_230 = tpu.vector_load_idx %arg9[%add3A_103, %broadcast_in_dim3A_228] : memref<128x32xf32, #tpu.memory_space<vmem>>[vector<16xi32>, vector<16xi32>], vector<16xf32>,
      %mul3A_231 = arith.mulf %gather3A_229, %gather3A_230 : vector<16xf32>
      %add3A_232 = arith.addf %add3A_226, %mul3A_231 : vector<16xf32>
      %broadcast_in_dim3A_233 = arith.constant 22 : i32
      %broadcast_in_dim3A_234 = vector.broadcast %broadcast_in_dim3A_233 : i32 to vector<16xi32>
      %gather3A_235 = tpu.vector_load_idx %arg7[%add3A_103, %broadcast_in_dim3A_234] : memref<128x32xf32, #tpu.memory_space<vmem>>[vector<16xi32>, vector<16xi32>], vector<16xf32>,
      %gather3A_236 = tpu.vector_load_idx %arg9[%add3A_103, %broadcast_in_dim3A_234] : memref<128x32xf32, #tpu.memory_space<vmem>>[vector<16xi32>, vector<16xi32>], vector<16xf32>,
      %mul3A_237 = arith.mulf %gather3A_235, %gather3A_236 : vector<16xf32>
      %add3A_238 = arith.addf %add3A_232, %mul3A_237 : vector<16xf32>
      %broadcast_in_dim3A_239 = arith.constant 23 : i32
      %broadcast_in_dim3A_240 = vector.broadcast %broadcast_in_dim3A_239 : i32 to vector<16xi32>
      %gather3A_241 = tpu.vector_load_idx %arg7[%add3A_103, %broadcast_in_dim3A_240] : memref<128x32xf32, #tpu.memory_space<vmem>>[vector<16xi32>, vector<16xi32>], vector<16xf32>,
      %gather3A_242 = tpu.vector_load_idx %arg9[%add3A_103, %broadcast_in_dim3A_240] : memref<128x32xf32, #tpu.memory_space<vmem>>[vector<16xi32>, vector<16xi32>], vector<16xf32>,
      %mul3A_243 = arith.mulf %gather3A_241, %gather3A_242 : vector<16xf32>
      %add3A_244 = arith.addf %add3A_238, %mul3A_243 : vector<16xf32>
      %broadcast_in_dim3A_245 = arith.constant 24 : i32
      %broadcast_in_dim3A_246 = vector.broadcast %broadcast_in_dim3A_245 : i32 to vector<16xi32>
      %gather3A_247 = tpu.vector_load_idx %arg7[%add3A_103, %broadcast_in_dim3A_246] : memref<128x32xf32, #tpu.memory_space<vmem>>[vector<16xi32>, vector<16xi32>], vector<16xf32>,
      %gather3A_248 = tpu.vector_load_idx %arg9[%add3A_103, %broadcast_in_dim3A_246] : memref<128x32xf32, #tpu.memory_space<vmem>>[vector<16xi32>, vector<16xi32>], vector<16xf32>,
      %mul3A_249 = arith.mulf %gather3A_247, %gather3A_248 : vector<16xf32>
      %add3A_250 = arith.addf %add3A_244, %mul3A_249 : vector<16xf32>
      %broadcast_in_dim3A_251 = arith.constant 25 : i32
      %broadcast_in_dim3A_252 = vector.broadcast %broadcast_in_dim3A_251 : i32 to vector<16xi32>
      %gather3A_253 = tpu.vector_load_idx %arg7[%add3A_103, %broadcast_in_dim3A_252] : memref<128x32xf32, #tpu.memory_space<vmem>>[vector<16xi32>, vector<16xi32>], vector<16xf32>,
      %gather3A_254 = tpu.vector_load_idx %arg9[%add3A_103, %broadcast_in_dim3A_252] : memref<128x32xf32, #tpu.memory_space<vmem>>[vector<16xi32>, vector<16xi32>], vector<16xf32>,
      %mul3A_255 = arith.mulf %gather3A_253, %gather3A_254 : vector<16xf32>
      %add3A_256 = arith.addf %add3A_250, %mul3A_255 : vector<16xf32>
      %broadcast_in_dim3A_257 = arith.constant 26 : i32
      %broadcast_in_dim3A_258 = vector.broadcast %broadcast_in_dim3A_257 : i32 to vector<16xi32>
      %gather3A_259 = tpu.vector_load_idx %arg7[%add3A_103, %broadcast_in_dim3A_258] : memref<128x32xf32, #tpu.memory_space<vmem>>[vector<16xi32>, vector<16xi32>], vector<16xf32>,
      %gather3A_260 = tpu.vector_load_idx %arg9[%add3A_103, %broadcast_in_dim3A_258] : memref<128x32xf32, #tpu.memory_space<vmem>>[vector<16xi32>, vector<16xi32>], vector<16xf32>,
      %mul3A_261 = arith.mulf %gather3A_259, %gather3A_260 : vector<16xf32>
      %add3A_262 = arith.addf %add3A_256, %mul3A_261 : vector<16xf32>
      %broadcast_in_dim3A_263 = arith.constant 27 : i32
      %broadcast_in_dim3A_264 = vector.broadcast %broadcast_in_dim3A_263 : i32 to vector<16xi32>
      %gather3A_265 = tpu.vector_load_idx %arg7[%add3A_103, %broadcast_in_dim3A_264] : memref<128x32xf32, #tpu.memory_space<vmem>>[vector<16xi32>, vector<16xi32>], vector<16xf32>,
      %gather3A_266 = tpu.vector_load_idx %arg9[%add3A_103, %broadcast_in_dim3A_264] : memref<128x32xf32, #tpu.memory_space<vmem>>[vector<16xi32>, vector<16xi32>], vector<16xf32>,
      %mul3A_267 = arith.mulf %gather3A_265, %gather3A_266 : vector<16xf32>
      %add3A_268 = arith.addf %add3A_262, %mul3A_267 : vector<16xf32>
      %broadcast_in_dim3A_269 = arith.constant 28 : i32
      %broadcast_in_dim3A_270 = vector.broadcast %broadcast_in_dim3A_269 : i32 to vector<16xi32>
      %gather3A_271 = tpu.vector_load_idx %arg7[%add3A_103, %broadcast_in_dim3A_270] : memref<128x32xf32, #tpu.memory_space<vmem>>[vector<16xi32>, vector<16xi32>], vector<16xf32>,
      %gather3A_272 = tpu.vector_load_idx %arg9[%add3A_103, %broadcast_in_dim3A_270] : memref<128x32xf32, #tpu.memory_space<vmem>>[vector<16xi32>, vector<16xi32>], vector<16xf32>,
      %mul3A_273 = arith.mulf %gather3A_271, %gather3A_272 : vector<16xf32>
      %add3A_274 = arith.addf %add3A_268, %mul3A_273 : vector<16xf32>
      %broadcast_in_dim3A_275 = arith.constant 29 : i32
      %broadcast_in_dim3A_276 = vector.broadcast %broadcast_in_dim3A_275 : i32 to vector<16xi32>
      %gather3A_277 = tpu.vector_load_idx %arg7[%add3A_103, %broadcast_in_dim3A_276] : memref<128x32xf32, #tpu.memory_space<vmem>>[vector<16xi32>, vector<16xi32>], vector<16xf32>,
      %gather3A_278 = tpu.vector_load_idx %arg9[%add3A_103, %broadcast_in_dim3A_276] : memref<128x32xf32, #tpu.memory_space<vmem>>[vector<16xi32>, vector<16xi32>], vector<16xf32>,
      %mul3A_279 = arith.mulf %gather3A_277, %gather3A_278 : vector<16xf32>
      %add3A_280 = arith.addf %add3A_274, %mul3A_279 : vector<16xf32>
      %broadcast_in_dim3A_281 = arith.constant 30 : i32
      %broadcast_in_dim3A_282 = vector.broadcast %broadcast_in_dim3A_281 : i32 to vector<16xi32>
      %gather3A_283 = tpu.vector_load_idx %arg7[%add3A_103, %broadcast_in_dim3A_282] : memref<128x32xf32, #tpu.memory_space<vmem>>[vector<16xi32>, vector<16xi32>], vector<16xf32>,
      %gather3A_284 = tpu.vector_load_idx %arg9[%add3A_103, %broadcast_in_dim3A_282] : memref<128x32xf32, #tpu.memory_space<vmem>>[vector<16xi32>, vector<16xi32>], vector<16xf32>,
      %mul3A_285 = arith.mulf %gather3A_283, %gather3A_284 : vector<16xf32>
      %add3A_286 = arith.addf %add3A_280, %mul3A_285 : vector<16xf32>
      %broadcast_in_dim3A_287 = arith.constant 31 : i32
      %broadcast_in_dim3A_288 = vector.broadcast %broadcast_in_dim3A_287 : i32 to vector<16xi32>
      %gather3A_289 = tpu.vector_load_idx %arg7[%add3A_103, %broadcast_in_dim3A_288] : memref<128x32xf32, #tpu.memory_space<vmem>>[vector<16xi32>, vector<16xi32>], vector<16xf32>,
      %gather3A_290 = tpu.vector_load_idx %arg9[%add3A_103, %broadcast_in_dim3A_288] : memref<128x32xf32, #tpu.memory_space<vmem>>[vector<16xi32>, vector<16xi32>], vector<16xf32>,
      %mul3A_291 = arith.mulf %gather3A_289, %gather3A_290 : vector<16xf32>
      %add3A_292 = arith.addf %add3A_286, %mul3A_291 : vector<16xf32>
      %neg3A = arith.constant 0.000000e+00 : f32
      %neg3A_293 = vector.broadcast %neg3A : f32 to vector<16xf32>
      %neg3A_294 = arith.subf %neg3A_293, %add3A_292 : vector<16xf32>
      %exp3A = math.exp %neg3A_294 : vector<16xf32>
      %add3A_295 = arith.constant 1.000000e+00 : f32
      %add3A_296 = vector.broadcast %add3A_295 : f32 to vector<16xf32>
      %add3A_297 = arith.addf %add3A_296, %exp3A : vector<16xf32>
      %div3A = arith.constant 1.000000e+00 : f32
      %div3A_298 = vector.broadcast %div3A : f32 to vector<16xf32>
      %div3A_299 = arith.divf %div3A_298, %add3A_297 : vector<16xf32>
      %mul3A_300 = arith.constant 16 : i32
      %mul3A_301 = arith.muli %scan3A_99, %mul3A_300 : i32
      %add3A_302 = arith.constant 0 : i32
      %add3A_303 = arith.addi %add3A_302, %mul3A_301 : i32
      %swap3A = arith.index_cast %add3A_303 : i32 to index
      %swap3A_304 = tpu.vector_load %arg11[%swap3A] {strides = array<i32>} : memref<512xf32, #tpu.memory_space<vmem>>, vector<16xf32>,
      tpu.vector_store %arg11[%swap3A], %div3A_299 {strides = array<i32>} : memref<512xf32, #tpu.memory_space<vmem>>, vector<16xf32>,
    }
    %scan3A_32 = arith.constant 8 : i32
    %scan3A_33 = arith.constant 0 : i32
    %scan3A_34 = arith.constant 0 : i32
    %scan3A_35 = arith.constant 16 : i32
    %scan3A_36 = arith.addi %scan3A_34, %scan3A_35 : i32
    %scan3A_37 = arith.constant 1 : i32
    scf.for %scan3A_99 = %scan3A_34 to %scan3A_36 step %scan3A_37  : i32 {
      %mul3A_100 = arith.constant 16 : i32
      %mul3A_101 = arith.muli %scan3A_99, %mul3A_100 : i32
      %add3A_102 = arith.constant 512 : i32
      %add3A_103 = arith.addi %add3A_102, %mul3A_101 : i32
      %get3A = arith.index_cast %add3A_103 : i32 to index
      %get3A_104 = tpu.vector_load %arg6[%get3A] {strides = array<i32>} : memref<1024xi32, #tpu.memory_space<vmem>>, vector<16xi32>,
      %mul3A_105 = arith.constant 16 : i32
      %mul3A_106 = arith.muli %scan3A_99, %mul3A_105 : i32
      %jit3A = arith.constant 2 : i32
      %div3A = arith.divsi %mul3A_106, %jit3A : i32
      %sign3A = arith.constant 0 : i32
      %sign3A_107 = arith.cmpi sgt, %mul3A_106, %sign3A : i32
      %sign3A_108 = arith.extui %sign3A_107 : i1 to i32
      %sign3A_109 = arith.constant 0 : i32
      %sign3A_110 = arith.cmpi slt, %mul3A_106, %sign3A_109 : i32
      %sign3A_111 = arith.extui %sign3A_110 : i1 to i32
      %sign3A_112 = arith.subi %sign3A_108, %sign3A_111 : i32
      %sign3A_113 = arith.constant 0 : i32
      %sign3A_114 = arith.cmpi sgt, %jit3A, %sign3A_113 : i32
      %sign3A_115 = arith.extui %sign3A_114 : i1 to i32
      %sign3A_116 = arith.constant 0 : i32
      %sign3A_117 = arith.cmpi slt, %jit3A, %sign3A_116 : i32
      %sign3A_118 = arith.extui %sign3A_117 : i1 to i32
      %sign3A_119 = arith.subi %sign3A_115, %sign3A_118 : i32
      %ne3A = arith.cmpi ne, %sign3A_112, %sign3A_119 : i32
      %rem3A = arith.remsi %mul3A_106, %jit3A : i32
      %ne3A_120 = arith.constant 0 : i32
      %ne3A_121 = arith.cmpi ne, %rem3A, %ne3A_120 : i32
      %and3A = arith.andi %ne3A, %ne3A_121 : i1
      %sub3A = arith.constant 1 : i32
      %sub3A_122 = arith.subi %div3A, %sub3A : i32
      %select_n3A = arith.select %and3A, %sub3A_122, %div3A : i32
      %add3A_123 = arith.constant 0 : i32
      %add3A_124 = arith.addi %select_n3A, %add3A_123 : i32
      %slice3A = vector.extract_strided_slice %get3A_104 {offsets = [0], sizes = [1], strides = [1]} : vector<16xi32> to vector<1xi32>
      %squeeze3A = vector.extract %slice3A[0] : i32 from vector<1xi32>
      %dma_start3A = arith.constant 0 : i32
      %dma_start3A_125 = tpu.memref_slice %arg7[%add3A_124, %dma_start3A] : memref<128x32xf32, #tpu.memory_space<vmem>> -> memref<1x32xf32, #tpu.memory_space<vmem>>
      %dma_start3A_126 = arith.constant 0 : i32
      %dma_start3A_127 = tpu.memref_slice %arg3[%squeeze3A, %dma_start3A_126] : memref<1000000x32xf32, #tpu.memory_space<hbm>> -> memref<1x32xf32, #tpu.memory_space<hbm>>
      %dma_start3A_128 = arith.constant 0 : i32
      %dma_start3A_129 = tpu.memref_slice %arg7[%add3A_124, %dma_start3A_128] : memref<128x32xf32, #tpu.memory_space<vmem>> -> memref<1x32xf32, #tpu.memory_space<vmem>>
      %dma_start3A_130 = arith.constant 0 : i32
      %dma_start3A_131 = tpu.memref_slice %arg3[%squeeze3A, %dma_start3A_130] : memref<1000000x32xf32, #tpu.memory_space<hbm>> -> memref<1x32xf32, #tpu.memory_space<hbm>>
      tpu.enqueue_dma source(%dma_start3A_131 : memref<1x32xf32, #tpu.memory_space<hbm>>) target(%dma_start3A_129 : memref<1x32xf32, #tpu.memory_space<vmem>>) target_semaphore(%arg12 : memref<!tpu.dma_semaphore, #tpu.memory_space<semaphore_mem>>)
      %slice3A_132 = vector.extract_strided_slice %get3A_104 {offsets = [1], sizes = [1], strides = [1]} : vector<16xi32> to vector<1xi32>
      %squeeze3A_133 = vector.extract %slice3A_132[0] : i32 from vector<1xi32>
      %dma_start3A_134 = arith.constant 0 : i32
      %dma_start3A_135 = tpu.memref_slice %arg9[%add3A_124, %dma_start3A_134] : memref<128x32xf32, #tpu.memory_space<vmem>> -> memref<1x32xf32, #tpu.memory_space<vmem>>
      %dma_start3A_136 = arith.constant 0 : i32
      %dma_start3A_137 = tpu.memref_slice %arg4[%squeeze3A_133, %dma_start3A_136] : memref<1000000x32xf32, #tpu.memory_space<hbm>> -> memref<1x32xf32, #tpu.memory_space<hbm>>
      %dma_start3A_138 = arith.constant 0 : i32
      %dma_start3A_139 = tpu.memref_slice %arg9[%add3A_124, %dma_start3A_138] : memref<128x32xf32, #tpu.memory_space<vmem>> -> memref<1x32xf32, #tpu.memory_space<vmem>>
      %dma_start3A_140 = arith.constant 0 : i32
      %dma_start3A_141 = tpu.memref_slice %arg4[%squeeze3A_133, %dma_start3A_140] : memref<1000000x32xf32, #tpu.memory_space<hbm>> -> memref<1x32xf32, #tpu.memory_space<hbm>>
      tpu.enqueue_dma source(%dma_start3A_141 : memref<1x32xf32, #tpu.memory_space<hbm>>) target(%dma_start3A_139 : memref<1x32xf32, #tpu.memory_space<vmem>>) target_semaphore(%arg12 : memref<!tpu.dma_semaphore, #tpu.memory_space<semaphore_mem>>)
      %mul3A_142 = arith.constant 16 : i32
      %mul3A_143 = arith.muli %scan3A_99, %mul3A_142 : i32
      %jit3A_144 = arith.constant 2 : i32
      %div3A_145 = arith.divsi %mul3A_143, %jit3A_144 : i32
      %sign3A_146 = arith.constant 0 : i32
      %sign3A_147 = arith.cmpi sgt, %mul3A_143, %sign3A_146 : i32
      %sign3A_148 = arith.extui %sign3A_147 : i1 to i32
      %sign3A_149 = arith.constant 0 : i32
      %sign3A_150 = arith.cmpi slt, %mul3A_143, %sign3A_149 : i32
      %sign3A_151 = arith.extui %sign3A_150 : i1 to i32
      %sign3A_152 = arith.subi %sign3A_148, %sign3A_151 : i32
      %sign3A_153 = arith.constant 0 : i32
      %sign3A_154 = arith.cmpi sgt, %jit3A_144, %sign3A_153 : i32
      %sign3A_155 = arith.extui %sign3A_154 : i1 to i32
      %sign3A_156 = arith.constant 0 : i32
      %sign3A_157 = arith.cmpi slt, %jit3A_144, %sign3A_156 : i32
      %sign3A_158 = arith.extui %sign3A_157 : i1 to i32
      %sign3A_159 = arith.subi %sign3A_155, %sign3A_158 : i32
      %ne3A_160 = arith.cmpi ne, %sign3A_152, %sign3A_159 : i32
      %rem3A_161 = arith.remsi %mul3A_143, %jit3A_144 : i32
      %ne3A_162 = arith.constant 0 : i32
      %ne3A_163 = arith.cmpi ne, %rem3A_161, %ne3A_162 : i32
      %and3A_164 = arith.andi %ne3A_160, %ne3A_163 : i1
      %sub3A_165 = arith.constant 1 : i32
      %sub3A_166 = arith.subi %div3A_145, %sub3A_165 : i32
      %select_n3A_167 = arith.select %and3A_164, %sub3A_166, %div3A_145 : i32
      %add3A_168 = arith.constant 1 : i32
      %add3A_169 = arith.addi %select_n3A_167, %add3A_168 : i32
      %slice3A_170 = vector.extract_strided_slice %get3A_104 {offsets = [2], sizes = [1], strides = [1]} : vector<16xi32> to vector<1xi32>
      %squeeze3A_171 = vector.extract %slice3A_170[0] : i32 from vector<1xi32>
      %dma_start3A_172 = arith.constant 0 : i32
      %dma_start3A_173 = tpu.memref_slice %arg7[%add3A_169, %dma_start3A_172] : memref<128x32xf32, #tpu.memory_space<vmem>> -> memref<1x32xf32, #tpu.memory_space<vmem>>
      %dma_start3A_174 = arith.constant 0 : i32
      %dma_start3A_175 = tpu.memref_slice %arg3[%squeeze3A_171, %dma_start3A_174] : memref<1000000x32xf32, #tpu.memory_space<hbm>> -> memref<1x32xf32, #tpu.memory_space<hbm>>
      %dma_start3A_176 = arith.constant 0 : i32
      %dma_start3A_177 = tpu.memref_slice %arg7[%add3A_169, %dma_start3A_176] : memref<128x32xf32, #tpu.memory_space<vmem>> -> memref<1x32xf32, #tpu.memory_space<vmem>>
      %dma_start3A_178 = arith.constant 0 : i32
      %dma_start3A_179 = tpu.memref_slice %arg3[%squeeze3A_171, %dma_start3A_178] : memref<1000000x32xf32, #tpu.memory_space<hbm>> -> memref<1x32xf32, #tpu.memory_space<hbm>>
      tpu.enqueue_dma source(%dma_start3A_179 : memref<1x32xf32, #tpu.memory_space<hbm>>) target(%dma_start3A_177 : memref<1x32xf32, #tpu.memory_space<vmem>>) target_semaphore(%arg12 : memref<!tpu.dma_semaphore, #tpu.memory_space<semaphore_mem>>)
      %slice3A_180 = vector.extract_strided_slice %get3A_104 {offsets = [3], sizes = [1], strides = [1]} : vector<16xi32> to vector<1xi32>
      %squeeze3A_181 = vector.extract %slice3A_180[0] : i32 from vector<1xi32>
      %dma_start3A_182 = arith.constant 0 : i32
      %dma_start3A_183 = tpu.memref_slice %arg9[%add3A_169, %dma_start3A_182] : memref<128x32xf32, #tpu.memory_space<vmem>> -> memref<1x32xf32, #tpu.memory_space<vmem>>
      %dma_start3A_184 = arith.constant 0 : i32
      %dma_start3A_185 = tpu.memref_slice %arg4[%squeeze3A_181, %dma_start3A_184] : memref<1000000x32xf32, #tpu.memory_space<hbm>> -> memref<1x32xf32, #tpu.memory_space<hbm>>
      %dma_start3A_186 = arith.constant 0 : i32
      %dma_start3A_187 = tpu.memref_slice %arg9[%add3A_169, %dma_start3A_186] : memref<128x32xf32, #tpu.memory_space<vmem>> -> memref<1x32xf32, #tpu.memory_space<vmem>>
      %dma_start3A_188 = arith.constant 0 : i32
      %dma_start3A_189 = tpu.memref_slice %arg4[%squeeze3A_181, %dma_start3A_188] : memref<1000000x32xf32, #tpu.memory_space<hbm>> -> memref<1x32xf32, #tpu.memory_space<hbm>>
      tpu.enqueue_dma source(%dma_start3A_189 : memref<1x32xf32, #tpu.memory_space<hbm>>) target(%dma_start3A_187 : memref<1x32xf32, #tpu.memory_space<vmem>>) target_semaphore(%arg12 : memref<!tpu.dma_semaphore, #tpu.memory_space<semaphore_mem>>)
      %mul3A_190 = arith.constant 16 : i32
      %mul3A_191 = arith.muli %scan3A_99, %mul3A_190 : i32
      %jit3A_192 = arith.constant 2 : i32
      %div3A_193 = arith.divsi %mul3A_191, %jit3A_192 : i32
      %sign3A_194 = arith.constant 0 : i32
      %sign3A_195 = arith.cmpi sgt, %mul3A_191, %sign3A_194 : i32
      %sign3A_196 = arith.extui %sign3A_195 : i1 to i32
      %sign3A_197 = arith.constant 0 : i32
      %sign3A_198 = arith.cmpi slt, %mul3A_191, %sign3A_197 : i32
      %sign3A_199 = arith.extui %sign3A_198 : i1 to i32
      %sign3A_200 = arith.subi %sign3A_196, %sign3A_199 : i32
      %sign3A_201 = arith.constant 0 : i32
      %sign3A_202 = arith.cmpi sgt, %jit3A_192, %sign3A_201 : i32
      %sign3A_203 = arith.extui %sign3A_202 : i1 to i32
      %sign3A_204 = arith.constant 0 : i32
      %sign3A_205 = arith.cmpi slt, %jit3A_192, %sign3A_204 : i32
      %sign3A_206 = arith.extui %sign3A_205 : i1 to i32
      %sign3A_207 = arith.subi %sign3A_203, %sign3A_206 : i32
      %ne3A_208 = arith.cmpi ne, %sign3A_200, %sign3A_207 : i32
      %rem3A_209 = arith.remsi %mul3A_191, %jit3A_192 : i32
      %ne3A_210 = arith.constant 0 : i32
      %ne3A_211 = arith.cmpi ne, %rem3A_209, %ne3A_210 : i32
      %and3A_212 = arith.andi %ne3A_208, %ne3A_211 : i1
      %sub3A_213 = arith.constant 1 : i32
      %sub3A_214 = arith.subi %div3A_193, %sub3A_213 : i32
      %select_n3A_215 = arith.select %and3A_212, %sub3A_214, %div3A_193 : i32
      %add3A_216 = arith.constant 2 : i32
      %add3A_217 = arith.addi %select_n3A_215, %add3A_216 : i32
      %slice3A_218 = vector.extract_strided_slice %get3A_104 {offsets = [4], sizes = [1], strides = [1]} : vector<16xi32> to vector<1xi32>
      %squeeze3A_219 = vector.extract %slice3A_218[0] : i32 from vector<1xi32>
      %dma_start3A_220 = arith.constant 0 : i32
      %dma_start3A_221 = tpu.memref_slice %arg7[%add3A_217, %dma_start3A_220] : memref<128x32xf32, #tpu.memory_space<vmem>> -> memref<1x32xf32, #tpu.memory_space<vmem>>
      %dma_start3A_222 = arith.constant 0 : i32
      %dma_start3A_223 = tpu.memref_slice %arg3[%squeeze3A_219, %dma_start3A_222] : memref<1000000x32xf32, #tpu.memory_space<hbm>> -> memref<1x32xf32, #tpu.memory_space<hbm>>
      %dma_start3A_224 = arith.constant 0 : i32
      %dma_start3A_225 = tpu.memref_slice %arg7[%add3A_217, %dma_start3A_224] : memref<128x32xf32, #tpu.memory_space<vmem>> -> memref<1x32xf32, #tpu.memory_space<vmem>>
      %dma_start3A_226 = arith.constant 0 : i32
      %dma_start3A_227 = tpu.memref_slice %arg3[%squeeze3A_219, %dma_start3A_226] : memref<1000000x32xf32, #tpu.memory_space<hbm>> -> memref<1x32xf32, #tpu.memory_space<hbm>>
      tpu.enqueue_dma source(%dma_start3A_227 : memref<1x32xf32, #tpu.memory_space<hbm>>) target(%dma_start3A_225 : memref<1x32xf32, #tpu.memory_space<vmem>>) target_semaphore(%arg12 : memref<!tpu.dma_semaphore, #tpu.memory_space<semaphore_mem>>)
      %slice3A_228 = vector.extract_strided_slice %get3A_104 {offsets = [5], sizes = [1], strides = [1]} : vector<16xi32> to vector<1xi32>
      %squeeze3A_229 = vector.extract %slice3A_228[0] : i32 from vector<1xi32>
      %dma_start3A_230 = arith.constant 0 : i32
      %dma_start3A_231 = tpu.memref_slice %arg9[%add3A_217, %dma_start3A_230] : memref<128x32xf32, #tpu.memory_space<vmem>> -> memref<1x32xf32, #tpu.memory_space<vmem>>
      %dma_start3A_232 = arith.constant 0 : i32
      %dma_start3A_233 = tpu.memref_slice %arg4[%squeeze3A_229, %dma_start3A_232] : memref<1000000x32xf32, #tpu.memory_space<hbm>> -> memref<1x32xf32, #tpu.memory_space<hbm>>
      %dma_start3A_234 = arith.constant 0 : i32
      %dma_start3A_235 = tpu.memref_slice %arg9[%add3A_217, %dma_start3A_234] : memref<128x32xf32, #tpu.memory_space<vmem>> -> memref<1x32xf32, #tpu.memory_space<vmem>>
      %dma_start3A_236 = arith.constant 0 : i32
      %dma_start3A_237 = tpu.memref_slice %arg4[%squeeze3A_229, %dma_start3A_236] : memref<1000000x32xf32, #tpu.memory_space<hbm>> -> memref<1x32xf32, #tpu.memory_space<hbm>>
      tpu.enqueue_dma source(%dma_start3A_237 : memref<1x32xf32, #tpu.memory_space<hbm>>) target(%dma_start3A_235 : memref<1x32xf32, #tpu.memory_space<vmem>>) target_semaphore(%arg12 : memref<!tpu.dma_semaphore, #tpu.memory_space<semaphore_mem>>)
      %mul3A_238 = arith.constant 16 : i32
      %mul3A_239 = arith.muli %scan3A_99, %mul3A_238 : i32
      %jit3A_240 = arith.constant 2 : i32
      %div3A_241 = arith.divsi %mul3A_239, %jit3A_240 : i32
      %sign3A_242 = arith.constant 0 : i32
      %sign3A_243 = arith.cmpi sgt, %mul3A_239, %sign3A_242 : i32
      %sign3A_244 = arith.extui %sign3A_243 : i1 to i32
      %sign3A_245 = arith.constant 0 : i32
      %sign3A_246 = arith.cmpi slt, %mul3A_239, %sign3A_245 : i32
      %sign3A_247 = arith.extui %sign3A_246 : i1 to i32
      %sign3A_248 = arith.subi %sign3A_244, %sign3A_247 : i32
      %sign3A_249 = arith.constant 0 : i32
      %sign3A_250 = arith.cmpi sgt, %jit3A_240, %sign3A_249 : i32
      %sign3A_251 = arith.extui %sign3A_250 : i1 to i32
      %sign3A_252 = arith.constant 0 : i32
      %sign3A_253 = arith.cmpi slt, %jit3A_240, %sign3A_252 : i32
      %sign3A_254 = arith.extui %sign3A_253 : i1 to i32
      %sign3A_255 = arith.subi %sign3A_251, %sign3A_254 : i32
      %ne3A_256 = arith.cmpi ne, %sign3A_248, %sign3A_255 : i32
      %rem3A_257 = arith.remsi %mul3A_239, %jit3A_240 : i32
      %ne3A_258 = arith.constant 0 : i32
      %ne3A_259 = arith.cmpi ne, %rem3A_257, %ne3A_258 : i32
      %and3A_260 = arith.andi %ne3A_256, %ne3A_259 : i1
      %sub3A_261 = arith.constant 1 : i32
      %sub3A_262 = arith.subi %div3A_241, %sub3A_261 : i32
      %select_n3A_263 = arith.select %and3A_260, %sub3A_262, %div3A_241 : i32
      %add3A_264 = arith.constant 3 : i32
      %add3A_265 = arith.addi %select_n3A_263, %add3A_264 : i32
      %slice3A_266 = vector.extract_strided_slice %get3A_104 {offsets = [6], sizes = [1], strides = [1]} : vector<16xi32> to vector<1xi32>
      %squeeze3A_267 = vector.extract %slice3A_266[0] : i32 from vector<1xi32>
      %dma_start3A_268 = arith.constant 0 : i32
      %dma_start3A_269 = tpu.memref_slice %arg7[%add3A_265, %dma_start3A_268] : memref<128x32xf32, #tpu.memory_space<vmem>> -> memref<1x32xf32, #tpu.memory_space<vmem>>
      %dma_start3A_270 = arith.constant 0 : i32
      %dma_start3A_271 = tpu.memref_slice %arg3[%squeeze3A_267, %dma_start3A_270] : memref<1000000x32xf32, #tpu.memory_space<hbm>> -> memref<1x32xf32, #tpu.memory_space<hbm>>
      %dma_start3A_272 = arith.constant 0 : i32
      %dma_start3A_273 = tpu.memref_slice %arg7[%add3A_265, %dma_start3A_272] : memref<128x32xf32, #tpu.memory_space<vmem>> -> memref<1x32xf32, #tpu.memory_space<vmem>>
      %dma_start3A_274 = arith.constant 0 : i32
      %dma_start3A_275 = tpu.memref_slice %arg3[%squeeze3A_267, %dma_start3A_274] : memref<1000000x32xf32, #tpu.memory_space<hbm>> -> memref<1x32xf32, #tpu.memory_space<hbm>>
      tpu.enqueue_dma source(%dma_start3A_275 : memref<1x32xf32, #tpu.memory_space<hbm>>) target(%dma_start3A_273 : memref<1x32xf32, #tpu.memory_space<vmem>>) target_semaphore(%arg12 : memref<!tpu.dma_semaphore, #tpu.memory_space<semaphore_mem>>)
      %slice3A_276 = vector.extract_strided_slice %get3A_104 {offsets = [7], sizes = [1], strides = [1]} : vector<16xi32> to vector<1xi32>
      %squeeze3A_277 = vector.extract %slice3A_276[0] : i32 from vector<1xi32>
      %dma_start3A_278 = arith.constant 0 : i32
      %dma_start3A_279 = tpu.memref_slice %arg9[%add3A_265, %dma_start3A_278] : memref<128x32xf32, #tpu.memory_space<vmem>> -> memref<1x32xf32, #tpu.memory_space<vmem>>
      %dma_start3A_280 = arith.constant 0 : i32
      %dma_start3A_281 = tpu.memref_slice %arg4[%squeeze3A_277, %dma_start3A_280] : memref<1000000x32xf32, #tpu.memory_space<hbm>> -> memref<1x32xf32, #tpu.memory_space<hbm>>
      %dma_start3A_282 = arith.constant 0 : i32
      %dma_start3A_283 = tpu.memref_slice %arg9[%add3A_265, %dma_start3A_282] : memref<128x32xf32, #tpu.memory_space<vmem>> -> memref<1x32xf32, #tpu.memory_space<vmem>>
      %dma_start3A_284 = arith.constant 0 : i32
      %dma_start3A_285 = tpu.memref_slice %arg4[%squeeze3A_277, %dma_start3A_284] : memref<1000000x32xf32, #tpu.memory_space<hbm>> -> memref<1x32xf32, #tpu.memory_space<hbm>>
      tpu.enqueue_dma source(%dma_start3A_285 : memref<1x32xf32, #tpu.memory_space<hbm>>) target(%dma_start3A_283 : memref<1x32xf32, #tpu.memory_space<vmem>>) target_semaphore(%arg12 : memref<!tpu.dma_semaphore, #tpu.memory_space<semaphore_mem>>)
      %mul3A_286 = arith.constant 16 : i32
      %mul3A_287 = arith.muli %scan3A_99, %mul3A_286 : i32
      %jit3A_288 = arith.constant 2 : i32
      %div3A_289 = arith.divsi %mul3A_287, %jit3A_288 : i32
      %sign3A_290 = arith.constant 0 : i32
      %sign3A_291 = arith.cmpi sgt, %mul3A_287, %sign3A_290 : i32
      %sign3A_292 = arith.extui %sign3A_291 : i1 to i32
      %sign3A_293 = arith.constant 0 : i32
      %sign3A_294 = arith.cmpi slt, %mul3A_287, %sign3A_293 : i32
      %sign3A_295 = arith.extui %sign3A_294 : i1 to i32
      %sign3A_296 = arith.subi %sign3A_292, %sign3A_295 : i32
      %sign3A_297 = arith.constant 0 : i32
      %sign3A_298 = arith.cmpi sgt, %jit3A_288, %sign3A_297 : i32
      %sign3A_299 = arith.extui %sign3A_298 : i1 to i32
      %sign3A_300 = arith.constant 0 : i32
      %sign3A_301 = arith.cmpi slt, %jit3A_288, %sign3A_300 : i32
      %sign3A_302 = arith.extui %sign3A_301 : i1 to i32
      %sign3A_303 = arith.subi %sign3A_299, %sign3A_302 : i32
      %ne3A_304 = arith.cmpi ne, %sign3A_296, %sign3A_303 : i32
      %rem3A_305 = arith.remsi %mul3A_287, %jit3A_288 : i32
      %ne3A_306 = arith.constant 0 : i32
      %ne3A_307 = arith.cmpi ne, %rem3A_305, %ne3A_306 : i32
      %and3A_308 = arith.andi %ne3A_304, %ne3A_307 : i1
      %sub3A_309 = arith.constant 1 : i32
      %sub3A_310 = arith.subi %div3A_289, %sub3A_309 : i32
      %select_n3A_311 = arith.select %and3A_308, %sub3A_310, %div3A_289 : i32
      %add3A_312 = arith.constant 4 : i32
      %add3A_313 = arith.addi %select_n3A_311, %add3A_312 : i32
      %slice3A_314 = vector.extract_strided_slice %get3A_104 {offsets = [8], sizes = [1], strides = [1]} : vector<16xi32> to vector<1xi32>
      %squeeze3A_315 = vector.extract %slice3A_314[0] : i32 from vector<1xi32>
      %dma_start3A_316 = arith.constant 0 : i32
      %dma_start3A_317 = tpu.memref_slice %arg7[%add3A_313, %dma_start3A_316] : memref<128x32xf32, #tpu.memory_space<vmem>> -> memref<1x32xf32, #tpu.memory_space<vmem>>
      %dma_start3A_318 = arith.constant 0 : i32
      %dma_start3A_319 = tpu.memref_slice %arg3[%squeeze3A_315, %dma_start3A_318] : memref<1000000x32xf32, #tpu.memory_space<hbm>> -> memref<1x32xf32, #tpu.memory_space<hbm>>
      %dma_start3A_320 = arith.constant 0 : i32
      %dma_start3A_321 = tpu.memref_slice %arg7[%add3A_313, %dma_start3A_320] : memref<128x32xf32, #tpu.memory_space<vmem>> -> memref<1x32xf32, #tpu.memory_space<vmem>>
      %dma_start3A_322 = arith.constant 0 : i32
      %dma_start3A_323 = tpu.memref_slice %arg3[%squeeze3A_315, %dma_start3A_322] : memref<1000000x32xf32, #tpu.memory_space<hbm>> -> memref<1x32xf32, #tpu.memory_space<hbm>>
      tpu.enqueue_dma source(%dma_start3A_323 : memref<1x32xf32, #tpu.memory_space<hbm>>) target(%dma_start3A_321 : memref<1x32xf32, #tpu.memory_space<vmem>>) target_semaphore(%arg12 : memref<!tpu.dma_semaphore, #tpu.memory_space<semaphore_mem>>)
      %slice3A_324 = vector.extract_strided_slice %get3A_104 {offsets = [9], sizes = [1], strides = [1]} : vector<16xi32> to vector<1xi32>
      %squeeze3A_325 = vector.extract %slice3A_324[0] : i32 from vector<1xi32>
      %dma_start3A_326 = arith.constant 0 : i32
      %dma_start3A_327 = tpu.memref_slice %arg9[%add3A_313, %dma_start3A_326] : memref<128x32xf32, #tpu.memory_space<vmem>> -> memref<1x32xf32, #tpu.memory_space<vmem>>
      %dma_start3A_328 = arith.constant 0 : i32
      %dma_start3A_329 = tpu.memref_slice %arg4[%squeeze3A_325, %dma_start3A_328] : memref<1000000x32xf32, #tpu.memory_space<hbm>> -> memref<1x32xf32, #tpu.memory_space<hbm>>
      %dma_start3A_330 = arith.constant 0 : i32
      %dma_start3A_331 = tpu.memref_slice %arg9[%add3A_313, %dma_start3A_330] : memref<128x32xf32, #tpu.memory_space<vmem>> -> memref<1x32xf32, #tpu.memory_space<vmem>>
      %dma_start3A_332 = arith.constant 0 : i32
      %dma_start3A_333 = tpu.memref_slice %arg4[%squeeze3A_325, %dma_start3A_332] : memref<1000000x32xf32, #tpu.memory_space<hbm>> -> memref<1x32xf32, #tpu.memory_space<hbm>>
      tpu.enqueue_dma source(%dma_start3A_333 : memref<1x32xf32, #tpu.memory_space<hbm>>) target(%dma_start3A_331 : memref<1x32xf32, #tpu.memory_space<vmem>>) target_semaphore(%arg12 : memref<!tpu.dma_semaphore, #tpu.memory_space<semaphore_mem>>)
      %mul3A_334 = arith.constant 16 : i32
      %mul3A_335 = arith.muli %scan3A_99, %mul3A_334 : i32
      %jit3A_336 = arith.constant 2 : i32
      %div3A_337 = arith.divsi %mul3A_335, %jit3A_336 : i32
      %sign3A_338 = arith.constant 0 : i32
      %sign3A_339 = arith.cmpi sgt, %mul3A_335, %sign3A_338 : i32
      %sign3A_340 = arith.extui %sign3A_339 : i1 to i32
      %sign3A_341 = arith.constant 0 : i32
      %sign3A_342 = arith.cmpi slt, %mul3A_335, %sign3A_341 : i32
      %sign3A_343 = arith.extui %sign3A_342 : i1 to i32
      %sign3A_344 = arith.subi %sign3A_340, %sign3A_343 : i32
      %sign3A_345 = arith.constant 0 : i32
      %sign3A_346 = arith.cmpi sgt, %jit3A_336, %sign3A_345 : i32
      %sign3A_347 = arith.extui %sign3A_346 : i1 to i32
      %sign3A_348 = arith.constant 0 : i32
      %sign3A_349 = arith.cmpi slt, %jit3A_336, %sign3A_348 : i32
      %sign3A_350 = arith.extui %sign3A_349 : i1 to i32
      %sign3A_351 = arith.subi %sign3A_347, %sign3A_350 : i32
      %ne3A_352 = arith.cmpi ne, %sign3A_344, %sign3A_351 : i32
      %rem3A_353 = arith.remsi %mul3A_335, %jit3A_336 : i32
      %ne3A_354 = arith.constant 0 : i32
      %ne3A_355 = arith.cmpi ne, %rem3A_353, %ne3A_354 : i32
      %and3A_356 = arith.andi %ne3A_352, %ne3A_355 : i1
      %sub3A_357 = arith.constant 1 : i32
      %sub3A_358 = arith.subi %div3A_337, %sub3A_357 : i32
      %select_n3A_359 = arith.select %and3A_356, %sub3A_358, %div3A_337 : i32
      %add3A_360 = arith.constant 5 : i32
      %add3A_361 = arith.addi %select_n3A_359, %add3A_360 : i32
      %slice3A_362 = vector.extract_strided_slice %get3A_104 {offsets = [10], sizes = [1], strides = [1]} : vector<16xi32> to vector<1xi32>
      %squeeze3A_363 = vector.extract %slice3A_362[0] : i32 from vector<1xi32>
      %dma_start3A_364 = arith.constant 0 : i32
      %dma_start3A_365 = tpu.memref_slice %arg7[%add3A_361, %dma_start3A_364] : memref<128x32xf32, #tpu.memory_space<vmem>> -> memref<1x32xf32, #tpu.memory_space<vmem>>
      %dma_start3A_366 = arith.constant 0 : i32
      %dma_start3A_367 = tpu.memref_slice %arg3[%squeeze3A_363, %dma_start3A_366] : memref<1000000x32xf32, #tpu.memory_space<hbm>> -> memref<1x32xf32, #tpu.memory_space<hbm>>
      %dma_start3A_368 = arith.constant 0 : i32
      %dma_start3A_369 = tpu.memref_slice %arg7[%add3A_361, %dma_start3A_368] : memref<128x32xf32, #tpu.memory_space<vmem>> -> memref<1x32xf32, #tpu.memory_space<vmem>>
      %dma_start3A_370 = arith.constant 0 : i32
      %dma_start3A_371 = tpu.memref_slice %arg3[%squeeze3A_363, %dma_start3A_370] : memref<1000000x32xf32, #tpu.memory_space<hbm>> -> memref<1x32xf32, #tpu.memory_space<hbm>>
      tpu.enqueue_dma source(%dma_start3A_371 : memref<1x32xf32, #tpu.memory_space<hbm>>) target(%dma_start3A_369 : memref<1x32xf32, #tpu.memory_space<vmem>>) target_semaphore(%arg12 : memref<!tpu.dma_semaphore, #tpu.memory_space<semaphore_mem>>)
      %slice3A_372 = vector.extract_strided_slice %get3A_104 {offsets = [11], sizes = [1], strides = [1]} : vector<16xi32> to vector<1xi32>
      %squeeze3A_373 = vector.extract %slice3A_372[0] : i32 from vector<1xi32>
      %dma_start3A_374 = arith.constant 0 : i32
      %dma_start3A_375 = tpu.memref_slice %arg9[%add3A_361, %dma_start3A_374] : memref<128x32xf32, #tpu.memory_space<vmem>> -> memref<1x32xf32, #tpu.memory_space<vmem>>
      %dma_start3A_376 = arith.constant 0 : i32
      %dma_start3A_377 = tpu.memref_slice %arg4[%squeeze3A_373, %dma_start3A_376] : memref<1000000x32xf32, #tpu.memory_space<hbm>> -> memref<1x32xf32, #tpu.memory_space<hbm>>
      %dma_start3A_378 = arith.constant 0 : i32
      %dma_start3A_379 = tpu.memref_slice %arg9[%add3A_361, %dma_start3A_378] : memref<128x32xf32, #tpu.memory_space<vmem>> -> memref<1x32xf32, #tpu.memory_space<vmem>>
      %dma_start3A_380 = arith.constant 0 : i32
      %dma_start3A_381 = tpu.memref_slice %arg4[%squeeze3A_373, %dma_start3A_380] : memref<1000000x32xf32, #tpu.memory_space<hbm>> -> memref<1x32xf32, #tpu.memory_space<hbm>>
      tpu.enqueue_dma source(%dma_start3A_381 : memref<1x32xf32, #tpu.memory_space<hbm>>) target(%dma_start3A_379 : memref<1x32xf32, #tpu.memory_space<vmem>>) target_semaphore(%arg12 : memref<!tpu.dma_semaphore, #tpu.memory_space<semaphore_mem>>)
      %mul3A_382 = arith.constant 16 : i32
      %mul3A_383 = arith.muli %scan3A_99, %mul3A_382 : i32
      %jit3A_384 = arith.constant 2 : i32
      %div3A_385 = arith.divsi %mul3A_383, %jit3A_384 : i32
      %sign3A_386 = arith.constant 0 : i32
      %sign3A_387 = arith.cmpi sgt, %mul3A_383, %sign3A_386 : i32
      %sign3A_388 = arith.extui %sign3A_387 : i1 to i32
      %sign3A_389 = arith.constant 0 : i32
      %sign3A_390 = arith.cmpi slt, %mul3A_383, %sign3A_389 : i32
      %sign3A_391 = arith.extui %sign3A_390 : i1 to i32
      %sign3A_392 = arith.subi %sign3A_388, %sign3A_391 : i32
      %sign3A_393 = arith.constant 0 : i32
      %sign3A_394 = arith.cmpi sgt, %jit3A_384, %sign3A_393 : i32
      %sign3A_395 = arith.extui %sign3A_394 : i1 to i32
      %sign3A_396 = arith.constant 0 : i32
      %sign3A_397 = arith.cmpi slt, %jit3A_384, %sign3A_396 : i32
      %sign3A_398 = arith.extui %sign3A_397 : i1 to i32
      %sign3A_399 = arith.subi %sign3A_395, %sign3A_398 : i32
      %ne3A_400 = arith.cmpi ne, %sign3A_392, %sign3A_399 : i32
      %rem3A_401 = arith.remsi %mul3A_383, %jit3A_384 : i32
      %ne3A_402 = arith.constant 0 : i32
      %ne3A_403 = arith.cmpi ne, %rem3A_401, %ne3A_402 : i32
      %and3A_404 = arith.andi %ne3A_400, %ne3A_403 : i1
      %sub3A_405 = arith.constant 1 : i32
      %sub3A_406 = arith.subi %div3A_385, %sub3A_405 : i32
      %select_n3A_407 = arith.select %and3A_404, %sub3A_406, %div3A_385 : i32
      %add3A_408 = arith.constant 6 : i32
      %add3A_409 = arith.addi %select_n3A_407, %add3A_408 : i32
      %slice3A_410 = vector.extract_strided_slice %get3A_104 {offsets = [12], sizes = [1], strides = [1]} : vector<16xi32> to vector<1xi32>
      %squeeze3A_411 = vector.extract %slice3A_410[0] : i32 from vector<1xi32>
      %dma_start3A_412 = arith.constant 0 : i32
      %dma_start3A_413 = tpu.memref_slice %arg7[%add3A_409, %dma_start3A_412] : memref<128x32xf32, #tpu.memory_space<vmem>> -> memref<1x32xf32, #tpu.memory_space<vmem>>
      %dma_start3A_414 = arith.constant 0 : i32
      %dma_start3A_415 = tpu.memref_slice %arg3[%squeeze3A_411, %dma_start3A_414] : memref<1000000x32xf32, #tpu.memory_space<hbm>> -> memref<1x32xf32, #tpu.memory_space<hbm>>
      %dma_start3A_416 = arith.constant 0 : i32
      %dma_start3A_417 = tpu.memref_slice %arg7[%add3A_409, %dma_start3A_416] : memref<128x32xf32, #tpu.memory_space<vmem>> -> memref<1x32xf32, #tpu.memory_space<vmem>>
      %dma_start3A_418 = arith.constant 0 : i32
      %dma_start3A_419 = tpu.memref_slice %arg3[%squeeze3A_411, %dma_start3A_418] : memref<1000000x32xf32, #tpu.memory_space<hbm>> -> memref<1x32xf32, #tpu.memory_space<hbm>>
      tpu.enqueue_dma source(%dma_start3A_419 : memref<1x32xf32, #tpu.memory_space<hbm>>) target(%dma_start3A_417 : memref<1x32xf32, #tpu.memory_space<vmem>>) target_semaphore(%arg12 : memref<!tpu.dma_semaphore, #tpu.memory_space<semaphore_mem>>)
      %slice3A_420 = vector.extract_strided_slice %get3A_104 {offsets = [13], sizes = [1], strides = [1]} : vector<16xi32> to vector<1xi32>
      %squeeze3A_421 = vector.extract %slice3A_420[0] : i32 from vector<1xi32>
      %dma_start3A_422 = arith.constant 0 : i32
      %dma_start3A_423 = tpu.memref_slice %arg9[%add3A_409, %dma_start3A_422] : memref<128x32xf32, #tpu.memory_space<vmem>> -> memref<1x32xf32, #tpu.memory_space<vmem>>
      %dma_start3A_424 = arith.constant 0 : i32
      %dma_start3A_425 = tpu.memref_slice %arg4[%squeeze3A_421, %dma_start3A_424] : memref<1000000x32xf32, #tpu.memory_space<hbm>> -> memref<1x32xf32, #tpu.memory_space<hbm>>
      %dma_start3A_426 = arith.constant 0 : i32
      %dma_start3A_427 = tpu.memref_slice %arg9[%add3A_409, %dma_start3A_426] : memref<128x32xf32, #tpu.memory_space<vmem>> -> memref<1x32xf32, #tpu.memory_space<vmem>>
      %dma_start3A_428 = arith.constant 0 : i32
      %dma_start3A_429 = tpu.memref_slice %arg4[%squeeze3A_421, %dma_start3A_428] : memref<1000000x32xf32, #tpu.memory_space<hbm>> -> memref<1x32xf32, #tpu.memory_space<hbm>>
      tpu.enqueue_dma source(%dma_start3A_429 : memref<1x32xf32, #tpu.memory_space<hbm>>) target(%dma_start3A_427 : memref<1x32xf32, #tpu.memory_space<vmem>>) target_semaphore(%arg12 : memref<!tpu.dma_semaphore, #tpu.memory_space<semaphore_mem>>)
      %mul3A_430 = arith.constant 16 : i32
      %mul3A_431 = arith.muli %scan3A_99, %mul3A_430 : i32
      %jit3A_432 = arith.constant 2 : i32
      %div3A_433 = arith.divsi %mul3A_431, %jit3A_432 : i32
      %sign3A_434 = arith.constant 0 : i32
      %sign3A_435 = arith.cmpi sgt, %mul3A_431, %sign3A_434 : i32
      %sign3A_436 = arith.extui %sign3A_435 : i1 to i32
      %sign3A_437 = arith.constant 0 : i32
      %sign3A_438 = arith.cmpi slt, %mul3A_431, %sign3A_437 : i32
      %sign3A_439 = arith.extui %sign3A_438 : i1 to i32
      %sign3A_440 = arith.subi %sign3A_436, %sign3A_439 : i32
      %sign3A_441 = arith.constant 0 : i32
      %sign3A_442 = arith.cmpi sgt, %jit3A_432, %sign3A_441 : i32
      %sign3A_443 = arith.extui %sign3A_442 : i1 to i32
      %sign3A_444 = arith.constant 0 : i32
      %sign3A_445 = arith.cmpi slt, %jit3A_432, %sign3A_444 : i32
      %sign3A_446 = arith.extui %sign3A_445 : i1 to i32
      %sign3A_447 = arith.subi %sign3A_443, %sign3A_446 : i32
      %ne3A_448 = arith.cmpi ne, %sign3A_440, %sign3A_447 : i32
      %rem3A_449 = arith.remsi %mul3A_431, %jit3A_432 : i32
      %ne3A_450 = arith.constant 0 : i32
      %ne3A_451 = arith.cmpi ne, %rem3A_449, %ne3A_450 : i32
      %and3A_452 = arith.andi %ne3A_448, %ne3A_451 : i1
      %sub3A_453 = arith.constant 1 : i32
      %sub3A_454 = arith.subi %div3A_433, %sub3A_453 : i32
      %select_n3A_455 = arith.select %and3A_452, %sub3A_454, %div3A_433 : i32
      %add3A_456 = arith.constant 7 : i32
      %add3A_457 = arith.addi %select_n3A_455, %add3A_456 : i32
      %slice3A_458 = vector.extract_strided_slice %get3A_104 {offsets = [14], sizes = [1], strides = [1]} : vector<16xi32> to vector<1xi32>
      %squeeze3A_459 = vector.extract %slice3A_458[0] : i32 from vector<1xi32>
      %dma_start3A_460 = arith.constant 0 : i32
      %dma_start3A_461 = tpu.memref_slice %arg7[%add3A_457, %dma_start3A_460] : memref<128x32xf32, #tpu.memory_space<vmem>> -> memref<1x32xf32, #tpu.memory_space<vmem>>
      %dma_start3A_462 = arith.constant 0 : i32
      %dma_start3A_463 = tpu.memref_slice %arg3[%squeeze3A_459, %dma_start3A_462] : memref<1000000x32xf32, #tpu.memory_space<hbm>> -> memref<1x32xf32, #tpu.memory_space<hbm>>
      %dma_start3A_464 = arith.constant 0 : i32
      %dma_start3A_465 = tpu.memref_slice %arg7[%add3A_457, %dma_start3A_464] : memref<128x32xf32, #tpu.memory_space<vmem>> -> memref<1x32xf32, #tpu.memory_space<vmem>>
      %dma_start3A_466 = arith.constant 0 : i32
      %dma_start3A_467 = tpu.memref_slice %arg3[%squeeze3A_459, %dma_start3A_466] : memref<1000000x32xf32, #tpu.memory_space<hbm>> -> memref<1x32xf32, #tpu.memory_space<hbm>>
      tpu.enqueue_dma source(%dma_start3A_467 : memref<1x32xf32, #tpu.memory_space<hbm>>) target(%dma_start3A_465 : memref<1x32xf32, #tpu.memory_space<vmem>>) target_semaphore(%arg12 : memref<!tpu.dma_semaphore, #tpu.memory_space<semaphore_mem>>)
      %slice3A_468 = vector.extract_strided_slice %get3A_104 {offsets = [15], sizes = [1], strides = [1]} : vector<16xi32> to vector<1xi32>
      %squeeze3A_469 = vector.extract %slice3A_468[0] : i32 from vector<1xi32>
      %dma_start3A_470 = arith.constant 0 : i32
      %dma_start3A_471 = tpu.memref_slice %arg9[%add3A_457, %dma_start3A_470] : memref<128x32xf32, #tpu.memory_space<vmem>> -> memref<1x32xf32, #tpu.memory_space<vmem>>
      %dma_start3A_472 = arith.constant 0 : i32
      %dma_start3A_473 = tpu.memref_slice %arg4[%squeeze3A_469, %dma_start3A_472] : memref<1000000x32xf32, #tpu.memory_space<hbm>> -> memref<1x32xf32, #tpu.memory_space<hbm>>
      %dma_start3A_474 = arith.constant 0 : i32
      %dma_start3A_475 = tpu.memref_slice %arg9[%add3A_457, %dma_start3A_474] : memref<128x32xf32, #tpu.memory_space<vmem>> -> memref<1x32xf32, #tpu.memory_space<vmem>>
      %dma_start3A_476 = arith.constant 0 : i32
      %dma_start3A_477 = tpu.memref_slice %arg4[%squeeze3A_469, %dma_start3A_476] : memref<1000000x32xf32, #tpu.memory_space<hbm>> -> memref<1x32xf32, #tpu.memory_space<hbm>>
      tpu.enqueue_dma source(%dma_start3A_477 : memref<1x32xf32, #tpu.memory_space<hbm>>) target(%dma_start3A_475 : memref<1x32xf32, #tpu.memory_space<vmem>>) target_semaphore(%arg12 : memref<!tpu.dma_semaphore, #tpu.memory_space<semaphore_mem>>)
    }
    %scan3A_38 = arith.constant 16 : i32
    %dma_wait3A_39 = arith.constant 0 : i32
    %dma_wait3A_40 = arith.constant 0 : i32
    %dma_wait3A_41 = tpu.memref_slice %arg3[%dma_wait3A_39, %dma_wait3A_40] : memref<1000000x32xf32, #tpu.memory_space<hbm>> -> memref<128x32xf32, #tpu.memory_space<hbm>>
    %dma_wait3A_42 = arith.constant 0 : i32
    %dma_wait3A_43 = arith.constant 0 : i32
    %dma_wait3A_44 = tpu.memref_slice %arg3[%dma_wait3A_42, %dma_wait3A_43] : memref<1000000x32xf32, #tpu.memory_space<hbm>> -> memref<128x32xf32, #tpu.memory_space<hbm>>
    tpu.wait_dma2 semaphore(%arg13 : memref<!tpu.dma_semaphore, #tpu.memory_space<semaphore_mem>>) src(%dma_wait3A_44 : memref<128x32xf32, #tpu.memory_space<hbm>>) dst(%arg8 : memref<128x32xf32, #tpu.memory_space<vmem>>)
    %dma_wait3A_45 = arith.constant 0 : i32
    %dma_wait3A_46 = arith.constant 0 : i32
    %dma_wait3A_47 = tpu.memref_slice %arg4[%dma_wait3A_45, %dma_wait3A_46] : memref<1000000x32xf32, #tpu.memory_space<hbm>> -> memref<128x32xf32, #tpu.memory_space<hbm>>
    %dma_wait3A_48 = arith.constant 0 : i32
    %dma_wait3A_49 = arith.constant 0 : i32
    %dma_wait3A_50 = tpu.memref_slice %arg4[%dma_wait3A_48, %dma_wait3A_49] : memref<1000000x32xf32, #tpu.memory_space<hbm>> -> memref<128x32xf32, #tpu.memory_space<hbm>>
    tpu.wait_dma2 semaphore(%arg13 : memref<!tpu.dma_semaphore, #tpu.memory_space<semaphore_mem>>) src(%dma_wait3A_50 : memref<128x32xf32, #tpu.memory_space<hbm>>) dst(%arg10 : memref<128x32xf32, #tpu.memory_space<vmem>>)
    %scan3A_51 = arith.constant 0 : i32
    %scan3A_52 = arith.constant 0 : i32
    %scan3A_53 = arith.constant 8 : i32
    %scan3A_54 = arith.addi %scan3A_52, %scan3A_53 : i32
    %scan3A_55 = arith.constant 1 : i32
    scf.for %scan3A_99 = %scan3A_52 to %scan3A_54 step %scan3A_55  : i32 {
      %mul3A_100 = arith.constant 16 : i32
      %mul3A_101 = arith.muli %scan3A_99, %mul3A_100 : i32
      %add3A_102 = vector.broadcast %mul3A_101 : i32 to vector<16xi32>
      %add3A_103 = arith.addi %add3A_102, %iota3A : vector<16xi32>
      %broadcast_in_dim3A = arith.constant 0 : i32
      %broadcast_in_dim3A_104 = vector.broadcast %broadcast_in_dim3A : i32 to vector<16xi32>
      %gather3A = tpu.vector_load_idx %arg8[%add3A_103, %broadcast_in_dim3A_104] : memref<128x32xf32, #tpu.memory_space<vmem>>[vector<16xi32>, vector<16xi32>], vector<16xf32>,
      %gather3A_105 = tpu.vector_load_idx %arg10[%add3A_103, %broadcast_in_dim3A_104] : memref<128x32xf32, #tpu.memory_space<vmem>>[vector<16xi32>, vector<16xi32>], vector<16xf32>,
      %mul3A_106 = arith.mulf %gather3A, %gather3A_105 : vector<16xf32>
      %broadcast_in_dim3A_107 = arith.constant 1 : i32
      %broadcast_in_dim3A_108 = vector.broadcast %broadcast_in_dim3A_107 : i32 to vector<16xi32>
      %gather3A_109 = tpu.vector_load_idx %arg8[%add3A_103, %broadcast_in_dim3A_108] : memref<128x32xf32, #tpu.memory_space<vmem>>[vector<16xi32>, vector<16xi32>], vector<16xf32>,
      %gather3A_110 = tpu.vector_load_idx %arg10[%add3A_103, %broadcast_in_dim3A_108] : memref<128x32xf32, #tpu.memory_space<vmem>>[vector<16xi32>, vector<16xi32>], vector<16xf32>,
      %mul3A_111 = arith.mulf %gather3A_109, %gather3A_110 : vector<16xf32>
      %add3A_112 = arith.addf %mul3A_106, %mul3A_111 : vector<16xf32>
      %broadcast_in_dim3A_113 = arith.constant 2 : i32
      %broadcast_in_dim3A_114 = vector.broadcast %broadcast_in_dim3A_113 : i32 to vector<16xi32>
      %gather3A_115 = tpu.vector_load_idx %arg8[%add3A_103, %broadcast_in_dim3A_114] : memref<128x32xf32, #tpu.memory_space<vmem>>[vector<16xi32>, vector<16xi32>], vector<16xf32>,
      %gather3A_116 = tpu.vector_load_idx %arg10[%add3A_103, %broadcast_in_dim3A_114] : memref<128x32xf32, #tpu.memory_space<vmem>>[vector<16xi32>, vector<16xi32>], vector<16xf32>,
      %mul3A_117 = arith.mulf %gather3A_115, %gather3A_116 : vector<16xf32>
      %add3A_118 = arith.addf %add3A_112, %mul3A_117 : vector<16xf32>
      %broadcast_in_dim3A_119 = arith.constant 3 : i32
      %broadcast_in_dim3A_120 = vector.broadcast %broadcast_in_dim3A_119 : i32 to vector<16xi32>
      %gather3A_121 = tpu.vector_load_idx %arg8[%add3A_103, %broadcast_in_dim3A_120] : memref<128x32xf32, #tpu.memory_space<vmem>>[vector<16xi32>, vector<16xi32>], vector<16xf32>,
      %gather3A_122 = tpu.vector_load_idx %arg10[%add3A_103, %broadcast_in_dim3A_120] : memref<128x32xf32, #tpu.memory_space<vmem>>[vector<16xi32>, vector<16xi32>], vector<16xf32>,
      %mul3A_123 = arith.mulf %gather3A_121, %gather3A_122 : vector<16xf32>
      %add3A_124 = arith.addf %add3A_118, %mul3A_123 : vector<16xf32>
      %broadcast_in_dim3A_125 = arith.constant 4 : i32
      %broadcast_in_dim3A_126 = vector.broadcast %broadcast_in_dim3A_125 : i32 to vector<16xi32>
      %gather3A_127 = tpu.vector_load_idx %arg8[%add3A_103, %broadcast_in_dim3A_126] : memref<128x32xf32, #tpu.memory_space<vmem>>[vector<16xi32>, vector<16xi32>], vector<16xf32>,
      %gather3A_128 = tpu.vector_load_idx %arg10[%add3A_103, %broadcast_in_dim3A_126] : memref<128x32xf32, #tpu.memory_space<vmem>>[vector<16xi32>, vector<16xi32>], vector<16xf32>,
      %mul3A_129 = arith.mulf %gather3A_127, %gather3A_128 : vector<16xf32>
      %add3A_130 = arith.addf %add3A_124, %mul3A_129 : vector<16xf32>
      %broadcast_in_dim3A_131 = arith.constant 5 : i32
      %broadcast_in_dim3A_132 = vector.broadcast %broadcast_in_dim3A_131 : i32 to vector<16xi32>
      %gather3A_133 = tpu.vector_load_idx %arg8[%add3A_103, %broadcast_in_dim3A_132] : memref<128x32xf32, #tpu.memory_space<vmem>>[vector<16xi32>, vector<16xi32>], vector<16xf32>,
      %gather3A_134 = tpu.vector_load_idx %arg10[%add3A_103, %broadcast_in_dim3A_132] : memref<128x32xf32, #tpu.memory_space<vmem>>[vector<16xi32>, vector<16xi32>], vector<16xf32>,
      %mul3A_135 = arith.mulf %gather3A_133, %gather3A_134 : vector<16xf32>
      %add3A_136 = arith.addf %add3A_130, %mul3A_135 : vector<16xf32>
      %broadcast_in_dim3A_137 = arith.constant 6 : i32
      %broadcast_in_dim3A_138 = vector.broadcast %broadcast_in_dim3A_137 : i32 to vector<16xi32>
      %gather3A_139 = tpu.vector_load_idx %arg8[%add3A_103, %broadcast_in_dim3A_138] : memref<128x32xf32, #tpu.memory_space<vmem>>[vector<16xi32>, vector<16xi32>], vector<16xf32>,
      %gather3A_140 = tpu.vector_load_idx %arg10[%add3A_103, %broadcast_in_dim3A_138] : memref<128x32xf32, #tpu.memory_space<vmem>>[vector<16xi32>, vector<16xi32>], vector<16xf32>,
      %mul3A_141 = arith.mulf %gather3A_139, %gather3A_140 : vector<16xf32>
      %add3A_142 = arith.addf %add3A_136, %mul3A_141 : vector<16xf32>
      %broadcast_in_dim3A_143 = arith.constant 7 : i32
      %broadcast_in_dim3A_144 = vector.broadcast %broadcast_in_dim3A_143 : i32 to vector<16xi32>
      %gather3A_145 = tpu.vector_load_idx %arg8[%add3A_103, %broadcast_in_dim3A_144] : memref<128x32xf32, #tpu.memory_space<vmem>>[vector<16xi32>, vector<16xi32>], vector<16xf32>,
      %gather3A_146 = tpu.vector_load_idx %arg10[%add3A_103, %broadcast_in_dim3A_144] : memref<128x32xf32, #tpu.memory_space<vmem>>[vector<16xi32>, vector<16xi32>], vector<16xf32>,
      %mul3A_147 = arith.mulf %gather3A_145, %gather3A_146 : vector<16xf32>
      %add3A_148 = arith.addf %add3A_142, %mul3A_147 : vector<16xf32>
      %broadcast_in_dim3A_149 = arith.constant 8 : i32
      %broadcast_in_dim3A_150 = vector.broadcast %broadcast_in_dim3A_149 : i32 to vector<16xi32>
      %gather3A_151 = tpu.vector_load_idx %arg8[%add3A_103, %broadcast_in_dim3A_150] : memref<128x32xf32, #tpu.memory_space<vmem>>[vector<16xi32>, vector<16xi32>], vector<16xf32>,
      %gather3A_152 = tpu.vector_load_idx %arg10[%add3A_103, %broadcast_in_dim3A_150] : memref<128x32xf32, #tpu.memory_space<vmem>>[vector<16xi32>, vector<16xi32>], vector<16xf32>,
      %mul3A_153 = arith.mulf %gather3A_151, %gather3A_152 : vector<16xf32>
      %add3A_154 = arith.addf %add3A_148, %mul3A_153 : vector<16xf32>
      %broadcast_in_dim3A_155 = arith.constant 9 : i32
      %broadcast_in_dim3A_156 = vector.broadcast %broadcast_in_dim3A_155 : i32 to vector<16xi32>
      %gather3A_157 = tpu.vector_load_idx %arg8[%add3A_103, %broadcast_in_dim3A_156] : memref<128x32xf32, #tpu.memory_space<vmem>>[vector<16xi32>, vector<16xi32>], vector<16xf32>,
      %gather3A_158 = tpu.vector_load_idx %arg10[%add3A_103, %broadcast_in_dim3A_156] : memref<128x32xf32, #tpu.memory_space<vmem>>[vector<16xi32>, vector<16xi32>], vector<16xf32>,
      %mul3A_159 = arith.mulf %gather3A_157, %gather3A_158 : vector<16xf32>
      %add3A_160 = arith.addf %add3A_154, %mul3A_159 : vector<16xf32>
      %broadcast_in_dim3A_161 = arith.constant 10 : i32
      %broadcast_in_dim3A_162 = vector.broadcast %broadcast_in_dim3A_161 : i32 to vector<16xi32>
      %gather3A_163 = tpu.vector_load_idx %arg8[%add3A_103, %broadcast_in_dim3A_162] : memref<128x32xf32, #tpu.memory_space<vmem>>[vector<16xi32>, vector<16xi32>], vector<16xf32>,
      %gather3A_164 = tpu.vector_load_idx %arg10[%add3A_103, %broadcast_in_dim3A_162] : memref<128x32xf32, #tpu.memory_space<vmem>>[vector<16xi32>, vector<16xi32>], vector<16xf32>,
      %mul3A_165 = arith.mulf %gather3A_163, %gather3A_164 : vector<16xf32>
      %add3A_166 = arith.addf %add3A_160, %mul3A_165 : vector<16xf32>
      %broadcast_in_dim3A_167 = arith.constant 11 : i32
      %broadcast_in_dim3A_168 = vector.broadcast %broadcast_in_dim3A_167 : i32 to vector<16xi32>
      %gather3A_169 = tpu.vector_load_idx %arg8[%add3A_103, %broadcast_in_dim3A_168] : memref<128x32xf32, #tpu.memory_space<vmem>>[vector<16xi32>, vector<16xi32>], vector<16xf32>,
      %gather3A_170 = tpu.vector_load_idx %arg10[%add3A_103, %broadcast_in_dim3A_168] : memref<128x32xf32, #tpu.memory_space<vmem>>[vector<16xi32>, vector<16xi32>], vector<16xf32>,
      %mul3A_171 = arith.mulf %gather3A_169, %gather3A_170 : vector<16xf32>
      %add3A_172 = arith.addf %add3A_166, %mul3A_171 : vector<16xf32>
      %broadcast_in_dim3A_173 = arith.constant 12 : i32
      %broadcast_in_dim3A_174 = vector.broadcast %broadcast_in_dim3A_173 : i32 to vector<16xi32>
      %gather3A_175 = tpu.vector_load_idx %arg8[%add3A_103, %broadcast_in_dim3A_174] : memref<128x32xf32, #tpu.memory_space<vmem>>[vector<16xi32>, vector<16xi32>], vector<16xf32>,
      %gather3A_176 = tpu.vector_load_idx %arg10[%add3A_103, %broadcast_in_dim3A_174] : memref<128x32xf32, #tpu.memory_space<vmem>>[vector<16xi32>, vector<16xi32>], vector<16xf32>,
      %mul3A_177 = arith.mulf %gather3A_175, %gather3A_176 : vector<16xf32>
      %add3A_178 = arith.addf %add3A_172, %mul3A_177 : vector<16xf32>
      %broadcast_in_dim3A_179 = arith.constant 13 : i32
      %broadcast_in_dim3A_180 = vector.broadcast %broadcast_in_dim3A_179 : i32 to vector<16xi32>
      %gather3A_181 = tpu.vector_load_idx %arg8[%add3A_103, %broadcast_in_dim3A_180] : memref<128x32xf32, #tpu.memory_space<vmem>>[vector<16xi32>, vector<16xi32>], vector<16xf32>,
      %gather3A_182 = tpu.vector_load_idx %arg10[%add3A_103, %broadcast_in_dim3A_180] : memref<128x32xf32, #tpu.memory_space<vmem>>[vector<16xi32>, vector<16xi32>], vector<16xf32>,
      %mul3A_183 = arith.mulf %gather3A_181, %gather3A_182 : vector<16xf32>
      %add3A_184 = arith.addf %add3A_178, %mul3A_183 : vector<16xf32>
      %broadcast_in_dim3A_185 = arith.constant 14 : i32
      %broadcast_in_dim3A_186 = vector.broadcast %broadcast_in_dim3A_185 : i32 to vector<16xi32>
      %gather3A_187 = tpu.vector_load_idx %arg8[%add3A_103, %broadcast_in_dim3A_186] : memref<128x32xf32, #tpu.memory_space<vmem>>[vector<16xi32>, vector<16xi32>], vector<16xf32>,
      %gather3A_188 = tpu.vector_load_idx %arg10[%add3A_103, %broadcast_in_dim3A_186] : memref<128x32xf32, #tpu.memory_space<vmem>>[vector<16xi32>, vector<16xi32>], vector<16xf32>,
      %mul3A_189 = arith.mulf %gather3A_187, %gather3A_188 : vector<16xf32>
      %add3A_190 = arith.addf %add3A_184, %mul3A_189 : vector<16xf32>
      %broadcast_in_dim3A_191 = arith.constant 15 : i32
      %broadcast_in_dim3A_192 = vector.broadcast %broadcast_in_dim3A_191 : i32 to vector<16xi32>
      %gather3A_193 = tpu.vector_load_idx %arg8[%add3A_103, %broadcast_in_dim3A_192] : memref<128x32xf32, #tpu.memory_space<vmem>>[vector<16xi32>, vector<16xi32>], vector<16xf32>,
      %gather3A_194 = tpu.vector_load_idx %arg10[%add3A_103, %broadcast_in_dim3A_192] : memref<128x32xf32, #tpu.memory_space<vmem>>[vector<16xi32>, vector<16xi32>], vector<16xf32>,
      %mul3A_195 = arith.mulf %gather3A_193, %gather3A_194 : vector<16xf32>
      %add3A_196 = arith.addf %add3A_190, %mul3A_195 : vector<16xf32>
      %broadcast_in_dim3A_197 = arith.constant 16 : i32
      %broadcast_in_dim3A_198 = vector.broadcast %broadcast_in_dim3A_197 : i32 to vector<16xi32>
      %gather3A_199 = tpu.vector_load_idx %arg8[%add3A_103, %broadcast_in_dim3A_198] : memref<128x32xf32, #tpu.memory_space<vmem>>[vector<16xi32>, vector<16xi32>], vector<16xf32>,
      %gather3A_200 = tpu.vector_load_idx %arg10[%add3A_103, %broadcast_in_dim3A_198] : memref<128x32xf32, #tpu.memory_space<vmem>>[vector<16xi32>, vector<16xi32>], vector<16xf32>,
      %mul3A_201 = arith.mulf %gather3A_199, %gather3A_200 : vector<16xf32>
      %add3A_202 = arith.addf %add3A_196, %mul3A_201 : vector<16xf32>
      %broadcast_in_dim3A_203 = arith.constant 17 : i32
      %broadcast_in_dim3A_204 = vector.broadcast %broadcast_in_dim3A_203 : i32 to vector<16xi32>
      %gather3A_205 = tpu.vector_load_idx %arg8[%add3A_103, %broadcast_in_dim3A_204] : memref<128x32xf32, #tpu.memory_space<vmem>>[vector<16xi32>, vector<16xi32>], vector<16xf32>,
      %gather3A_206 = tpu.vector_load_idx %arg10[%add3A_103, %broadcast_in_dim3A_204] : memref<128x32xf32, #tpu.memory_space<vmem>>[vector<16xi32>, vector<16xi32>], vector<16xf32>,
      %mul3A_207 = arith.mulf %gather3A_205, %gather3A_206 : vector<16xf32>
      %add3A_208 = arith.addf %add3A_202, %mul3A_207 : vector<16xf32>
      %broadcast_in_dim3A_209 = arith.constant 18 : i32
      %broadcast_in_dim3A_210 = vector.broadcast %broadcast_in_dim3A_209 : i32 to vector<16xi32>
      %gather3A_211 = tpu.vector_load_idx %arg8[%add3A_103, %broadcast_in_dim3A_210] : memref<128x32xf32, #tpu.memory_space<vmem>>[vector<16xi32>, vector<16xi32>], vector<16xf32>,
      %gather3A_212 = tpu.vector_load_idx %arg10[%add3A_103, %broadcast_in_dim3A_210] : memref<128x32xf32, #tpu.memory_space<vmem>>[vector<16xi32>, vector<16xi32>], vector<16xf32>,
      %mul3A_213 = arith.mulf %gather3A_211, %gather3A_212 : vector<16xf32>
      %add3A_214 = arith.addf %add3A_208, %mul3A_213 : vector<16xf32>
      %broadcast_in_dim3A_215 = arith.constant 19 : i32
      %broadcast_in_dim3A_216 = vector.broadcast %broadcast_in_dim3A_215 : i32 to vector<16xi32>
      %gather3A_217 = tpu.vector_load_idx %arg8[%add3A_103, %broadcast_in_dim3A_216] : memref<128x32xf32, #tpu.memory_space<vmem>>[vector<16xi32>, vector<16xi32>], vector<16xf32>,
      %gather3A_218 = tpu.vector_load_idx %arg10[%add3A_103, %broadcast_in_dim3A_216] : memref<128x32xf32, #tpu.memory_space<vmem>>[vector<16xi32>, vector<16xi32>], vector<16xf32>,
      %mul3A_219 = arith.mulf %gather3A_217, %gather3A_218 : vector<16xf32>
      %add3A_220 = arith.addf %add3A_214, %mul3A_219 : vector<16xf32>
      %broadcast_in_dim3A_221 = arith.constant 20 : i32
      %broadcast_in_dim3A_222 = vector.broadcast %broadcast_in_dim3A_221 : i32 to vector<16xi32>
      %gather3A_223 = tpu.vector_load_idx %arg8[%add3A_103, %broadcast_in_dim3A_222] : memref<128x32xf32, #tpu.memory_space<vmem>>[vector<16xi32>, vector<16xi32>], vector<16xf32>,
      %gather3A_224 = tpu.vector_load_idx %arg10[%add3A_103, %broadcast_in_dim3A_222] : memref<128x32xf32, #tpu.memory_space<vmem>>[vector<16xi32>, vector<16xi32>], vector<16xf32>,
      %mul3A_225 = arith.mulf %gather3A_223, %gather3A_224 : vector<16xf32>
      %add3A_226 = arith.addf %add3A_220, %mul3A_225 : vector<16xf32>
      %broadcast_in_dim3A_227 = arith.constant 21 : i32
      %broadcast_in_dim3A_228 = vector.broadcast %broadcast_in_dim3A_227 : i32 to vector<16xi32>
      %gather3A_229 = tpu.vector_load_idx %arg8[%add3A_103, %broadcast_in_dim3A_228] : memref<128x32xf32, #tpu.memory_space<vmem>>[vector<16xi32>, vector<16xi32>], vector<16xf32>,
      %gather3A_230 = tpu.vector_load_idx %arg10[%add3A_103, %broadcast_in_dim3A_228] : memref<128x32xf32, #tpu.memory_space<vmem>>[vector<16xi32>, vector<16xi32>], vector<16xf32>,
      %mul3A_231 = arith.mulf %gather3A_229, %gather3A_230 : vector<16xf32>
      %add3A_232 = arith.addf %add3A_226, %mul3A_231 : vector<16xf32>
      %broadcast_in_dim3A_233 = arith.constant 22 : i32
      %broadcast_in_dim3A_234 = vector.broadcast %broadcast_in_dim3A_233 : i32 to vector<16xi32>
      %gather3A_235 = tpu.vector_load_idx %arg8[%add3A_103, %broadcast_in_dim3A_234] : memref<128x32xf32, #tpu.memory_space<vmem>>[vector<16xi32>, vector<16xi32>], vector<16xf32>,
      %gather3A_236 = tpu.vector_load_idx %arg10[%add3A_103, %broadcast_in_dim3A_234] : memref<128x32xf32, #tpu.memory_space<vmem>>[vector<16xi32>, vector<16xi32>], vector<16xf32>,
      %mul3A_237 = arith.mulf %gather3A_235, %gather3A_236 : vector<16xf32>
      %add3A_238 = arith.addf %add3A_232, %mul3A_237 : vector<16xf32>
      %broadcast_in_dim3A_239 = arith.constant 23 : i32
      %broadcast_in_dim3A_240 = vector.broadcast %broadcast_in_dim3A_239 : i32 to vector<16xi32>
      %gather3A_241 = tpu.vector_load_idx %arg8[%add3A_103, %broadcast_in_dim3A_240] : memref<128x32xf32, #tpu.memory_space<vmem>>[vector<16xi32>, vector<16xi32>], vector<16xf32>,
      %gather3A_242 = tpu.vector_load_idx %arg10[%add3A_103, %broadcast_in_dim3A_240] : memref<128x32xf32, #tpu.memory_space<vmem>>[vector<16xi32>, vector<16xi32>], vector<16xf32>,
      %mul3A_243 = arith.mulf %gather3A_241, %gather3A_242 : vector<16xf32>
      %add3A_244 = arith.addf %add3A_238, %mul3A_243 : vector<16xf32>
      %broadcast_in_dim3A_245 = arith.constant 24 : i32
      %broadcast_in_dim3A_246 = vector.broadcast %broadcast_in_dim3A_245 : i32 to vector<16xi32>
      %gather3A_247 = tpu.vector_load_idx %arg8[%add3A_103, %broadcast_in_dim3A_246] : memref<128x32xf32, #tpu.memory_space<vmem>>[vector<16xi32>, vector<16xi32>], vector<16xf32>,
      %gather3A_248 = tpu.vector_load_idx %arg10[%add3A_103, %broadcast_in_dim3A_246] : memref<128x32xf32, #tpu.memory_space<vmem>>[vector<16xi32>, vector<16xi32>], vector<16xf32>,
      %mul3A_249 = arith.mulf %gather3A_247, %gather3A_248 : vector<16xf32>
      %add3A_250 = arith.addf %add3A_244, %mul3A_249 : vector<16xf32>
      %broadcast_in_dim3A_251 = arith.constant 25 : i32
      %broadcast_in_dim3A_252 = vector.broadcast %broadcast_in_dim3A_251 : i32 to vector<16xi32>
      %gather3A_253 = tpu.vector_load_idx %arg8[%add3A_103, %broadcast_in_dim3A_252] : memref<128x32xf32, #tpu.memory_space<vmem>>[vector<16xi32>, vector<16xi32>], vector<16xf32>,
      %gather3A_254 = tpu.vector_load_idx %arg10[%add3A_103, %broadcast_in_dim3A_252] : memref<128x32xf32, #tpu.memory_space<vmem>>[vector<16xi32>, vector<16xi32>], vector<16xf32>,
      %mul3A_255 = arith.mulf %gather3A_253, %gather3A_254 : vector<16xf32>
      %add3A_256 = arith.addf %add3A_250, %mul3A_255 : vector<16xf32>
      %broadcast_in_dim3A_257 = arith.constant 26 : i32
      %broadcast_in_dim3A_258 = vector.broadcast %broadcast_in_dim3A_257 : i32 to vector<16xi32>
      %gather3A_259 = tpu.vector_load_idx %arg8[%add3A_103, %broadcast_in_dim3A_258] : memref<128x32xf32, #tpu.memory_space<vmem>>[vector<16xi32>, vector<16xi32>], vector<16xf32>,
      %gather3A_260 = tpu.vector_load_idx %arg10[%add3A_103, %broadcast_in_dim3A_258] : memref<128x32xf32, #tpu.memory_space<vmem>>[vector<16xi32>, vector<16xi32>], vector<16xf32>,
      %mul3A_261 = arith.mulf %gather3A_259, %gather3A_260 : vector<16xf32>
      %add3A_262 = arith.addf %add3A_256, %mul3A_261 : vector<16xf32>
      %broadcast_in_dim3A_263 = arith.constant 27 : i32
      %broadcast_in_dim3A_264 = vector.broadcast %broadcast_in_dim3A_263 : i32 to vector<16xi32>
      %gather3A_265 = tpu.vector_load_idx %arg8[%add3A_103, %broadcast_in_dim3A_264] : memref<128x32xf32, #tpu.memory_space<vmem>>[vector<16xi32>, vector<16xi32>], vector<16xf32>,
      %gather3A_266 = tpu.vector_load_idx %arg10[%add3A_103, %broadcast_in_dim3A_264] : memref<128x32xf32, #tpu.memory_space<vmem>>[vector<16xi32>, vector<16xi32>], vector<16xf32>,
      %mul3A_267 = arith.mulf %gather3A_265, %gather3A_266 : vector<16xf32>
      %add3A_268 = arith.addf %add3A_262, %mul3A_267 : vector<16xf32>
      %broadcast_in_dim3A_269 = arith.constant 28 : i32
      %broadcast_in_dim3A_270 = vector.broadcast %broadcast_in_dim3A_269 : i32 to vector<16xi32>
      %gather3A_271 = tpu.vector_load_idx %arg8[%add3A_103, %broadcast_in_dim3A_270] : memref<128x32xf32, #tpu.memory_space<vmem>>[vector<16xi32>, vector<16xi32>], vector<16xf32>,
      %gather3A_272 = tpu.vector_load_idx %arg10[%add3A_103, %broadcast_in_dim3A_270] : memref<128x32xf32, #tpu.memory_space<vmem>>[vector<16xi32>, vector<16xi32>], vector<16xf32>,
      %mul3A_273 = arith.mulf %gather3A_271, %gather3A_272 : vector<16xf32>
      %add3A_274 = arith.addf %add3A_268, %mul3A_273 : vector<16xf32>
      %broadcast_in_dim3A_275 = arith.constant 29 : i32
      %broadcast_in_dim3A_276 = vector.broadcast %broadcast_in_dim3A_275 : i32 to vector<16xi32>
      %gather3A_277 = tpu.vector_load_idx %arg8[%add3A_103, %broadcast_in_dim3A_276] : memref<128x32xf32, #tpu.memory_space<vmem>>[vector<16xi32>, vector<16xi32>], vector<16xf32>,
      %gather3A_278 = tpu.vector_load_idx %arg10[%add3A_103, %broadcast_in_dim3A_276] : memref<128x32xf32, #tpu.memory_space<vmem>>[vector<16xi32>, vector<16xi32>], vector<16xf32>,
      %mul3A_279 = arith.mulf %gather3A_277, %gather3A_278 : vector<16xf32>
      %add3A_280 = arith.addf %add3A_274, %mul3A_279 : vector<16xf32>
      %broadcast_in_dim3A_281 = arith.constant 30 : i32
      %broadcast_in_dim3A_282 = vector.broadcast %broadcast_in_dim3A_281 : i32 to vector<16xi32>
      %gather3A_283 = tpu.vector_load_idx %arg8[%add3A_103, %broadcast_in_dim3A_282] : memref<128x32xf32, #tpu.memory_space<vmem>>[vector<16xi32>, vector<16xi32>], vector<16xf32>,
      %gather3A_284 = tpu.vector_load_idx %arg10[%add3A_103, %broadcast_in_dim3A_282] : memref<128x32xf32, #tpu.memory_space<vmem>>[vector<16xi32>, vector<16xi32>], vector<16xf32>,
      %mul3A_285 = arith.mulf %gather3A_283, %gather3A_284 : vector<16xf32>
      %add3A_286 = arith.addf %add3A_280, %mul3A_285 : vector<16xf32>
      %broadcast_in_dim3A_287 = arith.constant 31 : i32
      %broadcast_in_dim3A_288 = vector.broadcast %broadcast_in_dim3A_287 : i32 to vector<16xi32>
      %gather3A_289 = tpu.vector_load_idx %arg8[%add3A_103, %broadcast_in_dim3A_288] : memref<128x32xf32, #tpu.memory_space<vmem>>[vector<16xi32>, vector<16xi32>], vector<16xf32>,
      %gather3A_290 = tpu.vector_load_idx %arg10[%add3A_103, %broadcast_in_dim3A_288] : memref<128x32xf32, #tpu.memory_space<vmem>>[vector<16xi32>, vector<16xi32>], vector<16xf32>,
      %mul3A_291 = arith.mulf %gather3A_289, %gather3A_290 : vector<16xf32>
      %add3A_292 = arith.addf %add3A_286, %mul3A_291 : vector<16xf32>
      %neg3A = arith.constant 0.000000e+00 : f32
      %neg3A_293 = vector.broadcast %neg3A : f32 to vector<16xf32>
      %neg3A_294 = arith.subf %neg3A_293, %add3A_292 : vector<16xf32>
      %exp3A = math.exp %neg3A_294 : vector<16xf32>
      %add3A_295 = arith.constant 1.000000e+00 : f32
      %add3A_296 = vector.broadcast %add3A_295 : f32 to vector<16xf32>
      %add3A_297 = arith.addf %add3A_296, %exp3A : vector<16xf32>
      %div3A = arith.constant 1.000000e+00 : f32
      %div3A_298 = vector.broadcast %div3A : f32 to vector<16xf32>
      %div3A_299 = arith.divf %div3A_298, %add3A_297 : vector<16xf32>
      %mul3A_300 = arith.constant 16 : i32
      %mul3A_301 = arith.muli %scan3A_99, %mul3A_300 : i32
      %add3A_302 = arith.constant 128 : i32
      %add3A_303 = arith.addi %add3A_302, %mul3A_301 : i32
      %swap3A = arith.index_cast %add3A_303 : i32 to index
      %swap3A_304 = tpu.vector_load %arg11[%swap3A] {strides = array<i32>} : memref<512xf32, #tpu.memory_space<vmem>>, vector<16xf32>,
      tpu.vector_store %arg11[%swap3A], %div3A_299 {strides = array<i32>} : memref<512xf32, #tpu.memory_space<vmem>>, vector<16xf32>,
    }
    %scan3A_56 = arith.constant 8 : i32
    %scan3A_57 = arith.constant 0 : i32
    %scan3A_58 = arith.constant 0 : i32
    %scan3A_59 = arith.constant 16 : i32
    %scan3A_60 = arith.addi %scan3A_58, %scan3A_59 : i32
    %scan3A_61 = arith.constant 1 : i32
    scf.for %scan3A_99 = %scan3A_58 to %scan3A_60 step %scan3A_61  : i32 {
      %mul3A_100 = arith.constant 16 : i32
      %mul3A_101 = arith.muli %scan3A_99, %mul3A_100 : i32
      %add3A_102 = arith.constant 768 : i32
      %add3A_103 = arith.addi %add3A_102, %mul3A_101 : i32
      %get3A = arith.index_cast %add3A_103 : i32 to index
      %get3A_104 = tpu.vector_load %arg6[%get3A] {strides = array<i32>} : memref<1024xi32, #tpu.memory_space<vmem>>, vector<16xi32>,
      %mul3A_105 = arith.constant 16 : i32
      %mul3A_106 = arith.muli %scan3A_99, %mul3A_105 : i32
      %jit3A = arith.constant 2 : i32
      %div3A = arith.divsi %mul3A_106, %jit3A : i32
      %sign3A = arith.constant 0 : i32
      %sign3A_107 = arith.cmpi sgt, %mul3A_106, %sign3A : i32
      %sign3A_108 = arith.extui %sign3A_107 : i1 to i32
      %sign3A_109 = arith.constant 0 : i32
      %sign3A_110 = arith.cmpi slt, %mul3A_106, %sign3A_109 : i32
      %sign3A_111 = arith.extui %sign3A_110 : i1 to i32
      %sign3A_112 = arith.subi %sign3A_108, %sign3A_111 : i32
      %sign3A_113 = arith.constant 0 : i32
      %sign3A_114 = arith.cmpi sgt, %jit3A, %sign3A_113 : i32
      %sign3A_115 = arith.extui %sign3A_114 : i1 to i32
      %sign3A_116 = arith.constant 0 : i32
      %sign3A_117 = arith.cmpi slt, %jit3A, %sign3A_116 : i32
      %sign3A_118 = arith.extui %sign3A_117 : i1 to i32
      %sign3A_119 = arith.subi %sign3A_115, %sign3A_118 : i32
      %ne3A = arith.cmpi ne, %sign3A_112, %sign3A_119 : i32
      %rem3A = arith.remsi %mul3A_106, %jit3A : i32
      %ne3A_120 = arith.constant 0 : i32
      %ne3A_121 = arith.cmpi ne, %rem3A, %ne3A_120 : i32
      %and3A = arith.andi %ne3A, %ne3A_121 : i1
      %sub3A = arith.constant 1 : i32
      %sub3A_122 = arith.subi %div3A, %sub3A : i32
      %select_n3A = arith.select %and3A, %sub3A_122, %div3A : i32
      %add3A_123 = arith.constant 0 : i32
      %add3A_124 = arith.addi %select_n3A, %add3A_123 : i32
      %slice3A = vector.extract_strided_slice %get3A_104 {offsets = [0], sizes = [1], strides = [1]} : vector<16xi32> to vector<1xi32>
      %squeeze3A = vector.extract %slice3A[0] : i32 from vector<1xi32>
      %dma_start3A = arith.constant 0 : i32
      %dma_start3A_125 = tpu.memref_slice %arg8[%add3A_124, %dma_start3A] : memref<128x32xf32, #tpu.memory_space<vmem>> -> memref<1x32xf32, #tpu.memory_space<vmem>>
      %dma_start3A_126 = arith.constant 0 : i32
      %dma_start3A_127 = tpu.memref_slice %arg3[%squeeze3A, %dma_start3A_126] : memref<1000000x32xf32, #tpu.memory_space<hbm>> -> memref<1x32xf32, #tpu.memory_space<hbm>>
      %dma_start3A_128 = arith.constant 0 : i32
      %dma_start3A_129 = tpu.memref_slice %arg8[%add3A_124, %dma_start3A_128] : memref<128x32xf32, #tpu.memory_space<vmem>> -> memref<1x32xf32, #tpu.memory_space<vmem>>
      %dma_start3A_130 = arith.constant 0 : i32
      %dma_start3A_131 = tpu.memref_slice %arg3[%squeeze3A, %dma_start3A_130] : memref<1000000x32xf32, #tpu.memory_space<hbm>> -> memref<1x32xf32, #tpu.memory_space<hbm>>
      tpu.enqueue_dma source(%dma_start3A_131 : memref<1x32xf32, #tpu.memory_space<hbm>>) target(%dma_start3A_129 : memref<1x32xf32, #tpu.memory_space<vmem>>) target_semaphore(%arg13 : memref<!tpu.dma_semaphore, #tpu.memory_space<semaphore_mem>>)
      %slice3A_132 = vector.extract_strided_slice %get3A_104 {offsets = [1], sizes = [1], strides = [1]} : vector<16xi32> to vector<1xi32>
      %squeeze3A_133 = vector.extract %slice3A_132[0] : i32 from vector<1xi32>
      %dma_start3A_134 = arith.constant 0 : i32
      %dma_start3A_135 = tpu.memref_slice %arg10[%add3A_124, %dma_start3A_134] : memref<128x32xf32, #tpu.memory_space<vmem>> -> memref<1x32xf32, #tpu.memory_space<vmem>>
      %dma_start3A_136 = arith.constant 0 : i32
      %dma_start3A_137 = tpu.memref_slice %arg4[%squeeze3A_133, %dma_start3A_136] : memref<1000000x32xf32, #tpu.memory_space<hbm>> -> memref<1x32xf32, #tpu.memory_space<hbm>>
      %dma_start3A_138 = arith.constant 0 : i32
      %dma_start3A_139 = tpu.memref_slice %arg10[%add3A_124, %dma_start3A_138] : memref<128x32xf32, #tpu.memory_space<vmem>> -> memref<1x32xf32, #tpu.memory_space<vmem>>
      %dma_start3A_140 = arith.constant 0 : i32
      %dma_start3A_141 = tpu.memref_slice %arg4[%squeeze3A_133, %dma_start3A_140] : memref<1000000x32xf32, #tpu.memory_space<hbm>> -> memref<1x32xf32, #tpu.memory_space<hbm>>
      tpu.enqueue_dma source(%dma_start3A_141 : memref<1x32xf32, #tpu.memory_space<hbm>>) target(%dma_start3A_139 : memref<1x32xf32, #tpu.memory_space<vmem>>) target_semaphore(%arg13 : memref<!tpu.dma_semaphore, #tpu.memory_space<semaphore_mem>>)
      %mul3A_142 = arith.constant 16 : i32
      %mul3A_143 = arith.muli %scan3A_99, %mul3A_142 : i32
      %jit3A_144 = arith.constant 2 : i32
      %div3A_145 = arith.divsi %mul3A_143, %jit3A_144 : i32
      %sign3A_146 = arith.constant 0 : i32
      %sign3A_147 = arith.cmpi sgt, %mul3A_143, %sign3A_146 : i32
      %sign3A_148 = arith.extui %sign3A_147 : i1 to i32
      %sign3A_149 = arith.constant 0 : i32
      %sign3A_150 = arith.cmpi slt, %mul3A_143, %sign3A_149 : i32
      %sign3A_151 = arith.extui %sign3A_150 : i1 to i32
      %sign3A_152 = arith.subi %sign3A_148, %sign3A_151 : i32
      %sign3A_153 = arith.constant 0 : i32
      %sign3A_154 = arith.cmpi sgt, %jit3A_144, %sign3A_153 : i32
      %sign3A_155 = arith.extui %sign3A_154 : i1 to i32
      %sign3A_156 = arith.constant 0 : i32
      %sign3A_157 = arith.cmpi slt, %jit3A_144, %sign3A_156 : i32
      %sign3A_158 = arith.extui %sign3A_157 : i1 to i32
      %sign3A_159 = arith.subi %sign3A_155, %sign3A_158 : i32
      %ne3A_160 = arith.cmpi ne, %sign3A_152, %sign3A_159 : i32
      %rem3A_161 = arith.remsi %mul3A_143, %jit3A_144 : i32
      %ne3A_162 = arith.constant 0 : i32
      %ne3A_163 = arith.cmpi ne, %rem3A_161, %ne3A_162 : i32
      %and3A_164 = arith.andi %ne3A_160, %ne3A_163 : i1
      %sub3A_165 = arith.constant 1 : i32
      %sub3A_166 = arith.subi %div3A_145, %sub3A_165 : i32
      %select_n3A_167 = arith.select %and3A_164, %sub3A_166, %div3A_145 : i32
      %add3A_168 = arith.constant 1 : i32
      %add3A_169 = arith.addi %select_n3A_167, %add3A_168 : i32
      %slice3A_170 = vector.extract_strided_slice %get3A_104 {offsets = [2], sizes = [1], strides = [1]} : vector<16xi32> to vector<1xi32>
      %squeeze3A_171 = vector.extract %slice3A_170[0] : i32 from vector<1xi32>
      %dma_start3A_172 = arith.constant 0 : i32
      %dma_start3A_173 = tpu.memref_slice %arg8[%add3A_169, %dma_start3A_172] : memref<128x32xf32, #tpu.memory_space<vmem>> -> memref<1x32xf32, #tpu.memory_space<vmem>>
      %dma_start3A_174 = arith.constant 0 : i32
      %dma_start3A_175 = tpu.memref_slice %arg3[%squeeze3A_171, %dma_start3A_174] : memref<1000000x32xf32, #tpu.memory_space<hbm>> -> memref<1x32xf32, #tpu.memory_space<hbm>>
      %dma_start3A_176 = arith.constant 0 : i32
      %dma_start3A_177 = tpu.memref_slice %arg8[%add3A_169, %dma_start3A_176] : memref<128x32xf32, #tpu.memory_space<vmem>> -> memref<1x32xf32, #tpu.memory_space<vmem>>
      %dma_start3A_178 = arith.constant 0 : i32
      %dma_start3A_179 = tpu.memref_slice %arg3[%squeeze3A_171, %dma_start3A_178] : memref<1000000x32xf32, #tpu.memory_space<hbm>> -> memref<1x32xf32, #tpu.memory_space<hbm>>
      tpu.enqueue_dma source(%dma_start3A_179 : memref<1x32xf32, #tpu.memory_space<hbm>>) target(%dma_start3A_177 : memref<1x32xf32, #tpu.memory_space<vmem>>) target_semaphore(%arg13 : memref<!tpu.dma_semaphore, #tpu.memory_space<semaphore_mem>>)
      %slice3A_180 = vector.extract_strided_slice %get3A_104 {offsets = [3], sizes = [1], strides = [1]} : vector<16xi32> to vector<1xi32>
      %squeeze3A_181 = vector.extract %slice3A_180[0] : i32 from vector<1xi32>
      %dma_start3A_182 = arith.constant 0 : i32
      %dma_start3A_183 = tpu.memref_slice %arg10[%add3A_169, %dma_start3A_182] : memref<128x32xf32, #tpu.memory_space<vmem>> -> memref<1x32xf32, #tpu.memory_space<vmem>>
      %dma_start3A_184 = arith.constant 0 : i32
      %dma_start3A_185 = tpu.memref_slice %arg4[%squeeze3A_181, %dma_start3A_184] : memref<1000000x32xf32, #tpu.memory_space<hbm>> -> memref<1x32xf32, #tpu.memory_space<hbm>>
      %dma_start3A_186 = arith.constant 0 : i32
      %dma_start3A_187 = tpu.memref_slice %arg10[%add3A_169, %dma_start3A_186] : memref<128x32xf32, #tpu.memory_space<vmem>> -> memref<1x32xf32, #tpu.memory_space<vmem>>
      %dma_start3A_188 = arith.constant 0 : i32
      %dma_start3A_189 = tpu.memref_slice %arg4[%squeeze3A_181, %dma_start3A_188] : memref<1000000x32xf32, #tpu.memory_space<hbm>> -> memref<1x32xf32, #tpu.memory_space<hbm>>
      tpu.enqueue_dma source(%dma_start3A_189 : memref<1x32xf32, #tpu.memory_space<hbm>>) target(%dma_start3A_187 : memref<1x32xf32, #tpu.memory_space<vmem>>) target_semaphore(%arg13 : memref<!tpu.dma_semaphore, #tpu.memory_space<semaphore_mem>>)
      %mul3A_190 = arith.constant 16 : i32
      %mul3A_191 = arith.muli %scan3A_99, %mul3A_190 : i32
      %jit3A_192 = arith.constant 2 : i32
      %div3A_193 = arith.divsi %mul3A_191, %jit3A_192 : i32
      %sign3A_194 = arith.constant 0 : i32
      %sign3A_195 = arith.cmpi sgt, %mul3A_191, %sign3A_194 : i32
      %sign3A_196 = arith.extui %sign3A_195 : i1 to i32
      %sign3A_197 = arith.constant 0 : i32
      %sign3A_198 = arith.cmpi slt, %mul3A_191, %sign3A_197 : i32
      %sign3A_199 = arith.extui %sign3A_198 : i1 to i32
      %sign3A_200 = arith.subi %sign3A_196, %sign3A_199 : i32
      %sign3A_201 = arith.constant 0 : i32
      %sign3A_202 = arith.cmpi sgt, %jit3A_192, %sign3A_201 : i32
      %sign3A_203 = arith.extui %sign3A_202 : i1 to i32
      %sign3A_204 = arith.constant 0 : i32
      %sign3A_205 = arith.cmpi slt, %jit3A_192, %sign3A_204 : i32
      %sign3A_206 = arith.extui %sign3A_205 : i1 to i32
      %sign3A_207 = arith.subi %sign3A_203, %sign3A_206 : i32
      %ne3A_208 = arith.cmpi ne, %sign3A_200, %sign3A_207 : i32
      %rem3A_209 = arith.remsi %mul3A_191, %jit3A_192 : i32
      %ne3A_210 = arith.constant 0 : i32
      %ne3A_211 = arith.cmpi ne, %rem3A_209, %ne3A_210 : i32
      %and3A_212 = arith.andi %ne3A_208, %ne3A_211 : i1
      %sub3A_213 = arith.constant 1 : i32
      %sub3A_214 = arith.subi %div3A_193, %sub3A_213 : i32
      %select_n3A_215 = arith.select %and3A_212, %sub3A_214, %div3A_193 : i32
      %add3A_216 = arith.constant 2 : i32
      %add3A_217 = arith.addi %select_n3A_215, %add3A_216 : i32
      %slice3A_218 = vector.extract_strided_slice %get3A_104 {offsets = [4], sizes = [1], strides = [1]} : vector<16xi32> to vector<1xi32>
      %squeeze3A_219 = vector.extract %slice3A_218[0] : i32 from vector<1xi32>
      %dma_start3A_220 = arith.constant 0 : i32
      %dma_start3A_221 = tpu.memref_slice %arg8[%add3A_217, %dma_start3A_220] : memref<128x32xf32, #tpu.memory_space<vmem>> -> memref<1x32xf32, #tpu.memory_space<vmem>>
      %dma_start3A_222 = arith.constant 0 : i32
      %dma_start3A_223 = tpu.memref_slice %arg3[%squeeze3A_219, %dma_start3A_222] : memref<1000000x32xf32, #tpu.memory_space<hbm>> -> memref<1x32xf32, #tpu.memory_space<hbm>>
      %dma_start3A_224 = arith.constant 0 : i32
      %dma_start3A_225 = tpu.memref_slice %arg8[%add3A_217, %dma_start3A_224] : memref<128x32xf32, #tpu.memory_space<vmem>> -> memref<1x32xf32, #tpu.memory_space<vmem>>
      %dma_start3A_226 = arith.constant 0 : i32
      %dma_start3A_227 = tpu.memref_slice %arg3[%squeeze3A_219, %dma_start3A_226] : memref<1000000x32xf32, #tpu.memory_space<hbm>> -> memref<1x32xf32, #tpu.memory_space<hbm>>
      tpu.enqueue_dma source(%dma_start3A_227 : memref<1x32xf32, #tpu.memory_space<hbm>>) target(%dma_start3A_225 : memref<1x32xf32, #tpu.memory_space<vmem>>) target_semaphore(%arg13 : memref<!tpu.dma_semaphore, #tpu.memory_space<semaphore_mem>>)
      %slice3A_228 = vector.extract_strided_slice %get3A_104 {offsets = [5], sizes = [1], strides = [1]} : vector<16xi32> to vector<1xi32>
      %squeeze3A_229 = vector.extract %slice3A_228[0] : i32 from vector<1xi32>
      %dma_start3A_230 = arith.constant 0 : i32
      %dma_start3A_231 = tpu.memref_slice %arg10[%add3A_217, %dma_start3A_230] : memref<128x32xf32, #tpu.memory_space<vmem>> -> memref<1x32xf32, #tpu.memory_space<vmem>>
      %dma_start3A_232 = arith.constant 0 : i32
      %dma_start3A_233 = tpu.memref_slice %arg4[%squeeze3A_229, %dma_start3A_232] : memref<1000000x32xf32, #tpu.memory_space<hbm>> -> memref<1x32xf32, #tpu.memory_space<hbm>>
      %dma_start3A_234 = arith.constant 0 : i32
      %dma_start3A_235 = tpu.memref_slice %arg10[%add3A_217, %dma_start3A_234] : memref<128x32xf32, #tpu.memory_space<vmem>> -> memref<1x32xf32, #tpu.memory_space<vmem>>
      %dma_start3A_236 = arith.constant 0 : i32
      %dma_start3A_237 = tpu.memref_slice %arg4[%squeeze3A_229, %dma_start3A_236] : memref<1000000x32xf32, #tpu.memory_space<hbm>> -> memref<1x32xf32, #tpu.memory_space<hbm>>
      tpu.enqueue_dma source(%dma_start3A_237 : memref<1x32xf32, #tpu.memory_space<hbm>>) target(%dma_start3A_235 : memref<1x32xf32, #tpu.memory_space<vmem>>) target_semaphore(%arg13 : memref<!tpu.dma_semaphore, #tpu.memory_space<semaphore_mem>>)
      %mul3A_238 = arith.constant 16 : i32
      %mul3A_239 = arith.muli %scan3A_99, %mul3A_238 : i32
      %jit3A_240 = arith.constant 2 : i32
      %div3A_241 = arith.divsi %mul3A_239, %jit3A_240 : i32
      %sign3A_242 = arith.constant 0 : i32
      %sign3A_243 = arith.cmpi sgt, %mul3A_239, %sign3A_242 : i32
      %sign3A_244 = arith.extui %sign3A_243 : i1 to i32
      %sign3A_245 = arith.constant 0 : i32
      %sign3A_246 = arith.cmpi slt, %mul3A_239, %sign3A_245 : i32
      %sign3A_247 = arith.extui %sign3A_246 : i1 to i32
      %sign3A_248 = arith.subi %sign3A_244, %sign3A_247 : i32
      %sign3A_249 = arith.constant 0 : i32
      %sign3A_250 = arith.cmpi sgt, %jit3A_240, %sign3A_249 : i32
      %sign3A_251 = arith.extui %sign3A_250 : i1 to i32
      %sign3A_252 = arith.constant 0 : i32
      %sign3A_253 = arith.cmpi slt, %jit3A_240, %sign3A_252 : i32
      %sign3A_254 = arith.extui %sign3A_253 : i1 to i32
      %sign3A_255 = arith.subi %sign3A_251, %sign3A_254 : i32
      %ne3A_256 = arith.cmpi ne, %sign3A_248, %sign3A_255 : i32
      %rem3A_257 = arith.remsi %mul3A_239, %jit3A_240 : i32
      %ne3A_258 = arith.constant 0 : i32
      %ne3A_259 = arith.cmpi ne, %rem3A_257, %ne3A_258 : i32
      %and3A_260 = arith.andi %ne3A_256, %ne3A_259 : i1
      %sub3A_261 = arith.constant 1 : i32
      %sub3A_262 = arith.subi %div3A_241, %sub3A_261 : i32
      %select_n3A_263 = arith.select %and3A_260, %sub3A_262, %div3A_241 : i32
      %add3A_264 = arith.constant 3 : i32
      %add3A_265 = arith.addi %select_n3A_263, %add3A_264 : i32
      %slice3A_266 = vector.extract_strided_slice %get3A_104 {offsets = [6], sizes = [1], strides = [1]} : vector<16xi32> to vector<1xi32>
      %squeeze3A_267 = vector.extract %slice3A_266[0] : i32 from vector<1xi32>
      %dma_start3A_268 = arith.constant 0 : i32
      %dma_start3A_269 = tpu.memref_slice %arg8[%add3A_265, %dma_start3A_268] : memref<128x32xf32, #tpu.memory_space<vmem>> -> memref<1x32xf32, #tpu.memory_space<vmem>>
      %dma_start3A_270 = arith.constant 0 : i32
      %dma_start3A_271 = tpu.memref_slice %arg3[%squeeze3A_267, %dma_start3A_270] : memref<1000000x32xf32, #tpu.memory_space<hbm>> -> memref<1x32xf32, #tpu.memory_space<hbm>>
      %dma_start3A_272 = arith.constant 0 : i32
      %dma_start3A_273 = tpu.memref_slice %arg8[%add3A_265, %dma_start3A_272] : memref<128x32xf32, #tpu.memory_space<vmem>> -> memref<1x32xf32, #tpu.memory_space<vmem>>
      %dma_start3A_274 = arith.constant 0 : i32
      %dma_start3A_275 = tpu.memref_slice %arg3[%squeeze3A_267, %dma_start3A_274] : memref<1000000x32xf32, #tpu.memory_space<hbm>> -> memref<1x32xf32, #tpu.memory_space<hbm>>
      tpu.enqueue_dma source(%dma_start3A_275 : memref<1x32xf32, #tpu.memory_space<hbm>>) target(%dma_start3A_273 : memref<1x32xf32, #tpu.memory_space<vmem>>) target_semaphore(%arg13 : memref<!tpu.dma_semaphore, #tpu.memory_space<semaphore_mem>>)
      %slice3A_276 = vector.extract_strided_slice %get3A_104 {offsets = [7], sizes = [1], strides = [1]} : vector<16xi32> to vector<1xi32>
      %squeeze3A_277 = vector.extract %slice3A_276[0] : i32 from vector<1xi32>
      %dma_start3A_278 = arith.constant 0 : i32
      %dma_start3A_279 = tpu.memref_slice %arg10[%add3A_265, %dma_start3A_278] : memref<128x32xf32, #tpu.memory_space<vmem>> -> memref<1x32xf32, #tpu.memory_space<vmem>>
      %dma_start3A_280 = arith.constant 0 : i32
      %dma_start3A_281 = tpu.memref_slice %arg4[%squeeze3A_277, %dma_start3A_280] : memref<1000000x32xf32, #tpu.memory_space<hbm>> -> memref<1x32xf32, #tpu.memory_space<hbm>>
      %dma_start3A_282 = arith.constant 0 : i32
      %dma_start3A_283 = tpu.memref_slice %arg10[%add3A_265, %dma_start3A_282] : memref<128x32xf32, #tpu.memory_space<vmem>> -> memref<1x32xf32, #tpu.memory_space<vmem>>
      %dma_start3A_284 = arith.constant 0 : i32
      %dma_start3A_285 = tpu.memref_slice %arg4[%squeeze3A_277, %dma_start3A_284] : memref<1000000x32xf32, #tpu.memory_space<hbm>> -> memref<1x32xf32, #tpu.memory_space<hbm>>
      tpu.enqueue_dma source(%dma_start3A_285 : memref<1x32xf32, #tpu.memory_space<hbm>>) target(%dma_start3A_283 : memref<1x32xf32, #tpu.memory_space<vmem>>) target_semaphore(%arg13 : memref<!tpu.dma_semaphore, #tpu.memory_space<semaphore_mem>>)
      %mul3A_286 = arith.constant 16 : i32
      %mul3A_287 = arith.muli %scan3A_99, %mul3A_286 : i32
      %jit3A_288 = arith.constant 2 : i32
      %div3A_289 = arith.divsi %mul3A_287, %jit3A_288 : i32
      %sign3A_290 = arith.constant 0 : i32
      %sign3A_291 = arith.cmpi sgt, %mul3A_287, %sign3A_290 : i32
      %sign3A_292 = arith.extui %sign3A_291 : i1 to i32
      %sign3A_293 = arith.constant 0 : i32
      %sign3A_294 = arith.cmpi slt, %mul3A_287, %sign3A_293 : i32
      %sign3A_295 = arith.extui %sign3A_294 : i1 to i32
      %sign3A_296 = arith.subi %sign3A_292, %sign3A_295 : i32
      %sign3A_297 = arith.constant 0 : i32
      %sign3A_298 = arith.cmpi sgt, %jit3A_288, %sign3A_297 : i32
      %sign3A_299 = arith.extui %sign3A_298 : i1 to i32
      %sign3A_300 = arith.constant 0 : i32
      %sign3A_301 = arith.cmpi slt, %jit3A_288, %sign3A_300 : i32
      %sign3A_302 = arith.extui %sign3A_301 : i1 to i32
      %sign3A_303 = arith.subi %sign3A_299, %sign3A_302 : i32
      %ne3A_304 = arith.cmpi ne, %sign3A_296, %sign3A_303 : i32
      %rem3A_305 = arith.remsi %mul3A_287, %jit3A_288 : i32
      %ne3A_306 = arith.constant 0 : i32
      %ne3A_307 = arith.cmpi ne, %rem3A_305, %ne3A_306 : i32
      %and3A_308 = arith.andi %ne3A_304, %ne3A_307 : i1
      %sub3A_309 = arith.constant 1 : i32
      %sub3A_310 = arith.subi %div3A_289, %sub3A_309 : i32
      %select_n3A_311 = arith.select %and3A_308, %sub3A_310, %div3A_289 : i32
      %add3A_312 = arith.constant 4 : i32
      %add3A_313 = arith.addi %select_n3A_311, %add3A_312 : i32
      %slice3A_314 = vector.extract_strided_slice %get3A_104 {offsets = [8], sizes = [1], strides = [1]} : vector<16xi32> to vector<1xi32>
      %squeeze3A_315 = vector.extract %slice3A_314[0] : i32 from vector<1xi32>
      %dma_start3A_316 = arith.constant 0 : i32
      %dma_start3A_317 = tpu.memref_slice %arg8[%add3A_313, %dma_start3A_316] : memref<128x32xf32, #tpu.memory_space<vmem>> -> memref<1x32xf32, #tpu.memory_space<vmem>>
      %dma_start3A_318 = arith.constant 0 : i32
      %dma_start3A_319 = tpu.memref_slice %arg3[%squeeze3A_315, %dma_start3A_318] : memref<1000000x32xf32, #tpu.memory_space<hbm>> -> memref<1x32xf32, #tpu.memory_space<hbm>>
      %dma_start3A_320 = arith.constant 0 : i32
      %dma_start3A_321 = tpu.memref_slice %arg8[%add3A_313, %dma_start3A_320] : memref<128x32xf32, #tpu.memory_space<vmem>> -> memref<1x32xf32, #tpu.memory_space<vmem>>
      %dma_start3A_322 = arith.constant 0 : i32
      %dma_start3A_323 = tpu.memref_slice %arg3[%squeeze3A_315, %dma_start3A_322] : memref<1000000x32xf32, #tpu.memory_space<hbm>> -> memref<1x32xf32, #tpu.memory_space<hbm>>
      tpu.enqueue_dma source(%dma_start3A_323 : memref<1x32xf32, #tpu.memory_space<hbm>>) target(%dma_start3A_321 : memref<1x32xf32, #tpu.memory_space<vmem>>) target_semaphore(%arg13 : memref<!tpu.dma_semaphore, #tpu.memory_space<semaphore_mem>>)
      %slice3A_324 = vector.extract_strided_slice %get3A_104 {offsets = [9], sizes = [1], strides = [1]} : vector<16xi32> to vector<1xi32>
      %squeeze3A_325 = vector.extract %slice3A_324[0] : i32 from vector<1xi32>
      %dma_start3A_326 = arith.constant 0 : i32
      %dma_start3A_327 = tpu.memref_slice %arg10[%add3A_313, %dma_start3A_326] : memref<128x32xf32, #tpu.memory_space<vmem>> -> memref<1x32xf32, #tpu.memory_space<vmem>>
      %dma_start3A_328 = arith.constant 0 : i32
      %dma_start3A_329 = tpu.memref_slice %arg4[%squeeze3A_325, %dma_start3A_328] : memref<1000000x32xf32, #tpu.memory_space<hbm>> -> memref<1x32xf32, #tpu.memory_space<hbm>>
      %dma_start3A_330 = arith.constant 0 : i32
      %dma_start3A_331 = tpu.memref_slice %arg10[%add3A_313, %dma_start3A_330] : memref<128x32xf32, #tpu.memory_space<vmem>> -> memref<1x32xf32, #tpu.memory_space<vmem>>
      %dma_start3A_332 = arith.constant 0 : i32
      %dma_start3A_333 = tpu.memref_slice %arg4[%squeeze3A_325, %dma_start3A_332] : memref<1000000x32xf32, #tpu.memory_space<hbm>> -> memref<1x32xf32, #tpu.memory_space<hbm>>
      tpu.enqueue_dma source(%dma_start3A_333 : memref<1x32xf32, #tpu.memory_space<hbm>>) target(%dma_start3A_331 : memref<1x32xf32, #tpu.memory_space<vmem>>) target_semaphore(%arg13 : memref<!tpu.dma_semaphore, #tpu.memory_space<semaphore_mem>>)
      %mul3A_334 = arith.constant 16 : i32
      %mul3A_335 = arith.muli %scan3A_99, %mul3A_334 : i32
      %jit3A_336 = arith.constant 2 : i32
      %div3A_337 = arith.divsi %mul3A_335, %jit3A_336 : i32
      %sign3A_338 = arith.constant 0 : i32
      %sign3A_339 = arith.cmpi sgt, %mul3A_335, %sign3A_338 : i32
      %sign3A_340 = arith.extui %sign3A_339 : i1 to i32
      %sign3A_341 = arith.constant 0 : i32
      %sign3A_342 = arith.cmpi slt, %mul3A_335, %sign3A_341 : i32
      %sign3A_343 = arith.extui %sign3A_342 : i1 to i32
      %sign3A_344 = arith.subi %sign3A_340, %sign3A_343 : i32
      %sign3A_345 = arith.constant 0 : i32
      %sign3A_346 = arith.cmpi sgt, %jit3A_336, %sign3A_345 : i32
      %sign3A_347 = arith.extui %sign3A_346 : i1 to i32
      %sign3A_348 = arith.constant 0 : i32
      %sign3A_349 = arith.cmpi slt, %jit3A_336, %sign3A_348 : i32
      %sign3A_350 = arith.extui %sign3A_349 : i1 to i32
      %sign3A_351 = arith.subi %sign3A_347, %sign3A_350 : i32
      %ne3A_352 = arith.cmpi ne, %sign3A_344, %sign3A_351 : i32
      %rem3A_353 = arith.remsi %mul3A_335, %jit3A_336 : i32
      %ne3A_354 = arith.constant 0 : i32
      %ne3A_355 = arith.cmpi ne, %rem3A_353, %ne3A_354 : i32
      %and3A_356 = arith.andi %ne3A_352, %ne3A_355 : i1
      %sub3A_357 = arith.constant 1 : i32
      %sub3A_358 = arith.subi %div3A_337, %sub3A_357 : i32
      %select_n3A_359 = arith.select %and3A_356, %sub3A_358, %div3A_337 : i32
      %add3A_360 = arith.constant 5 : i32
      %add3A_361 = arith.addi %select_n3A_359, %add3A_360 : i32
      %slice3A_362 = vector.extract_strided_slice %get3A_104 {offsets = [10], sizes = [1], strides = [1]} : vector<16xi32> to vector<1xi32>
      %squeeze3A_363 = vector.extract %slice3A_362[0] : i32 from vector<1xi32>
      %dma_start3A_364 = arith.constant 0 : i32
      %dma_start3A_365 = tpu.memref_slice %arg8[%add3A_361, %dma_start3A_364] : memref<128x32xf32, #tpu.memory_space<vmem>> -> memref<1x32xf32, #tpu.memory_space<vmem>>
      %dma_start3A_366 = arith.constant 0 : i32
      %dma_start3A_367 = tpu.memref_slice %arg3[%squeeze3A_363, %dma_start3A_366] : memref<1000000x32xf32, #tpu.memory_space<hbm>> -> memref<1x32xf32, #tpu.memory_space<hbm>>
      %dma_start3A_368 = arith.constant 0 : i32
      %dma_start3A_369 = tpu.memref_slice %arg8[%add3A_361, %dma_start3A_368] : memref<128x32xf32, #tpu.memory_space<vmem>> -> memref<1x32xf32, #tpu.memory_space<vmem>>
      %dma_start3A_370 = arith.constant 0 : i32
      %dma_start3A_371 = tpu.memref_slice %arg3[%squeeze3A_363, %dma_start3A_370] : memref<1000000x32xf32, #tpu.memory_space<hbm>> -> memref<1x32xf32, #tpu.memory_space<hbm>>
      tpu.enqueue_dma source(%dma_start3A_371 : memref<1x32xf32, #tpu.memory_space<hbm>>) target(%dma_start3A_369 : memref<1x32xf32, #tpu.memory_space<vmem>>) target_semaphore(%arg13 : memref<!tpu.dma_semaphore, #tpu.memory_space<semaphore_mem>>)
      %slice3A_372 = vector.extract_strided_slice %get3A_104 {offsets = [11], sizes = [1], strides = [1]} : vector<16xi32> to vector<1xi32>
      %squeeze3A_373 = vector.extract %slice3A_372[0] : i32 from vector<1xi32>
      %dma_start3A_374 = arith.constant 0 : i32
      %dma_start3A_375 = tpu.memref_slice %arg10[%add3A_361, %dma_start3A_374] : memref<128x32xf32, #tpu.memory_space<vmem>> -> memref<1x32xf32, #tpu.memory_space<vmem>>
      %dma_start3A_376 = arith.constant 0 : i32
      %dma_start3A_377 = tpu.memref_slice %arg4[%squeeze3A_373, %dma_start3A_376] : memref<1000000x32xf32, #tpu.memory_space<hbm>> -> memref<1x32xf32, #tpu.memory_space<hbm>>
      %dma_start3A_378 = arith.constant 0 : i32
      %dma_start3A_379 = tpu.memref_slice %arg10[%add3A_361, %dma_start3A_378] : memref<128x32xf32, #tpu.memory_space<vmem>> -> memref<1x32xf32, #tpu.memory_space<vmem>>
      %dma_start3A_380 = arith.constant 0 : i32
      %dma_start3A_381 = tpu.memref_slice %arg4[%squeeze3A_373, %dma_start3A_380] : memref<1000000x32xf32, #tpu.memory_space<hbm>> -> memref<1x32xf32, #tpu.memory_space<hbm>>
      tpu.enqueue_dma source(%dma_start3A_381 : memref<1x32xf32, #tpu.memory_space<hbm>>) target(%dma_start3A_379 : memref<1x32xf32, #tpu.memory_space<vmem>>) target_semaphore(%arg13 : memref<!tpu.dma_semaphore, #tpu.memory_space<semaphore_mem>>)
      %mul3A_382 = arith.constant 16 : i32
      %mul3A_383 = arith.muli %scan3A_99, %mul3A_382 : i32
      %jit3A_384 = arith.constant 2 : i32
      %div3A_385 = arith.divsi %mul3A_383, %jit3A_384 : i32
      %sign3A_386 = arith.constant 0 : i32
      %sign3A_387 = arith.cmpi sgt, %mul3A_383, %sign3A_386 : i32
      %sign3A_388 = arith.extui %sign3A_387 : i1 to i32
      %sign3A_389 = arith.constant 0 : i32
      %sign3A_390 = arith.cmpi slt, %mul3A_383, %sign3A_389 : i32
      %sign3A_391 = arith.extui %sign3A_390 : i1 to i32
      %sign3A_392 = arith.subi %sign3A_388, %sign3A_391 : i32
      %sign3A_393 = arith.constant 0 : i32
      %sign3A_394 = arith.cmpi sgt, %jit3A_384, %sign3A_393 : i32
      %sign3A_395 = arith.extui %sign3A_394 : i1 to i32
      %sign3A_396 = arith.constant 0 : i32
      %sign3A_397 = arith.cmpi slt, %jit3A_384, %sign3A_396 : i32
      %sign3A_398 = arith.extui %sign3A_397 : i1 to i32
      %sign3A_399 = arith.subi %sign3A_395, %sign3A_398 : i32
      %ne3A_400 = arith.cmpi ne, %sign3A_392, %sign3A_399 : i32
      %rem3A_401 = arith.remsi %mul3A_383, %jit3A_384 : i32
      %ne3A_402 = arith.constant 0 : i32
      %ne3A_403 = arith.cmpi ne, %rem3A_401, %ne3A_402 : i32
      %and3A_404 = arith.andi %ne3A_400, %ne3A_403 : i1
      %sub3A_405 = arith.constant 1 : i32
      %sub3A_406 = arith.subi %div3A_385, %sub3A_405 : i32
      %select_n3A_407 = arith.select %and3A_404, %sub3A_406, %div3A_385 : i32
      %add3A_408 = arith.constant 6 : i32
      %add3A_409 = arith.addi %select_n3A_407, %add3A_408 : i32
      %slice3A_410 = vector.extract_strided_slice %get3A_104 {offsets = [12], sizes = [1], strides = [1]} : vector<16xi32> to vector<1xi32>
      %squeeze3A_411 = vector.extract %slice3A_410[0] : i32 from vector<1xi32>
      %dma_start3A_412 = arith.constant 0 : i32
      %dma_start3A_413 = tpu.memref_slice %arg8[%add3A_409, %dma_start3A_412] : memref<128x32xf32, #tpu.memory_space<vmem>> -> memref<1x32xf32, #tpu.memory_space<vmem>>
      %dma_start3A_414 = arith.constant 0 : i32
      %dma_start3A_415 = tpu.memref_slice %arg3[%squeeze3A_411, %dma_start3A_414] : memref<1000000x32xf32, #tpu.memory_space<hbm>> -> memref<1x32xf32, #tpu.memory_space<hbm>>
      %dma_start3A_416 = arith.constant 0 : i32
      %dma_start3A_417 = tpu.memref_slice %arg8[%add3A_409, %dma_start3A_416] : memref<128x32xf32, #tpu.memory_space<vmem>> -> memref<1x32xf32, #tpu.memory_space<vmem>>
      %dma_start3A_418 = arith.constant 0 : i32
      %dma_start3A_419 = tpu.memref_slice %arg3[%squeeze3A_411, %dma_start3A_418] : memref<1000000x32xf32, #tpu.memory_space<hbm>> -> memref<1x32xf32, #tpu.memory_space<hbm>>
      tpu.enqueue_dma source(%dma_start3A_419 : memref<1x32xf32, #tpu.memory_space<hbm>>) target(%dma_start3A_417 : memref<1x32xf32, #tpu.memory_space<vmem>>) target_semaphore(%arg13 : memref<!tpu.dma_semaphore, #tpu.memory_space<semaphore_mem>>)
      %slice3A_420 = vector.extract_strided_slice %get3A_104 {offsets = [13], sizes = [1], strides = [1]} : vector<16xi32> to vector<1xi32>
      %squeeze3A_421 = vector.extract %slice3A_420[0] : i32 from vector<1xi32>
      %dma_start3A_422 = arith.constant 0 : i32
      %dma_start3A_423 = tpu.memref_slice %arg10[%add3A_409, %dma_start3A_422] : memref<128x32xf32, #tpu.memory_space<vmem>> -> memref<1x32xf32, #tpu.memory_space<vmem>>
      %dma_start3A_424 = arith.constant 0 : i32
      %dma_start3A_425 = tpu.memref_slice %arg4[%squeeze3A_421, %dma_start3A_424] : memref<1000000x32xf32, #tpu.memory_space<hbm>> -> memref<1x32xf32, #tpu.memory_space<hbm>>
      %dma_start3A_426 = arith.constant 0 : i32
      %dma_start3A_427 = tpu.memref_slice %arg10[%add3A_409, %dma_start3A_426] : memref<128x32xf32, #tpu.memory_space<vmem>> -> memref<1x32xf32, #tpu.memory_space<vmem>>
      %dma_start3A_428 = arith.constant 0 : i32
      %dma_start3A_429 = tpu.memref_slice %arg4[%squeeze3A_421, %dma_start3A_428] : memref<1000000x32xf32, #tpu.memory_space<hbm>> -> memref<1x32xf32, #tpu.memory_space<hbm>>
      tpu.enqueue_dma source(%dma_start3A_429 : memref<1x32xf32, #tpu.memory_space<hbm>>) target(%dma_start3A_427 : memref<1x32xf32, #tpu.memory_space<vmem>>) target_semaphore(%arg13 : memref<!tpu.dma_semaphore, #tpu.memory_space<semaphore_mem>>)
      %mul3A_430 = arith.constant 16 : i32
      %mul3A_431 = arith.muli %scan3A_99, %mul3A_430 : i32
      %jit3A_432 = arith.constant 2 : i32
      %div3A_433 = arith.divsi %mul3A_431, %jit3A_432 : i32
      %sign3A_434 = arith.constant 0 : i32
      %sign3A_435 = arith.cmpi sgt, %mul3A_431, %sign3A_434 : i32
      %sign3A_436 = arith.extui %sign3A_435 : i1 to i32
      %sign3A_437 = arith.constant 0 : i32
      %sign3A_438 = arith.cmpi slt, %mul3A_431, %sign3A_437 : i32
      %sign3A_439 = arith.extui %sign3A_438 : i1 to i32
      %sign3A_440 = arith.subi %sign3A_436, %sign3A_439 : i32
      %sign3A_441 = arith.constant 0 : i32
      %sign3A_442 = arith.cmpi sgt, %jit3A_432, %sign3A_441 : i32
      %sign3A_443 = arith.extui %sign3A_442 : i1 to i32
      %sign3A_444 = arith.constant 0 : i32
      %sign3A_445 = arith.cmpi slt, %jit3A_432, %sign3A_444 : i32
      %sign3A_446 = arith.extui %sign3A_445 : i1 to i32
      %sign3A_447 = arith.subi %sign3A_443, %sign3A_446 : i32
      %ne3A_448 = arith.cmpi ne, %sign3A_440, %sign3A_447 : i32
      %rem3A_449 = arith.remsi %mul3A_431, %jit3A_432 : i32
      %ne3A_450 = arith.constant 0 : i32
      %ne3A_451 = arith.cmpi ne, %rem3A_449, %ne3A_450 : i32
      %and3A_452 = arith.andi %ne3A_448, %ne3A_451 : i1
      %sub3A_453 = arith.constant 1 : i32
      %sub3A_454 = arith.subi %div3A_433, %sub3A_453 : i32
      %select_n3A_455 = arith.select %and3A_452, %sub3A_454, %div3A_433 : i32
      %add3A_456 = arith.constant 7 : i32
      %add3A_457 = arith.addi %select_n3A_455, %add3A_456 : i32
      %slice3A_458 = vector.extract_strided_slice %get3A_104 {offsets = [14], sizes = [1], strides = [1]} : vector<16xi32> to vector<1xi32>
      %squeeze3A_459 = vector.extract %slice3A_458[0] : i32 from vector<1xi32>
      %dma_start3A_460 = arith.constant 0 : i32
      %dma_start3A_461 = tpu.memref_slice %arg8[%add3A_457, %dma_start3A_460] : memref<128x32xf32, #tpu.memory_space<vmem>> -> memref<1x32xf32, #tpu.memory_space<vmem>>
      %dma_start3A_462 = arith.constant 0 : i32
      %dma_start3A_463 = tpu.memref_slice %arg3[%squeeze3A_459, %dma_start3A_462] : memref<1000000x32xf32, #tpu.memory_space<hbm>> -> memref<1x32xf32, #tpu.memory_space<hbm>>
      %dma_start3A_464 = arith.constant 0 : i32
      %dma_start3A_465 = tpu.memref_slice %arg8[%add3A_457, %dma_start3A_464] : memref<128x32xf32, #tpu.memory_space<vmem>> -> memref<1x32xf32, #tpu.memory_space<vmem>>
      %dma_start3A_466 = arith.constant 0 : i32
      %dma_start3A_467 = tpu.memref_slice %arg3[%squeeze3A_459, %dma_start3A_466] : memref<1000000x32xf32, #tpu.memory_space<hbm>> -> memref<1x32xf32, #tpu.memory_space<hbm>>
      tpu.enqueue_dma source(%dma_start3A_467 : memref<1x32xf32, #tpu.memory_space<hbm>>) target(%dma_start3A_465 : memref<1x32xf32, #tpu.memory_space<vmem>>) target_semaphore(%arg13 : memref<!tpu.dma_semaphore, #tpu.memory_space<semaphore_mem>>)
      %slice3A_468 = vector.extract_strided_slice %get3A_104 {offsets = [15], sizes = [1], strides = [1]} : vector<16xi32> to vector<1xi32>
      %squeeze3A_469 = vector.extract %slice3A_468[0] : i32 from vector<1xi32>
      %dma_start3A_470 = arith.constant 0 : i32
      %dma_start3A_471 = tpu.memref_slice %arg10[%add3A_457, %dma_start3A_470] : memref<128x32xf32, #tpu.memory_space<vmem>> -> memref<1x32xf32, #tpu.memory_space<vmem>>
      %dma_start3A_472 = arith.constant 0 : i32
      %dma_start3A_473 = tpu.memref_slice %arg4[%squeeze3A_469, %dma_start3A_472] : memref<1000000x32xf32, #tpu.memory_space<hbm>> -> memref<1x32xf32, #tpu.memory_space<hbm>>
      %dma_start3A_474 = arith.constant 0 : i32
      %dma_start3A_475 = tpu.memref_slice %arg10[%add3A_457, %dma_start3A_474] : memref<128x32xf32, #tpu.memory_space<vmem>> -> memref<1x32xf32, #tpu.memory_space<vmem>>
      %dma_start3A_476 = arith.constant 0 : i32
      %dma_start3A_477 = tpu.memref_slice %arg4[%squeeze3A_469, %dma_start3A_476] : memref<1000000x32xf32, #tpu.memory_space<hbm>> -> memref<1x32xf32, #tpu.memory_space<hbm>>
      tpu.enqueue_dma source(%dma_start3A_477 : memref<1x32xf32, #tpu.memory_space<hbm>>) target(%dma_start3A_475 : memref<1x32xf32, #tpu.memory_space<vmem>>) target_semaphore(%arg13 : memref<!tpu.dma_semaphore, #tpu.memory_space<semaphore_mem>>)
    }
    %scan3A_62 = arith.constant 16 : i32
    %dma_wait3A_63 = arith.constant 0 : i32
    %dma_wait3A_64 = arith.constant 0 : i32
    %dma_wait3A_65 = tpu.memref_slice %arg3[%dma_wait3A_63, %dma_wait3A_64] : memref<1000000x32xf32, #tpu.memory_space<hbm>> -> memref<128x32xf32, #tpu.memory_space<hbm>>
    %dma_wait3A_66 = arith.constant 0 : i32
    %dma_wait3A_67 = arith.constant 0 : i32
    %dma_wait3A_68 = tpu.memref_slice %arg3[%dma_wait3A_66, %dma_wait3A_67] : memref<1000000x32xf32, #tpu.memory_space<hbm>> -> memref<128x32xf32, #tpu.memory_space<hbm>>
    tpu.wait_dma2 semaphore(%arg12 : memref<!tpu.dma_semaphore, #tpu.memory_space<semaphore_mem>>) src(%dma_wait3A_68 : memref<128x32xf32, #tpu.memory_space<hbm>>) dst(%arg7 : memref<128x32xf32, #tpu.memory_space<vmem>>)
    %dma_wait3A_69 = arith.constant 0 : i32
    %dma_wait3A_70 = arith.constant 0 : i32
    %dma_wait3A_71 = tpu.memref_slice %arg4[%dma_wait3A_69, %dma_wait3A_70] : memref<1000000x32xf32, #tpu.memory_space<hbm>> -> memref<128x32xf32, #tpu.memory_space<hbm>>
    %dma_wait3A_72 = arith.constant 0 : i32
    %dma_wait3A_73 = arith.constant 0 : i32
    %dma_wait3A_74 = tpu.memref_slice %arg4[%dma_wait3A_72, %dma_wait3A_73] : memref<1000000x32xf32, #tpu.memory_space<hbm>> -> memref<128x32xf32, #tpu.memory_space<hbm>>
    tpu.wait_dma2 semaphore(%arg12 : memref<!tpu.dma_semaphore, #tpu.memory_space<semaphore_mem>>) src(%dma_wait3A_74 : memref<128x32xf32, #tpu.memory_space<hbm>>) dst(%arg9 : memref<128x32xf32, #tpu.memory_space<vmem>>)
    %scan3A_75 = arith.constant 0 : i32
    %scan3A_76 = arith.constant 0 : i32
    %scan3A_77 = arith.constant 8 : i32
    %scan3A_78 = arith.addi %scan3A_76, %scan3A_77 : i32
    %scan3A_79 = arith.constant 1 : i32
    scf.for %scan3A_99 = %scan3A_76 to %scan3A_78 step %scan3A_79  : i32 {
      %mul3A_100 = arith.constant 16 : i32
      %mul3A_101 = arith.muli %scan3A_99, %mul3A_100 : i32
      %add3A_102 = vector.broadcast %mul3A_101 : i32 to vector<16xi32>
      %add3A_103 = arith.addi %add3A_102, %iota3A : vector<16xi32>
      %broadcast_in_dim3A = arith.constant 0 : i32
      %broadcast_in_dim3A_104 = vector.broadcast %broadcast_in_dim3A : i32 to vector<16xi32>
      %gather3A = tpu.vector_load_idx %arg7[%add3A_103, %broadcast_in_dim3A_104] : memref<128x32xf32, #tpu.memory_space<vmem>>[vector<16xi32>, vector<16xi32>], vector<16xf32>,
      %gather3A_105 = tpu.vector_load_idx %arg9[%add3A_103, %broadcast_in_dim3A_104] : memref<128x32xf32, #tpu.memory_space<vmem>>[vector<16xi32>, vector<16xi32>], vector<16xf32>,
      %mul3A_106 = arith.mulf %gather3A, %gather3A_105 : vector<16xf32>
      %broadcast_in_dim3A_107 = arith.constant 1 : i32
      %broadcast_in_dim3A_108 = vector.broadcast %broadcast_in_dim3A_107 : i32 to vector<16xi32>
      %gather3A_109 = tpu.vector_load_idx %arg7[%add3A_103, %broadcast_in_dim3A_108] : memref<128x32xf32, #tpu.memory_space<vmem>>[vector<16xi32>, vector<16xi32>], vector<16xf32>,
      %gather3A_110 = tpu.vector_load_idx %arg9[%add3A_103, %broadcast_in_dim3A_108] : memref<128x32xf32, #tpu.memory_space<vmem>>[vector<16xi32>, vector<16xi32>], vector<16xf32>,
      %mul3A_111 = arith.mulf %gather3A_109, %gather3A_110 : vector<16xf32>
      %add3A_112 = arith.addf %mul3A_106, %mul3A_111 : vector<16xf32>
      %broadcast_in_dim3A_113 = arith.constant 2 : i32
      %broadcast_in_dim3A_114 = vector.broadcast %broadcast_in_dim3A_113 : i32 to vector<16xi32>
      %gather3A_115 = tpu.vector_load_idx %arg7[%add3A_103, %broadcast_in_dim3A_114] : memref<128x32xf32, #tpu.memory_space<vmem>>[vector<16xi32>, vector<16xi32>], vector<16xf32>,
      %gather3A_116 = tpu.vector_load_idx %arg9[%add3A_103, %broadcast_in_dim3A_114] : memref<128x32xf32, #tpu.memory_space<vmem>>[vector<16xi32>, vector<16xi32>], vector<16xf32>,
      %mul3A_117 = arith.mulf %gather3A_115, %gather3A_116 : vector<16xf32>
      %add3A_118 = arith.addf %add3A_112, %mul3A_117 : vector<16xf32>
      %broadcast_in_dim3A_119 = arith.constant 3 : i32
      %broadcast_in_dim3A_120 = vector.broadcast %broadcast_in_dim3A_119 : i32 to vector<16xi32>
      %gather3A_121 = tpu.vector_load_idx %arg7[%add3A_103, %broadcast_in_dim3A_120] : memref<128x32xf32, #tpu.memory_space<vmem>>[vector<16xi32>, vector<16xi32>], vector<16xf32>,
      %gather3A_122 = tpu.vector_load_idx %arg9[%add3A_103, %broadcast_in_dim3A_120] : memref<128x32xf32, #tpu.memory_space<vmem>>[vector<16xi32>, vector<16xi32>], vector<16xf32>,
      %mul3A_123 = arith.mulf %gather3A_121, %gather3A_122 : vector<16xf32>
      %add3A_124 = arith.addf %add3A_118, %mul3A_123 : vector<16xf32>
      %broadcast_in_dim3A_125 = arith.constant 4 : i32
      %broadcast_in_dim3A_126 = vector.broadcast %broadcast_in_dim3A_125 : i32 to vector<16xi32>
      %gather3A_127 = tpu.vector_load_idx %arg7[%add3A_103, %broadcast_in_dim3A_126] : memref<128x32xf32, #tpu.memory_space<vmem>>[vector<16xi32>, vector<16xi32>], vector<16xf32>,
      %gather3A_128 = tpu.vector_load_idx %arg9[%add3A_103, %broadcast_in_dim3A_126] : memref<128x32xf32, #tpu.memory_space<vmem>>[vector<16xi32>, vector<16xi32>], vector<16xf32>,
      %mul3A_129 = arith.mulf %gather3A_127, %gather3A_128 : vector<16xf32>
      %add3A_130 = arith.addf %add3A_124, %mul3A_129 : vector<16xf32>
      %broadcast_in_dim3A_131 = arith.constant 5 : i32
      %broadcast_in_dim3A_132 = vector.broadcast %broadcast_in_dim3A_131 : i32 to vector<16xi32>
      %gather3A_133 = tpu.vector_load_idx %arg7[%add3A_103, %broadcast_in_dim3A_132] : memref<128x32xf32, #tpu.memory_space<vmem>>[vector<16xi32>, vector<16xi32>], vector<16xf32>,
      %gather3A_134 = tpu.vector_load_idx %arg9[%add3A_103, %broadcast_in_dim3A_132] : memref<128x32xf32, #tpu.memory_space<vmem>>[vector<16xi32>, vector<16xi32>], vector<16xf32>,
      %mul3A_135 = arith.mulf %gather3A_133, %gather3A_134 : vector<16xf32>
      %add3A_136 = arith.addf %add3A_130, %mul3A_135 : vector<16xf32>
      %broadcast_in_dim3A_137 = arith.constant 6 : i32
      %broadcast_in_dim3A_138 = vector.broadcast %broadcast_in_dim3A_137 : i32 to vector<16xi32>
      %gather3A_139 = tpu.vector_load_idx %arg7[%add3A_103, %broadcast_in_dim3A_138] : memref<128x32xf32, #tpu.memory_space<vmem>>[vector<16xi32>, vector<16xi32>], vector<16xf32>,
      %gather3A_140 = tpu.vector_load_idx %arg9[%add3A_103, %broadcast_in_dim3A_138] : memref<128x32xf32, #tpu.memory_space<vmem>>[vector<16xi32>, vector<16xi32>], vector<16xf32>,
      %mul3A_141 = arith.mulf %gather3A_139, %gather3A_140 : vector<16xf32>
      %add3A_142 = arith.addf %add3A_136, %mul3A_141 : vector<16xf32>
      %broadcast_in_dim3A_143 = arith.constant 7 : i32
      %broadcast_in_dim3A_144 = vector.broadcast %broadcast_in_dim3A_143 : i32 to vector<16xi32>
      %gather3A_145 = tpu.vector_load_idx %arg7[%add3A_103, %broadcast_in_dim3A_144] : memref<128x32xf32, #tpu.memory_space<vmem>>[vector<16xi32>, vector<16xi32>], vector<16xf32>,
      %gather3A_146 = tpu.vector_load_idx %arg9[%add3A_103, %broadcast_in_dim3A_144] : memref<128x32xf32, #tpu.memory_space<vmem>>[vector<16xi32>, vector<16xi32>], vector<16xf32>,
      %mul3A_147 = arith.mulf %gather3A_145, %gather3A_146 : vector<16xf32>
      %add3A_148 = arith.addf %add3A_142, %mul3A_147 : vector<16xf32>
      %broadcast_in_dim3A_149 = arith.constant 8 : i32
      %broadcast_in_dim3A_150 = vector.broadcast %broadcast_in_dim3A_149 : i32 to vector<16xi32>
      %gather3A_151 = tpu.vector_load_idx %arg7[%add3A_103, %broadcast_in_dim3A_150] : memref<128x32xf32, #tpu.memory_space<vmem>>[vector<16xi32>, vector<16xi32>], vector<16xf32>,
      %gather3A_152 = tpu.vector_load_idx %arg9[%add3A_103, %broadcast_in_dim3A_150] : memref<128x32xf32, #tpu.memory_space<vmem>>[vector<16xi32>, vector<16xi32>], vector<16xf32>,
      %mul3A_153 = arith.mulf %gather3A_151, %gather3A_152 : vector<16xf32>
      %add3A_154 = arith.addf %add3A_148, %mul3A_153 : vector<16xf32>
      %broadcast_in_dim3A_155 = arith.constant 9 : i32
      %broadcast_in_dim3A_156 = vector.broadcast %broadcast_in_dim3A_155 : i32 to vector<16xi32>
      %gather3A_157 = tpu.vector_load_idx %arg7[%add3A_103, %broadcast_in_dim3A_156] : memref<128x32xf32, #tpu.memory_space<vmem>>[vector<16xi32>, vector<16xi32>], vector<16xf32>,
      %gather3A_158 = tpu.vector_load_idx %arg9[%add3A_103, %broadcast_in_dim3A_156] : memref<128x32xf32, #tpu.memory_space<vmem>>[vector<16xi32>, vector<16xi32>], vector<16xf32>,
      %mul3A_159 = arith.mulf %gather3A_157, %gather3A_158 : vector<16xf32>
      %add3A_160 = arith.addf %add3A_154, %mul3A_159 : vector<16xf32>
      %broadcast_in_dim3A_161 = arith.constant 10 : i32
      %broadcast_in_dim3A_162 = vector.broadcast %broadcast_in_dim3A_161 : i32 to vector<16xi32>
      %gather3A_163 = tpu.vector_load_idx %arg7[%add3A_103, %broadcast_in_dim3A_162] : memref<128x32xf32, #tpu.memory_space<vmem>>[vector<16xi32>, vector<16xi32>], vector<16xf32>,
      %gather3A_164 = tpu.vector_load_idx %arg9[%add3A_103, %broadcast_in_dim3A_162] : memref<128x32xf32, #tpu.memory_space<vmem>>[vector<16xi32>, vector<16xi32>], vector<16xf32>,
      %mul3A_165 = arith.mulf %gather3A_163, %gather3A_164 : vector<16xf32>
      %add3A_166 = arith.addf %add3A_160, %mul3A_165 : vector<16xf32>
      %broadcast_in_dim3A_167 = arith.constant 11 : i32
      %broadcast_in_dim3A_168 = vector.broadcast %broadcast_in_dim3A_167 : i32 to vector<16xi32>
      %gather3A_169 = tpu.vector_load_idx %arg7[%add3A_103, %broadcast_in_dim3A_168] : memref<128x32xf32, #tpu.memory_space<vmem>>[vector<16xi32>, vector<16xi32>], vector<16xf32>,
      %gather3A_170 = tpu.vector_load_idx %arg9[%add3A_103, %broadcast_in_dim3A_168] : memref<128x32xf32, #tpu.memory_space<vmem>>[vector<16xi32>, vector<16xi32>], vector<16xf32>,
      %mul3A_171 = arith.mulf %gather3A_169, %gather3A_170 : vector<16xf32>
      %add3A_172 = arith.addf %add3A_166, %mul3A_171 : vector<16xf32>
      %broadcast_in_dim3A_173 = arith.constant 12 : i32
      %broadcast_in_dim3A_174 = vector.broadcast %broadcast_in_dim3A_173 : i32 to vector<16xi32>
      %gather3A_175 = tpu.vector_load_idx %arg7[%add3A_103, %broadcast_in_dim3A_174] : memref<128x32xf32, #tpu.memory_space<vmem>>[vector<16xi32>, vector<16xi32>], vector<16xf32>,
      %gather3A_176 = tpu.vector_load_idx %arg9[%add3A_103, %broadcast_in_dim3A_174] : memref<128x32xf32, #tpu.memory_space<vmem>>[vector<16xi32>, vector<16xi32>], vector<16xf32>,
      %mul3A_177 = arith.mulf %gather3A_175, %gather3A_176 : vector<16xf32>
      %add3A_178 = arith.addf %add3A_172, %mul3A_177 : vector<16xf32>
      %broadcast_in_dim3A_179 = arith.constant 13 : i32
      %broadcast_in_dim3A_180 = vector.broadcast %broadcast_in_dim3A_179 : i32 to vector<16xi32>
      %gather3A_181 = tpu.vector_load_idx %arg7[%add3A_103, %broadcast_in_dim3A_180] : memref<128x32xf32, #tpu.memory_space<vmem>>[vector<16xi32>, vector<16xi32>], vector<16xf32>,
      %gather3A_182 = tpu.vector_load_idx %arg9[%add3A_103, %broadcast_in_dim3A_180] : memref<128x32xf32, #tpu.memory_space<vmem>>[vector<16xi32>, vector<16xi32>], vector<16xf32>,
      %mul3A_183 = arith.mulf %gather3A_181, %gather3A_182 : vector<16xf32>
      %add3A_184 = arith.addf %add3A_178, %mul3A_183 : vector<16xf32>
      %broadcast_in_dim3A_185 = arith.constant 14 : i32
      %broadcast_in_dim3A_186 = vector.broadcast %broadcast_in_dim3A_185 : i32 to vector<16xi32>
      %gather3A_187 = tpu.vector_load_idx %arg7[%add3A_103, %broadcast_in_dim3A_186] : memref<128x32xf32, #tpu.memory_space<vmem>>[vector<16xi32>, vector<16xi32>], vector<16xf32>,
      %gather3A_188 = tpu.vector_load_idx %arg9[%add3A_103, %broadcast_in_dim3A_186] : memref<128x32xf32, #tpu.memory_space<vmem>>[vector<16xi32>, vector<16xi32>], vector<16xf32>,
      %mul3A_189 = arith.mulf %gather3A_187, %gather3A_188 : vector<16xf32>
      %add3A_190 = arith.addf %add3A_184, %mul3A_189 : vector<16xf32>
      %broadcast_in_dim3A_191 = arith.constant 15 : i32
      %broadcast_in_dim3A_192 = vector.broadcast %broadcast_in_dim3A_191 : i32 to vector<16xi32>
      %gather3A_193 = tpu.vector_load_idx %arg7[%add3A_103, %broadcast_in_dim3A_192] : memref<128x32xf32, #tpu.memory_space<vmem>>[vector<16xi32>, vector<16xi32>], vector<16xf32>,
      %gather3A_194 = tpu.vector_load_idx %arg9[%add3A_103, %broadcast_in_dim3A_192] : memref<128x32xf32, #tpu.memory_space<vmem>>[vector<16xi32>, vector<16xi32>], vector<16xf32>,
      %mul3A_195 = arith.mulf %gather3A_193, %gather3A_194 : vector<16xf32>
      %add3A_196 = arith.addf %add3A_190, %mul3A_195 : vector<16xf32>
      %broadcast_in_dim3A_197 = arith.constant 16 : i32
      %broadcast_in_dim3A_198 = vector.broadcast %broadcast_in_dim3A_197 : i32 to vector<16xi32>
      %gather3A_199 = tpu.vector_load_idx %arg7[%add3A_103, %broadcast_in_dim3A_198] : memref<128x32xf32, #tpu.memory_space<vmem>>[vector<16xi32>, vector<16xi32>], vector<16xf32>,
      %gather3A_200 = tpu.vector_load_idx %arg9[%add3A_103, %broadcast_in_dim3A_198] : memref<128x32xf32, #tpu.memory_space<vmem>>[vector<16xi32>, vector<16xi32>], vector<16xf32>,
      %mul3A_201 = arith.mulf %gather3A_199, %gather3A_200 : vector<16xf32>
      %add3A_202 = arith.addf %add3A_196, %mul3A_201 : vector<16xf32>
      %broadcast_in_dim3A_203 = arith.constant 17 : i32
      %broadcast_in_dim3A_204 = vector.broadcast %broadcast_in_dim3A_203 : i32 to vector<16xi32>
      %gather3A_205 = tpu.vector_load_idx %arg7[%add3A_103, %broadcast_in_dim3A_204] : memref<128x32xf32, #tpu.memory_space<vmem>>[vector<16xi32>, vector<16xi32>], vector<16xf32>,
      %gather3A_206 = tpu.vector_load_idx %arg9[%add3A_103, %broadcast_in_dim3A_204] : memref<128x32xf32, #tpu.memory_space<vmem>>[vector<16xi32>, vector<16xi32>], vector<16xf32>,
      %mul3A_207 = arith.mulf %gather3A_205, %gather3A_206 : vector<16xf32>
      %add3A_208 = arith.addf %add3A_202, %mul3A_207 : vector<16xf32>
      %broadcast_in_dim3A_209 = arith.constant 18 : i32
      %broadcast_in_dim3A_210 = vector.broadcast %broadcast_in_dim3A_209 : i32 to vector<16xi32>
      %gather3A_211 = tpu.vector_load_idx %arg7[%add3A_103, %broadcast_in_dim3A_210] : memref<128x32xf32, #tpu.memory_space<vmem>>[vector<16xi32>, vector<16xi32>], vector<16xf32>,
      %gather3A_212 = tpu.vector_load_idx %arg9[%add3A_103, %broadcast_in_dim3A_210] : memref<128x32xf32, #tpu.memory_space<vmem>>[vector<16xi32>, vector<16xi32>], vector<16xf32>,
      %mul3A_213 = arith.mulf %gather3A_211, %gather3A_212 : vector<16xf32>
      %add3A_214 = arith.addf %add3A_208, %mul3A_213 : vector<16xf32>
      %broadcast_in_dim3A_215 = arith.constant 19 : i32
      %broadcast_in_dim3A_216 = vector.broadcast %broadcast_in_dim3A_215 : i32 to vector<16xi32>
      %gather3A_217 = tpu.vector_load_idx %arg7[%add3A_103, %broadcast_in_dim3A_216] : memref<128x32xf32, #tpu.memory_space<vmem>>[vector<16xi32>, vector<16xi32>], vector<16xf32>,
      %gather3A_218 = tpu.vector_load_idx %arg9[%add3A_103, %broadcast_in_dim3A_216] : memref<128x32xf32, #tpu.memory_space<vmem>>[vector<16xi32>, vector<16xi32>], vector<16xf32>,
      %mul3A_219 = arith.mulf %gather3A_217, %gather3A_218 : vector<16xf32>
      %add3A_220 = arith.addf %add3A_214, %mul3A_219 : vector<16xf32>
      %broadcast_in_dim3A_221 = arith.constant 20 : i32
      %broadcast_in_dim3A_222 = vector.broadcast %broadcast_in_dim3A_221 : i32 to vector<16xi32>
      %gather3A_223 = tpu.vector_load_idx %arg7[%add3A_103, %broadcast_in_dim3A_222] : memref<128x32xf32, #tpu.memory_space<vmem>>[vector<16xi32>, vector<16xi32>], vector<16xf32>,
      %gather3A_224 = tpu.vector_load_idx %arg9[%add3A_103, %broadcast_in_dim3A_222] : memref<128x32xf32, #tpu.memory_space<vmem>>[vector<16xi32>, vector<16xi32>], vector<16xf32>,
      %mul3A_225 = arith.mulf %gather3A_223, %gather3A_224 : vector<16xf32>
      %add3A_226 = arith.addf %add3A_220, %mul3A_225 : vector<16xf32>
      %broadcast_in_dim3A_227 = arith.constant 21 : i32
      %broadcast_in_dim3A_228 = vector.broadcast %broadcast_in_dim3A_227 : i32 to vector<16xi32>
      %gather3A_229 = tpu.vector_load_idx %arg7[%add3A_103, %broadcast_in_dim3A_228] : memref<128x32xf32, #tpu.memory_space<vmem>>[vector<16xi32>, vector<16xi32>], vector<16xf32>,
      %gather3A_230 = tpu.vector_load_idx %arg9[%add3A_103, %broadcast_in_dim3A_228] : memref<128x32xf32, #tpu.memory_space<vmem>>[vector<16xi32>, vector<16xi32>], vector<16xf32>,
      %mul3A_231 = arith.mulf %gather3A_229, %gather3A_230 : vector<16xf32>
      %add3A_232 = arith.addf %add3A_226, %mul3A_231 : vector<16xf32>
      %broadcast_in_dim3A_233 = arith.constant 22 : i32
      %broadcast_in_dim3A_234 = vector.broadcast %broadcast_in_dim3A_233 : i32 to vector<16xi32>
      %gather3A_235 = tpu.vector_load_idx %arg7[%add3A_103, %broadcast_in_dim3A_234] : memref<128x32xf32, #tpu.memory_space<vmem>>[vector<16xi32>, vector<16xi32>], vector<16xf32>,
      %gather3A_236 = tpu.vector_load_idx %arg9[%add3A_103, %broadcast_in_dim3A_234] : memref<128x32xf32, #tpu.memory_space<vmem>>[vector<16xi32>, vector<16xi32>], vector<16xf32>,
      %mul3A_237 = arith.mulf %gather3A_235, %gather3A_236 : vector<16xf32>
      %add3A_238 = arith.addf %add3A_232, %mul3A_237 : vector<16xf32>
      %broadcast_in_dim3A_239 = arith.constant 23 : i32
      %broadcast_in_dim3A_240 = vector.broadcast %broadcast_in_dim3A_239 : i32 to vector<16xi32>
      %gather3A_241 = tpu.vector_load_idx %arg7[%add3A_103, %broadcast_in_dim3A_240] : memref<128x32xf32, #tpu.memory_space<vmem>>[vector<16xi32>, vector<16xi32>], vector<16xf32>,
      %gather3A_242 = tpu.vector_load_idx %arg9[%add3A_103, %broadcast_in_dim3A_240] : memref<128x32xf32, #tpu.memory_space<vmem>>[vector<16xi32>, vector<16xi32>], vector<16xf32>,
      %mul3A_243 = arith.mulf %gather3A_241, %gather3A_242 : vector<16xf32>
      %add3A_244 = arith.addf %add3A_238, %mul3A_243 : vector<16xf32>
      %broadcast_in_dim3A_245 = arith.constant 24 : i32
      %broadcast_in_dim3A_246 = vector.broadcast %broadcast_in_dim3A_245 : i32 to vector<16xi32>
      %gather3A_247 = tpu.vector_load_idx %arg7[%add3A_103, %broadcast_in_dim3A_246] : memref<128x32xf32, #tpu.memory_space<vmem>>[vector<16xi32>, vector<16xi32>], vector<16xf32>,
      %gather3A_248 = tpu.vector_load_idx %arg9[%add3A_103, %broadcast_in_dim3A_246] : memref<128x32xf32, #tpu.memory_space<vmem>>[vector<16xi32>, vector<16xi32>], vector<16xf32>,
      %mul3A_249 = arith.mulf %gather3A_247, %gather3A_248 : vector<16xf32>
      %add3A_250 = arith.addf %add3A_244, %mul3A_249 : vector<16xf32>
      %broadcast_in_dim3A_251 = arith.constant 25 : i32
      %broadcast_in_dim3A_252 = vector.broadcast %broadcast_in_dim3A_251 : i32 to vector<16xi32>
      %gather3A_253 = tpu.vector_load_idx %arg7[%add3A_103, %broadcast_in_dim3A_252] : memref<128x32xf32, #tpu.memory_space<vmem>>[vector<16xi32>, vector<16xi32>], vector<16xf32>,
      %gather3A_254 = tpu.vector_load_idx %arg9[%add3A_103, %broadcast_in_dim3A_252] : memref<128x32xf32, #tpu.memory_space<vmem>>[vector<16xi32>, vector<16xi32>], vector<16xf32>,
      %mul3A_255 = arith.mulf %gather3A_253, %gather3A_254 : vector<16xf32>
      %add3A_256 = arith.addf %add3A_250, %mul3A_255 : vector<16xf32>
      %broadcast_in_dim3A_257 = arith.constant 26 : i32
      %broadcast_in_dim3A_258 = vector.broadcast %broadcast_in_dim3A_257 : i32 to vector<16xi32>
      %gather3A_259 = tpu.vector_load_idx %arg7[%add3A_103, %broadcast_in_dim3A_258] : memref<128x32xf32, #tpu.memory_space<vmem>>[vector<16xi32>, vector<16xi32>], vector<16xf32>,
      %gather3A_260 = tpu.vector_load_idx %arg9[%add3A_103, %broadcast_in_dim3A_258] : memref<128x32xf32, #tpu.memory_space<vmem>>[vector<16xi32>, vector<16xi32>], vector<16xf32>,
      %mul3A_261 = arith.mulf %gather3A_259, %gather3A_260 : vector<16xf32>
      %add3A_262 = arith.addf %add3A_256, %mul3A_261 : vector<16xf32>
      %broadcast_in_dim3A_263 = arith.constant 27 : i32
      %broadcast_in_dim3A_264 = vector.broadcast %broadcast_in_dim3A_263 : i32 to vector<16xi32>
      %gather3A_265 = tpu.vector_load_idx %arg7[%add3A_103, %broadcast_in_dim3A_264] : memref<128x32xf32, #tpu.memory_space<vmem>>[vector<16xi32>, vector<16xi32>], vector<16xf32>,
      %gather3A_266 = tpu.vector_load_idx %arg9[%add3A_103, %broadcast_in_dim3A_264] : memref<128x32xf32, #tpu.memory_space<vmem>>[vector<16xi32>, vector<16xi32>], vector<16xf32>,
      %mul3A_267 = arith.mulf %gather3A_265, %gather3A_266 : vector<16xf32>
      %add3A_268 = arith.addf %add3A_262, %mul3A_267 : vector<16xf32>
      %broadcast_in_dim3A_269 = arith.constant 28 : i32
      %broadcast_in_dim3A_270 = vector.broadcast %broadcast_in_dim3A_269 : i32 to vector<16xi32>
      %gather3A_271 = tpu.vector_load_idx %arg7[%add3A_103, %broadcast_in_dim3A_270] : memref<128x32xf32, #tpu.memory_space<vmem>>[vector<16xi32>, vector<16xi32>], vector<16xf32>,
      %gather3A_272 = tpu.vector_load_idx %arg9[%add3A_103, %broadcast_in_dim3A_270] : memref<128x32xf32, #tpu.memory_space<vmem>>[vector<16xi32>, vector<16xi32>], vector<16xf32>,
      %mul3A_273 = arith.mulf %gather3A_271, %gather3A_272 : vector<16xf32>
      %add3A_274 = arith.addf %add3A_268, %mul3A_273 : vector<16xf32>
      %broadcast_in_dim3A_275 = arith.constant 29 : i32
      %broadcast_in_dim3A_276 = vector.broadcast %broadcast_in_dim3A_275 : i32 to vector<16xi32>
      %gather3A_277 = tpu.vector_load_idx %arg7[%add3A_103, %broadcast_in_dim3A_276] : memref<128x32xf32, #tpu.memory_space<vmem>>[vector<16xi32>, vector<16xi32>], vector<16xf32>,
      %gather3A_278 = tpu.vector_load_idx %arg9[%add3A_103, %broadcast_in_dim3A_276] : memref<128x32xf32, #tpu.memory_space<vmem>>[vector<16xi32>, vector<16xi32>], vector<16xf32>,
      %mul3A_279 = arith.mulf %gather3A_277, %gather3A_278 : vector<16xf32>
      %add3A_280 = arith.addf %add3A_274, %mul3A_279 : vector<16xf32>
      %broadcast_in_dim3A_281 = arith.constant 30 : i32
      %broadcast_in_dim3A_282 = vector.broadcast %broadcast_in_dim3A_281 : i32 to vector<16xi32>
      %gather3A_283 = tpu.vector_load_idx %arg7[%add3A_103, %broadcast_in_dim3A_282] : memref<128x32xf32, #tpu.memory_space<vmem>>[vector<16xi32>, vector<16xi32>], vector<16xf32>,
      %gather3A_284 = tpu.vector_load_idx %arg9[%add3A_103, %broadcast_in_dim3A_282] : memref<128x32xf32, #tpu.memory_space<vmem>>[vector<16xi32>, vector<16xi32>], vector<16xf32>,
      %mul3A_285 = arith.mulf %gather3A_283, %gather3A_284 : vector<16xf32>
      %add3A_286 = arith.addf %add3A_280, %mul3A_285 : vector<16xf32>
      %broadcast_in_dim3A_287 = arith.constant 31 : i32
      %broadcast_in_dim3A_288 = vector.broadcast %broadcast_in_dim3A_287 : i32 to vector<16xi32>
      %gather3A_289 = tpu.vector_load_idx %arg7[%add3A_103, %broadcast_in_dim3A_288] : memref<128x32xf32, #tpu.memory_space<vmem>>[vector<16xi32>, vector<16xi32>], vector<16xf32>,
      %gather3A_290 = tpu.vector_load_idx %arg9[%add3A_103, %broadcast_in_dim3A_288] : memref<128x32xf32, #tpu.memory_space<vmem>>[vector<16xi32>, vector<16xi32>], vector<16xf32>,
      %mul3A_291 = arith.mulf %gather3A_289, %gather3A_290 : vector<16xf32>
      %add3A_292 = arith.addf %add3A_286, %mul3A_291 : vector<16xf32>
      %neg3A = arith.constant 0.000000e+00 : f32
      %neg3A_293 = vector.broadcast %neg3A : f32 to vector<16xf32>
      %neg3A_294 = arith.subf %neg3A_293, %add3A_292 : vector<16xf32>
      %exp3A = math.exp %neg3A_294 : vector<16xf32>
      %add3A_295 = arith.constant 1.000000e+00 : f32
      %add3A_296 = vector.broadcast %add3A_295 : f32 to vector<16xf32>
      %add3A_297 = arith.addf %add3A_296, %exp3A : vector<16xf32>
      %div3A = arith.constant 1.000000e+00 : f32
      %div3A_298 = vector.broadcast %div3A : f32 to vector<16xf32>
      %div3A_299 = arith.divf %div3A_298, %add3A_297 : vector<16xf32>
      %mul3A_300 = arith.constant 16 : i32
      %mul3A_301 = arith.muli %scan3A_99, %mul3A_300 : i32
      %add3A_302 = arith.constant 256 : i32
      %add3A_303 = arith.addi %add3A_302, %mul3A_301 : i32
      %swap3A = arith.index_cast %add3A_303 : i32 to index
      %swap3A_304 = tpu.vector_load %arg11[%swap3A] {strides = array<i32>} : memref<512xf32, #tpu.memory_space<vmem>>, vector<16xf32>,
      tpu.vector_store %arg11[%swap3A], %div3A_299 {strides = array<i32>} : memref<512xf32, #tpu.memory_space<vmem>>, vector<16xf32>,
    }
    %scan3A_80 = arith.constant 8 : i32
    %dma_wait3A_81 = arith.constant 0 : i32
    %dma_wait3A_82 = arith.constant 0 : i32
    %dma_wait3A_83 = tpu.memref_slice %arg3[%dma_wait3A_81, %dma_wait3A_82] : memref<1000000x32xf32, #tpu.memory_space<hbm>> -> memref<128x32xf32, #tpu.memory_space<hbm>>
    %dma_wait3A_84 = arith.constant 0 : i32
    %dma_wait3A_85 = arith.constant 0 : i32
    %dma_wait3A_86 = tpu.memref_slice %arg3[%dma_wait3A_84, %dma_wait3A_85] : memref<1000000x32xf32, #tpu.memory_space<hbm>> -> memref<128x32xf32, #tpu.memory_space<hbm>>
    tpu.wait_dma2 semaphore(%arg13 : memref<!tpu.dma_semaphore, #tpu.memory_space<semaphore_mem>>) src(%dma_wait3A_86 : memref<128x32xf32, #tpu.memory_space<hbm>>) dst(%arg8 : memref<128x32xf32, #tpu.memory_space<vmem>>)
    %dma_wait3A_87 = arith.constant 0 : i32
    %dma_wait3A_88 = arith.constant 0 : i32
    %dma_wait3A_89 = tpu.memref_slice %arg4[%dma_wait3A_87, %dma_wait3A_88] : memref<1000000x32xf32, #tpu.memory_space<hbm>> -> memref<128x32xf32, #tpu.memory_space<hbm>>
    %dma_wait3A_90 = arith.constant 0 : i32
    %dma_wait3A_91 = arith.constant 0 : i32
    %dma_wait3A_92 = tpu.memref_slice %arg4[%dma_wait3A_90, %dma_wait3A_91] : memref<1000000x32xf32, #tpu.memory_space<hbm>> -> memref<128x32xf32, #tpu.memory_space<hbm>>
    tpu.wait_dma2 semaphore(%arg13 : memref<!tpu.dma_semaphore, #tpu.memory_space<semaphore_mem>>) src(%dma_wait3A_92 : memref<128x32xf32, #tpu.memory_space<hbm>>) dst(%arg10 : memref<128x32xf32, #tpu.memory_space<vmem>>)
    %scan3A_93 = arith.constant 0 : i32
    %scan3A_94 = arith.constant 0 : i32
    %scan3A_95 = arith.constant 8 : i32
    %scan3A_96 = arith.addi %scan3A_94, %scan3A_95 : i32
    %scan3A_97 = arith.constant 1 : i32
    scf.for %scan3A_99 = %scan3A_94 to %scan3A_96 step %scan3A_97  : i32 {
      %mul3A_100 = arith.constant 16 : i32
      %mul3A_101 = arith.muli %scan3A_99, %mul3A_100 : i32
      %add3A_102 = vector.broadcast %mul3A_101 : i32 to vector<16xi32>
      %add3A_103 = arith.addi %add3A_102, %iota3A : vector<16xi32>
      %broadcast_in_dim3A = arith.constant 0 : i32
      %broadcast_in_dim3A_104 = vector.broadcast %broadcast_in_dim3A : i32 to vector<16xi32>
      %gather3A = tpu.vector_load_idx %arg8[%add3A_103, %broadcast_in_dim3A_104] : memref<128x32xf32, #tpu.memory_space<vmem>>[vector<16xi32>, vector<16xi32>], vector<16xf32>,
      %gather3A_105 = tpu.vector_load_idx %arg10[%add3A_103, %broadcast_in_dim3A_104] : memref<128x32xf32, #tpu.memory_space<vmem>>[vector<16xi32>, vector<16xi32>], vector<16xf32>,
      %mul3A_106 = arith.mulf %gather3A, %gather3A_105 : vector<16xf32>
      %broadcast_in_dim3A_107 = arith.constant 1 : i32
      %broadcast_in_dim3A_108 = vector.broadcast %broadcast_in_dim3A_107 : i32 to vector<16xi32>
      %gather3A_109 = tpu.vector_load_idx %arg8[%add3A_103, %broadcast_in_dim3A_108] : memref<128x32xf32, #tpu.memory_space<vmem>>[vector<16xi32>, vector<16xi32>], vector<16xf32>,
      %gather3A_110 = tpu.vector_load_idx %arg10[%add3A_103, %broadcast_in_dim3A_108] : memref<128x32xf32, #tpu.memory_space<vmem>>[vector<16xi32>, vector<16xi32>], vector<16xf32>,
      %mul3A_111 = arith.mulf %gather3A_109, %gather3A_110 : vector<16xf32>
      %add3A_112 = arith.addf %mul3A_106, %mul3A_111 : vector<16xf32>
      %broadcast_in_dim3A_113 = arith.constant 2 : i32
      %broadcast_in_dim3A_114 = vector.broadcast %broadcast_in_dim3A_113 : i32 to vector<16xi32>
      %gather3A_115 = tpu.vector_load_idx %arg8[%add3A_103, %broadcast_in_dim3A_114] : memref<128x32xf32, #tpu.memory_space<vmem>>[vector<16xi32>, vector<16xi32>], vector<16xf32>,
      %gather3A_116 = tpu.vector_load_idx %arg10[%add3A_103, %broadcast_in_dim3A_114] : memref<128x32xf32, #tpu.memory_space<vmem>>[vector<16xi32>, vector<16xi32>], vector<16xf32>,
      %mul3A_117 = arith.mulf %gather3A_115, %gather3A_116 : vector<16xf32>
      %add3A_118 = arith.addf %add3A_112, %mul3A_117 : vector<16xf32>
      %broadcast_in_dim3A_119 = arith.constant 3 : i32
      %broadcast_in_dim3A_120 = vector.broadcast %broadcast_in_dim3A_119 : i32 to vector<16xi32>
      %gather3A_121 = tpu.vector_load_idx %arg8[%add3A_103, %broadcast_in_dim3A_120] : memref<128x32xf32, #tpu.memory_space<vmem>>[vector<16xi32>, vector<16xi32>], vector<16xf32>,
      %gather3A_122 = tpu.vector_load_idx %arg10[%add3A_103, %broadcast_in_dim3A_120] : memref<128x32xf32, #tpu.memory_space<vmem>>[vector<16xi32>, vector<16xi32>], vector<16xf32>,
      %mul3A_123 = arith.mulf %gather3A_121, %gather3A_122 : vector<16xf32>
      %add3A_124 = arith.addf %add3A_118, %mul3A_123 : vector<16xf32>
      %broadcast_in_dim3A_125 = arith.constant 4 : i32
      %broadcast_in_dim3A_126 = vector.broadcast %broadcast_in_dim3A_125 : i32 to vector<16xi32>
      %gather3A_127 = tpu.vector_load_idx %arg8[%add3A_103, %broadcast_in_dim3A_126] : memref<128x32xf32, #tpu.memory_space<vmem>>[vector<16xi32>, vector<16xi32>], vector<16xf32>,
      %gather3A_128 = tpu.vector_load_idx %arg10[%add3A_103, %broadcast_in_dim3A_126] : memref<128x32xf32, #tpu.memory_space<vmem>>[vector<16xi32>, vector<16xi32>], vector<16xf32>,
      %mul3A_129 = arith.mulf %gather3A_127, %gather3A_128 : vector<16xf32>
      %add3A_130 = arith.addf %add3A_124, %mul3A_129 : vector<16xf32>
      %broadcast_in_dim3A_131 = arith.constant 5 : i32
      %broadcast_in_dim3A_132 = vector.broadcast %broadcast_in_dim3A_131 : i32 to vector<16xi32>
      %gather3A_133 = tpu.vector_load_idx %arg8[%add3A_103, %broadcast_in_dim3A_132] : memref<128x32xf32, #tpu.memory_space<vmem>>[vector<16xi32>, vector<16xi32>], vector<16xf32>,
      %gather3A_134 = tpu.vector_load_idx %arg10[%add3A_103, %broadcast_in_dim3A_132] : memref<128x32xf32, #tpu.memory_space<vmem>>[vector<16xi32>, vector<16xi32>], vector<16xf32>,
      %mul3A_135 = arith.mulf %gather3A_133, %gather3A_134 : vector<16xf32>
      %add3A_136 = arith.addf %add3A_130, %mul3A_135 : vector<16xf32>
      %broadcast_in_dim3A_137 = arith.constant 6 : i32
      %broadcast_in_dim3A_138 = vector.broadcast %broadcast_in_dim3A_137 : i32 to vector<16xi32>
      %gather3A_139 = tpu.vector_load_idx %arg8[%add3A_103, %broadcast_in_dim3A_138] : memref<128x32xf32, #tpu.memory_space<vmem>>[vector<16xi32>, vector<16xi32>], vector<16xf32>,
      %gather3A_140 = tpu.vector_load_idx %arg10[%add3A_103, %broadcast_in_dim3A_138] : memref<128x32xf32, #tpu.memory_space<vmem>>[vector<16xi32>, vector<16xi32>], vector<16xf32>,
      %mul3A_141 = arith.mulf %gather3A_139, %gather3A_140 : vector<16xf32>
      %add3A_142 = arith.addf %add3A_136, %mul3A_141 : vector<16xf32>
      %broadcast_in_dim3A_143 = arith.constant 7 : i32
      %broadcast_in_dim3A_144 = vector.broadcast %broadcast_in_dim3A_143 : i32 to vector<16xi32>
      %gather3A_145 = tpu.vector_load_idx %arg8[%add3A_103, %broadcast_in_dim3A_144] : memref<128x32xf32, #tpu.memory_space<vmem>>[vector<16xi32>, vector<16xi32>], vector<16xf32>,
      %gather3A_146 = tpu.vector_load_idx %arg10[%add3A_103, %broadcast_in_dim3A_144] : memref<128x32xf32, #tpu.memory_space<vmem>>[vector<16xi32>, vector<16xi32>], vector<16xf32>,
      %mul3A_147 = arith.mulf %gather3A_145, %gather3A_146 : vector<16xf32>
      %add3A_148 = arith.addf %add3A_142, %mul3A_147 : vector<16xf32>
      %broadcast_in_dim3A_149 = arith.constant 8 : i32
      %broadcast_in_dim3A_150 = vector.broadcast %broadcast_in_dim3A_149 : i32 to vector<16xi32>
      %gather3A_151 = tpu.vector_load_idx %arg8[%add3A_103, %broadcast_in_dim3A_150] : memref<128x32xf32, #tpu.memory_space<vmem>>[vector<16xi32>, vector<16xi32>], vector<16xf32>,
      %gather3A_152 = tpu.vector_load_idx %arg10[%add3A_103, %broadcast_in_dim3A_150] : memref<128x32xf32, #tpu.memory_space<vmem>>[vector<16xi32>, vector<16xi32>], vector<16xf32>,
      %mul3A_153 = arith.mulf %gather3A_151, %gather3A_152 : vector<16xf32>
      %add3A_154 = arith.addf %add3A_148, %mul3A_153 : vector<16xf32>
      %broadcast_in_dim3A_155 = arith.constant 9 : i32
      %broadcast_in_dim3A_156 = vector.broadcast %broadcast_in_dim3A_155 : i32 to vector<16xi32>
      %gather3A_157 = tpu.vector_load_idx %arg8[%add3A_103, %broadcast_in_dim3A_156] : memref<128x32xf32, #tpu.memory_space<vmem>>[vector<16xi32>, vector<16xi32>], vector<16xf32>,
      %gather3A_158 = tpu.vector_load_idx %arg10[%add3A_103, %broadcast_in_dim3A_156] : memref<128x32xf32, #tpu.memory_space<vmem>>[vector<16xi32>, vector<16xi32>], vector<16xf32>,
      %mul3A_159 = arith.mulf %gather3A_157, %gather3A_158 : vector<16xf32>
      %add3A_160 = arith.addf %add3A_154, %mul3A_159 : vector<16xf32>
      %broadcast_in_dim3A_161 = arith.constant 10 : i32
      %broadcast_in_dim3A_162 = vector.broadcast %broadcast_in_dim3A_161 : i32 to vector<16xi32>
      %gather3A_163 = tpu.vector_load_idx %arg8[%add3A_103, %broadcast_in_dim3A_162] : memref<128x32xf32, #tpu.memory_space<vmem>>[vector<16xi32>, vector<16xi32>], vector<16xf32>,
      %gather3A_164 = tpu.vector_load_idx %arg10[%add3A_103, %broadcast_in_dim3A_162] : memref<128x32xf32, #tpu.memory_space<vmem>>[vector<16xi32>, vector<16xi32>], vector<16xf32>,
      %mul3A_165 = arith.mulf %gather3A_163, %gather3A_164 : vector<16xf32>
      %add3A_166 = arith.addf %add3A_160, %mul3A_165 : vector<16xf32>
      %broadcast_in_dim3A_167 = arith.constant 11 : i32
      %broadcast_in_dim3A_168 = vector.broadcast %broadcast_in_dim3A_167 : i32 to vector<16xi32>
      %gather3A_169 = tpu.vector_load_idx %arg8[%add3A_103, %broadcast_in_dim3A_168] : memref<128x32xf32, #tpu.memory_space<vmem>>[vector<16xi32>, vector<16xi32>], vector<16xf32>,
      %gather3A_170 = tpu.vector_load_idx %arg10[%add3A_103, %broadcast_in_dim3A_168] : memref<128x32xf32, #tpu.memory_space<vmem>>[vector<16xi32>, vector<16xi32>], vector<16xf32>,
      %mul3A_171 = arith.mulf %gather3A_169, %gather3A_170 : vector<16xf32>
      %add3A_172 = arith.addf %add3A_166, %mul3A_171 : vector<16xf32>
      %broadcast_in_dim3A_173 = arith.constant 12 : i32
      %broadcast_in_dim3A_174 = vector.broadcast %broadcast_in_dim3A_173 : i32 to vector<16xi32>
      %gather3A_175 = tpu.vector_load_idx %arg8[%add3A_103, %broadcast_in_dim3A_174] : memref<128x32xf32, #tpu.memory_space<vmem>>[vector<16xi32>, vector<16xi32>], vector<16xf32>,
      %gather3A_176 = tpu.vector_load_idx %arg10[%add3A_103, %broadcast_in_dim3A_174] : memref<128x32xf32, #tpu.memory_space<vmem>>[vector<16xi32>, vector<16xi32>], vector<16xf32>,
      %mul3A_177 = arith.mulf %gather3A_175, %gather3A_176 : vector<16xf32>
      %add3A_178 = arith.addf %add3A_172, %mul3A_177 : vector<16xf32>
      %broadcast_in_dim3A_179 = arith.constant 13 : i32
      %broadcast_in_dim3A_180 = vector.broadcast %broadcast_in_dim3A_179 : i32 to vector<16xi32>
      %gather3A_181 = tpu.vector_load_idx %arg8[%add3A_103, %broadcast_in_dim3A_180] : memref<128x32xf32, #tpu.memory_space<vmem>>[vector<16xi32>, vector<16xi32>], vector<16xf32>,
      %gather3A_182 = tpu.vector_load_idx %arg10[%add3A_103, %broadcast_in_dim3A_180] : memref<128x32xf32, #tpu.memory_space<vmem>>[vector<16xi32>, vector<16xi32>], vector<16xf32>,
      %mul3A_183 = arith.mulf %gather3A_181, %gather3A_182 : vector<16xf32>
      %add3A_184 = arith.addf %add3A_178, %mul3A_183 : vector<16xf32>
      %broadcast_in_dim3A_185 = arith.constant 14 : i32
      %broadcast_in_dim3A_186 = vector.broadcast %broadcast_in_dim3A_185 : i32 to vector<16xi32>
      %gather3A_187 = tpu.vector_load_idx %arg8[%add3A_103, %broadcast_in_dim3A_186] : memref<128x32xf32, #tpu.memory_space<vmem>>[vector<16xi32>, vector<16xi32>], vector<16xf32>,
      %gather3A_188 = tpu.vector_load_idx %arg10[%add3A_103, %broadcast_in_dim3A_186] : memref<128x32xf32, #tpu.memory_space<vmem>>[vector<16xi32>, vector<16xi32>], vector<16xf32>,
      %mul3A_189 = arith.mulf %gather3A_187, %gather3A_188 : vector<16xf32>
      %add3A_190 = arith.addf %add3A_184, %mul3A_189 : vector<16xf32>
      %broadcast_in_dim3A_191 = arith.constant 15 : i32
      %broadcast_in_dim3A_192 = vector.broadcast %broadcast_in_dim3A_191 : i32 to vector<16xi32>
      %gather3A_193 = tpu.vector_load_idx %arg8[%add3A_103, %broadcast_in_dim3A_192] : memref<128x32xf32, #tpu.memory_space<vmem>>[vector<16xi32>, vector<16xi32>], vector<16xf32>,
      %gather3A_194 = tpu.vector_load_idx %arg10[%add3A_103, %broadcast_in_dim3A_192] : memref<128x32xf32, #tpu.memory_space<vmem>>[vector<16xi32>, vector<16xi32>], vector<16xf32>,
      %mul3A_195 = arith.mulf %gather3A_193, %gather3A_194 : vector<16xf32>
      %add3A_196 = arith.addf %add3A_190, %mul3A_195 : vector<16xf32>
      %broadcast_in_dim3A_197 = arith.constant 16 : i32
      %broadcast_in_dim3A_198 = vector.broadcast %broadcast_in_dim3A_197 : i32 to vector<16xi32>
      %gather3A_199 = tpu.vector_load_idx %arg8[%add3A_103, %broadcast_in_dim3A_198] : memref<128x32xf32, #tpu.memory_space<vmem>>[vector<16xi32>, vector<16xi32>], vector<16xf32>,
      %gather3A_200 = tpu.vector_load_idx %arg10[%add3A_103, %broadcast_in_dim3A_198] : memref<128x32xf32, #tpu.memory_space<vmem>>[vector<16xi32>, vector<16xi32>], vector<16xf32>,
      %mul3A_201 = arith.mulf %gather3A_199, %gather3A_200 : vector<16xf32>
      %add3A_202 = arith.addf %add3A_196, %mul3A_201 : vector<16xf32>
      %broadcast_in_dim3A_203 = arith.constant 17 : i32
      %broadcast_in_dim3A_204 = vector.broadcast %broadcast_in_dim3A_203 : i32 to vector<16xi32>
      %gather3A_205 = tpu.vector_load_idx %arg8[%add3A_103, %broadcast_in_dim3A_204] : memref<128x32xf32, #tpu.memory_space<vmem>>[vector<16xi32>, vector<16xi32>], vector<16xf32>,
      %gather3A_206 = tpu.vector_load_idx %arg10[%add3A_103, %broadcast_in_dim3A_204] : memref<128x32xf32, #tpu.memory_space<vmem>>[vector<16xi32>, vector<16xi32>], vector<16xf32>,
      %mul3A_207 = arith.mulf %gather3A_205, %gather3A_206 : vector<16xf32>
      %add3A_208 = arith.addf %add3A_202, %mul3A_207 : vector<16xf32>
      %broadcast_in_dim3A_209 = arith.constant 18 : i32
      %broadcast_in_dim3A_210 = vector.broadcast %broadcast_in_dim3A_209 : i32 to vector<16xi32>
      %gather3A_211 = tpu.vector_load_idx %arg8[%add3A_103, %broadcast_in_dim3A_210] : memref<128x32xf32, #tpu.memory_space<vmem>>[vector<16xi32>, vector<16xi32>], vector<16xf32>,
      %gather3A_212 = tpu.vector_load_idx %arg10[%add3A_103, %broadcast_in_dim3A_210] : memref<128x32xf32, #tpu.memory_space<vmem>>[vector<16xi32>, vector<16xi32>], vector<16xf32>,
      %mul3A_213 = arith.mulf %gather3A_211, %gather3A_212 : vector<16xf32>
      %add3A_214 = arith.addf %add3A_208, %mul3A_213 : vector<16xf32>
      %broadcast_in_dim3A_215 = arith.constant 19 : i32
      %broadcast_in_dim3A_216 = vector.broadcast %broadcast_in_dim3A_215 : i32 to vector<16xi32>
      %gather3A_217 = tpu.vector_load_idx %arg8[%add3A_103, %broadcast_in_dim3A_216] : memref<128x32xf32, #tpu.memory_space<vmem>>[vector<16xi32>, vector<16xi32>], vector<16xf32>,
      %gather3A_218 = tpu.vector_load_idx %arg10[%add3A_103, %broadcast_in_dim3A_216] : memref<128x32xf32, #tpu.memory_space<vmem>>[vector<16xi32>, vector<16xi32>], vector<16xf32>,
      %mul3A_219 = arith.mulf %gather3A_217, %gather3A_218 : vector<16xf32>
      %add3A_220 = arith.addf %add3A_214, %mul3A_219 : vector<16xf32>
      %broadcast_in_dim3A_221 = arith.constant 20 : i32
      %broadcast_in_dim3A_222 = vector.broadcast %broadcast_in_dim3A_221 : i32 to vector<16xi32>
      %gather3A_223 = tpu.vector_load_idx %arg8[%add3A_103, %broadcast_in_dim3A_222] : memref<128x32xf32, #tpu.memory_space<vmem>>[vector<16xi32>, vector<16xi32>], vector<16xf32>,
      %gather3A_224 = tpu.vector_load_idx %arg10[%add3A_103, %broadcast_in_dim3A_222] : memref<128x32xf32, #tpu.memory_space<vmem>>[vector<16xi32>, vector<16xi32>], vector<16xf32>,
      %mul3A_225 = arith.mulf %gather3A_223, %gather3A_224 : vector<16xf32>
      %add3A_226 = arith.addf %add3A_220, %mul3A_225 : vector<16xf32>
      %broadcast_in_dim3A_227 = arith.constant 21 : i32
      %broadcast_in_dim3A_228 = vector.broadcast %broadcast_in_dim3A_227 : i32 to vector<16xi32>
      %gather3A_229 = tpu.vector_load_idx %arg8[%add3A_103, %broadcast_in_dim3A_228] : memref<128x32xf32, #tpu.memory_space<vmem>>[vector<16xi32>, vector<16xi32>], vector<16xf32>,
      %gather3A_230 = tpu.vector_load_idx %arg10[%add3A_103, %broadcast_in_dim3A_228] : memref<128x32xf32, #tpu.memory_space<vmem>>[vector<16xi32>, vector<16xi32>], vector<16xf32>,
      %mul3A_231 = arith.mulf %gather3A_229, %gather3A_230 : vector<16xf32>
      %add3A_232 = arith.addf %add3A_226, %mul3A_231 : vector<16xf32>
      %broadcast_in_dim3A_233 = arith.constant 22 : i32
      %broadcast_in_dim3A_234 = vector.broadcast %broadcast_in_dim3A_233 : i32 to vector<16xi32>
      %gather3A_235 = tpu.vector_load_idx %arg8[%add3A_103, %broadcast_in_dim3A_234] : memref<128x32xf32, #tpu.memory_space<vmem>>[vector<16xi32>, vector<16xi32>], vector<16xf32>,
      %gather3A_236 = tpu.vector_load_idx %arg10[%add3A_103, %broadcast_in_dim3A_234] : memref<128x32xf32, #tpu.memory_space<vmem>>[vector<16xi32>, vector<16xi32>], vector<16xf32>,
      %mul3A_237 = arith.mulf %gather3A_235, %gather3A_236 : vector<16xf32>
      %add3A_238 = arith.addf %add3A_232, %mul3A_237 : vector<16xf32>
      %broadcast_in_dim3A_239 = arith.constant 23 : i32
      %broadcast_in_dim3A_240 = vector.broadcast %broadcast_in_dim3A_239 : i32 to vector<16xi32>
      %gather3A_241 = tpu.vector_load_idx %arg8[%add3A_103, %broadcast_in_dim3A_240] : memref<128x32xf32, #tpu.memory_space<vmem>>[vector<16xi32>, vector<16xi32>], vector<16xf32>,
      %gather3A_242 = tpu.vector_load_idx %arg10[%add3A_103, %broadcast_in_dim3A_240] : memref<128x32xf32, #tpu.memory_space<vmem>>[vector<16xi32>, vector<16xi32>], vector<16xf32>,
      %mul3A_243 = arith.mulf %gather3A_241, %gather3A_242 : vector<16xf32>
      %add3A_244 = arith.addf %add3A_238, %mul3A_243 : vector<16xf32>
      %broadcast_in_dim3A_245 = arith.constant 24 : i32
      %broadcast_in_dim3A_246 = vector.broadcast %broadcast_in_dim3A_245 : i32 to vector<16xi32>
      %gather3A_247 = tpu.vector_load_idx %arg8[%add3A_103, %broadcast_in_dim3A_246] : memref<128x32xf32, #tpu.memory_space<vmem>>[vector<16xi32>, vector<16xi32>], vector<16xf32>,
      %gather3A_248 = tpu.vector_load_idx %arg10[%add3A_103, %broadcast_in_dim3A_246] : memref<128x32xf32, #tpu.memory_space<vmem>>[vector<16xi32>, vector<16xi32>], vector<16xf32>,
      %mul3A_249 = arith.mulf %gather3A_247, %gather3A_248 : vector<16xf32>
      %add3A_250 = arith.addf %add3A_244, %mul3A_249 : vector<16xf32>
      %broadcast_in_dim3A_251 = arith.constant 25 : i32
      %broadcast_in_dim3A_252 = vector.broadcast %broadcast_in_dim3A_251 : i32 to vector<16xi32>
      %gather3A_253 = tpu.vector_load_idx %arg8[%add3A_103, %broadcast_in_dim3A_252] : memref<128x32xf32, #tpu.memory_space<vmem>>[vector<16xi32>, vector<16xi32>], vector<16xf32>,
      %gather3A_254 = tpu.vector_load_idx %arg10[%add3A_103, %broadcast_in_dim3A_252] : memref<128x32xf32, #tpu.memory_space<vmem>>[vector<16xi32>, vector<16xi32>], vector<16xf32>,
      %mul3A_255 = arith.mulf %gather3A_253, %gather3A_254 : vector<16xf32>
      %add3A_256 = arith.addf %add3A_250, %mul3A_255 : vector<16xf32>
      %broadcast_in_dim3A_257 = arith.constant 26 : i32
      %broadcast_in_dim3A_258 = vector.broadcast %broadcast_in_dim3A_257 : i32 to vector<16xi32>
      %gather3A_259 = tpu.vector_load_idx %arg8[%add3A_103, %broadcast_in_dim3A_258] : memref<128x32xf32, #tpu.memory_space<vmem>>[vector<16xi32>, vector<16xi32>], vector<16xf32>,
      %gather3A_260 = tpu.vector_load_idx %arg10[%add3A_103, %broadcast_in_dim3A_258] : memref<128x32xf32, #tpu.memory_space<vmem>>[vector<16xi32>, vector<16xi32>], vector<16xf32>,
      %mul3A_261 = arith.mulf %gather3A_259, %gather3A_260 : vector<16xf32>
      %add3A_262 = arith.addf %add3A_256, %mul3A_261 : vector<16xf32>
      %broadcast_in_dim3A_263 = arith.constant 27 : i32
      %broadcast_in_dim3A_264 = vector.broadcast %broadcast_in_dim3A_263 : i32 to vector<16xi32>
      %gather3A_265 = tpu.vector_load_idx %arg8[%add3A_103, %broadcast_in_dim3A_264] : memref<128x32xf32, #tpu.memory_space<vmem>>[vector<16xi32>, vector<16xi32>], vector<16xf32>,
      %gather3A_266 = tpu.vector_load_idx %arg10[%add3A_103, %broadcast_in_dim3A_264] : memref<128x32xf32, #tpu.memory_space<vmem>>[vector<16xi32>, vector<16xi32>], vector<16xf32>,
      %mul3A_267 = arith.mulf %gather3A_265, %gather3A_266 : vector<16xf32>
      %add3A_268 = arith.addf %add3A_262, %mul3A_267 : vector<16xf32>
      %broadcast_in_dim3A_269 = arith.constant 28 : i32
      %broadcast_in_dim3A_270 = vector.broadcast %broadcast_in_dim3A_269 : i32 to vector<16xi32>
      %gather3A_271 = tpu.vector_load_idx %arg8[%add3A_103, %broadcast_in_dim3A_270] : memref<128x32xf32, #tpu.memory_space<vmem>>[vector<16xi32>, vector<16xi32>], vector<16xf32>,
      %gather3A_272 = tpu.vector_load_idx %arg10[%add3A_103, %broadcast_in_dim3A_270] : memref<128x32xf32, #tpu.memory_space<vmem>>[vector<16xi32>, vector<16xi32>], vector<16xf32>,
      %mul3A_273 = arith.mulf %gather3A_271, %gather3A_272 : vector<16xf32>
      %add3A_274 = arith.addf %add3A_268, %mul3A_273 : vector<16xf32>
      %broadcast_in_dim3A_275 = arith.constant 29 : i32
      %broadcast_in_dim3A_276 = vector.broadcast %broadcast_in_dim3A_275 : i32 to vector<16xi32>
      %gather3A_277 = tpu.vector_load_idx %arg8[%add3A_103, %broadcast_in_dim3A_276] : memref<128x32xf32, #tpu.memory_space<vmem>>[vector<16xi32>, vector<16xi32>], vector<16xf32>,
      %gather3A_278 = tpu.vector_load_idx %arg10[%add3A_103, %broadcast_in_dim3A_276] : memref<128x32xf32, #tpu.memory_space<vmem>>[vector<16xi32>, vector<16xi32>], vector<16xf32>,
      %mul3A_279 = arith.mulf %gather3A_277, %gather3A_278 : vector<16xf32>
      %add3A_280 = arith.addf %add3A_274, %mul3A_279 : vector<16xf32>
      %broadcast_in_dim3A_281 = arith.constant 30 : i32
      %broadcast_in_dim3A_282 = vector.broadcast %broadcast_in_dim3A_281 : i32 to vector<16xi32>
      %gather3A_283 = tpu.vector_load_idx %arg8[%add3A_103, %broadcast_in_dim3A_282] : memref<128x32xf32, #tpu.memory_space<vmem>>[vector<16xi32>, vector<16xi32>], vector<16xf32>,
      %gather3A_284 = tpu.vector_load_idx %arg10[%add3A_103, %broadcast_in_dim3A_282] : memref<128x32xf32, #tpu.memory_space<vmem>>[vector<16xi32>, vector<16xi32>], vector<16xf32>,
      %mul3A_285 = arith.mulf %gather3A_283, %gather3A_284 : vector<16xf32>
      %add3A_286 = arith.addf %add3A_280, %mul3A_285 : vector<16xf32>
      %broadcast_in_dim3A_287 = arith.constant 31 : i32
      %broadcast_in_dim3A_288 = vector.broadcast %broadcast_in_dim3A_287 : i32 to vector<16xi32>
      %gather3A_289 = tpu.vector_load_idx %arg8[%add3A_103, %broadcast_in_dim3A_288] : memref<128x32xf32, #tpu.memory_space<vmem>>[vector<16xi32>, vector<16xi32>], vector<16xf32>,
      %gather3A_290 = tpu.vector_load_idx %arg10[%add3A_103, %broadcast_in_dim3A_288] : memref<128x32xf32, #tpu.memory_space<vmem>>[vector<16xi32>, vector<16xi32>], vector<16xf32>,
      %mul3A_291 = arith.mulf %gather3A_289, %gather3A_290 : vector<16xf32>
      %add3A_292 = arith.addf %add3A_286, %mul3A_291 : vector<16xf32>
      %neg3A = arith.constant 0.000000e+00 : f32
      %neg3A_293 = vector.broadcast %neg3A : f32 to vector<16xf32>
      %neg3A_294 = arith.subf %neg3A_293, %add3A_292 : vector<16xf32>
      %exp3A = math.exp %neg3A_294 : vector<16xf32>
      %add3A_295 = arith.constant 1.000000e+00 : f32
      %add3A_296 = vector.broadcast %add3A_295 : f32 to vector<16xf32>
      %add3A_297 = arith.addf %add3A_296, %exp3A : vector<16xf32>
      %div3A = arith.constant 1.000000e+00 : f32
      %div3A_298 = vector.broadcast %div3A : f32 to vector<16xf32>
      %div3A_299 = arith.divf %div3A_298, %add3A_297 : vector<16xf32>
      %mul3A_300 = arith.constant 16 : i32
      %mul3A_301 = arith.muli %scan3A_99, %mul3A_300 : i32
      %add3A_302 = arith.constant 384 : i32
      %add3A_303 = arith.addi %add3A_302, %mul3A_301 : i32
      %swap3A = arith.index_cast %add3A_303 : i32 to index
      %swap3A_304 = tpu.vector_load %arg11[%swap3A] {strides = array<i32>} : memref<512xf32, #tpu.memory_space<vmem>>, vector<16xf32>,
      tpu.vector_store %arg11[%swap3A], %div3A_299 {strides = array<i32>} : memref<512xf32, #tpu.memory_space<vmem>>, vector<16xf32>,
    }
    %scan3A_98 = arith.constant 8 : i32
    "tpu.region"() ({
      %run_scoped3A = tpu.sem_alloc : memref<!tpu.dma_semaphore, #tpu.memory_space<semaphore_mem>>
      %dma_start3A = tpu.memref_slice %arg5[%mul3A_2] : memref<16384xf32, #tpu.memory_space<hbm>> -> memref<512xf32, #tpu.memory_space<hbm>>
      %dma_start3A_99 = tpu.memref_slice %arg5[%mul3A_2] : memref<16384xf32, #tpu.memory_space<hbm>> -> memref<512xf32, #tpu.memory_space<hbm>>
      tpu.enqueue_dma source(%arg11 : memref<512xf32, #tpu.memory_space<vmem>>) target(%dma_start3A_99 : memref<512xf32, #tpu.memory_space<hbm>>) target_semaphore(%run_scoped3A : memref<!tpu.dma_semaphore, #tpu.memory_space<semaphore_mem>>)
      %dma_wait3A_100 = tpu.memref_slice %arg5[%mul3A_2] : memref<16384xf32, #tpu.memory_space<hbm>> -> memref<512xf32, #tpu.memory_space<hbm>>
      %dma_wait3A_101 = tpu.memref_slice %arg5[%mul3A_2] : memref<16384xf32, #tpu.memory_space<hbm>> -> memref<512xf32, #tpu.memory_space<hbm>>
      tpu.wait_dma2 semaphore(%run_scoped3A : memref<!tpu.dma_semaphore, #tpu.memory_space<semaphore_mem>>) src(%arg11 : memref<512xf32, #tpu.memory_space<vmem>>) dst(%dma_wait3A_101 : memref<512xf32, #tpu.memory_space<hbm>>)
      tpu.yield
    }) : () -> ()
    return
  }
}

</mosaic_0001>

<sc_bundles>
// kernel: kernel.3.cloned.1.call-start
scs
__scs_entry_jumppad:
0x0: {  	(pc) =	sbr.rel $0x88, $3  }
0x1: {  	(tag) =	ssettag $0x0;
	lr =	simm.s32 $0x1  }
0x2: {  	[smem:$0x3F9E] =	sst lr;
	_ =	strace $0xD0000000  }
0x3: {  	_ = 	snop  }
0x4: {  	_ = 	snop  }
0x5: {  	_ = 	snop  }
0x6: {  	_ = 	snop  }
0x7: {  	_ = 	snop  }
__scs_overlays_trampoline_lowered:
0x8: {  	[smem:$0x3FAD] =	sst s0  }
0x9: {  	[smem:$0x3FAE] =	sst s1  }
0xa: {  	[smem:$0x3FAF] =	sst s2  }
0xb: {  	[smem:$0x3FB0] =	sst s3  }
0xc: {  	[smem:$0x3FB1] =	sst s4  }
0xd: {  	[smem:$0x3FB2] =	sst s5  }
0xe: {  	[smem:$0x3FB3] =	sst s6  }
0xf: {  	[smem:$0x3FB4] =	sst s7  }
0x10: {  	[smem:$0x3FB5] =	sst s8  }
0x11: {  	[smem:$0x3FB6] =	sst s9;
	s0 =	simm.s32 @!p0 $0x0  }
0x12: {  	s1 =	sld [smem:$0x3F9C];
	s0 =	simm.s32 @p0 $0x1  }
0x13: {  	[smem:$0x3FB7] =	sst s0;
	s0 =	simm.s32 @!p1 $0x0  }
0x14: {  	s2 =	sld [smem:$0x3F9B];
	s0 =	simm.s32 @p1 $0x1  }
0x15: {  	[smem:$0x3FB8] =	sst s0;
	s0 =	simm.s32 @!p2 $0x0  }
0x16: {  	s3 =	sld [smem:$0x3FDB];
	s0 =	simm.s32 @p2 $0x1  }
0x17: {  	s4 =	simm.s32 $0x1BF5;
	[smem:$0x3FBA] =	sst s0  }
0x18: {  	s0 =	sld [smem:$0x3F9D];
	_ =	swait.ge [sflag:s4], $0x0  }
0x19: {  	s7 =	sld [smem:$0x3F9E]  }
0x1a: {  	s8 =	sadd.s32 $0xFFFFE003, lr  }
0x1b: {  	s9 =	sadd.s32 $0xFFFFFEF7, lr;
	s5 =	simm.s32 $0xFFFFFFFF;
	p2 =	slt.u32 s8, $0xFFFFF086  }
0x1c: {  	p1 =	slt.u32 s9, $0xF7A;
	s5 =	simm.s32 @!p2 $0x0  }
0x1d: {  	s5 =	simm.s32 @p1 $0x1;
	p0 =	seq.s32 s7, s2  }
0x1e: {  	s7 =	smul.u32 @!p0 $0xF7A, s2;
	p2 =	seq.s32 @!p0 s5, $0x0  }
0x1f: {  	s9 =	smul.u32 $0xF7A, s1;
	s8 =	simm.s32 @!p0 $0x1BF5;
	p2 =	por !p2, p0  }
0x20: {  	[sflag:s8] =	ssyncset.s32 @!p0 $0xFFFFF086;
	s6 =	sadd.s32 @!p0 s3, s7;
	s7 =	simm.s32 @!p0 $0x108  }
0x21: {  	s3 =	sadd.s32 s3, s9;
	s6 =	sadd.s32 @!p0 $0x88, s6;
	s7 =	simm.s32 @p2 $0x1082  }
0x22: {  	[simem:s7], [sflag:s8] =	dma.local @!p0 [hbm:s6], $0xF7A  }
0x23: {  	s9 =	sor.u32 $0xD0000000, s2;
	s6 =	simm.s32 $0x108;
	_ =	swait.ge @!p0 [sflag:s8], $0x0  }
0x24: {  	s3 =	sadd.s32 $0x88, s3;
	s6 =	simm.s32 @!p1 $0x1082;
	[sflag:s4] =	ssyncset.s32 $0xFFFFF086  }
0x25: {  	[simem:s6], [sflag:s4] =	dma.local [hbm:s3], $0xF7A  }
0x26: {  	[smem:$0x3F9E] =	sst s1;
	(tag) =	ssettag s2;
	_ =	strace s9  }
0x27: {  	s1 =	sld [smem:$0x3FAE]  }
0x28: {  	s2 =	sld [smem:$0x3FAF]  }
0x29: {  	s4 =	sld [smem:$0x3FB1]  }
0x2a: {  	p0 =	seq.s32 s5, $0x0;
	s5 =	sld [smem:$0x3FB2]  }
0x2b: {  	s6 =	sld [smem:$0x3FB3]  }
0x2c: {  	s7 =	sld [smem:$0x3FB4]  }
0x2d: {  	s3 =	simm.s32 $0x108;
	s8 =	sld [smem:$0x3FB5]  }
0x2e: {  	s3 =	simm.s32 @!p0 $0x1082;
	s9 =	sld [smem:$0x3FB6]  }
0x2f: {  	lr =	sadd.s32 s0, s3;
	s0 =	sld [smem:$0x3FAD]  }
0x30: {  	s3 =	sld [smem:$0x3FB0]  }
0x31: {  	[smem:$0x3FB9] =	sst s10  }
0x32: {  	s10 =	sld [smem:$0x3FB7];
	_ =	sdelay $0x3  }
0x33: {  	p0 =	seq.s32 s10, $0x1;
	s10 =	sld [smem:$0x3FB9];
	_ =	sdelay $0x3  }
0x34: {  	[smem:$0x3FB9] =	sst s10  }
0x35: {  	s10 =	sld [smem:$0x3FB8];
	_ =	sdelay $0x3  }
0x36: {  	p1 =	seq.s32 s10, $0x1;
	s10 =	sld [smem:$0x3FB9];
	_ =	sdelay $0x3  }
0x37: {  	[smem:$0x3FB9] =	sst s10  }
0x38: {  	s10 =	sld [smem:$0x3FBA]  }
0x39: {  	_ = 	snop;
	(pc) =	sbr.ind lr, $3  }
0x3a: {  	_ = 	snop  }
0x3b: {  	_ = 	snop  }
0x3c: {  	p2 =	seq.s32 s10, $0x1;
	s10 =	sld [smem:$0x3FB9]  }
0x3d: {  	_ =	shalt  }
0x3e: {  	_ =	shalt  }
0x3f: {  	_ =	shalt  }
0x40: {  	_ =	shalt  }
0x41: {  	_ =	shalt  }
0x42: {  	_ =	shalt  }
0x43: {  	_ =	shalt  }
0x44: {  	_ =	shalt  }
0x45: {  	_ =	shalt  }
0x46: {  	_ =	shalt  }
0x47: {  	_ =	shalt  }
0x48: {  	_ =	shalt  }
0x49: {  	_ =	shalt  }
0x4a: {  	_ =	shalt  }
0x4b: {  	_ =	shalt  }
0x4c: {  	_ =	shalt  }
0x4d: {  	_ =	shalt  }
0x4e: {  	_ =	shalt  }
0x4f: {  	_ =	shalt  }
0x50: {  	_ =	shalt  }
0x51: {  	_ =	shalt  }
0x52: {  	_ =	shalt  }
0x53: {  	_ =	shalt  }
0x54: {  	_ =	shalt  }
0x55: {  	_ =	shalt  }
0x56: {  	_ =	shalt  }
0x57: {  	_ =	shalt  }
0x58: {  	_ =	shalt  }
0x59: {  	_ =	shalt  }
0x5a: {  	_ =	shalt  }
0x5b: {  	_ =	shalt  }
0x5c: {  	_ =	shalt  }
0x5d: {  	_ =	shalt  }
0x5e: {  	_ =	shalt  }
0x5f: {  	_ =	shalt  }
0x60: {  	_ =	shalt  }
0x61: {  	_ =	shalt  }
0x62: {  	_ =	shalt  }
0x63: {  	_ =	shalt  }
0x64: {  	_ =	shalt  }
0x65: {  	_ =	shalt  }
0x66: {  	_ =	shalt  }
0x67: {  	_ =	shalt  }
0x68: {  	_ =	shalt  }
0x69: {  	_ =	shalt  }
0x6a: {  	_ =	shalt  }
0x6b: {  	_ =	shalt  }
0x6c: {  	_ =	shalt  }
0x6d: {  	_ =	shalt  }
0x6e: {  	_ =	shalt  }
0x6f: {  	_ =	shalt  }
0x70: {  	_ =	shalt  }
0x71: {  	_ =	shalt  }
0x72: {  	_ =	shalt  }
0x73: {  	_ =	shalt  }
0x74: {  	_ =	shalt  }
0x75: {  	_ =	shalt  }
0x76: {  	_ =	shalt  }
0x77: {  	_ =	shalt  }
0x78: {  	_ =	shalt  }
0x79: {  	_ =	shalt  }
0x7a: {  	_ =	shalt  }
0x7b: {  	_ =	shalt  }
0x7c: {  	_ =	shalt  }
0x7d: {  	_ =	shalt  }
0x7e: {  	_ =	shalt  }
0x7f: {  	_ =	shalt  }
0x80: {  	_ =	shalt  }
0x81: {  	_ =	shalt  }
0x82: {  	_ =	shalt  }
0x83: {  	_ =	shalt  }
0x84: {  	_ =	shalt  }
0x85: {  	_ =	shalt  }
0x86: {  	_ =	shalt  }
0x87: {  	_ =	shalt  }
.Lfunc_end0:
.L_simem_size_0:
called_computation_lowered:
.L_overlay_start_0:
0x88: {  	s2 =	sld [smem:$0x3FD9]  }
0x89: {  	s3 =	sld [smem:$0x3FFE];
	_ =	sdelay $0x1  }
0x8a: {  	s1 =	srdreg.scid  }
0x8b: {  	s0 =	sand.u32 $0x1, s1  }
0x8c: {  	s17 =	sshll.u32 s0, $0xA;
	s2 =	sadd.s32 s3, s2  }
0x8d: {  	s2 =	sadd.s32 s2, s17  }
0x8e: {  	[smem:$0x3FC5] =	sst s2  }
0x8f: {  	_ = 	snop  }
0x90: {  	s2 =	sld [smem:$0x3FD0];
	(tm) =	ssettm $0x1  }
0x91: {  	s18 =	sld [smem:$0x3FFB];
	_ =	sdelay $0x3  }
0x92: {  	_ =	strace s18  }
0x93: {  	s3 =	sld [smem:$0x3FFC];
	_ =	sdelay $0x3  }
0x94: {  	_ =	strace s3  }
0x95: {  	s3 =	sld [smem:$0x3FFD];
	_ =	sdelay $0x3  }
0x96: {  	_ =	strace s3  }
0x97: {  	_ =	strace $0x8FFFFFFF  }
0x98: {  	s19 =	sld [smem:$0x3FDB];
	_ =	sdelay $0x1  }
0x99: {  	s4 =	simm.s32 $_scs_section_size  }
0x9a: {  	s5 =	simm.s32 $_size__tile_overlayer_lowered;
	s6 =	simm.s32 $_tile_overlayer_lowered  }
0x9b: {  	s22 =	simm.s32 $0x1BFF;
	s21 =	sshll.u32 s6, $0x1;
	s3 =	sadd.s32 s4, s19  }
0x9c: {  	s7 =	simm.s32 $0x0;
	s20 =	sshll.u32 s5, $0x1;
	s5 =	sadd.s32 s21, s3  }
0x9d: {  	[timem:s7], [sflag:s22] =	dma.local [hbm:s5], s20  }
0x9e: {  	_ =	swait.ge [sflag:s22], s20  }
0x9f: {  	s4 =	ssub.s32 $0x0, s20;
	[sflag:s22] =	ssyncset.done $0x0  }
0xa0: {  	[sflag:s22] =	ssyncadd.s32 s4;
	_ =	sdelay $0x1  }
0xa1: {  	s23 =	simm.s32 $0x1B8B  }
0xa2: {  	_ =	swait.ge [sflag:s23], $0x1  }
0xa3: {  	[sflag:s23] =	ssyncset.done $0x0  }
0xa4: {  	s25 =	simm.s32 $0x1B8E;
	s24 =	sld [smem:$0x3FFE];
	[sflag:s23] =	ssyncadd.s32 $0xFFFFFFFF  }
0xa5: {  	s26 =	simm.s32 $execute0_lowered;
	[smem:$0x3FD2] =	sst s25  }
0xa6: {  	s5 =	sshll.u32 s26, $0x1;
	_ =	strace $0x80000046;
	[dreg:$0x1] =	wrdreg $0xFFFFFFFF  }
0xa7: {  	s28 =	simm.s32 $_size_execute0_lowered;
	s3 =	sadd.s32 s3, s5;
	[dreg:$0x0] =	wrdreg $0x0  }
0xa8: {  	s5 =	sshll.u32 s28, $0x1;
	[dreg:$0x2] =	wrdreg s3  }
0xa9: {  	[dreg:$0x3] =	wrdreg s5  }
0xaa: {  	[dreg:$0x4] =	wrdreg $0xC0  }
0xab: {  	_ =	task [dreg:s7], $0x5FFFF  }
0xac: {  	[dreg:$0x1] =	wrdreg $0xFFFFFFFF  }
0xad: {  	[dreg:$0x0] =	wrdreg $0x60  }
0xae: {  	[dreg:$0x2] =	wrdreg s24  }
0xaf: {  	[dreg:$0x3] =	wrdreg s2  }
0xb0: {  	[dreg:$0x4] =	wrdreg $0x9  }
0xb1: {  	_ =	task.clear_ibuf [dreg:s7], $0x5FFFF;
	_ =	strace $0x90000046  }
0xb2: {  	s29 =	simm.s32 $0x9;
	_ =	strace $0x80000048  }
0xb3: {  	_ =	swait.ge [sflag:s29], $0x1  }
0xb4: {  	[sflag:s29] =	ssyncadd.s32 $0xFFFFFFFF  }
0xb5: {  	_ =	strace $0x90000048  }
0xb6: {  	_ =	sfence  }
0xb7: {  	s30 =	sld [smem:$0x0];
	_ =	sdelay $0x2  }
0xb8: {  	s31 =	sshll.u32 s1, $0xD;
	s1 =	sshrl.u32 s1, $0x2  }
0xb9: {  	s3 =	sand.u32 $0x4000, s31;
	s1 =	sadd.s32 s1, s30  }
0xba: {  	s0 =	sor.u32 s3, s0;
	s1 =	sshll.u32 s1, $0x11  }
0xbb: {  	s0 =	sor.u32 s1, s0  }
0xbc: {  	s0 =	sadd.s32 $0x8F2B, s0  }
0xbd: {  	[sflag:s0] =	ssyncadd.remote.s32 $0x1  }
0xbe: {  	_ =	sfence.sel $0xFFFF  }
0xbf: {  	[dreg:$0x0] =	wrdreg $0xFFFFFFFF;
	(pc) =	sbr.abs _section_cstart, $3  }
0xc0: {  	[dreg:$0x1] =	wrdreg $0xFFFFFFFF  }
0xc1: {  	_ =	task.clear_ibuf [dreg:s7], $0x2FFFF;
	_ =	strace $0x9FFFFFFF  }
0xc2: {  	(tm) =	ssettm $0x7FFFFFFF  }
0xc3: {  	_ =	shalt  }
tec
execute0_lowered:
.L_overlay_start_1:
0x0: {  	(tag) =	ssettag $0x1  }
0x1: {  	s4 =	rddreg [dreg:$0x0]  }
0x2: {  	s6 =	rddreg [dreg:$0x1]  }
0x3: {  	s3 =	srdreg.scid;
	s0 =	stileid.u32;
	s2 =	simm.s32 $0x0  }
0x4: {  	s1 =	simm.s32 $0x3;
	s10 =	simm.s32 $0x400;
	s11 =	simm.s32 $0x8400  }
0x5: {  	s12 =	simm.s32 $0x2;
	s13 =	simm.s32 $0x4400;
	s14 =	simm.s32 $0xC400  }
0x6: {  	s3 =	sand.u32 $0x1, s3;
	s5 =	sshll.u32 s0, $0x1;
	[smem:$0x7FF] =	sst s2  }
0x7: {  	s16 =	simm.s32 $0x0;
	s5 =	sor.u32 s3, s5;
	_ =	strace $0x80000047  }
0x8: {  	s8 =	ssub.s32 $0x2, s3;
	s7 =	sshll.u32 s5, $0x7;
	s28 =	sshll.u32 s5, $0x6  }
0x9: {  	s9 =	sshrl.u32 s8, $0x1;
	s7 =	sadd.s32 s7, s4;
	s30 =	sadd.s32 s6, s28  }
0xa: {  	s8 =	ssub.s32 s8, s9;
	s29 =	sadd.s32 $0x400, s7;
	[dreg:$0x4] =	wrdreg s30  }
0xb: {  	v0 =	vlaneseq.u32;
	s3 =	sadd.s32 $0x1400, s4;
	s31 =	smax.u32 s8, $0x1;
	[dreg:$0x3] =	wrdreg s29  }
0xc: {  	v0 =	vmul.u32 $0x80, v0;
	s4 =	sadd.s32 $0xF43800, s4;
	s9 =	simm.s32 $0x1;
	[dreg:$0x5] =	wrdreg s31  }
.LBB2_1:
0xd: {  	s0 =	rddreg [dreg:$0x3]  }
0xe: {  	[tilespmem:s2], [sflag:$0x3] =	stream.linear.gather [hbm4b:s0+s2], $0x400, $0x38;
	[tilespmem:$0x10600] =	vst v63  }
0xf: {  	_ =	swait.ge [sflag:s1], $0x400  }
0x10: {  	[sflag:s1] =	ssyncset.done $0x0  }
0x11: {  	[sflag:s1] =	ssyncadd.s32 $0xFFFFFC00  }
0x12: {  	v1 =	vld [tilespmem:s2+$0x0];
	_ =	sdelay $0x4  }
0x13: {  	v1 =	vshll.u32 v1, $0x4  }
0x14: {  	(v2sf) =	vpush v1, $0x0  }
0x15: {  	(v2sf) =	vpush v1, $0x1  }
0x16: {  	(v2sf) =	vpush v1, $0x2;
	_ =	sdelay $0x1  }
0x17: {  	(v2sf) =	vpush v1, $0x4;
	_ =	sdelay $0x1  }
0x18: {  	(v2sf) =	vpush v1, $0x3  }
0x19: {  	(v2sf) =	vpush v1, $0x5  }
0x1a: {  	s19 =	simm.s32 $0x1000;
	s18 =	simm.s32 $0x0;
	s20 =	simm.s32 $0x0;
	(v2sf) =	vpush v1, $0x6  }
.LBB2_2:
0x1b: {  	p0 =	sne.s32 s19, $0xF000  }
0x1c: {  	s31 =	sadd.s32 $0x8400, s18;
	s24 =	sadd.s32 $0x8680, s18;
	s21 =	smov.u32 s19  }
0x1d: {  	s19 =	sadd.s32 $0x1000, s19;
	s28 =	sadd.s32 $0x8580, s18;
	s22 =	sadd.s32 $0x700, s18;
	(v2sf) =	vpush v1, $0x7  }
0x1e: {  	s30 =	sadd.s32 $0x8500, s18;
	s25 =	sadd.s32 $0x600, s18;
	s23 =	sadd.s32 $0x8700, s18  }
0x1f: {  	s0 =	sadd.s32 $0x400, s18;
	s1 =	sadd.s32 $0x500, s18;
	(v2sf) =	vpush v1, $0x8  }
0x20: {  	s17 =	simm.s32 $0x0;
	s15 =	sadd.s32 $0x580, s18;
	s20 =	sadd.s32 $0x10, s20  }
0x21: {  	s5 =	sadd.s32 $0x480, s18;
	s26 =	sadd.s32 $0x680, s18;
	s29 =	spop (v2sf);
	(v2sf) =	vpush v1, $0x9  }
0x22: {  	s6 =	sand.u32 $0x1FFFFFF0, s29;
	s29 =	sadd.s32 $0x8600, s18;
	s7 =	spop (v2sf)  }
0x23: {  	s6 =	sadd.s32 s3, s6;
	s7 =	sand.u32 $0x1FFFFFF0, s7;
	s8 =	spop (v2sf);
	(v2sf) =	vpush v1, $0xA  }
0x24: {  	[tilespmem:s0], [sflag:$0x1] =	stream.linear.gather [hbm4b:s6+s17], $0x80, $0x38;
	[tilespmem:$0x10600] =	vst v63  }
0x25: {  	s0 =	sadd.s32 s4, s7;
	s6 =	sadd.s32 $0x8480, s18;
	s7 =	spop (v2sf);
	(v2sf) =	vpush v1, $0xB  }
0x26: {  	[tilespmem:s31], [sflag:$0x1] =	stream.linear.gather [hbm4b:s0+s17], $0x80, $0x38;
	[tilespmem:$0x10600] =	vst v63  }
0x27: {  	s0 =	sand.u32 $0x1FFFFFF0, s8;
	s7 =	sand.u32 $0x1FFFFFF0, s7;
	s8 =	spop (v2sf);
	(v2sf) =	vpush v1, $0xC  }
0x28: {  	s0 =	sadd.s32 s3, s0;
	s8 =	sand.u32 $0x1FFFFFF0, s8;
	s31 =	spop (v2sf)  }
0x29: {  	[tilespmem:s5], [sflag:$0x1] =	stream.linear.gather [hbm4b:s0+s17], $0x80, $0x38;
	(v2sf) =	vpush v1, $0xD;
	[tilespmem:$0x10600] =	vst v63  }
0x2a: {  	s0 =	sadd.s32 s4, s8;
	s5 =	sand.u32 $0x1FFFFFF0, s31;
	s8 =	spop (v2sf)  }
0x2b: {  	[tilespmem:s6], [sflag:$0x1] =	stream.linear.gather [hbm4b:s0+s17], $0x80, $0x38;
	(v2sf) =	vpush v1, $0xE;
	[tilespmem:$0x10600] =	vst v63  }
0x2c: {  	s0 =	sadd.s32 s3, s7;
	s6 =	sand.u32 $0x1FFFFFF0, s8;
	s7 =	spop (v2sf)  }
0x2d: {  	[tilespmem:s1], [sflag:$0x1] =	stream.linear.gather [hbm4b:s0+s17], $0x80, $0x38;
	(v2sf) =	vpush v1, $0xF;
	[tilespmem:$0x10600] =	vst v63  }
0x2e: {  	s0 =	sadd.s32 s4, s5;
	s1 =	sand.u32 $0x1FFFFFF0, s7;
	s5 =	spop (v2sf)  }
0x2f: {  	[tilespmem:s30], [sflag:$0x1] =	stream.linear.gather [hbm4b:s0+s17], $0x80, $0x38;
	[tilespmem:$0x10600] =	vst v63  }
0x30: {  	s0 =	sadd.s32 s3, s6;
	s5 =	sand.u32 $0x1FFFFFF0, s5;
	s6 =	spop (v2sf)  }
0x31: {  	[tilespmem:s15], [sflag:$0x1] =	stream.linear.gather [hbm4b:s0+s17], $0x80, $0x38;
	[tilespmem:$0x10600] =	vst v63  }
0x32: {  	s0 =	sadd.s32 s4, s1;
	s1 =	sand.u32 $0x1FFFFFF0, s6;
	s6 =	spop (v2sf)  }
0x33: {  	[tilespmem:s28], [sflag:$0x1] =	stream.linear.gather [hbm4b:s0+s17], $0x80, $0x38;
	[tilespmem:$0x10600] =	vst v63  }
0x34: {  	s0 =	sadd.s32 s3, s5;
	s5 =	sand.u32 $0x1FFFFFF0, s6;
	s6 =	spop (v2sf)  }
0x35: {  	[tilespmem:s25], [sflag:$0x1] =	stream.linear.gather [hbm4b:s0+s17], $0x80, $0x38;
	[tilespmem:$0x10600] =	vst v63  }
0x36: {  	s0 =	sadd.s32 s4, s1;
	s1 =	sand.u32 $0x1FFFFFF0, s6;
	s6 =	spop (v2sf)  }
0x37: {  	[tilespmem:s29], [sflag:$0x1] =	stream.linear.gather [hbm4b:s0+s17], $0x80, $0x38;
	[tilespmem:$0x10600] =	vst v63  }
0x38: {  	s0 =	sadd.s32 s3, s5;
	s5 =	sand.u32 $0x1FFFFFF0, s6;
	s6 =	spop (v2sf)  }
0x39: {  	[tilespmem:s26], [sflag:$0x1] =	stream.linear.gather [hbm4b:s0+s17], $0x80, $0x38;
	[tilespmem:$0x10600] =	vst v63  }
0x3a: {  	s0 =	sadd.s32 s4, s1;
	s1 =	sand.u32 $0x1FFFFFF0, s6;
	s6 =	spop (v2sf)  }
0x3b: {  	[tilespmem:s24], [sflag:$0x1] =	stream.linear.gather [hbm4b:s0+s17], $0x80, $0x38;
	[tilespmem:$0x10600] =	vst v63  }
0x3c: {  	s0 =	sadd.s32 s3, s5;
	s5 =	sand.u32 $0x1FFFFFF0, s6;
	s6 =	spop (v2sf)  }
0x3d: {  	[tilespmem:s22], [sflag:$0x1] =	stream.linear.gather [hbm4b:s0+s17], $0x80, $0x38;
	[tilespmem:$0x10600] =	vst v63  }
0x3e: {  	s0 =	sadd.s32 s4, s1;
	s1 =	sand.u32 $0x1FFFFFF0, s6  }
0x3f: {  	[tilespmem:s23], [sflag:$0x1] =	stream.linear.gather [hbm4b:s0+s17], $0x80, $0x38;
	[tilespmem:$0x10600] =	vst v63  }
0x40: {  	s5 =	sadd.s32 s3, s5;
	s0 =	sadd.s32 $0x780, s18  }
0x41: {  	[tilespmem:s0], [sflag:$0x1] =	stream.linear.gather [hbm4b:s5+s17], $0x80, $0x38;
	[tilespmem:$0x10600] =	vst v63  }
0x42: {  	s1 =	sadd.s32 s4, s1;
	s0 =	sadd.s32 $0x8780, s18  }
0x43: {  	[tilespmem:s0], [sflag:$0x1] =	stream.linear.gather [hbm4b:s1+s17], $0x80, $0x38;
	[tilespmem:$0x10600] =	vst v63  }
0x44: {  	v1 =	vld [tilespmem:s20+$0x0];
	_ =	sdelay $0x4  }
0x45: {  	v1 =	vshll.u32 v1, $0x4  }
0x46: {  	(v2sf) =	vpush v1, $0x0  }
0x47: {  	(v2sf) =	vpush v1, $0x1  }
0x48: {  	(v2sf) =	vpush v1, $0x2;
	_ =	sdelay $0x1  }
0x49: {  	(v2sf) =	vpush v1, $0x4  }
.Ltmp0:
0x4a: {  	(pc) =	sbr.rel @p0 .LBB2_2-.Ltmp0, $3  }
0x4b: {  	(v2sf) =	vpush v1, $0x3  }
0x4c: {  	(v2sf) =	vpush v1, $0x5;
	_ =	sdelay $0x1  }
0x4d: {  	s18 =	sshra.s32 s21, $0x2;
	(v2sf) =	vpush v1, $0x6  }
0x4e: {  	_ =	sdelay $0x1  }
0x4f: {  	s0 =	sadd.s32 $0x8400, s18;
	s21 =	sadd.s32 $0x8680, s18  }
0x50: {  	s1 =	sadd.s32 $0x8580, s18;
	s19 =	sadd.s32 $0x700, s18;
	(v2sf) =	vpush v1, $0x7;
	s5 =	sadd.s32 $0x8500, s18  }
0x51: {  	s6 =	sadd.s32 $0x600, s18;
	s20 =	sadd.s32 $0x8700, s18;
	s7 =	sadd.s32 $0x400, s18  }
0x52: {  	s8 =	sadd.s32 $0x500, s18;
	s15 =	sadd.s32 $0x580, s18;
	(v2sf) =	vpush v1, $0x8;
	s22 =	spop (v2sf)  }
0x53: {  	s23 =	sadd.s32 $0x480, s18;
	s22 =	sand.u32 $0x1FFFFFF0, s22;
	s24 =	spop (v2sf)  }
0x54: {  	(v2sf) =	vpush v1, $0x9;
	s22 =	sadd.s32 s3, s22;
	s24 =	sand.u32 $0x1FFFFFF0, s24;
	s25 =	spop (v2sf)  }
0x55: {  	[tilespmem:s7], [sflag:$0x1] =	stream.linear.gather [hbm4b:s22+s17], $0x80, $0x38;
	[tilespmem:$0x10600] =	vst v63  }
0x56: {  	s26 =	sadd.s32 $0x8480, s18;
	(v2sf) =	vpush v1, $0xA;
	s30 =	sadd.s32 s4, s24;
	s31 =	spop (v2sf)  }
0x57: {  	[tilespmem:s0], [sflag:$0x1] =	stream.linear.gather [hbm4b:s30+s17], $0x80, $0x38;
	[tilespmem:$0x10600] =	vst v63  }
0x58: {  	s7 =	sadd.s32 $0x680, s18;
	s28 =	sand.u32 $0x1FFFFFF0, s25;
	(v2sf) =	vpush v1, $0xB;
	s29 =	spop (v2sf)  }
0x59: {  	s22 =	sadd.s32 s3, s28;
	s0 =	sadd.s32 $0x8600, s18;
	s25 =	sand.u32 $0x1FFFFFF0, s29  }
0x5a: {  	(v2sf) =	vpush v1, $0xC;
	[tilespmem:s23], [sflag:$0x1] =	stream.linear.gather [hbm4b:s22+s17], $0x80, $0x38;
	[tilespmem:$0x10600] =	vst v63  }
0x5b: {  	s30 =	sand.u32 $0x1FFFFFF0, s31;
	s31 =	spop (v2sf);
	s28 =	sadd.s32 s4, s25  }
0x5c: {  	(v2sf) =	vpush v1, $0xD;
	[tilespmem:s26], [sflag:$0x1] =	stream.linear.gather [hbm4b:s28+s17], $0x80, $0x38;
	[tilespmem:$0x10600] =	vst v63  }
0x5d: {  	s22 =	sadd.s32 s3, s30;
	s23 =	sand.u32 $0x1FFFFFF0, s31;
	s29 =	spop (v2sf)  }
0x5e: {  	(v2sf) =	vpush v1, $0xE;
	[tilespmem:s8], [sflag:$0x1] =	stream.linear.gather [hbm4b:s22+s17], $0x80, $0x38;
	[tilespmem:$0x10600] =	vst v63  }
0x5f: {  	s23 =	sadd.s32 s4, s23;
	s30 =	sand.u32 $0x1FFFFFF0, s29;
	s31 =	spop (v2sf)  }
0x60: {  	(v2sf) =	vpush v1, $0xF;
	[tilespmem:s5], [sflag:$0x1] =	stream.linear.gather [hbm4b:s23+s17], $0x80, $0x38;
	[tilespmem:$0x10600] =	vst v63  }
0x61: {  	s24 =	sand.u32 $0x1FFFFFF0, s31;
	s25 =	spop (v2sf);
	s8 =	sadd.s32 s3, s30  }
0x62: {  	[tilespmem:s15], [sflag:$0x1] =	stream.linear.gather [hbm4b:s8+s17], $0x80, $0x38;
	[tilespmem:$0x10600] =	vst v63  }
0x63: {  	s26 =	sand.u32 $0x1FFFFFF0, s25;
	s5 =	sadd.s32 s4, s24;
	s28 =	spop (v2sf)  }
0x64: {  	[tilespmem:s1], [sflag:$0x1] =	stream.linear.gather [hbm4b:s5+s17], $0x80, $0x38;
	[tilespmem:$0x10600] =	vst v63  }
0x65: {  	s8 =	sadd.s32 s3, s26;
	s29 =	sand.u32 $0x1FFFFFF0, s28;
	s30 =	spop (v2sf)  }
0x66: {  	[tilespmem:s6], [sflag:$0x1] =	stream.linear.gather [hbm4b:s8+s17], $0x80, $0x38;
	[tilespmem:$0x10600] =	vst v63  }
0x67: {  	s5 =	sand.u32 $0x1FFFFFF0, s30;
	s1 =	sadd.s32 s4, s29;
	s31 =	spop (v2sf)  }
0x68: {  	[tilespmem:s0], [sflag:$0x1] =	stream.linear.gather [hbm4b:s1+s17], $0x80, $0x38;
	[tilespmem:$0x10600] =	vst v63  }
0x69: {  	s5 =	sadd.s32 s3, s5;
	s8 =	sand.u32 $0x1FFFFFF0, s31;
	s15 =	spop (v2sf)  }
0x6a: {  	[tilespmem:s7], [sflag:$0x1] =	stream.linear.gather [hbm4b:s5+s17], $0x80, $0x38;
	[tilespmem:$0x10600] =	vst v63  }
0x6b: {  	s0 =	sadd.s32 s4, s8;
	s1 =	sand.u32 $0x1FFFFFF0, s15;
	s22 =	spop (v2sf)  }
0x6c: {  	[tilespmem:s21], [sflag:$0x1] =	stream.linear.gather [hbm4b:s0+s17], $0x80, $0x38;
	[tilespmem:$0x10600] =	vst v63  }
0x6d: {  	s23 =	sand.u32 $0x1FFFFFF0, s22;
	s1 =	sadd.s32 s3, s1;
	s24 =	spop (v2sf)  }
0x6e: {  	[tilespmem:s19], [sflag:$0x1] =	stream.linear.gather [hbm4b:s1+s17], $0x80, $0x38;
	[tilespmem:$0x10600] =	vst v63  }
0x6f: {  	s25 =	sand.u32 $0x1FFFFFF0, s24;
	s26 =	spop (v2sf);
	s0 =	sadd.s32 s4, s23  }
0x70: {  	[tilespmem:s20], [sflag:$0x1] =	stream.linear.gather [hbm4b:s0+s17], $0x80, $0x38;
	[tilespmem:$0x10600] =	vst v63  }
0x71: {  	s29 =	sadd.s32 $0x780, s18;
	s28 =	sand.u32 $0x1FFFFFF0, s26;
	s1 =	sadd.s32 s3, s25  }
0x72: {  	[tilespmem:s29], [sflag:$0x1] =	stream.linear.gather [hbm4b:s1+s17], $0x80, $0x38;
	[tilespmem:$0x10600] =	vst v63  }
0x73: {  	s30 =	sadd.s32 $0x8780, s18;
	s31 =	sand.u32 $0xF0, s17;
	s0 =	sadd.s32 s4, s28  }
0x74: {  	[tilespmem:s30], [sflag:$0x1] =	stream.linear.gather [hbm4b:s0+s17], $0x80, $0x38;
	[tilespmem:$0x10600] =	vst v63  }
0x75: {  	v1 =	vld [tilespmem:s31+$0x100];
	_ =	sdelay $0x4  }
0x76: {  	v1 =	vshll.u32 v1, $0x4  }
0x77: {  	(v2sf) =	vpush v1, $0x0  }
0x78: {  	(v2sf) =	vpush v1, $0x2  }
0x79: {  	(v2sf) =	vpush v1, $0x1;
	_ =	sdelay $0x1  }
0x7a: {  	(v2sf) =	vpush v1, $0x3  }
0x7b: {  	(v2sf) =	vpush v1, $0x4;
	_ =	sdelay $0x2  }
0x7c: {  	s18 =	simm.s32 $0x1000;
	s19 =	simm.s32 $0x10  }
.LBB2_4:
0x7d: {  	p0 =	sne.s32 s18, $0xF000;
	(v2sf) =	vpush v1, $0x5;
	s0 =	smov.u32 s18;
	s18 =	sadd.s32 $0x1000, s18  }
0x7e: {  	s20 =	sshra.s32 s17, $0x2;
	s17 =	smov.u32 s0  }
0x7f: {  	s0 =	sadd.s32 $0xC400, s20;
	(v2sf) =	vpush v1, $0x6  }
0x80: {  	s1 =	sadd.s32 $0x4400, s20  }
0x81: {  	s23 =	sadd.s32 $0xC680, s20;
	s22 =	sadd.s32 $0x4700, s20;
	s21 =	sadd.s32 $0xC700, s20;
	(v2sf) =	vpush v1, $0x7  }
0x82: {  	s26 =	sadd.s32 $0x4600, s20;
	s25 =	sadd.s32 $0xC600, s20;
	s24 =	sadd.s32 $0x4680, s20  }
0x83: {  	s5 =	sadd.s32 $0x4580, s20;
	s28 =	sadd.s32 $0xC580, s20;
	s6 =	spop (v2sf);
	(v2sf) =	vpush v1, $0x8  }
0x84: {  	s7 =	sadd.s32 $0x4480, s20;
	s6 =	sand.u32 $0x1FFFFFF0, s6;
	s8 =	spop (v2sf)  }
0x85: {  	s15 =	sadd.s32 $0xC500, s20;
	s6 =	sadd.s32 s3, s6;
	s29 =	spop (v2sf);
	(v2sf) =	vpush v1, $0x9  }
0x86: {  	[tilespmem:s1], [sflag:$0x2] =	stream.linear.gather [hbm4b:s6+s2], $0x80, $0x38;
	[tilespmem:$0x10600] =	vst v63  }
0x87: {  	s1 =	sand.u32 $0x1FFFFFF0, s29;
	s6 =	sand.u32 $0x1FFFFFF0, s8;
	s8 =	spop (v2sf);
	(v2sf) =	vpush v1, $0xA  }
0x88: {  	s29 =	sadd.s32 $0x4500, s20;
	s1 =	sadd.s32 s4, s1;
	s30 =	spop (v2sf)  }
0x89: {  	[tilespmem:s0], [sflag:$0x2] =	stream.linear.gather [hbm4b:s1+s2], $0x80, $0x38;
	(v2sf) =	vpush v1, $0xB;
	[tilespmem:$0x10600] =	vst v63  }
0x8a: {  	s0 =	sadd.s32 s3, s6;
	s1 =	sand.u32 $0x1FFFFFF0, s8;
	s6 =	sand.u32 $0x1FFFFFF0, s30  }
0x8b: {  	[tilespmem:s7], [sflag:$0x2] =	stream.linear.gather [hbm4b:s0+s2], $0x80, $0x38;
	(v2sf) =	vpush v1, $0xC;
	[tilespmem:$0x10600] =	vst v63  }
0x8c: {  	s1 =	sadd.s32 s4, s1;
	s0 =	sadd.s32 $0xC480, s20;
	s7 =	spop (v2sf)  }
0x8d: {  	[tilespmem:s0], [sflag:$0x2] =	stream.linear.gather [hbm4b:s1+s2], $0x80, $0x38;
	(v2sf) =	vpush v1, $0xD;
	[tilespmem:$0x10600] =	vst v63  }
0x8e: {  	s0 =	sadd.s32 s3, s6;
	s1 =	sand.u32 $0x1FFFFFF0, s7;
	s6 =	spop (v2sf)  }
0x8f: {  	[tilespmem:s29], [sflag:$0x2] =	stream.linear.gather [hbm4b:s0+s2], $0x80, $0x38;
	(v2sf) =	vpush v1, $0xE;
	[tilespmem:$0x10600] =	vst v63  }
0x90: {  	s0 =	sadd.s32 s4, s1;
	s1 =	sand.u32 $0x1FFFFFF0, s6;
	s6 =	spop (v2sf)  }
0x91: {  	[tilespmem:s15], [sflag:$0x2] =	stream.linear.gather [hbm4b:s0+s2], $0x80, $0x38;
	(v2sf) =	vpush v1, $0xF;
	[tilespmem:$0x10600] =	vst v63  }
0x92: {  	s0 =	sadd.s32 s3, s1;
	s1 =	sand.u32 $0x1FFFFFF0, s6;
	s6 =	spop (v2sf)  }
0x93: {  	[tilespmem:s5], [sflag:$0x2] =	stream.linear.gather [hbm4b:s0+s2], $0x80, $0x38;
	[tilespmem:$0x10600] =	vst v63  }
0x94: {  	s0 =	sadd.s32 s4, s1;
	s1 =	sand.u32 $0x1FFFFFF0, s6;
	s5 =	spop (v2sf)  }
0x95: {  	[tilespmem:s28], [sflag:$0x2] =	stream.linear.gather [hbm4b:s0+s2], $0x80, $0x38;
	[tilespmem:$0x10600] =	vst v63  }
0x96: {  	s0 =	sadd.s32 s3, s1;
	s1 =	sand.u32 $0x1FFFFFF0, s5;
	s5 =	spop (v2sf)  }
0x97: {  	[tilespmem:s26], [sflag:$0x2] =	stream.linear.gather [hbm4b:s0+s2], $0x80, $0x38;
	[tilespmem:$0x10600] =	vst v63  }
0x98: {  	s0 =	sadd.s32 s4, s1;
	s1 =	sand.u32 $0x1FFFFFF0, s5;
	s5 =	spop (v2sf)  }
0x99: {  	[tilespmem:s25], [sflag:$0x2] =	stream.linear.gather [hbm4b:s0+s2], $0x80, $0x38;
	[tilespmem:$0x10600] =	vst v63  }
0x9a: {  	s0 =	sadd.s32 s3, s1;
	s1 =	sand.u32 $0x1FFFFFF0, s5;
	s5 =	spop (v2sf)  }
0x9b: {  	[tilespmem:s24], [sflag:$0x2] =	stream.linear.gather [hbm4b:s0+s2], $0x80, $0x38;
	[tilespmem:$0x10600] =	vst v63  }
0x9c: {  	s0 =	sadd.s32 s4, s1;
	s1 =	sand.u32 $0x1FFFFFF0, s5;
	s5 =	spop (v2sf)  }
0x9d: {  	[tilespmem:s23], [sflag:$0x2] =	stream.linear.gather [hbm4b:s0+s2], $0x80, $0x38;
	[tilespmem:$0x10600] =	vst v63  }
0x9e: {  	s0 =	sadd.s32 s3, s1;
	s1 =	sand.u32 $0x1FFFFFF0, s5;
	s5 =	spop (v2sf)  }
0x9f: {  	[tilespmem:s22], [sflag:$0x2] =	stream.linear.gather [hbm4b:s0+s2], $0x80, $0x38;
	[tilespmem:$0x10600] =	vst v63  }
0xa0: {  	s0 =	sadd.s32 s4, s1;
	s1 =	sand.u32 $0x1FFFFFF0, s5;
	s5 =	spop (v2sf)  }
0xa1: {  	[tilespmem:s21], [sflag:$0x2] =	stream.linear.gather [hbm4b:s0+s2], $0x80, $0x38;
	[tilespmem:$0x10600] =	vst v63  }
0xa2: {  	s1 =	sadd.s32 s3, s1;
	s0 =	sadd.s32 $0x4780, s20;
	s5 =	sand.u32 $0x1FFFFFF0, s5  }
0xa3: {  	[tilespmem:s0], [sflag:$0x2] =	stream.linear.gather [hbm4b:s1+s2], $0x80, $0x38;
	[tilespmem:$0x10600] =	vst v63  }
0xa4: {  	s5 =	sadd.s32 s4, s5;
	s0 =	sand.u32 $0xF0, s19;
	s1 =	sadd.s32 $0xC780, s20  }
0xa5: {  	[tilespmem:s1], [sflag:$0x2] =	stream.linear.gather [hbm4b:s5+s2], $0x80, $0x38;
	[tilespmem:$0x10600] =	vst v63  }
0xa6: {  	v1 =	vld [tilespmem:s0+$0x100];
	_ =	sdelay $0x4  }
0xa7: {  	v1 =	vshll.u32 v1, $0x4  }
0xa8: {  	(v2sf) =	vpush v1, $0x0  }
0xa9: {  	(v2sf) =	vpush v1, $0x2  }
0xaa: {  	(v2sf) =	vpush v1, $0x1;
	_ =	sdelay $0x1  }
.Ltmp1:
0xab: {  	(v2sf) =	vpush v1, $0x3;
	(pc) =	sbr.rel @p0 .LBB2_4-.Ltmp1, $2  }
0xac: {  	(v2sf) =	vpush v1, $0x4;
	_ =	sdelay $0x2  }
0xad: {  	s19 =	sadd.s32 $0x10, s19  }
0xae: {  	(v2sf) =	vpush v1, $0x5;
	_ =	sdelay $0x1  }
0xaf: {  	s17 =	sshra.s32 s17, $0x2;
	(v2sf) =	vpush v1, $0x6  }
0xb0: {  	s0 =	sadd.s32 $0xC400, s17;
	s1 =	sadd.s32 $0x4400, s17  }
0xb1: {  	s20 =	sadd.s32 $0xC680, s17;
	s19 =	sadd.s32 $0x4700, s17;
	s18 =	sadd.s32 $0xC700, s17;
	(v2sf) =	vpush v1, $0x7  }
0xb2: {  	s5 =	sadd.s32 $0x4600, s17;
	s6 =	sadd.s32 $0xC600, s17;
	s7 =	sadd.s32 $0x4680, s17  }
0xb3: {  	s8 =	sadd.s32 $0x4580, s17;
	s15 =	sadd.s32 $0xC580, s17;
	s21 =	spop (v2sf);
	(v2sf) =	vpush v1, $0x8  }
0xb4: {  	s22 =	sadd.s32 $0x4480, s17;
	s21 =	sand.u32 $0x1FFFFFF0, s21;
	s23 =	spop (v2sf)  }
0xb5: {  	s24 =	sadd.s32 $0xC500, s17;
	s21 =	sadd.s32 s3, s21;
	s25 =	spop (v2sf);
	(v2sf) =	vpush v1, $0x9  }
0xb6: {  	[tilespmem:s1], [sflag:$0x2] =	stream.linear.gather [hbm4b:s21+s2], $0x80, $0x38;
	[tilespmem:$0x10600] =	vst v63  }
0xb7: {  	s30 =	sand.u32 $0x1FFFFFF0, s23;
	s29 =	sand.u32 $0x1FFFFFF0, s25;
	s31 =	spop (v2sf);
	(v2sf) =	vpush v1, $0xA  }
0xb8: {  	s25 =	sadd.s32 $0x4500, s17;
	s1 =	sadd.s32 s4, s29;
	s26 =	spop (v2sf)  }
0xb9: {  	[tilespmem:s0], [sflag:$0x2] =	stream.linear.gather [hbm4b:s1+s2], $0x80, $0x38;
	(v2sf) =	vpush v1, $0xB;
	[tilespmem:$0x10600] =	vst v63  }
0xba: {  	s21 =	sadd.s32 s3, s30;
	s30 =	sadd.s32 $0xC480, s17;
	s28 =	sand.u32 $0x1FFFFFF0, s31  }
0xbb: {  	(v2sf) =	vpush v1, $0xC;
	[tilespmem:s22], [sflag:$0x2] =	stream.linear.gather [hbm4b:s21+s2], $0x80, $0x38;
	[tilespmem:$0x10600] =	vst v63  }
0xbc: {  	s29 =	sand.u32 $0x1FFFFFF0, s26;
	s1 =	sadd.s32 s4, s28;
	s31 =	spop (v2sf)  }
0xbd: {  	[tilespmem:s30], [sflag:$0x2] =	stream.linear.gather [hbm4b:s1+s2], $0x80, $0x38;
	(v2sf) =	vpush v1, $0xD;
	[tilespmem:$0x10600] =	vst v63  }
0xbe: {  	s21 =	sadd.s32 s3, s29;
	s22 =	sand.u32 $0x1FFFFFF0, s31;
	s23 =	spop (v2sf)  }
0xbf: {  	(v2sf) =	vpush v1, $0xE;
	[tilespmem:s25], [sflag:$0x2] =	stream.linear.gather [hbm4b:s21+s2], $0x80, $0x38;
	[tilespmem:$0x10600] =	vst v63  }
0xc0: {  	s25 =	sadd.s32 s4, s22;
	s26 =	sand.u32 $0x1FFFFFF0, s23;
	s28 =	spop (v2sf)  }
0xc1: {  	(v2sf) =	vpush v1, $0xF;
	[tilespmem:s24], [sflag:$0x2] =	stream.linear.gather [hbm4b:s25+s2], $0x80, $0x38;
	[tilespmem:$0x10600] =	vst v63  }
0xc2: {  	s29 =	sadd.s32 s3, s26;
	s30 =	sand.u32 $0x1FFFFFF0, s28;
	s31 =	spop (v2sf)  }
0xc3: {  	[tilespmem:s8], [sflag:$0x2] =	stream.linear.gather [hbm4b:s29+s2], $0x80, $0x38;
	[tilespmem:$0x10600] =	vst v63  }
0xc4: {  	s22 =	sadd.s32 s4, s30;
	s23 =	sand.u32 $0x1FFFFFF0, s31;
	s24 =	spop (v2sf)  }
0xc5: {  	[tilespmem:s15], [sflag:$0x2] =	stream.linear.gather [hbm4b:s22+s2], $0x80, $0x38;
	[tilespmem:$0x10600] =	vst v63  }
0xc6: {  	s25 =	sadd.s32 s3, s23;
	s26 =	sand.u32 $0x1FFFFFF0, s24;
	s28 =	spop (v2sf)  }
0xc7: {  	[tilespmem:s5], [sflag:$0x2] =	stream.linear.gather [hbm4b:s25+s2], $0x80, $0x38;
	[tilespmem:$0x10600] =	vst v63  }
0xc8: {  	s29 =	sadd.s32 s4, s26;
	s30 =	sand.u32 $0x1FFFFFF0, s28;
	s31 =	spop (v2sf)  }
0xc9: {  	[tilespmem:s6], [sflag:$0x2] =	stream.linear.gather [hbm4b:s29+s2], $0x80, $0x38;
	[tilespmem:$0x10600] =	vst v63  }
0xca: {  	s1 =	sadd.s32 s3, s30;
	s5 =	sand.u32 $0x1FFFFFF0, s31;
	s6 =	spop (v2sf)  }
0xcb: {  	[tilespmem:s7], [sflag:$0x2] =	stream.linear.gather [hbm4b:s1+s2], $0x80, $0x38;
	[tilespmem:$0x10600] =	vst v63  }
0xcc: {  	s8 =	sand.u32 $0x1FFFFFF0, s6;
	s7 =	sadd.s32 s4, s5;
	s15 =	spop (v2sf)  }
0xcd: {  	[tilespmem:s20], [sflag:$0x2] =	stream.linear.gather [hbm4b:s7+s2], $0x80, $0x38;
	[tilespmem:$0x10600] =	vst v63  }
0xce: {  	s21 =	sadd.s32 s3, s8;
	s22 =	sand.u32 $0x1FFFFFF0, s15;
	s23 =	spop (v2sf)  }
0xcf: {  	[tilespmem:s19], [sflag:$0x2] =	stream.linear.gather [hbm4b:s21+s2], $0x80, $0x38;
	[tilespmem:$0x10600] =	vst v63  }
0xd0: {  	s24 =	sadd.s32 s4, s22;
	s25 =	sand.u32 $0x1FFFFFF0, s23;
	s26 =	spop (v2sf)  }
0xd1: {  	[tilespmem:s18], [sflag:$0x2] =	stream.linear.gather [hbm4b:s24+s2], $0x80, $0x38;
	[tilespmem:$0x10600] =	vst v63  }
0xd2: {  	s28 =	sadd.s32 $0x4780, s17;
	s1 =	sadd.s32 s3, s25;
	s5 =	sand.u32 $0x1FFFFFF0, s26  }
0xd3: {  	[tilespmem:s28], [sflag:$0x2] =	stream.linear.gather [hbm4b:s1+s2], $0x80, $0x38;
	[tilespmem:$0x10600] =	vst v63  }
0xd4: {  	s29 =	sadd.s32 $0xC780, s17;
	s17 =	simm.s32 $0x0;
	s30 =	sadd.s32 s4, s5  }
0xd5: {  	v1 =	vmov s17;
	[tilespmem:s29], [sflag:$0x2] =	stream.linear.gather [hbm4b:s30+s2], $0x80, $0x38;
	[tilespmem:$0x10600] =	vst v63  }
0xd6: {  	v1 =	vshll.u32 v1, $0x7;
	_ =	swait.ge [sflag:s9], $0x4000  }
0xd7: {  	v1 =	vor.u32 v0, v1;
	[sflag:s9] =	ssyncset.done $0x0  }
0xd8: {  	[sflag:s9] =	ssyncadd.s32 $0xFFFFC000  }
0xd9: {  	v2 =	vor.u32 $0x1, v1;
	_ =	swait.ge [sflag:s9], $0x4000  }
0xda: {  	[sflag:s9] =	ssyncset.done $0x0  }
0xdb: {  	v3 =	vor.u32 $0x2, v1;
	[sflag:s9] =	ssyncadd.s32 $0xFFFFC000  }
0xdc: {  	v4 =	vld.idx.msk [tilespmem:v1+s11+$0x0], $0xffff  }
0xdd: {  	v6 =	vor.u32 $0x3, v1;
	v5 =	vld.idx.msk [tilespmem:v1+s10+$0x0], $0xffff  }
0xde: {  	v7 =	vld.idx.msk [tilespmem:v2+s10+$0x0], $0xffff  }
0xdf: {  	v8 =	vor.u32 $0x4, v1;
	v2 =	vld.idx.msk [tilespmem:v2+s11+$0x0], $0xffff  }
0xe0: {  	v9 =	vld.idx.msk [tilespmem:v3+s10+$0x0], $0xffff  }
0xe1: {  	v10 =	vor.u32 $0x5, v1;
	v3 =	vld.idx.msk [tilespmem:v3+s11+$0x0], $0xffff  }
0xe2: {  	v11 =	vld.idx.msk [tilespmem:v6+s10+$0x0], $0xffff  }
0xe3: {  	v12 =	vor.u32 $0x6, v1;
	v6 =	vld.idx.msk [tilespmem:v6+s11+$0x0], $0xffff  }
0xe4: {  	v13 =	vld.idx.msk [tilespmem:v8+s10+$0x0], $0xffff;
	v4 =	vmul.f32 v4, v5;
	v2 =	vmul.f32 v2, v7  }
0xe5: {  	v43 =	vor.u32 $0x7, v1;
	v42 =	vld.idx.msk [tilespmem:v8+s11+$0x0], $0xffff  }
0xe6: {  	v44 =	vld.idx.msk [tilespmem:v10+s10+$0x0], $0xffff;
	v3 =	vmul.f32 v3, v9;
	v2 =	vadd.f32 v2, v4  }
0xe7: {  	v46 =	vor.u32 $0x8, v1;
	v45 =	vld.idx.msk [tilespmem:v10+s11+$0x0], $0xffff  }
0xe8: {  	v47 =	vld.idx.msk [tilespmem:v12+s10+$0x0], $0xffff;
	v2 =	vadd.f32 v3, v2;
	v3 =	vmul.f32 v6, v11  }
0xe9: {  	v49 =	vor.u32 $0x9, v1;
	v48 =	vld.idx.msk [tilespmem:v12+s11+$0x0], $0xffff  }
0xea: {  	v50 =	vld.idx.msk [tilespmem:v43+s10+$0x0], $0xffff;
	v2 =	vadd.f32 v3, v2;
	v3 =	vmul.f32 v42, v13  }
0xeb: {  	v52 =	vor.u32 $0xA, v1;
	v51 =	vld.idx.msk [tilespmem:v43+s11+$0x0], $0xffff  }
0xec: {  	v53 =	vld.idx.msk [tilespmem:v46+s10+$0x0], $0xffff;
	v2 =	vadd.f32 v3, v2;
	v3 =	vmul.f32 v45, v44  }
0xed: {  	v55 =	vor.u32 $0xB, v1;
	v54 =	vld.idx.msk [tilespmem:v46+s11+$0x0], $0xffff  }
0xee: {  	v56 =	vld.idx.msk [tilespmem:v49+s10+$0x0], $0xffff;
	v2 =	vadd.f32 v3, v2;
	v3 =	vmul.f32 v48, v47  }
0xef: {  	v58 =	vor.u32 $0xC, v1;
	v57 =	vld.idx.msk [tilespmem:v49+s11+$0x0], $0xffff  }
0xf0: {  	v59 =	vld.idx.msk [tilespmem:v52+s10+$0x0], $0xffff;
	v2 =	vadd.f32 v3, v2;
	v3 =	vmul.f32 v51, v50  }
0xf1: {  	v61 =	vor.u32 $0xD, v1;
	v60 =	vld.idx.msk [tilespmem:v52+s11+$0x0], $0xffff  }
0xf2: {  	v62 =	vld.idx.msk [tilespmem:v55+s10+$0x0], $0xffff;
	v2 =	vadd.f32 v3, v2;
	v3 =	vmul.f32 v54, v53  }
0xf3: {  	v16 =	vor.u32 $0xE, v1;
	v63 =	vld.idx.msk [tilespmem:v55+s11+$0x0], $0xffff  }
0xf4: {  	v17 =	vld.idx.msk [tilespmem:v58+s10+$0x0], $0xffff;
	v2 =	vadd.f32 v3, v2;
	v3 =	vmul.f32 v57, v56  }
0xf5: {  	v19 =	vor.u32 $0xF, v1;
	v18 =	vld.idx.msk [tilespmem:v58+s11+$0x0], $0xffff  }
0xf6: {  	v20 =	vld.idx.msk [tilespmem:v61+s10+$0x0], $0xffff;
	v2 =	vadd.f32 v3, v2;
	v3 =	vmul.f32 v60, v59  }
0xf7: {  	v22 =	vor.u32 $0x10, v1;
	v21 =	vld.idx.msk [tilespmem:v61+s11+$0x0], $0xffff  }
0xf8: {  	v23 =	vld.idx.msk [tilespmem:v16+s10+$0x0], $0xffff;
	v2 =	vadd.f32 v3, v2;
	v3 =	vmul.f32 v63, v62  }
0xf9: {  	v25 =	vor.u32 $0x11, v1;
	v24 =	vld.idx.msk [tilespmem:v16+s11+$0x0], $0xffff  }
0xfa: {  	v26 =	vld.idx.msk [tilespmem:v19+s10+$0x0], $0xffff;
	v2 =	vadd.f32 v3, v2;
	v3 =	vmul.f32 v18, v17  }
0xfb: {  	v28 =	vor.u32 $0x12, v1;
	v27 =	vld.idx.msk [tilespmem:v19+s11+$0x0], $0xffff  }
0xfc: {  	v29 =	vld.idx.msk [tilespmem:v22+s10+$0x0], $0xffff;
	v2 =	vadd.f32 v3, v2;
	v3 =	vmul.f32 v21, v20  }
0xfd: {  	v31 =	vor.u32 $0x13, v1;
	v30 =	vld.idx.msk [tilespmem:v22+s11+$0x0], $0xffff  }
0xfe: {  	v32 =	vld.idx.msk [tilespmem:v25+s10+$0x0], $0xffff;
	v2 =	vadd.f32 v3, v2;
	v3 =	vmul.f32 v24, v23  }
0xff: {  	v34 =	vor.u32 $0x14, v1;
	v33 =	vld.idx.msk [tilespmem:v25+s11+$0x0], $0xffff  }
0x100: {  	v35 =	vld.idx.msk [tilespmem:v28+s10+$0x0], $0xffff;
	v2 =	vadd.f32 v3, v2;
	v3 =	vmul.f32 v27, v26  }
0x101: {  	v37 =	vor.u32 $0x15, v1;
	v36 =	vld.idx.msk [tilespmem:v28+s11+$0x0], $0xffff  }
0x102: {  	v38 =	vld.idx.msk [tilespmem:v31+s10+$0x0], $0xffff;
	v2 =	vadd.f32 v3, v2;
	v3 =	vmul.f32 v30, v29  }
0x103: {  	v40 =	vor.u32 $0x16, v1;
	v39 =	vld.idx.msk [tilespmem:v31+s11+$0x0], $0xffff  }
0x104: {  	v41 =	vld.idx.msk [tilespmem:v34+s10+$0x0], $0xffff;
	v2 =	vadd.f32 v3, v2;
	v3 =	vmul.f32 v33, v32  }
0x105: {  	v43 =	vor.u32 $0x17, v1;
	v42 =	vld.idx.msk [tilespmem:v34+s11+$0x0], $0xffff  }
0x106: {  	v44 =	vld.idx.msk [tilespmem:v37+s10+$0x0], $0xffff;
	v2 =	vadd.f32 v3, v2;
	v3 =	vmul.f32 v36, v35  }
0x107: {  	v46 =	vor.u32 $0x18, v1;
	v45 =	vld.idx.msk [tilespmem:v37+s11+$0x0], $0xffff  }
0x108: {  	v47 =	vld.idx.msk [tilespmem:v40+s10+$0x0], $0xffff;
	v2 =	vadd.f32 v3, v2;
	v3 =	vmul.f32 v39, v38  }
0x109: {  	v49 =	vor.u32 $0x19, v1;
	v48 =	vld.idx.msk [tilespmem:v40+s11+$0x0], $0xffff  }
0x10a: {  	v50 =	vld.idx.msk [tilespmem:v43+s10+$0x0], $0xffff;
	v2 =	vadd.f32 v3, v2;
	v3 =	vmul.f32 v42, v41  }
0x10b: {  	v52 =	vor.u32 $0x1A, v1;
	v51 =	vld.idx.msk [tilespmem:v43+s11+$0x0], $0xffff  }
0x10c: {  	v53 =	vld.idx.msk [tilespmem:v46+s10+$0x0], $0xffff;
	v2 =	vadd.f32 v3, v2;
	v3 =	vmul.f32 v45, v44  }
0x10d: {  	v55 =	vor.u32 $0x1B, v1;
	v54 =	vld.idx.msk [tilespmem:v46+s11+$0x0], $0xffff  }
0x10e: {  	v56 =	vld.idx.msk [tilespmem:v49+s10+$0x0], $0xffff;
	v2 =	vadd.f32 v3, v2;
	v3 =	vmul.f32 v48, v47  }
0x10f: {  	v58 =	vor.u32 $0x1C, v1;
	v57 =	vld.idx.msk [tilespmem:v49+s11+$0x0], $0xffff  }
0x110: {  	v59 =	vld.idx.msk [tilespmem:v52+s10+$0x0], $0xffff;
	v2 =	vadd.f32 v3, v2;
	v3 =	vmul.f32 v51, v50  }
0x111: {  	v61 =	vor.u32 $0x1D, v1;
	v60 =	vld.idx.msk [tilespmem:v52+s11+$0x0], $0xffff  }
0x112: {  	v62 =	vld.idx.msk [tilespmem:v55+s10+$0x0], $0xffff;
	v2 =	vadd.f32 v3, v2;
	v3 =	vmul.f32 v54, v53  }
0x113: {  	v16 =	vor.u32 $0x1E, v1;
	v63 =	vld.idx.msk [tilespmem:v55+s11+$0x0], $0xffff  }
0x114: {  	v17 =	vld.idx.msk [tilespmem:v58+s10+$0x0], $0xffff;
	v2 =	vadd.f32 v3, v2;
	v3 =	vmul.f32 v57, v56  }
0x115: {  	v1 =	vor.u32 $0x1F, v1;
	v18 =	vld.idx.msk [tilespmem:v58+s11+$0x0], $0xffff  }
0x116: {  	v19 =	vld.idx.msk [tilespmem:v61+s10+$0x0], $0xffff;
	v2 =	vadd.f32 v3, v2;
	v3 =	vmul.f32 v60, v59  }
0x117: {  	v20 =	vld.idx.msk [tilespmem:v61+s11+$0x0], $0xffff  }
0x118: {  	v22 =	vld.idx.msk [tilespmem:v16+s11+$0x0], $0xffff;
	v2 =	vadd.f32 v3, v2;
	v3 =	vmul.f32 v63, v62  }
0x119: {  	v21 =	vld.idx.msk [tilespmem:v16+s10+$0x0], $0xffff  }
0x11a: {  	v23 =	vld.idx.msk [tilespmem:v1+s10+$0x0], $0xffff;
	v2 =	vadd.f32 v3, v2;
	v3 =	vmul.f32 v18, v17  }
0x11b: {  	v1 =	vld.idx.msk [tilespmem:v1+s11+$0x0], $0xffff  }
0x11c: {  	v2 =	vadd.f32 v3, v2;
	v3 =	vmul.f32 v20, v19;
	_ =	sdelay $0x1  }
0x11d: {  	v2 =	vadd.f32 v3, v2;
	v3 =	vmul.f32 v22, v21;
	_ =	sdelay $0x1  }
0x11e: {  	v1 =	vmul.f32 v1, v23;
	v2 =	vadd.f32 v3, v2;
	_ =	sdelay $0x1  }
0x11f: {  	v1 =	vadd.f32 v1, v2;
	_ =	sdelay $0x1  }
0x120: {  	v1 =	vsub.f32 $0.0e+00, v1;
	_ =	sdelay $0x1  }
0x121: {  	v1 =	vmul.f32 $1.442695020e+00, v1;
	_ =	sdelay $0x1  }
0x122: {  	(erf) = vpow2.f32 v1;
	_ =	sdelay $0x8  }
0x123: {  	v1 =	vpop (erf)  }
0x124: {  	v1 =	vadd.f32 $1.000000000e+00, v1;
	_ =	sdelay $0x1  }
0x125: {  	(erf) = vrcp.f32 v1;
	_ =	sdelay $0x2  }
0x126: {  	s18 =	simm.s32 $0x10  }
0x127: {  	v1 =	vmov s18  }
0x128: {  	v1 =	vshll.u32 v1, $0x7  }
0x129: {  	v1 =	vor.u32 v0, v1;
	_ =	sdelay $0x1  }
0x12a: {  	v2 =	vor.u32 $0x1, v1  }
0x12b: {  	s19 =	simm.s32 $0x10400;
	v3 =	vpop (erf)  }
0x12c: {  	v24 =	vor.u32 $0x2, v1;
	[tilespmem:s19+$0x0] =	vst v3  }
0x12d: {  	v3 =	vld.idx.msk [tilespmem:v1+s11+$0x0], $0xffff  }
0x12e: {  	v26 =	vor.u32 $0x3, v1;
	v25 =	vld.idx.msk [tilespmem:v1+s10+$0x0], $0xffff  }
0x12f: {  	v27 =	vld.idx.msk [tilespmem:v2+s10+$0x0], $0xffff  }
0x130: {  	v28 =	vor.u32 $0x4, v1;
	v2 =	vld.idx.msk [tilespmem:v2+s11+$0x0], $0xffff  }
0x131: {  	v29 =	vld.idx.msk [tilespmem:v24+s10+$0x0], $0xffff  }
0x132: {  	v30 =	vor.u32 $0x5, v1;
	v4 =	vld.idx.msk [tilespmem:v24+s11+$0x0], $0xffff  }
0x133: {  	v31 =	vld.idx.msk [tilespmem:v26+s10+$0x0], $0xffff  }
0x134: {  	v32 =	vor.u32 $0x6, v1;
	v6 =	vld.idx.msk [tilespmem:v26+s11+$0x0], $0xffff  }
0x135: {  	v33 =	vld.idx.msk [tilespmem:v28+s10+$0x0], $0xffff;
	v3 =	vmul.f32 v3, v25;
	v2 =	vmul.f32 v2, v27  }
0x136: {  	v35 =	vor.u32 $0x7, v1;
	v34 =	vld.idx.msk [tilespmem:v28+s11+$0x0], $0xffff  }
0x137: {  	v36 =	vld.idx.msk [tilespmem:v30+s10+$0x0], $0xffff;
	v2 =	vadd.f32 v2, v3;
	v3 =	vmul.f32 v4, v29  }
0x138: {  	v38 =	vor.u32 $0x8, v1;
	v37 =	vld.idx.msk [tilespmem:v30+s11+$0x0], $0xffff  }
0x139: {  	v39 =	vld.idx.msk [tilespmem:v32+s10+$0x0], $0xffff;
	v2 =	vadd.f32 v3, v2;
	v3 =	vmul.f32 v6, v31  }
0x13a: {  	v41 =	vor.u32 $0x9, v1;
	v40 =	vld.idx.msk [tilespmem:v32+s11+$0x0], $0xffff  }
0x13b: {  	v42 =	vld.idx.msk [tilespmem:v35+s10+$0x0], $0xffff;
	v2 =	vadd.f32 v3, v2;
	v3 =	vmul.f32 v34, v33  }
0x13c: {  	v44 =	vor.u32 $0xA, v1;
	v43 =	vld.idx.msk [tilespmem:v35+s11+$0x0], $0xffff  }
0x13d: {  	v45 =	vld.idx.msk [tilespmem:v38+s10+$0x0], $0xffff;
	v2 =	vadd.f32 v3, v2;
	v3 =	vmul.f32 v37, v36  }
0x13e: {  	v47 =	vor.u32 $0xB, v1;
	v46 =	vld.idx.msk [tilespmem:v38+s11+$0x0], $0xffff  }
0x13f: {  	v48 =	vld.idx.msk [tilespmem:v41+s10+$0x0], $0xffff;
	v2 =	vadd.f32 v3, v2;
	v3 =	vmul.f32 v40, v39  }
0x140: {  	v50 =	vor.u32 $0xC, v1;
	v49 =	vld.idx.msk [tilespmem:v41+s11+$0x0], $0xffff  }
0x141: {  	v51 =	vld.idx.msk [tilespmem:v44+s10+$0x0], $0xffff;
	v2 =	vadd.f32 v3, v2;
	v3 =	vmul.f32 v43, v42  }
0x142: {  	v53 =	vor.u32 $0xD, v1;
	v52 =	vld.idx.msk [tilespmem:v44+s11+$0x0], $0xffff  }
0x143: {  	v54 =	vld.idx.msk [tilespmem:v47+s10+$0x0], $0xffff;
	v2 =	vadd.f32 v3, v2;
	v3 =	vmul.f32 v46, v45  }
0x144: {  	v56 =	vor.u32 $0xE, v1;
	v55 =	vld.idx.msk [tilespmem:v47+s11+$0x0], $0xffff  }
0x145: {  	v57 =	vld.idx.msk [tilespmem:v50+s10+$0x0], $0xffff;
	v2 =	vadd.f32 v3, v2;
	v3 =	vmul.f32 v49, v48  }
0x146: {  	v59 =	vor.u32 $0xF, v1;
	v58 =	vld.idx.msk [tilespmem:v50+s11+$0x0], $0xffff  }
0x147: {  	v60 =	vld.idx.msk [tilespmem:v53+s10+$0x0], $0xffff;
	v2 =	vadd.f32 v3, v2;
	v3 =	vmul.f32 v52, v51  }
0x148: {  	v62 =	vor.u32 $0x10, v1;
	v61 =	vld.idx.msk [tilespmem:v53+s11+$0x0], $0xffff  }
0x149: {  	v63 =	vld.idx.msk [tilespmem:v56+s10+$0x0], $0xffff;
	v2 =	vadd.f32 v3, v2;
	v3 =	vmul.f32 v55, v54  }
0x14a: {  	v17 =	vor.u32 $0x11, v1;
	v16 =	vld.idx.msk [tilespmem:v56+s11+$0x0], $0xffff  }
0x14b: {  	v18 =	vld.idx.msk [tilespmem:v59+s10+$0x0], $0xffff;
	v2 =	vadd.f32 v3, v2;
	v3 =	vmul.f32 v58, v57  }
0x14c: {  	v20 =	vor.u32 $0x12, v1;
	v19 =	vld.idx.msk [tilespmem:v59+s11+$0x0], $0xffff  }
0x14d: {  	v21 =	vld.idx.msk [tilespmem:v62+s10+$0x0], $0xffff;
	v2 =	vadd.f32 v3, v2;
	v3 =	vmul.f32 v61, v60  }
0x14e: {  	v23 =	vor.u32 $0x13, v1;
	v22 =	vld.idx.msk [tilespmem:v62+s11+$0x0], $0xffff  }
0x14f: {  	v24 =	vld.idx.msk [tilespmem:v17+s10+$0x0], $0xffff;
	v2 =	vadd.f32 v3, v2;
	v3 =	vmul.f32 v16, v63  }
0x150: {  	v26 =	vor.u32 $0x14, v1;
	v25 =	vld.idx.msk [tilespmem:v17+s11+$0x0], $0xffff  }
0x151: {  	v28 =	vld.idx.msk [tilespmem:v20+s11+$0x0], $0xffff;
	v2 =	vadd.f32 v3, v2;
	v3 =	vmul.f32 v19, v18  }
0x152: {  	v27 =	vld.idx.msk [tilespmem:v20+s10+$0x0], $0xffff;
	v29 =	vor.u32 $0x15, v1  }
0x153: {  	v30 =	vld.idx.msk [tilespmem:v23+s10+$0x0], $0xffff;
	v2 =	vadd.f32 v3, v2;
	v3 =	vmul.f32 v22, v21  }
0x154: {  	v32 =	vor.u32 $0x16, v1;
	v31 =	vld.idx.msk [tilespmem:v23+s11+$0x0], $0xffff  }
0x155: {  	v33 =	vld.idx.msk [tilespmem:v26+s10+$0x0], $0xffff;
	v2 =	vadd.f32 v3, v2;
	v3 =	vmul.f32 v25, v24  }
0x156: {  	v35 =	vor.u32 $0x17, v1;
	v34 =	vld.idx.msk [tilespmem:v26+s11+$0x0], $0xffff  }
0x157: {  	v36 =	vld.idx.msk [tilespmem:v29+s10+$0x0], $0xffff;
	v2 =	vadd.f32 v3, v2;
	v3 =	vmul.f32 v28, v27  }
0x158: {  	v38 =	vor.u32 $0x18, v1;
	v37 =	vld.idx.msk [tilespmem:v29+s11+$0x0], $0xffff  }
0x159: {  	v39 =	vld.idx.msk [tilespmem:v32+s10+$0x0], $0xffff;
	v2 =	vadd.f32 v3, v2;
	v3 =	vmul.f32 v31, v30  }
0x15a: {  	v41 =	vor.u32 $0x19, v1;
	v40 =	vld.idx.msk [tilespmem:v32+s11+$0x0], $0xffff  }
0x15b: {  	v42 =	vld.idx.msk [tilespmem:v35+s10+$0x0], $0xffff;
	v2 =	vadd.f32 v3, v2;
	v3 =	vmul.f32 v34, v33  }
0x15c: {  	v44 =	vor.u32 $0x1A, v1;
	v43 =	vld.idx.msk [tilespmem:v35+s11+$0x0], $0xffff  }
0x15d: {  	v45 =	vld.idx.msk [tilespmem:v38+s10+$0x0], $0xffff;
	v2 =	vadd.f32 v3, v2;
	v3 =	vmul.f32 v37, v36  }
0x15e: {  	v47 =	vor.u32 $0x1B, v1;
	v46 =	vld.idx.msk [tilespmem:v38+s11+$0x0], $0xffff  }
0x15f: {  	v48 =	vld.idx.msk [tilespmem:v41+s10+$0x0], $0xffff;
	v2 =	vadd.f32 v3, v2;
	v3 =	vmul.f32 v40, v39  }
0x160: {  	v50 =	vor.u32 $0x1C, v1;
	v49 =	vld.idx.msk [tilespmem:v41+s11+$0x0], $0xffff  }
0x161: {  	v51 =	vld.idx.msk [tilespmem:v44+s10+$0x0], $0xffff;
	v2 =	vadd.f32 v3, v2;
	v3 =	vmul.f32 v43, v42  }
0x162: {  	v53 =	vor.u32 $0x1D, v1;
	v52 =	vld.idx.msk [tilespmem:v44+s11+$0x0], $0xffff  }
0x163: {  	v54 =	vld.idx.msk [tilespmem:v47+s10+$0x0], $0xffff;
	v2 =	vadd.f32 v3, v2;
	v3 =	vmul.f32 v46, v45  }
0x164: {  	v56 =	vor.u32 $0x1E, v1;
	v55 =	vld.idx.msk [tilespmem:v47+s11+$0x0], $0xffff  }
0x165: {  	v57 =	vld.idx.msk [tilespmem:v50+s10+$0x0], $0xffff;
	v2 =	vadd.f32 v3, v2;
	v3 =	vmul.f32 v49, v48  }
0x166: {  	v1 =	vor.u32 $0x1F, v1;
	v58 =	vld.idx.msk [tilespmem:v50+s11+$0x0], $0xffff  }
0x167: {  	v59 =	vld.idx.msk [tilespmem:v53+s10+$0x0], $0xffff;
	v2 =	vadd.f32 v3, v2;
	v3 =	vmul.f32 v52, v51  }
0x168: {  	v60 =	vld.idx.msk [tilespmem:v53+s11+$0x0], $0xffff  }
0x169: {  	v62 =	vld.idx.msk [tilespmem:v56+s11+$0x0], $0xffff;
	v2 =	vadd.f32 v3, v2;
	v3 =	vmul.f32 v55, v54  }
0x16a: {  	v61 =	vld.idx.msk [tilespmem:v56+s10+$0x0], $0xffff  }
0x16b: {  	v63 =	vld.idx.msk [tilespmem:v1+s10+$0x0], $0xffff;
	v2 =	vadd.f32 v3, v2;
	v3 =	vmul.f32 v58, v57  }
0x16c: {  	v1 =	vld.idx.msk [tilespmem:v1+s11+$0x0], $0xffff  }
0x16d: {  	v2 =	vadd.f32 v3, v2;
	v3 =	vmul.f32 v60, v59;
	_ =	sdelay $0x1  }
0x16e: {  	v2 =	vadd.f32 v3, v2;
	v3 =	vmul.f32 v62, v61;
	_ =	sdelay $0x1  }
0x16f: {  	v1 =	vmul.f32 v1, v63;
	v2 =	vadd.f32 v3, v2;
	_ =	sdelay $0x1  }
0x170: {  	v1 =	vadd.f32 v1, v2;
	_ =	sdelay $0x1  }
0x171: {  	v1 =	vsub.f32 $0.0e+00, v1;
	_ =	sdelay $0x1  }
0x172: {  	v1 =	vmul.f32 $1.442695020e+00, v1;
	_ =	sdelay $0x1  }
0x173: {  	(erf) = vpow2.f32 v1;
	_ =	sdelay $0x8  }
0x174: {  	v1 =	vpop (erf)  }
0x175: {  	v1 =	vadd.f32 $1.000000000e+00, v1;
	_ =	sdelay $0x1  }
0x176: {  	(erf) = vrcp.f32 v1;
	_ =	sdelay $0x2  }
0x177: {  	s31 =	simm.s32 $0x20  }
0x178: {  	v2 =	vmov s31  }
0x179: {  	v2 =	vshll.u32 v2, $0x7  }
0x17a: {  	s20 =	simm.s32 $0x30;
	v1 =	vor.u32 v0, v2  }
.LBB2_6:
0x17b: {  	p0 =	sne.s32 s20, $0x70  }
0x17c: {  	v2 =	vor.u32 $0x1, v1  }
0x17d: {  	s19 =	sadd.s32 $0x10, s19;
	v3 =	vpop (erf)  }
0x17e: {  	v4 =	vor.u32 $0x2, v1;
	[tilespmem:s19+$0x0] =	vst v3  }
0x17f: {  	v3 =	vld.idx.msk [tilespmem:v1+s11+$0x0], $0xffff  }
0x180: {  	v6 =	vor.u32 $0x3, v1;
	v5 =	vld.idx.msk [tilespmem:v1+s10+$0x0], $0xffff  }
0x181: {  	v7 =	vld.idx.msk [tilespmem:v2+s10+$0x0], $0xffff  }
0x182: {  	v8 =	vor.u32 $0x4, v1;
	v2 =	vld.idx.msk [tilespmem:v2+s11+$0x0], $0xffff  }
0x183: {  	v9 =	vld.idx.msk [tilespmem:v4+s10+$0x0], $0xffff  }
0x184: {  	v10 =	vor.u32 $0x5, v1;
	v4 =	vld.idx.msk [tilespmem:v4+s11+$0x0], $0xffff  }
0x185: {  	v11 =	vld.idx.msk [tilespmem:v6+s10+$0x0], $0xffff  }
0x186: {  	v12 =	vor.u32 $0x6, v1;
	v6 =	vld.idx.msk [tilespmem:v6+s11+$0x0], $0xffff  }
0x187: {  	v13 =	vld.idx.msk [tilespmem:v8+s10+$0x0], $0xffff  }
0x188: {  	v3 =	vmul.f32 v3, v5;
	v2 =	vmul.f32 v2, v7;
	v7 =	vor.u32 $0x7, v1;
	v5 =	vld.idx.msk [tilespmem:v8+s11+$0x0], $0xffff  }
0x189: {  	v8 =	vld.idx.msk [tilespmem:v10+s10+$0x0], $0xffff  }
0x18a: {  	v2 =	vadd.f32 v2, v3;
	v3 =	vmul.f32 v4, v9;
	v9 =	vor.u32 $0x8, v1;
	v4 =	vld.idx.msk [tilespmem:v10+s11+$0x0], $0xffff  }
0x18b: {  	v10 =	vld.idx.msk [tilespmem:v12+s10+$0x0], $0xffff  }
0x18c: {  	v2 =	vadd.f32 v3, v2;
	v3 =	vmul.f32 v6, v11;
	v11 =	vor.u32 $0x9, v1;
	v6 =	vld.idx.msk [tilespmem:v12+s11+$0x0], $0xffff  }
0x18d: {  	v12 =	vld.idx.msk [tilespmem:v7+s10+$0x0], $0xffff  }
0x18e: {  	v2 =	vadd.f32 v3, v2;
	v3 =	vmul.f32 v5, v13;
	v5 =	vld.idx.msk [tilespmem:v7+s11+$0x0], $0xffff;
	v7 =	vor.u32 $0xA, v1  }
0x18f: {  	v13 =	vld.idx.msk [tilespmem:v9+s10+$0x0], $0xffff  }
0x190: {  	v2 =	vadd.f32 v3, v2;
	v3 =	vmul.f32 v4, v8;
	v8 =	vor.u32 $0xB, v1;
	v4 =	vld.idx.msk [tilespmem:v9+s11+$0x0], $0xffff  }
0x191: {  	v9 =	vld.idx.msk [tilespmem:v11+s10+$0x0], $0xffff  }
0x192: {  	v2 =	vadd.f32 v3, v2;
	v3 =	vmul.f32 v6, v10;
	v10 =	vor.u32 $0xC, v1;
	v6 =	vld.idx.msk [tilespmem:v11+s11+$0x0], $0xffff  }
0x193: {  	v11 =	vld.idx.msk [tilespmem:v7+s10+$0x0], $0xffff  }
0x194: {  	v2 =	vadd.f32 v3, v2;
	v3 =	vmul.f32 v5, v12;
	v5 =	vld.idx.msk [tilespmem:v7+s11+$0x0], $0xffff;
	v7 =	vor.u32 $0xD, v1  }
0x195: {  	v12 =	vld.idx.msk [tilespmem:v8+s10+$0x0], $0xffff  }
0x196: {  	v2 =	vadd.f32 v3, v2;
	v3 =	vmul.f32 v4, v13;
	v4 =	vld.idx.msk [tilespmem:v8+s11+$0x0], $0xffff;
	v8 =	vor.u32 $0xE, v1  }
0x197: {  	v13 =	vld.idx.msk [tilespmem:v10+s10+$0x0], $0xffff  }
0x198: {  	v2 =	vadd.f32 v3, v2;
	v3 =	vmul.f32 v6, v9;
	v9 =	vor.u32 $0xF, v1;
	v6 =	vld.idx.msk [tilespmem:v10+s11+$0x0], $0xffff  }
0x199: {  	v10 =	vld.idx.msk [tilespmem:v7+s10+$0x0], $0xffff  }
0x19a: {  	v2 =	vadd.f32 v3, v2;
	v3 =	vmul.f32 v5, v11;
	v5 =	vld.idx.msk [tilespmem:v7+s11+$0x0], $0xffff;
	v7 =	vor.u32 $0x10, v1  }
0x19b: {  	v11 =	vld.idx.msk [tilespmem:v8+s10+$0x0], $0xffff  }
0x19c: {  	v2 =	vadd.f32 v3, v2;
	v3 =	vmul.f32 v4, v12;
	v4 =	vld.idx.msk [tilespmem:v8+s11+$0x0], $0xffff;
	v8 =	vor.u32 $0x11, v1  }
0x19d: {  	v12 =	vld.idx.msk [tilespmem:v9+s10+$0x0], $0xffff  }
0x19e: {  	v2 =	vadd.f32 v3, v2;
	v3 =	vmul.f32 v6, v13;
	v6 =	vld.idx.msk [tilespmem:v9+s11+$0x0], $0xffff;
	v9 =	vor.u32 $0x12, v1  }
0x19f: {  	v13 =	vld.idx.msk [tilespmem:v7+s10+$0x0], $0xffff  }
0x1a0: {  	v2 =	vadd.f32 v3, v2;
	v3 =	vmul.f32 v5, v10;
	v5 =	vld.idx.msk [tilespmem:v7+s11+$0x0], $0xffff;
	v7 =	vor.u32 $0x13, v1  }
0x1a1: {  	v10 =	vld.idx.msk [tilespmem:v8+s10+$0x0], $0xffff  }
0x1a2: {  	v2 =	vadd.f32 v3, v2;
	v3 =	vmul.f32 v4, v11;
	v4 =	vld.idx.msk [tilespmem:v8+s11+$0x0], $0xffff;
	v8 =	vor.u32 $0x14, v1  }
0x1a3: {  	v11 =	vld.idx.msk [tilespmem:v9+s10+$0x0], $0xffff  }
0x1a4: {  	v2 =	vadd.f32 v3, v2;
	v3 =	vmul.f32 v6, v12;
	v6 =	vld.idx.msk [tilespmem:v9+s11+$0x0], $0xffff;
	v9 =	vor.u32 $0x15, v1  }
0x1a5: {  	v12 =	vld.idx.msk [tilespmem:v7+s10+$0x0], $0xffff  }
0x1a6: {  	v2 =	vadd.f32 v3, v2;
	v3 =	vmul.f32 v5, v13;
	v5 =	vld.idx.msk [tilespmem:v7+s11+$0x0], $0xffff;
	v7 =	vor.u32 $0x16, v1  }
0x1a7: {  	v13 =	vld.idx.msk [tilespmem:v8+s10+$0x0], $0xffff  }
0x1a8: {  	v2 =	vadd.f32 v3, v2;
	v3 =	vmul.f32 v4, v10;
	v4 =	vld.idx.msk [tilespmem:v8+s11+$0x0], $0xffff;
	v8 =	vor.u32 $0x17, v1  }
0x1a9: {  	v10 =	vld.idx.msk [tilespmem:v9+s10+$0x0], $0xffff  }
0x1aa: {  	v2 =	vadd.f32 v3, v2;
	v3 =	vmul.f32 v6, v11;
	v6 =	vld.idx.msk [tilespmem:v9+s11+$0x0], $0xffff;
	v9 =	vor.u32 $0x18, v1  }
0x1ab: {  	v11 =	vld.idx.msk [tilespmem:v7+s10+$0x0], $0xffff  }
0x1ac: {  	v2 =	vadd.f32 v3, v2;
	v3 =	vmul.f32 v5, v12;
	v5 =	vld.idx.msk [tilespmem:v7+s11+$0x0], $0xffff;
	v7 =	vor.u32 $0x19, v1  }
0x1ad: {  	v12 =	vld.idx.msk [tilespmem:v8+s10+$0x0], $0xffff  }
0x1ae: {  	v2 =	vadd.f32 v3, v2;
	v3 =	vmul.f32 v4, v13;
	v4 =	vld.idx.msk [tilespmem:v8+s11+$0x0], $0xffff;
	v8 =	vor.u32 $0x1A, v1  }
0x1af: {  	v13 =	vld.idx.msk [tilespmem:v9+s10+$0x0], $0xffff  }
0x1b0: {  	v2 =	vadd.f32 v3, v2;
	v3 =	vmul.f32 v6, v10;
	v6 =	vld.idx.msk [tilespmem:v9+s11+$0x0], $0xffff;
	v9 =	vor.u32 $0x1B, v1  }
0x1b1: {  	v10 =	vld.idx.msk [tilespmem:v7+s10+$0x0], $0xffff  }
0x1b2: {  	v2 =	vadd.f32 v3, v2;
	v3 =	vmul.f32 v5, v11;
	v5 =	vld.idx.msk [tilespmem:v7+s11+$0x0], $0xffff;
	v7 =	vor.u32 $0x1C, v1  }
0x1b3: {  	v11 =	vld.idx.msk [tilespmem:v8+s10+$0x0], $0xffff  }
0x1b4: {  	v2 =	vadd.f32 v3, v2;
	v3 =	vmul.f32 v4, v12;
	v4 =	vld.idx.msk [tilespmem:v8+s11+$0x0], $0xffff;
	v8 =	vor.u32 $0x1D, v1  }
0x1b5: {  	v12 =	vld.idx.msk [tilespmem:v9+s10+$0x0], $0xffff  }
0x1b6: {  	v2 =	vadd.f32 v3, v2;
	v3 =	vmul.f32 v6, v13;
	v6 =	vld.idx.msk [tilespmem:v9+s11+$0x0], $0xffff;
	v9 =	vor.u32 $0x1E, v1  }
0x1b7: {  	v13 =	vld.idx.msk [tilespmem:v7+s10+$0x0], $0xffff  }
0x1b8: {  	v1 =	vor.u32 $0x1F, v1;
	v2 =	vadd.f32 v3, v2;
	v3 =	vmul.f32 v5, v10;
	v5 =	vld.idx.msk [tilespmem:v7+s11+$0x0], $0xffff  }
0x1b9: {  	v7 =	vld.idx.msk [tilespmem:v8+s10+$0x0], $0xffff  }
0x1ba: {  	v2 =	vadd.f32 v3, v2;
	v3 =	vmul.f32 v4, v11;
	v4 =	vld.idx.msk [tilespmem:v8+s11+$0x0], $0xffff  }
0x1bb: {  	v8 =	vld.idx.msk [tilespmem:v9+s10+$0x0], $0xffff  }
0x1bc: {  	v2 =	vadd.f32 v3, v2;
	v3 =	vmul.f32 v6, v12;
	v6 =	vld.idx.msk [tilespmem:v9+s11+$0x0], $0xffff  }
0x1bd: {  	v9 =	vld.idx.msk [tilespmem:v1+s10+$0x0], $0xffff  }
0x1be: {  	v2 =	vadd.f32 v3, v2;
	v3 =	vmul.f32 v5, v13;
	v1 =	vld.idx.msk [tilespmem:v1+s11+$0x0], $0xffff;
	_ =	sdelay $0x1  }
0x1bf: {  	v2 =	vadd.f32 v3, v2;
	v3 =	vmul.f32 v4, v7;
	_ =	sdelay $0x1  }
0x1c0: {  	v2 =	vadd.f32 v3, v2;
	v3 =	vmul.f32 v6, v8;
	_ =	sdelay $0x1  }
0x1c1: {  	v2 =	vadd.f32 v3, v2;
	v1 =	vmul.f32 v1, v9;
	_ =	sdelay $0x1  }
0x1c2: {  	v1 =	vadd.f32 v1, v2;
	_ =	sdelay $0x1  }
0x1c3: {  	v1 =	vsub.f32 $0.0e+00, v1;
	_ =	sdelay $0x1  }
0x1c4: {  	v1 =	vmul.f32 $1.442695020e+00, v1;
	_ =	sdelay $0x1  }
0x1c5: {  	(erf) = vpow2.f32 v1;
	_ =	sdelay $0x8  }
0x1c6: {  	v1 =	vpop (erf)  }
0x1c7: {  	v1 =	vadd.f32 $1.000000000e+00, v1;
	_ =	sdelay $0x1  }
0x1c8: {  	(erf) = vrcp.f32 v1;
	_ =	sdelay $0x1  }
.Ltmp2:
0x1c9: {  	(pc) =	sbr.rel @p0 .LBB2_6-.Ltmp2, $4  }
0x1ca: {  	_ = 	snop  }
0x1cb: {  	v1 =	vmov s20  }
0x1cc: {  	v1 =	vshll.u32 v1, $0x7  }
0x1cd: {  	s20 =	sadd.s32 $0x10, s20;
	v1 =	vor.u32 v0, v1  }
0x1ce: {  	_ = 	snop  }
0x1cf: {  	v2 =	vor.u32 $0x1, v1  }
0x1d0: {  	s19 =	sadd.s32 $0x10, s19;
	v3 =	vpop (erf)  }
0x1d1: {  	v4 =	vor.u32 $0x2, v1;
	[tilespmem:s19+$0x0] =	vst v3  }
0x1d2: {  	v3 =	vld.idx.msk [tilespmem:v1+s11+$0x0], $0xffff  }
0x1d3: {  	v6 =	vor.u32 $0x3, v1;
	v5 =	vld.idx.msk [tilespmem:v1+s10+$0x0], $0xffff  }
0x1d4: {  	v7 =	vld.idx.msk [tilespmem:v2+s10+$0x0], $0xffff  }
0x1d5: {  	v8 =	vor.u32 $0x4, v1;
	v2 =	vld.idx.msk [tilespmem:v2+s11+$0x0], $0xffff  }
0x1d6: {  	v9 =	vld.idx.msk [tilespmem:v4+s10+$0x0], $0xffff  }
0x1d7: {  	v10 =	vor.u32 $0x5, v1;
	v4 =	vld.idx.msk [tilespmem:v4+s11+$0x0], $0xffff  }
0x1d8: {  	v11 =	vld.idx.msk [tilespmem:v6+s10+$0x0], $0xffff  }
0x1d9: {  	v12 =	vor.u32 $0x6, v1;
	v6 =	vld.idx.msk [tilespmem:v6+s11+$0x0], $0xffff  }
0x1da: {  	v13 =	vld.idx.msk [tilespmem:v8+s10+$0x0], $0xffff;
	v3 =	vmul.f32 v3, v5;
	v2 =	vmul.f32 v2, v7  }
0x1db: {  	v35 =	vor.u32 $0x7, v1;
	v34 =	vld.idx.msk [tilespmem:v8+s11+$0x0], $0xffff  }
0x1dc: {  	v36 =	vld.idx.msk [tilespmem:v10+s10+$0x0], $0xffff;
	v2 =	vadd.f32 v2, v3;
	v3 =	vmul.f32 v4, v9  }
0x1dd: {  	v38 =	vor.u32 $0x8, v1;
	v37 =	vld.idx.msk [tilespmem:v10+s11+$0x0], $0xffff  }
0x1de: {  	v39 =	vld.idx.msk [tilespmem:v12+s10+$0x0], $0xffff;
	v2 =	vadd.f32 v3, v2;
	v3 =	vmul.f32 v6, v11  }
0x1df: {  	v41 =	vor.u32 $0x9, v1;
	v40 =	vld.idx.msk [tilespmem:v12+s11+$0x0], $0xffff  }
0x1e0: {  	v42 =	vld.idx.msk [tilespmem:v35+s10+$0x0], $0xffff;
	v2 =	vadd.f32 v3, v2;
	v3 =	vmul.f32 v34, v13  }
0x1e1: {  	v44 =	vor.u32 $0xA, v1;
	v43 =	vld.idx.msk [tilespmem:v35+s11+$0x0], $0xffff  }
0x1e2: {  	v45 =	vld.idx.msk [tilespmem:v38+s10+$0x0], $0xffff;
	v2 =	vadd.f32 v3, v2;
	v3 =	vmul.f32 v37, v36  }
0x1e3: {  	v47 =	vor.u32 $0xB, v1;
	v46 =	vld.idx.msk [tilespmem:v38+s11+$0x0], $0xffff  }
0x1e4: {  	v48 =	vld.idx.msk [tilespmem:v41+s10+$0x0], $0xffff;
	v2 =	vadd.f32 v3, v2;
	v3 =	vmul.f32 v40, v39  }
0x1e5: {  	v50 =	vor.u32 $0xC, v1;
	v49 =	vld.idx.msk [tilespmem:v41+s11+$0x0], $0xffff  }
0x1e6: {  	v51 =	vld.idx.msk [tilespmem:v44+s10+$0x0], $0xffff;
	v2 =	vadd.f32 v3, v2;
	v3 =	vmul.f32 v43, v42  }
0x1e7: {  	v53 =	vor.u32 $0xD, v1;
	v52 =	vld.idx.msk [tilespmem:v44+s11+$0x0], $0xffff  }
0x1e8: {  	v54 =	vld.idx.msk [tilespmem:v47+s10+$0x0], $0xffff;
	v2 =	vadd.f32 v3, v2;
	v3 =	vmul.f32 v46, v45  }
0x1e9: {  	v56 =	vor.u32 $0xE, v1;
	v55 =	vld.idx.msk [tilespmem:v47+s11+$0x0], $0xffff  }
0x1ea: {  	v57 =	vld.idx.msk [tilespmem:v50+s10+$0x0], $0xffff;
	v2 =	vadd.f32 v3, v2;
	v3 =	vmul.f32 v49, v48  }
0x1eb: {  	v59 =	vor.u32 $0xF, v1;
	v58 =	vld.idx.msk [tilespmem:v50+s11+$0x0], $0xffff  }
0x1ec: {  	v60 =	vld.idx.msk [tilespmem:v53+s10+$0x0], $0xffff;
	v2 =	vadd.f32 v3, v2;
	v3 =	vmul.f32 v52, v51  }
0x1ed: {  	v62 =	vor.u32 $0x10, v1;
	v61 =	vld.idx.msk [tilespmem:v53+s11+$0x0], $0xffff  }
0x1ee: {  	v63 =	vld.idx.msk [tilespmem:v56+s10+$0x0], $0xffff;
	v2 =	vadd.f32 v3, v2;
	v3 =	vmul.f32 v55, v54  }
0x1ef: {  	v17 =	vor.u32 $0x11, v1;
	v16 =	vld.idx.msk [tilespmem:v56+s11+$0x0], $0xffff  }
0x1f0: {  	v18 =	vld.idx.msk [tilespmem:v59+s10+$0x0], $0xffff;
	v2 =	vadd.f32 v3, v2;
	v3 =	vmul.f32 v58, v57  }
0x1f1: {  	v20 =	vor.u32 $0x12, v1;
	v19 =	vld.idx.msk [tilespmem:v59+s11+$0x0], $0xffff  }
0x1f2: {  	v21 =	vld.idx.msk [tilespmem:v62+s10+$0x0], $0xffff;
	v2 =	vadd.f32 v3, v2;
	v3 =	vmul.f32 v61, v60  }
0x1f3: {  	v23 =	vor.u32 $0x13, v1;
	v22 =	vld.idx.msk [tilespmem:v62+s11+$0x0], $0xffff  }
0x1f4: {  	v24 =	vld.idx.msk [tilespmem:v17+s10+$0x0], $0xffff;
	v2 =	vadd.f32 v3, v2;
	v3 =	vmul.f32 v16, v63  }
0x1f5: {  	v26 =	vor.u32 $0x14, v1;
	v25 =	vld.idx.msk [tilespmem:v17+s11+$0x0], $0xffff  }
0x1f6: {  	v27 =	vld.idx.msk [tilespmem:v20+s10+$0x0], $0xffff;
	v2 =	vadd.f32 v3, v2;
	v3 =	vmul.f32 v19, v18  }
0x1f7: {  	v29 =	vor.u32 $0x15, v1;
	v28 =	vld.idx.msk [tilespmem:v20+s11+$0x0], $0xffff  }
0x1f8: {  	v30 =	vld.idx.msk [tilespmem:v23+s10+$0x0], $0xffff;
	v2 =	vadd.f32 v3, v2;
	v3 =	vmul.f32 v22, v21  }
0x1f9: {  	v32 =	vor.u32 $0x16, v1;
	v31 =	vld.idx.msk [tilespmem:v23+s11+$0x0], $0xffff  }
0x1fa: {  	v33 =	vld.idx.msk [tilespmem:v26+s10+$0x0], $0xffff;
	v2 =	vadd.f32 v3, v2;
	v3 =	vmul.f32 v25, v24  }
0x1fb: {  	v35 =	vor.u32 $0x17, v1;
	v34 =	vld.idx.msk [tilespmem:v26+s11+$0x0], $0xffff  }
0x1fc: {  	v36 =	vld.idx.msk [tilespmem:v29+s10+$0x0], $0xffff;
	v2 =	vadd.f32 v3, v2;
	v3 =	vmul.f32 v28, v27  }
0x1fd: {  	v38 =	vor.u32 $0x18, v1;
	v37 =	vld.idx.msk [tilespmem:v29+s11+$0x0], $0xffff  }
0x1fe: {  	v39 =	vld.idx.msk [tilespmem:v32+s10+$0x0], $0xffff;
	v2 =	vadd.f32 v3, v2;
	v3 =	vmul.f32 v31, v30  }
0x1ff: {  	v41 =	vor.u32 $0x19, v1;
	v40 =	vld.idx.msk [tilespmem:v32+s11+$0x0], $0xffff  }
0x200: {  	v42 =	vld.idx.msk [tilespmem:v35+s10+$0x0], $0xffff;
	v2 =	vadd.f32 v3, v2;
	v3 =	vmul.f32 v34, v33  }
0x201: {  	v44 =	vor.u32 $0x1A, v1;
	v43 =	vld.idx.msk [tilespmem:v35+s11+$0x0], $0xffff  }
0x202: {  	v45 =	vld.idx.msk [tilespmem:v38+s10+$0x0], $0xffff;
	v2 =	vadd.f32 v3, v2;
	v3 =	vmul.f32 v37, v36  }
0x203: {  	v47 =	vor.u32 $0x1B, v1;
	v46 =	vld.idx.msk [tilespmem:v38+s11+$0x0], $0xffff  }
0x204: {  	v48 =	vld.idx.msk [tilespmem:v41+s10+$0x0], $0xffff;
	v2 =	vadd.f32 v3, v2;
	v3 =	vmul.f32 v40, v39  }
0x205: {  	v50 =	vor.u32 $0x1C, v1;
	v49 =	vld.idx.msk [tilespmem:v41+s11+$0x0], $0xffff  }
0x206: {  	v51 =	vld.idx.msk [tilespmem:v44+s10+$0x0], $0xffff;
	v2 =	vadd.f32 v3, v2;
	v3 =	vmul.f32 v43, v42  }
0x207: {  	v53 =	vor.u32 $0x1D, v1;
	v52 =	vld.idx.msk [tilespmem:v44+s11+$0x0], $0xffff  }
0x208: {  	v54 =	vld.idx.msk [tilespmem:v47+s10+$0x0], $0xffff;
	v2 =	vadd.f32 v3, v2;
	v3 =	vmul.f32 v46, v45  }
0x209: {  	v56 =	vor.u32 $0x1E, v1;
	v55 =	vld.idx.msk [tilespmem:v47+s11+$0x0], $0xffff  }
0x20a: {  	v57 =	vld.idx.msk [tilespmem:v50+s10+$0x0], $0xffff;
	v2 =	vadd.f32 v3, v2;
	v3 =	vmul.f32 v49, v48  }
0x20b: {  	v1 =	vor.u32 $0x1F, v1;
	v58 =	vld.idx.msk [tilespmem:v50+s11+$0x0], $0xffff  }
0x20c: {  	v59 =	vld.idx.msk [tilespmem:v53+s10+$0x0], $0xffff;
	v2 =	vadd.f32 v3, v2;
	v3 =	vmul.f32 v52, v51  }
0x20d: {  	v60 =	vld.idx.msk [tilespmem:v53+s11+$0x0], $0xffff  }
0x20e: {  	v62 =	vld.idx.msk [tilespmem:v56+s11+$0x0], $0xffff;
	v2 =	vadd.f32 v3, v2;
	v3 =	vmul.f32 v55, v54  }
0x20f: {  	v61 =	vld.idx.msk [tilespmem:v56+s10+$0x0], $0xffff  }
0x210: {  	v63 =	vld.idx.msk [tilespmem:v1+s10+$0x0], $0xffff;
	v2 =	vadd.f32 v3, v2;
	v3 =	vmul.f32 v58, v57  }
0x211: {  	v1 =	vld.idx.msk [tilespmem:v1+s11+$0x0], $0xffff  }
0x212: {  	v2 =	vadd.f32 v3, v2;
	v3 =	vmul.f32 v60, v59;
	_ =	sdelay $0x1  }
0x213: {  	v2 =	vadd.f32 v3, v2;
	v3 =	vmul.f32 v62, v61;
	_ =	sdelay $0x1  }
0x214: {  	v1 =	vmul.f32 v1, v63;
	v2 =	vadd.f32 v3, v2;
	_ =	sdelay $0x1  }
0x215: {  	v1 =	vadd.f32 v1, v2;
	_ =	sdelay $0x1  }
0x216: {  	v1 =	vsub.f32 $0.0e+00, v1;
	_ =	sdelay $0x1  }
0x217: {  	v1 =	vmul.f32 $1.442695020e+00, v1;
	_ =	sdelay $0x1  }
0x218: {  	(erf) = vpow2.f32 v1;
	_ =	sdelay $0x8  }
0x219: {  	v1 =	vpop (erf)  }
0x21a: {  	v1 =	vadd.f32 $1.000000000e+00, v1;
	_ =	sdelay $0x1  }
0x21b: {  	(erf) = vrcp.f32 v1;
	_ =	sdelay $0x8  }
0x21c: {  	s0 =	sadd.s32 $0x10, s19;
	v1 =	vpop (erf)  }
0x21d: {  	s31 =	sand.u32 $0xF0, s17;
	[tilespmem:s0+$0x0] =	vst v1  }
0x21e: {  	v1 =	vld [tilespmem:s31+$0x200];
	_ =	sdelay $0x4  }
0x21f: {  	v1 =	vshll.u32 v1, $0x4  }
0x220: {  	(v2sf) =	vpush v1, $0x0  }
0x221: {  	(v2sf) =	vpush v1, $0x2  }
0x222: {  	(v2sf) =	vpush v1, $0x1;
	_ =	sdelay $0x1  }
0x223: {  	(v2sf) =	vpush v1, $0x3  }
0x224: {  	(v2sf) =	vpush v1, $0x4;
	_ =	sdelay $0x2  }
0x225: {  	s19 =	simm.s32 $0x1000  }
.LBB2_8:
0x226: {  	p0 =	sne.s32 s19, $0xF000;
	(v2sf) =	vpush v1, $0x5;
	s0 =	smov.u32 s19;
	s19 =	sadd.s32 $0x1000, s19  }
0x227: {  	s20 =	sshra.s32 s17, $0x2;
	s17 =	smov.u32 s0  }
0x228: {  	s0 =	sadd.s32 $0x8400, s20;
	(v2sf) =	vpush v1, $0x6  }
0x229: {  	s1 =	sadd.s32 $0x400, s20  }
0x22a: {  	s23 =	sadd.s32 $0x8680, s20;
	s22 =	sadd.s32 $0x700, s20;
	s21 =	sadd.s32 $0x8700, s20;
	(v2sf) =	vpush v1, $0x7  }
0x22b: {  	s26 =	sadd.s32 $0x600, s20;
	s25 =	sadd.s32 $0x8600, s20;
	s24 =	sadd.s32 $0x680, s20  }
0x22c: {  	s5 =	sadd.s32 $0x580, s20;
	s28 =	sadd.s32 $0x8580, s20;
	s6 =	spop (v2sf);
	(v2sf) =	vpush v1, $0x8  }
0x22d: {  	s7 =	sadd.s32 $0x480, s20;
	s6 =	sand.u32 $0x1FFFFFF0, s6;
	s8 =	spop (v2sf)  }
0x22e: {  	s15 =	sadd.s32 $0x8500, s20;
	s6 =	sadd.s32 s3, s6;
	s29 =	spop (v2sf);
	(v2sf) =	vpush v1, $0x9  }
0x22f: {  	[tilespmem:s1], [sflag:$0x1] =	stream.linear.gather [hbm4b:s6+s2], $0x80, $0x38;
	[tilespmem:$0x10600] =	vst v63  }
0x230: {  	s1 =	sand.u32 $0x1FFFFFF0, s29;
	s6 =	sand.u32 $0x1FFFFFF0, s8;
	s8 =	spop (v2sf);
	(v2sf) =	vpush v1, $0xA  }
0x231: {  	s29 =	sadd.s32 $0x500, s20;
	s1 =	sadd.s32 s4, s1;
	s30 =	spop (v2sf)  }
0x232: {  	[tilespmem:s0], [sflag:$0x1] =	stream.linear.gather [hbm4b:s1+s2], $0x80, $0x38;
	(v2sf) =	vpush v1, $0xB;
	[tilespmem:$0x10600] =	vst v63  }
0x233: {  	s0 =	sadd.s32 s3, s6;
	s1 =	sand.u32 $0x1FFFFFF0, s8;
	s6 =	sand.u32 $0x1FFFFFF0, s30  }
0x234: {  	[tilespmem:s7], [sflag:$0x1] =	stream.linear.gather [hbm4b:s0+s2], $0x80, $0x38;
	(v2sf) =	vpush v1, $0xC;
	[tilespmem:$0x10600] =	vst v63  }
0x235: {  	s1 =	sadd.s32 s4, s1;
	s0 =	sadd.s32 $0x8480, s20;
	s7 =	spop (v2sf)  }
0x236: {  	[tilespmem:s0], [sflag:$0x1] =	stream.linear.gather [hbm4b:s1+s2], $0x80, $0x38;
	(v2sf) =	vpush v1, $0xD;
	[tilespmem:$0x10600] =	vst v63  }
0x237: {  	s0 =	sadd.s32 s3, s6;
	s1 =	sand.u32 $0x1FFFFFF0, s7;
	s6 =	spop (v2sf)  }
0x238: {  	[tilespmem:s29], [sflag:$0x1] =	stream.linear.gather [hbm4b:s0+s2], $0x80, $0x38;
	(v2sf) =	vpush v1, $0xE;
	[tilespmem:$0x10600] =	vst v63  }
0x239: {  	s0 =	sadd.s32 s4, s1;
	s1 =	sand.u32 $0x1FFFFFF0, s6;
	s6 =	spop (v2sf)  }
0x23a: {  	[tilespmem:s15], [sflag:$0x1] =	stream.linear.gather [hbm4b:s0+s2], $0x80, $0x38;
	(v2sf) =	vpush v1, $0xF;
	[tilespmem:$0x10600] =	vst v63  }
0x23b: {  	s0 =	sadd.s32 s3, s1;
	s1 =	sand.u32 $0x1FFFFFF0, s6;
	s6 =	spop (v2sf)  }
0x23c: {  	[tilespmem:s5], [sflag:$0x1] =	stream.linear.gather [hbm4b:s0+s2], $0x80, $0x38;
	[tilespmem:$0x10600] =	vst v63  }
0x23d: {  	s0 =	sadd.s32 s4, s1;
	s1 =	sand.u32 $0x1FFFFFF0, s6;
	s5 =	spop (v2sf)  }
0x23e: {  	[tilespmem:s28], [sflag:$0x1] =	stream.linear.gather [hbm4b:s0+s2], $0x80, $0x38;
	[tilespmem:$0x10600] =	vst v63  }
0x23f: {  	s0 =	sadd.s32 s3, s1;
	s1 =	sand.u32 $0x1FFFFFF0, s5;
	s5 =	spop (v2sf)  }
0x240: {  	[tilespmem:s26], [sflag:$0x1] =	stream.linear.gather [hbm4b:s0+s2], $0x80, $0x38;
	[tilespmem:$0x10600] =	vst v63  }
0x241: {  	s0 =	sadd.s32 s4, s1;
	s1 =	sand.u32 $0x1FFFFFF0, s5;
	s5 =	spop (v2sf)  }
0x242: {  	[tilespmem:s25], [sflag:$0x1] =	stream.linear.gather [hbm4b:s0+s2], $0x80, $0x38;
	[tilespmem:$0x10600] =	vst v63  }
0x243: {  	s0 =	sadd.s32 s3, s1;
	s1 =	sand.u32 $0x1FFFFFF0, s5;
	s5 =	spop (v2sf)  }
0x244: {  	[tilespmem:s24], [sflag:$0x1] =	stream.linear.gather [hbm4b:s0+s2], $0x80, $0x38;
	[tilespmem:$0x10600] =	vst v63  }
0x245: {  	s0 =	sadd.s32 s4, s1;
	s1 =	sand.u32 $0x1FFFFFF0, s5;
	s5 =	spop (v2sf)  }
0x246: {  	[tilespmem:s23], [sflag:$0x1] =	stream.linear.gather [hbm4b:s0+s2], $0x80, $0x38;
	[tilespmem:$0x10600] =	vst v63  }
0x247: {  	s0 =	sadd.s32 s3, s1;
	s1 =	sand.u32 $0x1FFFFFF0, s5;
	s5 =	spop (v2sf)  }
0x248: {  	[tilespmem:s22], [sflag:$0x1] =	stream.linear.gather [hbm4b:s0+s2], $0x80, $0x38;
	[tilespmem:$0x10600] =	vst v63  }
0x249: {  	s0 =	sadd.s32 s4, s1;
	s1 =	sand.u32 $0x1FFFFFF0, s5;
	s5 =	spop (v2sf)  }
0x24a: {  	[tilespmem:s21], [sflag:$0x1] =	stream.linear.gather [hbm4b:s0+s2], $0x80, $0x38;
	[tilespmem:$0x10600] =	vst v63  }
0x24b: {  	s1 =	sadd.s32 s3, s1;
	s0 =	sadd.s32 $0x780, s20;
	s5 =	sand.u32 $0x1FFFFFF0, s5  }
0x24c: {  	[tilespmem:s0], [sflag:$0x1] =	stream.linear.gather [hbm4b:s1+s2], $0x80, $0x38;
	[tilespmem:$0x10600] =	vst v63  }
0x24d: {  	s5 =	sadd.s32 s4, s5;
	s0 =	sand.u32 $0xF0, s18;
	s1 =	sadd.s32 $0x8780, s20  }
0x24e: {  	[tilespmem:s1], [sflag:$0x1] =	stream.linear.gather [hbm4b:s5+s2], $0x80, $0x38;
	[tilespmem:$0x10600] =	vst v63  }
0x24f: {  	v1 =	vld [tilespmem:s0+$0x200];
	_ =	sdelay $0x4  }
0x250: {  	v1 =	vshll.u32 v1, $0x4  }
0x251: {  	(v2sf) =	vpush v1, $0x0  }
0x252: {  	(v2sf) =	vpush v1, $0x2  }
0x253: {  	(v2sf) =	vpush v1, $0x1;
	_ =	sdelay $0x1  }
.Ltmp3:
0x254: {  	(v2sf) =	vpush v1, $0x3;
	(pc) =	sbr.rel @p0 .LBB2_8-.Ltmp3, $2  }
0x255: {  	(v2sf) =	vpush v1, $0x4;
	_ =	sdelay $0x2  }
0x256: {  	s18 =	sadd.s32 $0x10, s18  }
0x257: {  	(v2sf) =	vpush v1, $0x5;
	_ =	sdelay $0x1  }
0x258: {  	s17 =	sshra.s32 s17, $0x2;
	(v2sf) =	vpush v1, $0x6  }
0x259: {  	s0 =	sadd.s32 $0x8400, s17;
	s1 =	sadd.s32 $0x400, s17  }
0x25a: {  	s20 =	sadd.s32 $0x8680, s17;
	s19 =	sadd.s32 $0x700, s17;
	s18 =	sadd.s32 $0x8700, s17;
	(v2sf) =	vpush v1, $0x7  }
0x25b: {  	s5 =	sadd.s32 $0x600, s17;
	s6 =	sadd.s32 $0x8600, s17;
	s7 =	sadd.s32 $0x680, s17  }
0x25c: {  	s8 =	sadd.s32 $0x580, s17;
	s15 =	sadd.s32 $0x8580, s17;
	s21 =	spop (v2sf);
	(v2sf) =	vpush v1, $0x8  }
0x25d: {  	s22 =	sadd.s32 $0x480, s17;
	s21 =	sand.u32 $0x1FFFFFF0, s21;
	s23 =	spop (v2sf)  }
0x25e: {  	s24 =	sadd.s32 $0x8500, s17;
	s21 =	sadd.s32 s3, s21;
	s25 =	spop (v2sf);
	(v2sf) =	vpush v1, $0x9  }
0x25f: {  	[tilespmem:s1], [sflag:$0x1] =	stream.linear.gather [hbm4b:s21+s2], $0x80, $0x38;
	[tilespmem:$0x10600] =	vst v63  }
0x260: {  	s30 =	sand.u32 $0x1FFFFFF0, s23;
	s29 =	sand.u32 $0x1FFFFFF0, s25;
	s31 =	spop (v2sf);
	(v2sf) =	vpush v1, $0xA  }
0x261: {  	s25 =	sadd.s32 $0x500, s17;
	s1 =	sadd.s32 s4, s29;
	s26 =	spop (v2sf)  }
0x262: {  	[tilespmem:s0], [sflag:$0x1] =	stream.linear.gather [hbm4b:s1+s2], $0x80, $0x38;
	(v2sf) =	vpush v1, $0xB;
	[tilespmem:$0x10600] =	vst v63  }
0x263: {  	s21 =	sadd.s32 s3, s30;
	s30 =	sadd.s32 $0x8480, s17;
	s28 =	sand.u32 $0x1FFFFFF0, s31  }
0x264: {  	(v2sf) =	vpush v1, $0xC;
	[tilespmem:s22], [sflag:$0x1] =	stream.linear.gather [hbm4b:s21+s2], $0x80, $0x38;
	[tilespmem:$0x10600] =	vst v63  }
0x265: {  	s29 =	sand.u32 $0x1FFFFFF0, s26;
	s1 =	sadd.s32 s4, s28;
	s31 =	spop (v2sf)  }
0x266: {  	[tilespmem:s30], [sflag:$0x1] =	stream.linear.gather [hbm4b:s1+s2], $0x80, $0x38;
	(v2sf) =	vpush v1, $0xD;
	[tilespmem:$0x10600] =	vst v63  }
0x267: {  	s21 =	sadd.s32 s3, s29;
	s22 =	sand.u32 $0x1FFFFFF0, s31;
	s23 =	spop (v2sf)  }
0x268: {  	(v2sf) =	vpush v1, $0xE;
	[tilespmem:s25], [sflag:$0x1] =	stream.linear.gather [hbm4b:s21+s2], $0x80, $0x38;
	[tilespmem:$0x10600] =	vst v63  }
0x269: {  	s25 =	sadd.s32 s4, s22;
	s26 =	sand.u32 $0x1FFFFFF0, s23;
	s28 =	spop (v2sf)  }
0x26a: {  	(v2sf) =	vpush v1, $0xF;
	[tilespmem:s24], [sflag:$0x1] =	stream.linear.gather [hbm4b:s25+s2], $0x80, $0x38;
	[tilespmem:$0x10600] =	vst v63  }
0x26b: {  	s29 =	sadd.s32 s3, s26;
	s30 =	sand.u32 $0x1FFFFFF0, s28;
	s31 =	spop (v2sf)  }
0x26c: {  	[tilespmem:s8], [sflag:$0x1] =	stream.linear.gather [hbm4b:s29+s2], $0x80, $0x38;
	[tilespmem:$0x10600] =	vst v63  }
0x26d: {  	s22 =	sadd.s32 s4, s30;
	s23 =	sand.u32 $0x1FFFFFF0, s31;
	s24 =	spop (v2sf)  }
0x26e: {  	[tilespmem:s15], [sflag:$0x1] =	stream.linear.gather [hbm4b:s22+s2], $0x80, $0x38;
	[tilespmem:$0x10600] =	vst v63  }
0x26f: {  	s25 =	sadd.s32 s3, s23;
	s26 =	sand.u32 $0x1FFFFFF0, s24;
	s28 =	spop (v2sf)  }
0x270: {  	[tilespmem:s5], [sflag:$0x1] =	stream.linear.gather [hbm4b:s25+s2], $0x80, $0x38;
	[tilespmem:$0x10600] =	vst v63  }
0x271: {  	s29 =	sadd.s32 s4, s26;
	s30 =	sand.u32 $0x1FFFFFF0, s28;
	s31 =	spop (v2sf)  }
0x272: {  	[tilespmem:s6], [sflag:$0x1] =	stream.linear.gather [hbm4b:s29+s2], $0x80, $0x38;
	[tilespmem:$0x10600] =	vst v63  }
0x273: {  	s1 =	sadd.s32 s3, s30;
	s5 =	sand.u32 $0x1FFFFFF0, s31;
	s6 =	spop (v2sf)  }
0x274: {  	[tilespmem:s7], [sflag:$0x1] =	stream.linear.gather [hbm4b:s1+s2], $0x80, $0x38;
	[tilespmem:$0x10600] =	vst v63  }
0x275: {  	s8 =	sand.u32 $0x1FFFFFF0, s6;
	s7 =	sadd.s32 s4, s5;
	s15 =	spop (v2sf)  }
0x276: {  	[tilespmem:s20], [sflag:$0x1] =	stream.linear.gather [hbm4b:s7+s2], $0x80, $0x38;
	[tilespmem:$0x10600] =	vst v63  }
0x277: {  	s21 =	sadd.s32 s3, s8;
	s22 =	sand.u32 $0x1FFFFFF0, s15;
	s23 =	spop (v2sf)  }
0x278: {  	[tilespmem:s19], [sflag:$0x1] =	stream.linear.gather [hbm4b:s21+s2], $0x80, $0x38;
	[tilespmem:$0x10600] =	vst v63  }
0x279: {  	s24 =	sadd.s32 s4, s22;
	s25 =	sand.u32 $0x1FFFFFF0, s23;
	s26 =	spop (v2sf)  }
0x27a: {  	[tilespmem:s18], [sflag:$0x1] =	stream.linear.gather [hbm4b:s24+s2], $0x80, $0x38;
	[tilespmem:$0x10600] =	vst v63  }
0x27b: {  	s28 =	sadd.s32 $0x780, s17;
	s1 =	sadd.s32 s3, s25;
	s5 =	sand.u32 $0x1FFFFFF0, s26  }
0x27c: {  	[tilespmem:s28], [sflag:$0x1] =	stream.linear.gather [hbm4b:s1+s2], $0x80, $0x38;
	[tilespmem:$0x10600] =	vst v63  }
0x27d: {  	s29 =	sadd.s32 $0x8780, s17;
	s17 =	simm.s32 $0x0;
	s30 =	sadd.s32 s4, s5  }
0x27e: {  	v1 =	vmov s17;
	[tilespmem:s29], [sflag:$0x1] =	stream.linear.gather [hbm4b:s30+s2], $0x80, $0x38;
	[tilespmem:$0x10600] =	vst v63  }
0x27f: {  	v1 =	vshll.u32 v1, $0x7;
	_ =	swait.ge [sflag:s12], $0x4000  }
0x280: {  	v1 =	vor.u32 v0, v1;
	[sflag:s12] =	ssyncset.done $0x0  }
0x281: {  	[sflag:s12] =	ssyncadd.s32 $0xFFFFC000  }
0x282: {  	v2 =	vor.u32 $0x1, v1;
	_ =	swait.ge [sflag:s12], $0x4000  }
0x283: {  	[sflag:s12] =	ssyncset.done $0x0  }
0x284: {  	v3 =	vor.u32 $0x2, v1;
	[sflag:s12] =	ssyncadd.s32 $0xFFFFC000  }
0x285: {  	v4 =	vld.idx.msk [tilespmem:v1+s14+$0x0], $0xffff  }
0x286: {  	v6 =	vor.u32 $0x3, v1;
	v5 =	vld.idx.msk [tilespmem:v1+s13+$0x0], $0xffff  }
0x287: {  	v7 =	vld.idx.msk [tilespmem:v2+s13+$0x0], $0xffff  }
0x288: {  	v8 =	vor.u32 $0x4, v1;
	v2 =	vld.idx.msk [tilespmem:v2+s14+$0x0], $0xffff  }
0x289: {  	v9 =	vld.idx.msk [tilespmem:v3+s13+$0x0], $0xffff  }
0x28a: {  	v10 =	vor.u32 $0x5, v1;
	v3 =	vld.idx.msk [tilespmem:v3+s14+$0x0], $0xffff  }
0x28b: {  	v11 =	vld.idx.msk [tilespmem:v6+s13+$0x0], $0xffff  }
0x28c: {  	v12 =	vor.u32 $0x6, v1;
	v6 =	vld.idx.msk [tilespmem:v6+s14+$0x0], $0xffff  }
0x28d: {  	v13 =	vld.idx.msk [tilespmem:v8+s13+$0x0], $0xffff;
	v4 =	vmul.f32 v4, v5;
	v2 =	vmul.f32 v2, v7  }
0x28e: {  	v43 =	vor.u32 $0x7, v1;
	v42 =	vld.idx.msk [tilespmem:v8+s14+$0x0], $0xffff  }
0x28f: {  	v44 =	vld.idx.msk [tilespmem:v10+s13+$0x0], $0xffff;
	v3 =	vmul.f32 v3, v9;
	v2 =	vadd.f32 v2, v4  }
0x290: {  	v46 =	vor.u32 $0x8, v1;
	v45 =	vld.idx.msk [tilespmem:v10+s14+$0x0], $0xffff  }
0x291: {  	v47 =	vld.idx.msk [tilespmem:v12+s13+$0x0], $0xffff;
	v2 =	vadd.f32 v3, v2;
	v3 =	vmul.f32 v6, v11  }
0x292: {  	v49 =	vor.u32 $0x9, v1;
	v48 =	vld.idx.msk [tilespmem:v12+s14+$0x0], $0xffff  }
0x293: {  	v50 =	vld.idx.msk [tilespmem:v43+s13+$0x0], $0xffff;
	v2 =	vadd.f32 v3, v2;
	v3 =	vmul.f32 v42, v13  }
0x294: {  	v52 =	vor.u32 $0xA, v1;
	v51 =	vld.idx.msk [tilespmem:v43+s14+$0x0], $0xffff  }
0x295: {  	v53 =	vld.idx.msk [tilespmem:v46+s13+$0x0], $0xffff;
	v2 =	vadd.f32 v3, v2;
	v3 =	vmul.f32 v45, v44  }
0x296: {  	v55 =	vor.u32 $0xB, v1;
	v54 =	vld.idx.msk [tilespmem:v46+s14+$0x0], $0xffff  }
0x297: {  	v56 =	vld.idx.msk [tilespmem:v49+s13+$0x0], $0xffff;
	v2 =	vadd.f32 v3, v2;
	v3 =	vmul.f32 v48, v47  }
0x298: {  	v58 =	vor.u32 $0xC, v1;
	v57 =	vld.idx.msk [tilespmem:v49+s14+$0x0], $0xffff  }
0x299: {  	v59 =	vld.idx.msk [tilespmem:v52+s13+$0x0], $0xffff;
	v2 =	vadd.f32 v3, v2;
	v3 =	vmul.f32 v51, v50  }
0x29a: {  	v61 =	vor.u32 $0xD, v1;
	v60 =	vld.idx.msk [tilespmem:v52+s14+$0x0], $0xffff  }
0x29b: {  	v62 =	vld.idx.msk [tilespmem:v55+s13+$0x0], $0xffff;
	v2 =	vadd.f32 v3, v2;
	v3 =	vmul.f32 v54, v53  }
0x29c: {  	v16 =	vor.u32 $0xE, v1;
	v63 =	vld.idx.msk [tilespmem:v55+s14+$0x0], $0xffff  }
0x29d: {  	v17 =	vld.idx.msk [tilespmem:v58+s13+$0x0], $0xffff;
	v2 =	vadd.f32 v3, v2;
	v3 =	vmul.f32 v57, v56  }
0x29e: {  	v19 =	vor.u32 $0xF, v1;
	v18 =	vld.idx.msk [tilespmem:v58+s14+$0x0], $0xffff  }
0x29f: {  	v20 =	vld.idx.msk [tilespmem:v61+s13+$0x0], $0xffff;
	v2 =	vadd.f32 v3, v2;
	v3 =	vmul.f32 v60, v59  }
0x2a0: {  	v22 =	vor.u32 $0x10, v1;
	v21 =	vld.idx.msk [tilespmem:v61+s14+$0x0], $0xffff  }
0x2a1: {  	v23 =	vld.idx.msk [tilespmem:v16+s13+$0x0], $0xffff;
	v2 =	vadd.f32 v3, v2;
	v3 =	vmul.f32 v63, v62  }
0x2a2: {  	v25 =	vor.u32 $0x11, v1;
	v24 =	vld.idx.msk [tilespmem:v16+s14+$0x0], $0xffff  }
0x2a3: {  	v26 =	vld.idx.msk [tilespmem:v19+s13+$0x0], $0xffff;
	v2 =	vadd.f32 v3, v2;
	v3 =	vmul.f32 v18, v17  }
0x2a4: {  	v28 =	vor.u32 $0x12, v1;
	v27 =	vld.idx.msk [tilespmem:v19+s14+$0x0], $0xffff  }
0x2a5: {  	v29 =	vld.idx.msk [tilespmem:v22+s13+$0x0], $0xffff;
	v2 =	vadd.f32 v3, v2;
	v3 =	vmul.f32 v21, v20  }
0x2a6: {  	v31 =	vor.u32 $0x13, v1;
	v30 =	vld.idx.msk [tilespmem:v22+s14+$0x0], $0xffff  }
0x2a7: {  	v32 =	vld.idx.msk [tilespmem:v25+s13+$0x0], $0xffff;
	v2 =	vadd.f32 v3, v2;
	v3 =	vmul.f32 v24, v23  }
0x2a8: {  	v34 =	vor.u32 $0x14, v1;
	v33 =	vld.idx.msk [tilespmem:v25+s14+$0x0], $0xffff  }
0x2a9: {  	v35 =	vld.idx.msk [tilespmem:v28+s13+$0x0], $0xffff;
	v2 =	vadd.f32 v3, v2;
	v3 =	vmul.f32 v27, v26  }
0x2aa: {  	v37 =	vor.u32 $0x15, v1;
	v36 =	vld.idx.msk [tilespmem:v28+s14+$0x0], $0xffff  }
0x2ab: {  	v38 =	vld.idx.msk [tilespmem:v31+s13+$0x0], $0xffff;
	v2 =	vadd.f32 v3, v2;
	v3 =	vmul.f32 v30, v29  }
0x2ac: {  	v40 =	vor.u32 $0x16, v1;
	v39 =	vld.idx.msk [tilespmem:v31+s14+$0x0], $0xffff  }
0x2ad: {  	v41 =	vld.idx.msk [tilespmem:v34+s13+$0x0], $0xffff;
	v2 =	vadd.f32 v3, v2;
	v3 =	vmul.f32 v33, v32  }
0x2ae: {  	v43 =	vor.u32 $0x17, v1;
	v42 =	vld.idx.msk [tilespmem:v34+s14+$0x0], $0xffff  }
0x2af: {  	v44 =	vld.idx.msk [tilespmem:v37+s13+$0x0], $0xffff;
	v2 =	vadd.f32 v3, v2;
	v3 =	vmul.f32 v36, v35  }
0x2b0: {  	v46 =	vor.u32 $0x18, v1;
	v45 =	vld.idx.msk [tilespmem:v37+s14+$0x0], $0xffff  }
0x2b1: {  	v47 =	vld.idx.msk [tilespmem:v40+s13+$0x0], $0xffff;
	v2 =	vadd.f32 v3, v2;
	v3 =	vmul.f32 v39, v38  }
0x2b2: {  	v49 =	vor.u32 $0x19, v1;
	v48 =	vld.idx.msk [tilespmem:v40+s14+$0x0], $0xffff  }
0x2b3: {  	v50 =	vld.idx.msk [tilespmem:v43+s13+$0x0], $0xffff;
	v2 =	vadd.f32 v3, v2;
	v3 =	vmul.f32 v42, v41  }
0x2b4: {  	v52 =	vor.u32 $0x1A, v1;
	v51 =	vld.idx.msk [tilespmem:v43+s14+$0x0], $0xffff  }
0x2b5: {  	v53 =	vld.idx.msk [tilespmem:v46+s13+$0x0], $0xffff;
	v2 =	vadd.f32 v3, v2;
	v3 =	vmul.f32 v45, v44  }
0x2b6: {  	v55 =	vor.u32 $0x1B, v1;
	v54 =	vld.idx.msk [tilespmem:v46+s14+$0x0], $0xffff  }
0x2b7: {  	v56 =	vld.idx.msk [tilespmem:v49+s13+$0x0], $0xffff;
	v2 =	vadd.f32 v3, v2;
	v3 =	vmul.f32 v48, v47  }
0x2b8: {  	v58 =	vor.u32 $0x1C, v1;
	v57 =	vld.idx.msk [tilespmem:v49+s14+$0x0], $0xffff  }
0x2b9: {  	v59 =	vld.idx.msk [tilespmem:v52+s13+$0x0], $0xffff;
	v2 =	vadd.f32 v3, v2;
	v3 =	vmul.f32 v51, v50  }
0x2ba: {  	v61 =	vor.u32 $0x1D, v1;
	v60 =	vld.idx.msk [tilespmem:v52+s14+$0x0], $0xffff  }
0x2bb: {  	v62 =	vld.idx.msk [tilespmem:v55+s13+$0x0], $0xffff;
	v2 =	vadd.f32 v3, v2;
	v3 =	vmul.f32 v54, v53  }
0x2bc: {  	v16 =	vor.u32 $0x1E, v1;
	v63 =	vld.idx.msk [tilespmem:v55+s14+$0x0], $0xffff  }
0x2bd: {  	v17 =	vld.idx.msk [tilespmem:v58+s13+$0x0], $0xffff;
	v2 =	vadd.f32 v3, v2;
	v3 =	vmul.f32 v57, v56  }
0x2be: {  	v1 =	vor.u32 $0x1F, v1;
	v18 =	vld.idx.msk [tilespmem:v58+s14+$0x0], $0xffff  }
0x2bf: {  	v19 =	vld.idx.msk [tilespmem:v61+s13+$0x0], $0xffff;
	v2 =	vadd.f32 v3, v2;
	v3 =	vmul.f32 v60, v59  }
0x2c0: {  	v20 =	vld.idx.msk [tilespmem:v61+s14+$0x0], $0xffff  }
0x2c1: {  	v22 =	vld.idx.msk [tilespmem:v16+s14+$0x0], $0xffff;
	v2 =	vadd.f32 v3, v2;
	v3 =	vmul.f32 v63, v62  }
0x2c2: {  	v21 =	vld.idx.msk [tilespmem:v16+s13+$0x0], $0xffff  }
0x2c3: {  	v23 =	vld.idx.msk [tilespmem:v1+s13+$0x0], $0xffff;
	v2 =	vadd.f32 v3, v2;
	v3 =	vmul.f32 v18, v17  }
0x2c4: {  	v1 =	vld.idx.msk [tilespmem:v1+s14+$0x0], $0xffff  }
0x2c5: {  	v2 =	vadd.f32 v3, v2;
	v3 =	vmul.f32 v20, v19;
	_ =	sdelay $0x1  }
0x2c6: {  	v2 =	vadd.f32 v3, v2;
	v3 =	vmul.f32 v22, v21;
	_ =	sdelay $0x1  }
0x2c7: {  	v1 =	vmul.f32 v1, v23;
	v2 =	vadd.f32 v3, v2;
	_ =	sdelay $0x1  }
0x2c8: {  	v1 =	vadd.f32 v1, v2;
	_ =	sdelay $0x1  }
0x2c9: {  	v1 =	vsub.f32 $0.0e+00, v1;
	_ =	sdelay $0x1  }
0x2ca: {  	v1 =	vmul.f32 $1.442695020e+00, v1;
	_ =	sdelay $0x1  }
0x2cb: {  	(erf) = vpow2.f32 v1;
	_ =	sdelay $0x8  }
0x2cc: {  	v1 =	vpop (erf)  }
0x2cd: {  	v1 =	vadd.f32 $1.000000000e+00, v1;
	_ =	sdelay $0x1  }
0x2ce: {  	(erf) = vrcp.f32 v1;
	_ =	sdelay $0x2  }
0x2cf: {  	s18 =	simm.s32 $0x10  }
0x2d0: {  	v1 =	vmov s18  }
0x2d1: {  	v1 =	vshll.u32 v1, $0x7  }
0x2d2: {  	v1 =	vor.u32 v0, v1;
	_ =	sdelay $0x1  }
0x2d3: {  	v2 =	vor.u32 $0x1, v1  }
0x2d4: {  	s19 =	simm.s32 $0x10480;
	v3 =	vpop (erf)  }
0x2d5: {  	v24 =	vor.u32 $0x2, v1;
	[tilespmem:s19+$0x0] =	vst v3  }
0x2d6: {  	v3 =	vld.idx.msk [tilespmem:v1+s14+$0x0], $0xffff  }
0x2d7: {  	v26 =	vor.u32 $0x3, v1;
	v25 =	vld.idx.msk [tilespmem:v1+s13+$0x0], $0xffff  }
0x2d8: {  	v27 =	vld.idx.msk [tilespmem:v2+s13+$0x0], $0xffff  }
0x2d9: {  	v28 =	vor.u32 $0x4, v1;
	v2 =	vld.idx.msk [tilespmem:v2+s14+$0x0], $0xffff  }
0x2da: {  	v29 =	vld.idx.msk [tilespmem:v24+s13+$0x0], $0xffff  }
0x2db: {  	v30 =	vor.u32 $0x5, v1;
	v4 =	vld.idx.msk [tilespmem:v24+s14+$0x0], $0xffff  }
0x2dc: {  	v31 =	vld.idx.msk [tilespmem:v26+s13+$0x0], $0xffff  }
0x2dd: {  	v32 =	vor.u32 $0x6, v1;
	v6 =	vld.idx.msk [tilespmem:v26+s14+$0x0], $0xffff  }
0x2de: {  	v33 =	vld.idx.msk [tilespmem:v28+s13+$0x0], $0xffff;
	v3 =	vmul.f32 v3, v25;
	v2 =	vmul.f32 v2, v27  }
0x2df: {  	v35 =	vor.u32 $0x7, v1;
	v34 =	vld.idx.msk [tilespmem:v28+s14+$0x0], $0xffff  }
0x2e0: {  	v36 =	vld.idx.msk [tilespmem:v30+s13+$0x0], $0xffff;
	v2 =	vadd.f32 v2, v3;
	v3 =	vmul.f32 v4, v29  }
0x2e1: {  	v38 =	vor.u32 $0x8, v1;
	v37 =	vld.idx.msk [tilespmem:v30+s14+$0x0], $0xffff  }
0x2e2: {  	v39 =	vld.idx.msk [tilespmem:v32+s13+$0x0], $0xffff;
	v2 =	vadd.f32 v3, v2;
	v3 =	vmul.f32 v6, v31  }
0x2e3: {  	v41 =	vor.u32 $0x9, v1;
	v40 =	vld.idx.msk [tilespmem:v32+s14+$0x0], $0xffff  }
0x2e4: {  	v42 =	vld.idx.msk [tilespmem:v35+s13+$0x0], $0xffff;
	v2 =	vadd.f32 v3, v2;
	v3 =	vmul.f32 v34, v33  }
0x2e5: {  	v44 =	vor.u32 $0xA, v1;
	v43 =	vld.idx.msk [tilespmem:v35+s14+$0x0], $0xffff  }
0x2e6: {  	v45 =	vld.idx.msk [tilespmem:v38+s13+$0x0], $0xffff;
	v2 =	vadd.f32 v3, v2;
	v3 =	vmul.f32 v37, v36  }
0x2e7: {  	v47 =	vor.u32 $0xB, v1;
	v46 =	vld.idx.msk [tilespmem:v38+s14+$0x0], $0xffff  }
0x2e8: {  	v48 =	vld.idx.msk [tilespmem:v41+s13+$0x0], $0xffff;
	v2 =	vadd.f32 v3, v2;
	v3 =	vmul.f32 v40, v39  }
0x2e9: {  	v50 =	vor.u32 $0xC, v1;
	v49 =	vld.idx.msk [tilespmem:v41+s14+$0x0], $0xffff  }
0x2ea: {  	v51 =	vld.idx.msk [tilespmem:v44+s13+$0x0], $0xffff;
	v2 =	vadd.f32 v3, v2;
	v3 =	vmul.f32 v43, v42  }
0x2eb: {  	v53 =	vor.u32 $0xD, v1;
	v52 =	vld.idx.msk [tilespmem:v44+s14+$0x0], $0xffff  }
0x2ec: {  	v54 =	vld.idx.msk [tilespmem:v47+s13+$0x0], $0xffff;
	v2 =	vadd.f32 v3, v2;
	v3 =	vmul.f32 v46, v45  }
0x2ed: {  	v56 =	vor.u32 $0xE, v1;
	v55 =	vld.idx.msk [tilespmem:v47+s14+$0x0], $0xffff  }
0x2ee: {  	v57 =	vld.idx.msk [tilespmem:v50+s13+$0x0], $0xffff;
	v2 =	vadd.f32 v3, v2;
	v3 =	vmul.f32 v49, v48  }
0x2ef: {  	v59 =	vor.u32 $0xF, v1;
	v58 =	vld.idx.msk [tilespmem:v50+s14+$0x0], $0xffff  }
0x2f0: {  	v60 =	vld.idx.msk [tilespmem:v53+s13+$0x0], $0xffff;
	v2 =	vadd.f32 v3, v2;
	v3 =	vmul.f32 v52, v51  }
0x2f1: {  	v62 =	vor.u32 $0x10, v1;
	v61 =	vld.idx.msk [tilespmem:v53+s14+$0x0], $0xffff  }
0x2f2: {  	v63 =	vld.idx.msk [tilespmem:v56+s13+$0x0], $0xffff;
	v2 =	vadd.f32 v3, v2;
	v3 =	vmul.f32 v55, v54  }
0x2f3: {  	v17 =	vor.u32 $0x11, v1;
	v16 =	vld.idx.msk [tilespmem:v56+s14+$0x0], $0xffff  }
0x2f4: {  	v18 =	vld.idx.msk [tilespmem:v59+s13+$0x0], $0xffff;
	v2 =	vadd.f32 v3, v2;
	v3 =	vmul.f32 v58, v57  }
0x2f5: {  	v20 =	vor.u32 $0x12, v1;
	v19 =	vld.idx.msk [tilespmem:v59+s14+$0x0], $0xffff  }
0x2f6: {  	v21 =	vld.idx.msk [tilespmem:v62+s13+$0x0], $0xffff;
	v2 =	vadd.f32 v3, v2;
	v3 =	vmul.f32 v61, v60  }
0x2f7: {  	v23 =	vor.u32 $0x13, v1;
	v22 =	vld.idx.msk [tilespmem:v62+s14+$0x0], $0xffff  }
0x2f8: {  	v24 =	vld.idx.msk [tilespmem:v17+s13+$0x0], $0xffff;
	v2 =	vadd.f32 v3, v2;
	v3 =	vmul.f32 v16, v63  }
0x2f9: {  	v26 =	vor.u32 $0x14, v1;
	v25 =	vld.idx.msk [tilespmem:v17+s14+$0x0], $0xffff  }
0x2fa: {  	v28 =	vld.idx.msk [tilespmem:v20+s14+$0x0], $0xffff;
	v2 =	vadd.f32 v3, v2;
	v3 =	vmul.f32 v19, v18  }
0x2fb: {  	v27 =	vld.idx.msk [tilespmem:v20+s13+$0x0], $0xffff;
	v29 =	vor.u32 $0x15, v1  }
0x2fc: {  	v30 =	vld.idx.msk [tilespmem:v23+s13+$0x0], $0xffff;
	v2 =	vadd.f32 v3, v2;
	v3 =	vmul.f32 v22, v21  }
0x2fd: {  	v32 =	vor.u32 $0x16, v1;
	v31 =	vld.idx.msk [tilespmem:v23+s14+$0x0], $0xffff  }
0x2fe: {  	v33 =	vld.idx.msk [tilespmem:v26+s13+$0x0], $0xffff;
	v2 =	vadd.f32 v3, v2;
	v3 =	vmul.f32 v25, v24  }
0x2ff: {  	v35 =	vor.u32 $0x17, v1;
	v34 =	vld.idx.msk [tilespmem:v26+s14+$0x0], $0xffff  }
0x300: {  	v36 =	vld.idx.msk [tilespmem:v29+s13+$0x0], $0xffff;
	v2 =	vadd.f32 v3, v2;
	v3 =	vmul.f32 v28, v27  }
0x301: {  	v38 =	vor.u32 $0x18, v1;
	v37 =	vld.idx.msk [tilespmem:v29+s14+$0x0], $0xffff  }
0x302: {  	v39 =	vld.idx.msk [tilespmem:v32+s13+$0x0], $0xffff;
	v2 =	vadd.f32 v3, v2;
	v3 =	vmul.f32 v31, v30  }
0x303: {  	v41 =	vor.u32 $0x19, v1;
	v40 =	vld.idx.msk [tilespmem:v32+s14+$0x0], $0xffff  }
0x304: {  	v42 =	vld.idx.msk [tilespmem:v35+s13+$0x0], $0xffff;
	v2 =	vadd.f32 v3, v2;
	v3 =	vmul.f32 v34, v33  }
0x305: {  	v44 =	vor.u32 $0x1A, v1;
	v43 =	vld.idx.msk [tilespmem:v35+s14+$0x0], $0xffff  }
0x306: {  	v45 =	vld.idx.msk [tilespmem:v38+s13+$0x0], $0xffff;
	v2 =	vadd.f32 v3, v2;
	v3 =	vmul.f32 v37, v36  }
0x307: {  	v47 =	vor.u32 $0x1B, v1;
	v46 =	vld.idx.msk [tilespmem:v38+s14+$0x0], $0xffff  }
0x308: {  	v48 =	vld.idx.msk [tilespmem:v41+s13+$0x0], $0xffff;
	v2 =	vadd.f32 v3, v2;
	v3 =	vmul.f32 v40, v39  }
0x309: {  	v50 =	vor.u32 $0x1C, v1;
	v49 =	vld.idx.msk [tilespmem:v41+s14+$0x0], $0xffff  }
0x30a: {  	v51 =	vld.idx.msk [tilespmem:v44+s13+$0x0], $0xffff;
	v2 =	vadd.f32 v3, v2;
	v3 =	vmul.f32 v43, v42  }
0x30b: {  	v53 =	vor.u32 $0x1D, v1;
	v52 =	vld.idx.msk [tilespmem:v44+s14+$0x0], $0xffff  }
0x30c: {  	v54 =	vld.idx.msk [tilespmem:v47+s13+$0x0], $0xffff;
	v2 =	vadd.f32 v3, v2;
	v3 =	vmul.f32 v46, v45  }
0x30d: {  	v56 =	vor.u32 $0x1E, v1;
	v55 =	vld.idx.msk [tilespmem:v47+s14+$0x0], $0xffff  }
0x30e: {  	v57 =	vld.idx.msk [tilespmem:v50+s13+$0x0], $0xffff;
	v2 =	vadd.f32 v3, v2;
	v3 =	vmul.f32 v49, v48  }
0x30f: {  	v1 =	vor.u32 $0x1F, v1;
	v58 =	vld.idx.msk [tilespmem:v50+s14+$0x0], $0xffff  }
0x310: {  	v59 =	vld.idx.msk [tilespmem:v53+s13+$0x0], $0xffff;
	v2 =	vadd.f32 v3, v2;
	v3 =	vmul.f32 v52, v51  }
0x311: {  	v60 =	vld.idx.msk [tilespmem:v53+s14+$0x0], $0xffff  }
0x312: {  	v62 =	vld.idx.msk [tilespmem:v56+s14+$0x0], $0xffff;
	v2 =	vadd.f32 v3, v2;
	v3 =	vmul.f32 v55, v54  }
0x313: {  	v61 =	vld.idx.msk [tilespmem:v56+s13+$0x0], $0xffff  }
0x314: {  	v63 =	vld.idx.msk [tilespmem:v1+s13+$0x0], $0xffff;
	v2 =	vadd.f32 v3, v2;
	v3 =	vmul.f32 v58, v57  }
0x315: {  	v1 =	vld.idx.msk [tilespmem:v1+s14+$0x0], $0xffff  }
0x316: {  	v2 =	vadd.f32 v3, v2;
	v3 =	vmul.f32 v60, v59;
	_ =	sdelay $0x1  }
0x317: {  	v2 =	vadd.f32 v3, v2;
	v3 =	vmul.f32 v62, v61;
	_ =	sdelay $0x1  }
0x318: {  	v1 =	vmul.f32 v1, v63;
	v2 =	vadd.f32 v3, v2;
	_ =	sdelay $0x1  }
0x319: {  	v1 =	vadd.f32 v1, v2;
	_ =	sdelay $0x1  }
0x31a: {  	v1 =	vsub.f32 $0.0e+00, v1;
	_ =	sdelay $0x1  }
0x31b: {  	v1 =	vmul.f32 $1.442695020e+00, v1;
	_ =	sdelay $0x1  }
0x31c: {  	(erf) = vpow2.f32 v1;
	_ =	sdelay $0x8  }
0x31d: {  	v1 =	vpop (erf)  }
0x31e: {  	v1 =	vadd.f32 $1.000000000e+00, v1;
	_ =	sdelay $0x1  }
0x31f: {  	(erf) = vrcp.f32 v1;
	_ =	sdelay $0x2  }
0x320: {  	s31 =	simm.s32 $0x20  }
0x321: {  	v2 =	vmov s31  }
0x322: {  	v2 =	vshll.u32 v2, $0x7  }
0x323: {  	s20 =	simm.s32 $0x30;
	v1 =	vor.u32 v0, v2  }
.LBB2_10:
0x324: {  	p0 =	sne.s32 s20, $0x70  }
0x325: {  	v2 =	vor.u32 $0x1, v1  }
0x326: {  	s19 =	sadd.s32 $0x10, s19;
	v3 =	vpop (erf)  }
0x327: {  	v4 =	vor.u32 $0x2, v1;
	[tilespmem:s19+$0x0] =	vst v3  }
0x328: {  	v3 =	vld.idx.msk [tilespmem:v1+s14+$0x0], $0xffff  }
0x329: {  	v6 =	vor.u32 $0x3, v1;
	v5 =	vld.idx.msk [tilespmem:v1+s13+$0x0], $0xffff  }
0x32a: {  	v7 =	vld.idx.msk [tilespmem:v2+s13+$0x0], $0xffff  }
0x32b: {  	v8 =	vor.u32 $0x4, v1;
	v2 =	vld.idx.msk [tilespmem:v2+s14+$0x0], $0xffff  }
0x32c: {  	v9 =	vld.idx.msk [tilespmem:v4+s13+$0x0], $0xffff  }
0x32d: {  	v10 =	vor.u32 $0x5, v1;
	v4 =	vld.idx.msk [tilespmem:v4+s14+$0x0], $0xffff  }
0x32e: {  	v11 =	vld.idx.msk [tilespmem:v6+s13+$0x0], $0xffff  }
0x32f: {  	v12 =	vor.u32 $0x6, v1;
	v6 =	vld.idx.msk [tilespmem:v6+s14+$0x0], $0xffff  }
0x330: {  	v13 =	vld.idx.msk [tilespmem:v8+s13+$0x0], $0xffff  }
0x331: {  	v3 =	vmul.f32 v3, v5;
	v2 =	vmul.f32 v2, v7;
	v7 =	vor.u32 $0x7, v1;
	v5 =	vld.idx.msk [tilespmem:v8+s14+$0x0], $0xffff  }
0x332: {  	v8 =	vld.idx.msk [tilespmem:v10+s13+$0x0], $0xffff  }
0x333: {  	v2 =	vadd.f32 v2, v3;
	v3 =	vmul.f32 v4, v9;
	v9 =	vor.u32 $0x8, v1;
	v4 =	vld.idx.msk [tilespmem:v10+s14+$0x0], $0xffff  }
0x334: {  	v10 =	vld.idx.msk [tilespmem:v12+s13+$0x0], $0xffff  }
0x335: {  	v2 =	vadd.f32 v3, v2;
	v3 =	vmul.f32 v6, v11;
	v11 =	vor.u32 $0x9, v1;
	v6 =	vld.idx.msk [tilespmem:v12+s14+$0x0], $0xffff  }
0x336: {  	v12 =	vld.idx.msk [tilespmem:v7+s13+$0x0], $0xffff  }
0x337: {  	v2 =	vadd.f32 v3, v2;
	v3 =	vmul.f32 v5, v13;
	v5 =	vld.idx.msk [tilespmem:v7+s14+$0x0], $0xffff;
	v7 =	vor.u32 $0xA, v1  }
0x338: {  	v13 =	vld.idx.msk [tilespmem:v9+s13+$0x0], $0xffff  }
0x339: {  	v2 =	vadd.f32 v3, v2;
	v3 =	vmul.f32 v4, v8;
	v8 =	vor.u32 $0xB, v1;
	v4 =	vld.idx.msk [tilespmem:v9+s14+$0x0], $0xffff  }
0x33a: {  	v9 =	vld.idx.msk [tilespmem:v11+s13+$0x0], $0xffff  }
0x33b: {  	v2 =	vadd.f32 v3, v2;
	v3 =	vmul.f32 v6, v10;
	v10 =	vor.u32 $0xC, v1;
	v6 =	vld.idx.msk [tilespmem:v11+s14+$0x0], $0xffff  }
0x33c: {  	v11 =	vld.idx.msk [tilespmem:v7+s13+$0x0], $0xffff  }
0x33d: {  	v2 =	vadd.f32 v3, v2;
	v3 =	vmul.f32 v5, v12;
	v5 =	vld.idx.msk [tilespmem:v7+s14+$0x0], $0xffff;
	v7 =	vor.u32 $0xD, v1  }
0x33e: {  	v12 =	vld.idx.msk [tilespmem:v8+s13+$0x0], $0xffff  }
0x33f: {  	v2 =	vadd.f32 v3, v2;
	v3 =	vmul.f32 v4, v13;
	v4 =	vld.idx.msk [tilespmem:v8+s14+$0x0], $0xffff;
	v8 =	vor.u32 $0xE, v1  }
0x340: {  	v13 =	vld.idx.msk [tilespmem:v10+s13+$0x0], $0xffff  }
0x341: {  	v2 =	vadd.f32 v3, v2;
	v3 =	vmul.f32 v6, v9;
	v9 =	vor.u32 $0xF, v1;
	v6 =	vld.idx.msk [tilespmem:v10+s14+$0x0], $0xffff  }
0x342: {  	v10 =	vld.idx.msk [tilespmem:v7+s13+$0x0], $0xffff  }
0x343: {  	v2 =	vadd.f32 v3, v2;
	v3 =	vmul.f32 v5, v11;
	v5 =	vld.idx.msk [tilespmem:v7+s14+$0x0], $0xffff;
	v7 =	vor.u32 $0x10, v1  }
0x344: {  	v11 =	vld.idx.msk [tilespmem:v8+s13+$0x0], $0xffff  }
0x345: {  	v2 =	vadd.f32 v3, v2;
	v3 =	vmul.f32 v4, v12;
	v4 =	vld.idx.msk [tilespmem:v8+s14+$0x0], $0xffff;
	v8 =	vor.u32 $0x11, v1  }
0x346: {  	v12 =	vld.idx.msk [tilespmem:v9+s13+$0x0], $0xffff  }
0x347: {  	v2 =	vadd.f32 v3, v2;
	v3 =	vmul.f32 v6, v13;
	v6 =	vld.idx.msk [tilespmem:v9+s14+$0x0], $0xffff;
	v9 =	vor.u32 $0x12, v1  }
0x348: {  	v13 =	vld.idx.msk [tilespmem:v7+s13+$0x0], $0xffff  }
0x349: {  	v2 =	vadd.f32 v3, v2;
	v3 =	vmul.f32 v5, v10;
	v5 =	vld.idx.msk [tilespmem:v7+s14+$0x0], $0xffff;
	v7 =	vor.u32 $0x13, v1  }
0x34a: {  	v10 =	vld.idx.msk [tilespmem:v8+s13+$0x0], $0xffff  }
0x34b: {  	v2 =	vadd.f32 v3, v2;
	v3 =	vmul.f32 v4, v11;
	v4 =	vld.idx.msk [tilespmem:v8+s14+$0x0], $0xffff;
	v8 =	vor.u32 $0x14, v1  }
0x34c: {  	v11 =	vld.idx.msk [tilespmem:v9+s13+$0x0], $0xffff  }
0x34d: {  	v2 =	vadd.f32 v3, v2;
	v3 =	vmul.f32 v6, v12;
	v6 =	vld.idx.msk [tilespmem:v9+s14+$0x0], $0xffff;
	v9 =	vor.u32 $0x15, v1  }
0x34e: {  	v12 =	vld.idx.msk [tilespmem:v7+s13+$0x0], $0xffff  }
0x34f: {  	v2 =	vadd.f32 v3, v2;
	v3 =	vmul.f32 v5, v13;
	v5 =	vld.idx.msk [tilespmem:v7+s14+$0x0], $0xffff;
	v7 =	vor.u32 $0x16, v1  }
0x350: {  	v13 =	vld.idx.msk [tilespmem:v8+s13+$0x0], $0xffff  }
0x351: {  	v2 =	vadd.f32 v3, v2;
	v3 =	vmul.f32 v4, v10;
	v4 =	vld.idx.msk [tilespmem:v8+s14+$0x0], $0xffff;
	v8 =	vor.u32 $0x17, v1  }
0x352: {  	v10 =	vld.idx.msk [tilespmem:v9+s13+$0x0], $0xffff  }
0x353: {  	v2 =	vadd.f32 v3, v2;
	v3 =	vmul.f32 v6, v11;
	v6 =	vld.idx.msk [tilespmem:v9+s14+$0x0], $0xffff;
	v9 =	vor.u32 $0x18, v1  }
0x354: {  	v11 =	vld.idx.msk [tilespmem:v7+s13+$0x0], $0xffff  }
0x355: {  	v2 =	vadd.f32 v3, v2;
	v3 =	vmul.f32 v5, v12;
	v5 =	vld.idx.msk [tilespmem:v7+s14+$0x0], $0xffff;
	v7 =	vor.u32 $0x19, v1  }
0x356: {  	v12 =	vld.idx.msk [tilespmem:v8+s13+$0x0], $0xffff  }
0x357: {  	v2 =	vadd.f32 v3, v2;
	v3 =	vmul.f32 v4, v13;
	v4 =	vld.idx.msk [tilespmem:v8+s14+$0x0], $0xffff;
	v8 =	vor.u32 $0x1A, v1  }
0x358: {  	v13 =	vld.idx.msk [tilespmem:v9+s13+$0x0], $0xffff  }
0x359: {  	v2 =	vadd.f32 v3, v2;
	v3 =	vmul.f32 v6, v10;
	v6 =	vld.idx.msk [tilespmem:v9+s14+$0x0], $0xffff;
	v9 =	vor.u32 $0x1B, v1  }
0x35a: {  	v10 =	vld.idx.msk [tilespmem:v7+s13+$0x0], $0xffff  }
0x35b: {  	v2 =	vadd.f32 v3, v2;
	v3 =	vmul.f32 v5, v11;
	v5 =	vld.idx.msk [tilespmem:v7+s14+$0x0], $0xffff;
	v7 =	vor.u32 $0x1C, v1  }
0x35c: {  	v11 =	vld.idx.msk [tilespmem:v8+s13+$0x0], $0xffff  }
0x35d: {  	v2 =	vadd.f32 v3, v2;
	v3 =	vmul.f32 v4, v12;
	v4 =	vld.idx.msk [tilespmem:v8+s14+$0x0], $0xffff;
	v8 =	vor.u32 $0x1D, v1  }
0x35e: {  	v12 =	vld.idx.msk [tilespmem:v9+s13+$0x0], $0xffff  }
0x35f: {  	v2 =	vadd.f32 v3, v2;
	v3 =	vmul.f32 v6, v13;
	v6 =	vld.idx.msk [tilespmem:v9+s14+$0x0], $0xffff;
	v9 =	vor.u32 $0x1E, v1  }
0x360: {  	v13 =	vld.idx.msk [tilespmem:v7+s13+$0x0], $0xffff  }
0x361: {  	v1 =	vor.u32 $0x1F, v1;
	v2 =	vadd.f32 v3, v2;
	v3 =	vmul.f32 v5, v10;
	v5 =	vld.idx.msk [tilespmem:v7+s14+$0x0], $0xffff  }
0x362: {  	v7 =	vld.idx.msk [tilespmem:v8+s13+$0x0], $0xffff  }
0x363: {  	v2 =	vadd.f32 v3, v2;
	v3 =	vmul.f32 v4, v11;
	v4 =	vld.idx.msk [tilespmem:v8+s14+$0x0], $0xffff  }
0x364: {  	v8 =	vld.idx.msk [tilespmem:v9+s13+$0x0], $0xffff  }
0x365: {  	v2 =	vadd.f32 v3, v2;
	v3 =	vmul.f32 v6, v12;
	v6 =	vld.idx.msk [tilespmem:v9+s14+$0x0], $0xffff  }
0x366: {  	v9 =	vld.idx.msk [tilespmem:v1+s13+$0x0], $0xffff  }
0x367: {  	v2 =	vadd.f32 v3, v2;
	v3 =	vmul.f32 v5, v13;
	v1 =	vld.idx.msk [tilespmem:v1+s14+$0x0], $0xffff;
	_ =	sdelay $0x1  }
0x368: {  	v2 =	vadd.f32 v3, v2;
	v3 =	vmul.f32 v4, v7;
	_ =	sdelay $0x1  }
0x369: {  	v2 =	vadd.f32 v3, v2;
	v3 =	vmul.f32 v6, v8;
	_ =	sdelay $0x1  }
0x36a: {  	v2 =	vadd.f32 v3, v2;
	v1 =	vmul.f32 v1, v9;
	_ =	sdelay $0x1  }
0x36b: {  	v1 =	vadd.f32 v1, v2;
	_ =	sdelay $0x1  }
0x36c: {  	v1 =	vsub.f32 $0.0e+00, v1;
	_ =	sdelay $0x1  }
0x36d: {  	v1 =	vmul.f32 $1.442695020e+00, v1;
	_ =	sdelay $0x1  }
0x36e: {  	(erf) = vpow2.f32 v1;
	_ =	sdelay $0x8  }
0x36f: {  	v1 =	vpop (erf)  }
0x370: {  	v1 =	vadd.f32 $1.000000000e+00, v1;
	_ =	sdelay $0x1  }
0x371: {  	(erf) = vrcp.f32 v1;
	_ =	sdelay $0x1  }
.Ltmp4:
0x372: {  	(pc) =	sbr.rel @p0 .LBB2_10-.Ltmp4, $4  }
0x373: {  	_ = 	snop  }
0x374: {  	v1 =	vmov s20  }
0x375: {  	v1 =	vshll.u32 v1, $0x7  }
0x376: {  	s20 =	sadd.s32 $0x10, s20;
	v1 =	vor.u32 v0, v1  }
0x377: {  	_ = 	snop  }
0x378: {  	v2 =	vor.u32 $0x1, v1  }
0x379: {  	s19 =	sadd.s32 $0x10, s19;
	v3 =	vpop (erf)  }
0x37a: {  	v4 =	vor.u32 $0x2, v1;
	[tilespmem:s19+$0x0] =	vst v3  }
0x37b: {  	v3 =	vld.idx.msk [tilespmem:v1+s14+$0x0], $0xffff  }
0x37c: {  	v6 =	vor.u32 $0x3, v1;
	v5 =	vld.idx.msk [tilespmem:v1+s13+$0x0], $0xffff  }
0x37d: {  	v7 =	vld.idx.msk [tilespmem:v2+s13+$0x0], $0xffff  }
0x37e: {  	v8 =	vor.u32 $0x4, v1;
	v2 =	vld.idx.msk [tilespmem:v2+s14+$0x0], $0xffff  }
0x37f: {  	v9 =	vld.idx.msk [tilespmem:v4+s13+$0x0], $0xffff  }
0x380: {  	v10 =	vor.u32 $0x5, v1;
	v4 =	vld.idx.msk [tilespmem:v4+s14+$0x0], $0xffff  }
0x381: {  	v11 =	vld.idx.msk [tilespmem:v6+s13+$0x0], $0xffff  }
0x382: {  	v12 =	vor.u32 $0x6, v1;
	v6 =	vld.idx.msk [tilespmem:v6+s14+$0x0], $0xffff  }
0x383: {  	v13 =	vld.idx.msk [tilespmem:v8+s13+$0x0], $0xffff;
	v3 =	vmul.f32 v3, v5;
	v2 =	vmul.f32 v2, v7  }
0x384: {  	v35 =	vor.u32 $0x7, v1;
	v34 =	vld.idx.msk [tilespmem:v8+s14+$0x0], $0xffff  }
0x385: {  	v36 =	vld.idx.msk [tilespmem:v10+s13+$0x0], $0xffff;
	v2 =	vadd.f32 v2, v3;
	v3 =	vmul.f32 v4, v9  }
0x386: {  	v38 =	vor.u32 $0x8, v1;
	v37 =	vld.idx.msk [tilespmem:v10+s14+$0x0], $0xffff  }
0x387: {  	v39 =	vld.idx.msk [tilespmem:v12+s13+$0x0], $0xffff;
	v2 =	vadd.f32 v3, v2;
	v3 =	vmul.f32 v6, v11  }
0x388: {  	v41 =	vor.u32 $0x9, v1;
	v40 =	vld.idx.msk [tilespmem:v12+s14+$0x0], $0xffff  }
0x389: {  	v42 =	vld.idx.msk [tilespmem:v35+s13+$0x0], $0xffff;
	v2 =	vadd.f32 v3, v2;
	v3 =	vmul.f32 v34, v13  }
0x38a: {  	v44 =	vor.u32 $0xA, v1;
	v43 =	vld.idx.msk [tilespmem:v35+s14+$0x0], $0xffff  }
0x38b: {  	v45 =	vld.idx.msk [tilespmem:v38+s13+$0x0], $0xffff;
	v2 =	vadd.f32 v3, v2;
	v3 =	vmul.f32 v37, v36  }
0x38c: {  	v47 =	vor.u32 $0xB, v1;
	v46 =	vld.idx.msk [tilespmem:v38+s14+$0x0], $0xffff  }
0x38d: {  	v48 =	vld.idx.msk [tilespmem:v41+s13+$0x0], $0xffff;
	v2 =	vadd.f32 v3, v2;
	v3 =	vmul.f32 v40, v39  }
0x38e: {  	v50 =	vor.u32 $0xC, v1;
	v49 =	vld.idx.msk [tilespmem:v41+s14+$0x0], $0xffff  }
0x38f: {  	v51 =	vld.idx.msk [tilespmem:v44+s13+$0x0], $0xffff;
	v2 =	vadd.f32 v3, v2;
	v3 =	vmul.f32 v43, v42  }
0x390: {  	v53 =	vor.u32 $0xD, v1;
	v52 =	vld.idx.msk [tilespmem:v44+s14+$0x0], $0xffff  }
0x391: {  	v54 =	vld.idx.msk [tilespmem:v47+s13+$0x0], $0xffff;
	v2 =	vadd.f32 v3, v2;
	v3 =	vmul.f32 v46, v45  }
0x392: {  	v56 =	vor.u32 $0xE, v1;
	v55 =	vld.idx.msk [tilespmem:v47+s14+$0x0], $0xffff  }
0x393: {  	v57 =	vld.idx.msk [tilespmem:v50+s13+$0x0], $0xffff;
	v2 =	vadd.f32 v3, v2;
	v3 =	vmul.f32 v49, v48  }
0x394: {  	v59 =	vor.u32 $0xF, v1;
	v58 =	vld.idx.msk [tilespmem:v50+s14+$0x0], $0xffff  }
0x395: {  	v60 =	vld.idx.msk [tilespmem:v53+s13+$0x0], $0xffff;
	v2 =	vadd.f32 v3, v2;
	v3 =	vmul.f32 v52, v51  }
0x396: {  	v62 =	vor.u32 $0x10, v1;
	v61 =	vld.idx.msk [tilespmem:v53+s14+$0x0], $0xffff  }
0x397: {  	v63 =	vld.idx.msk [tilespmem:v56+s13+$0x0], $0xffff;
	v2 =	vadd.f32 v3, v2;
	v3 =	vmul.f32 v55, v54  }
0x398: {  	v17 =	vor.u32 $0x11, v1;
	v16 =	vld.idx.msk [tilespmem:v56+s14+$0x0], $0xffff  }
0x399: {  	v18 =	vld.idx.msk [tilespmem:v59+s13+$0x0], $0xffff;
	v2 =	vadd.f32 v3, v2;
	v3 =	vmul.f32 v58, v57  }
0x39a: {  	v20 =	vor.u32 $0x12, v1;
	v19 =	vld.idx.msk [tilespmem:v59+s14+$0x0], $0xffff  }
0x39b: {  	v21 =	vld.idx.msk [tilespmem:v62+s13+$0x0], $0xffff;
	v2 =	vadd.f32 v3, v2;
	v3 =	vmul.f32 v61, v60  }
0x39c: {  	v23 =	vor.u32 $0x13, v1;
	v22 =	vld.idx.msk [tilespmem:v62+s14+$0x0], $0xffff  }
0x39d: {  	v24 =	vld.idx.msk [tilespmem:v17+s13+$0x0], $0xffff;
	v2 =	vadd.f32 v3, v2;
	v3 =	vmul.f32 v16, v63  }
0x39e: {  	v26 =	vor.u32 $0x14, v1;
	v25 =	vld.idx.msk [tilespmem:v17+s14+$0x0], $0xffff  }
0x39f: {  	v27 =	vld.idx.msk [tilespmem:v20+s13+$0x0], $0xffff;
	v2 =	vadd.f32 v3, v2;
	v3 =	vmul.f32 v19, v18  }
0x3a0: {  	v29 =	vor.u32 $0x15, v1;
	v28 =	vld.idx.msk [tilespmem:v20+s14+$0x0], $0xffff  }
0x3a1: {  	v30 =	vld.idx.msk [tilespmem:v23+s13+$0x0], $0xffff;
	v2 =	vadd.f32 v3, v2;
	v3 =	vmul.f32 v22, v21  }
0x3a2: {  	v32 =	vor.u32 $0x16, v1;
	v31 =	vld.idx.msk [tilespmem:v23+s14+$0x0], $0xffff  }
0x3a3: {  	v33 =	vld.idx.msk [tilespmem:v26+s13+$0x0], $0xffff;
	v2 =	vadd.f32 v3, v2;
	v3 =	vmul.f32 v25, v24  }
0x3a4: {  	v35 =	vor.u32 $0x17, v1;
	v34 =	vld.idx.msk [tilespmem:v26+s14+$0x0], $0xffff  }
0x3a5: {  	v36 =	vld.idx.msk [tilespmem:v29+s13+$0x0], $0xffff;
	v2 =	vadd.f32 v3, v2;
	v3 =	vmul.f32 v28, v27  }
0x3a6: {  	v38 =	vor.u32 $0x18, v1;
	v37 =	vld.idx.msk [tilespmem:v29+s14+$0x0], $0xffff  }
0x3a7: {  	v39 =	vld.idx.msk [tilespmem:v32+s13+$0x0], $0xffff;
	v2 =	vadd.f32 v3, v2;
	v3 =	vmul.f32 v31, v30  }
0x3a8: {  	v41 =	vor.u32 $0x19, v1;
	v40 =	vld.idx.msk [tilespmem:v32+s14+$0x0], $0xffff  }
0x3a9: {  	v42 =	vld.idx.msk [tilespmem:v35+s13+$0x0], $0xffff;
	v2 =	vadd.f32 v3, v2;
	v3 =	vmul.f32 v34, v33  }
0x3aa: {  	v44 =	vor.u32 $0x1A, v1;
	v43 =	vld.idx.msk [tilespmem:v35+s14+$0x0], $0xffff  }
0x3ab: {  	v45 =	vld.idx.msk [tilespmem:v38+s13+$0x0], $0xffff;
	v2 =	vadd.f32 v3, v2;
	v3 =	vmul.f32 v37, v36  }
0x3ac: {  	v47 =	vor.u32 $0x1B, v1;
	v46 =	vld.idx.msk [tilespmem:v38+s14+$0x0], $0xffff  }
0x3ad: {  	v48 =	vld.idx.msk [tilespmem:v41+s13+$0x0], $0xffff;
	v2 =	vadd.f32 v3, v2;
	v3 =	vmul.f32 v40, v39  }
0x3ae: {  	v50 =	vor.u32 $0x1C, v1;
	v49 =	vld.idx.msk [tilespmem:v41+s14+$0x0], $0xffff  }
0x3af: {  	v51 =	vld.idx.msk [tilespmem:v44+s13+$0x0], $0xffff;
	v2 =	vadd.f32 v3, v2;
	v3 =	vmul.f32 v43, v42  }
0x3b0: {  	v53 =	vor.u32 $0x1D, v1;
	v52 =	vld.idx.msk [tilespmem:v44+s14+$0x0], $0xffff  }
0x3b1: {  	v54 =	vld.idx.msk [tilespmem:v47+s13+$0x0], $0xffff;
	v2 =	vadd.f32 v3, v2;
	v3 =	vmul.f32 v46, v45  }
0x3b2: {  	v56 =	vor.u32 $0x1E, v1;
	v55 =	vld.idx.msk [tilespmem:v47+s14+$0x0], $0xffff  }
0x3b3: {  	v57 =	vld.idx.msk [tilespmem:v50+s13+$0x0], $0xffff;
	v2 =	vadd.f32 v3, v2;
	v3 =	vmul.f32 v49, v48  }
0x3b4: {  	v1 =	vor.u32 $0x1F, v1;
	v58 =	vld.idx.msk [tilespmem:v50+s14+$0x0], $0xffff  }
0x3b5: {  	v59 =	vld.idx.msk [tilespmem:v53+s13+$0x0], $0xffff;
	v2 =	vadd.f32 v3, v2;
	v3 =	vmul.f32 v52, v51  }
0x3b6: {  	v60 =	vld.idx.msk [tilespmem:v53+s14+$0x0], $0xffff  }
0x3b7: {  	v62 =	vld.idx.msk [tilespmem:v56+s14+$0x0], $0xffff;
	v2 =	vadd.f32 v3, v2;
	v3 =	vmul.f32 v55, v54  }
0x3b8: {  	v61 =	vld.idx.msk [tilespmem:v56+s13+$0x0], $0xffff  }
0x3b9: {  	v63 =	vld.idx.msk [tilespmem:v1+s13+$0x0], $0xffff;
	v2 =	vadd.f32 v3, v2;
	v3 =	vmul.f32 v58, v57  }
0x3ba: {  	v1 =	vld.idx.msk [tilespmem:v1+s14+$0x0], $0xffff  }
0x3bb: {  	v2 =	vadd.f32 v3, v2;
	v3 =	vmul.f32 v60, v59;
	_ =	sdelay $0x1  }
0x3bc: {  	v2 =	vadd.f32 v3, v2;
	v3 =	vmul.f32 v62, v61;
	_ =	sdelay $0x1  }
0x3bd: {  	v1 =	vmul.f32 v1, v63;
	v2 =	vadd.f32 v3, v2;
	_ =	sdelay $0x1  }
0x3be: {  	v1 =	vadd.f32 v1, v2;
	_ =	sdelay $0x1  }
0x3bf: {  	v1 =	vsub.f32 $0.0e+00, v1;
	_ =	sdelay $0x1  }
0x3c0: {  	v1 =	vmul.f32 $1.442695020e+00, v1;
	_ =	sdelay $0x1  }
0x3c1: {  	(erf) = vpow2.f32 v1;
	_ =	sdelay $0x8  }
0x3c2: {  	v1 =	vpop (erf)  }
0x3c3: {  	v1 =	vadd.f32 $1.000000000e+00, v1;
	_ =	sdelay $0x1  }
0x3c4: {  	(erf) = vrcp.f32 v1;
	_ =	sdelay $0x8  }
0x3c5: {  	s0 =	sadd.s32 $0x10, s19;
	v1 =	vpop (erf)  }
0x3c6: {  	s31 =	sand.u32 $0xF0, s17;
	[tilespmem:s0+$0x0] =	vst v1  }
0x3c7: {  	v1 =	vld [tilespmem:s31+$0x300];
	_ =	sdelay $0x4  }
0x3c8: {  	v1 =	vshll.u32 v1, $0x4  }
0x3c9: {  	(v2sf) =	vpush v1, $0x0  }
0x3ca: {  	(v2sf) =	vpush v1, $0x2  }
0x3cb: {  	(v2sf) =	vpush v1, $0x1;
	_ =	sdelay $0x1  }
0x3cc: {  	(v2sf) =	vpush v1, $0x3  }
0x3cd: {  	(v2sf) =	vpush v1, $0x4;
	_ =	sdelay $0x2  }
0x3ce: {  	s19 =	simm.s32 $0x1000  }
.LBB2_12:
0x3cf: {  	p0 =	sne.s32 s19, $0xF000;
	(v2sf) =	vpush v1, $0x5;
	s0 =	smov.u32 s19;
	s19 =	sadd.s32 $0x1000, s19  }
0x3d0: {  	s20 =	sshra.s32 s17, $0x2;
	s17 =	smov.u32 s0  }
0x3d1: {  	s0 =	sadd.s32 $0xC400, s20;
	(v2sf) =	vpush v1, $0x6  }
0x3d2: {  	s1 =	sadd.s32 $0x4400, s20  }
0x3d3: {  	s23 =	sadd.s32 $0xC680, s20;
	s22 =	sadd.s32 $0x4700, s20;
	s21 =	sadd.s32 $0xC700, s20;
	(v2sf) =	vpush v1, $0x7  }
0x3d4: {  	s26 =	sadd.s32 $0x4600, s20;
	s25 =	sadd.s32 $0xC600, s20;
	s24 =	sadd.s32 $0x4680, s20  }
0x3d5: {  	s5 =	sadd.s32 $0x4580, s20;
	s28 =	sadd.s32 $0xC580, s20;
	s6 =	spop (v2sf);
	(v2sf) =	vpush v1, $0x8  }
0x3d6: {  	s7 =	sadd.s32 $0x4480, s20;
	s6 =	sand.u32 $0x1FFFFFF0, s6;
	s8 =	spop (v2sf)  }
0x3d7: {  	s15 =	sadd.s32 $0xC500, s20;
	s6 =	sadd.s32 s3, s6;
	s29 =	spop (v2sf);
	(v2sf) =	vpush v1, $0x9  }
0x3d8: {  	[tilespmem:s1], [sflag:$0x2] =	stream.linear.gather [hbm4b:s6+s2], $0x80, $0x38;
	[tilespmem:$0x10600] =	vst v63  }
0x3d9: {  	s1 =	sand.u32 $0x1FFFFFF0, s29;
	s6 =	sand.u32 $0x1FFFFFF0, s8;
	s8 =	spop (v2sf);
	(v2sf) =	vpush v1, $0xA  }
0x3da: {  	s29 =	sadd.s32 $0x4500, s20;
	s1 =	sadd.s32 s4, s1;
	s30 =	spop (v2sf)  }
0x3db: {  	[tilespmem:s0], [sflag:$0x2] =	stream.linear.gather [hbm4b:s1+s2], $0x80, $0x38;
	(v2sf) =	vpush v1, $0xB;
	[tilespmem:$0x10600] =	vst v63  }
0x3dc: {  	s0 =	sadd.s32 s3, s6;
	s1 =	sand.u32 $0x1FFFFFF0, s8;
	s6 =	sand.u32 $0x1FFFFFF0, s30  }
0x3dd: {  	[tilespmem:s7], [sflag:$0x2] =	stream.linear.gather [hbm4b:s0+s2], $0x80, $0x38;
	(v2sf) =	vpush v1, $0xC;
	[tilespmem:$0x10600] =	vst v63  }
0x3de: {  	s1 =	sadd.s32 s4, s1;
	s0 =	sadd.s32 $0xC480, s20;
	s7 =	spop (v2sf)  }
0x3df: {  	[tilespmem:s0], [sflag:$0x2] =	stream.linear.gather [hbm4b:s1+s2], $0x80, $0x38;
	(v2sf) =	vpush v1, $0xD;
	[tilespmem:$0x10600] =	vst v63  }
0x3e0: {  	s0 =	sadd.s32 s3, s6;
	s1 =	sand.u32 $0x1FFFFFF0, s7;
	s6 =	spop (v2sf)  }
0x3e1: {  	[tilespmem:s29], [sflag:$0x2] =	stream.linear.gather [hbm4b:s0+s2], $0x80, $0x38;
	(v2sf) =	vpush v1, $0xE;
	[tilespmem:$0x10600] =	vst v63  }
0x3e2: {  	s0 =	sadd.s32 s4, s1;
	s1 =	sand.u32 $0x1FFFFFF0, s6;
	s6 =	spop (v2sf)  }
0x3e3: {  	[tilespmem:s15], [sflag:$0x2] =	stream.linear.gather [hbm4b:s0+s2], $0x80, $0x38;
	(v2sf) =	vpush v1, $0xF;
	[tilespmem:$0x10600] =	vst v63  }
0x3e4: {  	s0 =	sadd.s32 s3, s1;
	s1 =	sand.u32 $0x1FFFFFF0, s6;
	s6 =	spop (v2sf)  }
0x3e5: {  	[tilespmem:s5], [sflag:$0x2] =	stream.linear.gather [hbm4b:s0+s2], $0x80, $0x38;
	[tilespmem:$0x10600] =	vst v63  }
0x3e6: {  	s0 =	sadd.s32 s4, s1;
	s1 =	sand.u32 $0x1FFFFFF0, s6;
	s5 =	spop (v2sf)  }
0x3e7: {  	[tilespmem:s28], [sflag:$0x2] =	stream.linear.gather [hbm4b:s0+s2], $0x80, $0x38;
	[tilespmem:$0x10600] =	vst v63  }
0x3e8: {  	s0 =	sadd.s32 s3, s1;
	s1 =	sand.u32 $0x1FFFFFF0, s5;
	s5 =	spop (v2sf)  }
0x3e9: {  	[tilespmem:s26], [sflag:$0x2] =	stream.linear.gather [hbm4b:s0+s2], $0x80, $0x38;
	[tilespmem:$0x10600] =	vst v63  }
0x3ea: {  	s0 =	sadd.s32 s4, s1;
	s1 =	sand.u32 $0x1FFFFFF0, s5;
	s5 =	spop (v2sf)  }
0x3eb: {  	[tilespmem:s25], [sflag:$0x2] =	stream.linear.gather [hbm4b:s0+s2], $0x80, $0x38;
	[tilespmem:$0x10600] =	vst v63  }
0x3ec: {  	s0 =	sadd.s32 s3, s1;
	s1 =	sand.u32 $0x1FFFFFF0, s5;
	s5 =	spop (v2sf)  }
0x3ed: {  	[tilespmem:s24], [sflag:$0x2] =	stream.linear.gather [hbm4b:s0+s2], $0x80, $0x38;
	[tilespmem:$0x10600] =	vst v63  }
0x3ee: {  	s0 =	sadd.s32 s4, s1;
	s1 =	sand.u32 $0x1FFFFFF0, s5;
	s5 =	spop (v2sf)  }
0x3ef: {  	[tilespmem:s23], [sflag:$0x2] =	stream.linear.gather [hbm4b:s0+s2], $0x80, $0x38;
	[tilespmem:$0x10600] =	vst v63  }
0x3f0: {  	s0 =	sadd.s32 s3, s1;
	s1 =	sand.u32 $0x1FFFFFF0, s5;
	s5 =	spop (v2sf)  }
0x3f1: {  	[tilespmem:s22], [sflag:$0x2] =	stream.linear.gather [hbm4b:s0+s2], $0x80, $0x38;
	[tilespmem:$0x10600] =	vst v63  }
0x3f2: {  	s0 =	sadd.s32 s4, s1;
	s1 =	sand.u32 $0x1FFFFFF0, s5;
	s5 =	spop (v2sf)  }
0x3f3: {  	[tilespmem:s21], [sflag:$0x2] =	stream.linear.gather [hbm4b:s0+s2], $0x80, $0x38;
	[tilespmem:$0x10600] =	vst v63  }
0x3f4: {  	s1 =	sadd.s32 s3, s1;
	s0 =	sadd.s32 $0x4780, s20;
	s5 =	sand.u32 $0x1FFFFFF0, s5  }
0x3f5: {  	[tilespmem:s0], [sflag:$0x2] =	stream.linear.gather [hbm4b:s1+s2], $0x80, $0x38;
	[tilespmem:$0x10600] =	vst v63  }
0x3f6: {  	s5 =	sadd.s32 s4, s5;
	s0 =	sand.u32 $0xF0, s18;
	s1 =	sadd.s32 $0xC780, s20  }
0x3f7: {  	[tilespmem:s1], [sflag:$0x2] =	stream.linear.gather [hbm4b:s5+s2], $0x80, $0x38;
	[tilespmem:$0x10600] =	vst v63  }
0x3f8: {  	v1 =	vld [tilespmem:s0+$0x300];
	_ =	sdelay $0x4  }
0x3f9: {  	v1 =	vshll.u32 v1, $0x4  }
0x3fa: {  	(v2sf) =	vpush v1, $0x0  }
0x3fb: {  	(v2sf) =	vpush v1, $0x2  }
0x3fc: {  	(v2sf) =	vpush v1, $0x1;
	_ =	sdelay $0x1  }
.Ltmp5:
0x3fd: {  	(v2sf) =	vpush v1, $0x3;
	(pc) =	sbr.rel @p0 .LBB2_12-.Ltmp5, $2  }
0x3fe: {  	(v2sf) =	vpush v1, $0x4;
	_ =	sdelay $0x2  }
0x3ff: {  	s18 =	sadd.s32 $0x10, s18  }
0x400: {  	(v2sf) =	vpush v1, $0x5;
	_ =	sdelay $0x1  }
0x401: {  	s17 =	sshra.s32 s17, $0x2;
	(v2sf) =	vpush v1, $0x6  }
0x402: {  	s0 =	sadd.s32 $0xC400, s17;
	s1 =	sadd.s32 $0x4400, s17  }
0x403: {  	s20 =	sadd.s32 $0xC680, s17;
	s19 =	sadd.s32 $0x4700, s17;
	s18 =	sadd.s32 $0xC700, s17;
	(v2sf) =	vpush v1, $0x7  }
0x404: {  	s5 =	sadd.s32 $0x4600, s17;
	s6 =	sadd.s32 $0xC600, s17;
	s7 =	sadd.s32 $0x4680, s17  }
0x405: {  	s8 =	sadd.s32 $0x4580, s17;
	s15 =	sadd.s32 $0xC580, s17;
	s21 =	spop (v2sf);
	(v2sf) =	vpush v1, $0x8  }
0x406: {  	s22 =	sadd.s32 $0x4480, s17;
	s21 =	sand.u32 $0x1FFFFFF0, s21;
	s23 =	spop (v2sf)  }
0x407: {  	s24 =	sadd.s32 $0xC500, s17;
	s21 =	sadd.s32 s3, s21;
	s25 =	spop (v2sf);
	(v2sf) =	vpush v1, $0x9  }
0x408: {  	[tilespmem:s1], [sflag:$0x2] =	stream.linear.gather [hbm4b:s21+s2], $0x80, $0x38;
	[tilespmem:$0x10600] =	vst v63  }
0x409: {  	s30 =	sand.u32 $0x1FFFFFF0, s23;
	s29 =	sand.u32 $0x1FFFFFF0, s25;
	s31 =	spop (v2sf);
	(v2sf) =	vpush v1, $0xA  }
0x40a: {  	s25 =	sadd.s32 $0x4500, s17;
	s1 =	sadd.s32 s4, s29;
	s26 =	spop (v2sf)  }
0x40b: {  	[tilespmem:s0], [sflag:$0x2] =	stream.linear.gather [hbm4b:s1+s2], $0x80, $0x38;
	(v2sf) =	vpush v1, $0xB;
	[tilespmem:$0x10600] =	vst v63  }
0x40c: {  	s21 =	sadd.s32 s3, s30;
	s30 =	sadd.s32 $0xC480, s17;
	s28 =	sand.u32 $0x1FFFFFF0, s31  }
0x40d: {  	(v2sf) =	vpush v1, $0xC;
	[tilespmem:s22], [sflag:$0x2] =	stream.linear.gather [hbm4b:s21+s2], $0x80, $0x38;
	[tilespmem:$0x10600] =	vst v63  }
0x40e: {  	s29 =	sand.u32 $0x1FFFFFF0, s26;
	s1 =	sadd.s32 s4, s28;
	s31 =	spop (v2sf)  }
0x40f: {  	[tilespmem:s30], [sflag:$0x2] =	stream.linear.gather [hbm4b:s1+s2], $0x80, $0x38;
	(v2sf) =	vpush v1, $0xD;
	[tilespmem:$0x10600] =	vst v63  }
0x410: {  	s21 =	sadd.s32 s3, s29;
	s22 =	sand.u32 $0x1FFFFFF0, s31;
	s23 =	spop (v2sf)  }
0x411: {  	(v2sf) =	vpush v1, $0xE;
	[tilespmem:s25], [sflag:$0x2] =	stream.linear.gather [hbm4b:s21+s2], $0x80, $0x38;
	[tilespmem:$0x10600] =	vst v63  }
0x412: {  	s25 =	sadd.s32 s4, s22;
	s26 =	sand.u32 $0x1FFFFFF0, s23;
	s28 =	spop (v2sf)  }
0x413: {  	(v2sf) =	vpush v1, $0xF;
	[tilespmem:s24], [sflag:$0x2] =	stream.linear.gather [hbm4b:s25+s2], $0x80, $0x38;
	[tilespmem:$0x10600] =	vst v63  }
0x414: {  	s29 =	sadd.s32 s3, s26;
	s30 =	sand.u32 $0x1FFFFFF0, s28;
	s31 =	spop (v2sf)  }
0x415: {  	[tilespmem:s8], [sflag:$0x2] =	stream.linear.gather [hbm4b:s29+s2], $0x80, $0x38;
	[tilespmem:$0x10600] =	vst v63  }
0x416: {  	s1 =	sadd.s32 s4, s30;
	s8 =	sand.u32 $0x1FFFFFF0, s31;
	s21 =	spop (v2sf)  }
0x417: {  	[tilespmem:s15], [sflag:$0x2] =	stream.linear.gather [hbm4b:s1+s2], $0x80, $0x38;
	[tilespmem:$0x10600] =	vst v63  }
0x418: {  	s22 =	sadd.s32 s3, s8;
	s23 =	sand.u32 $0x1FFFFFF0, s21;
	s24 =	spop (v2sf)  }
0x419: {  	[tilespmem:s5], [sflag:$0x2] =	stream.linear.gather [hbm4b:s22+s2], $0x80, $0x38;
	[tilespmem:$0x10600] =	vst v63  }
0x41a: {  	s25 =	sadd.s32 s4, s23;
	s26 =	sand.u32 $0x1FFFFFF0, s24;
	s28 =	spop (v2sf)  }
0x41b: {  	[tilespmem:s6], [sflag:$0x2] =	stream.linear.gather [hbm4b:s25+s2], $0x80, $0x38;
	[tilespmem:$0x10600] =	vst v63  }
0x41c: {  	s29 =	sadd.s32 s3, s26;
	s30 =	sand.u32 $0x1FFFFFF0, s28;
	s31 =	spop (v2sf)  }
0x41d: {  	[tilespmem:s7], [sflag:$0x2] =	stream.linear.gather [hbm4b:s29+s2], $0x80, $0x38;
	[tilespmem:$0x10600] =	vst v63  }
0x41e: {  	s6 =	sadd.s32 s4, s30;
	s7 =	sand.u32 $0x1FFFFFF0, s31;
	s8 =	spop (v2sf)  }
0x41f: {  	[tilespmem:s20], [sflag:$0x2] =	stream.linear.gather [hbm4b:s6+s2], $0x80, $0x38;
	[tilespmem:$0x10600] =	vst v63  }
0x420: {  	s15 =	sadd.s32 s3, s7;
	s20 =	sand.u32 $0x1FFFFFF0, s8;
	s21 =	spop (v2sf)  }
0x421: {  	[tilespmem:s19], [sflag:$0x2] =	stream.linear.gather [hbm4b:s15+s2], $0x80, $0x38;
	[tilespmem:$0x10600] =	vst v63  }
0x422: {  	s22 =	sadd.s32 s4, s20;
	s23 =	sand.u32 $0x1FFFFFF0, s21;
	s24 =	spop (v2sf)  }
0x423: {  	[tilespmem:s18], [sflag:$0x2] =	stream.linear.gather [hbm4b:s22+s2], $0x80, $0x38;
	[tilespmem:$0x10600] =	vst v63  }
0x424: {  	s25 =	sadd.s32 $0x4780, s17;
	s1 =	sadd.s32 s3, s23;
	s5 =	sand.u32 $0x1FFFFFF0, s24  }
0x425: {  	[tilespmem:s25], [sflag:$0x2] =	stream.linear.gather [hbm4b:s1+s2], $0x80, $0x38;
	[tilespmem:$0x10600] =	vst v63  }
0x426: {  	s26 =	sadd.s32 $0xC780, s17;
	s29 =	simm.s32 $0x0;
	s28 =	sadd.s32 s4, s5  }
0x427: {  	v1 =	vmov s29;
	[tilespmem:s26], [sflag:$0x2] =	stream.linear.gather [hbm4b:s28+s2], $0x80, $0x38;
	[tilespmem:$0x10600] =	vst v63  }
0x428: {  	v1 =	vshll.u32 v1, $0x7;
	_ =	swait.ge [sflag:s9], $0x4000  }
0x429: {  	v1 =	vor.u32 v0, v1;
	[sflag:s9] =	ssyncset.done $0x0  }
0x42a: {  	[sflag:s9] =	ssyncadd.s32 $0xFFFFC000  }
0x42b: {  	v2 =	vor.u32 $0x1, v1;
	_ =	swait.ge [sflag:s9], $0x4000  }
0x42c: {  	[sflag:s9] =	ssyncset.done $0x0  }
0x42d: {  	v3 =	vor.u32 $0x2, v1;
	[sflag:s9] =	ssyncadd.s32 $0xFFFFC000  }
0x42e: {  	v4 =	vld.idx.msk [tilespmem:v1+s11+$0x0], $0xffff  }
0x42f: {  	v6 =	vor.u32 $0x3, v1;
	v5 =	vld.idx.msk [tilespmem:v1+s10+$0x0], $0xffff  }
0x430: {  	v7 =	vld.idx.msk [tilespmem:v2+s10+$0x0], $0xffff  }
0x431: {  	v8 =	vor.u32 $0x4, v1;
	v2 =	vld.idx.msk [tilespmem:v2+s11+$0x0], $0xffff  }
0x432: {  	v9 =	vld.idx.msk [tilespmem:v3+s10+$0x0], $0xffff  }
0x433: {  	v10 =	vor.u32 $0x5, v1;
	v3 =	vld.idx.msk [tilespmem:v3+s11+$0x0], $0xffff  }
0x434: {  	v11 =	vld.idx.msk [tilespmem:v6+s10+$0x0], $0xffff  }
0x435: {  	v12 =	vor.u32 $0x6, v1;
	v6 =	vld.idx.msk [tilespmem:v6+s11+$0x0], $0xffff  }
0x436: {  	v13 =	vld.idx.msk [tilespmem:v8+s10+$0x0], $0xffff;
	v4 =	vmul.f32 v4, v5;
	v2 =	vmul.f32 v2, v7  }
0x437: {  	v43 =	vor.u32 $0x7, v1;
	v42 =	vld.idx.msk [tilespmem:v8+s11+$0x0], $0xffff  }
0x438: {  	v44 =	vld.idx.msk [tilespmem:v10+s10+$0x0], $0xffff;
	v3 =	vmul.f32 v3, v9;
	v2 =	vadd.f32 v2, v4  }
0x439: {  	v46 =	vor.u32 $0x8, v1;
	v45 =	vld.idx.msk [tilespmem:v10+s11+$0x0], $0xffff  }
0x43a: {  	v47 =	vld.idx.msk [tilespmem:v12+s10+$0x0], $0xffff;
	v2 =	vadd.f32 v3, v2;
	v3 =	vmul.f32 v6, v11  }
0x43b: {  	v49 =	vor.u32 $0x9, v1;
	v48 =	vld.idx.msk [tilespmem:v12+s11+$0x0], $0xffff  }
0x43c: {  	v50 =	vld.idx.msk [tilespmem:v43+s10+$0x0], $0xffff;
	v2 =	vadd.f32 v3, v2;
	v3 =	vmul.f32 v42, v13  }
0x43d: {  	v52 =	vor.u32 $0xA, v1;
	v51 =	vld.idx.msk [tilespmem:v43+s11+$0x0], $0xffff  }
0x43e: {  	v53 =	vld.idx.msk [tilespmem:v46+s10+$0x0], $0xffff;
	v2 =	vadd.f32 v3, v2;
	v3 =	vmul.f32 v45, v44  }
0x43f: {  	v55 =	vor.u32 $0xB, v1;
	v54 =	vld.idx.msk [tilespmem:v46+s11+$0x0], $0xffff  }
0x440: {  	v56 =	vld.idx.msk [tilespmem:v49+s10+$0x0], $0xffff;
	v2 =	vadd.f32 v3, v2;
	v3 =	vmul.f32 v48, v47  }
0x441: {  	v58 =	vor.u32 $0xC, v1;
	v57 =	vld.idx.msk [tilespmem:v49+s11+$0x0], $0xffff  }
0x442: {  	v59 =	vld.idx.msk [tilespmem:v52+s10+$0x0], $0xffff;
	v2 =	vadd.f32 v3, v2;
	v3 =	vmul.f32 v51, v50  }
0x443: {  	v61 =	vor.u32 $0xD, v1;
	v60 =	vld.idx.msk [tilespmem:v52+s11+$0x0], $0xffff  }
0x444: {  	v62 =	vld.idx.msk [tilespmem:v55+s10+$0x0], $0xffff;
	v2 =	vadd.f32 v3, v2;
	v3 =	vmul.f32 v54, v53  }
0x445: {  	v16 =	vor.u32 $0xE, v1;
	v63 =	vld.idx.msk [tilespmem:v55+s11+$0x0], $0xffff  }
0x446: {  	v17 =	vld.idx.msk [tilespmem:v58+s10+$0x0], $0xffff;
	v2 =	vadd.f32 v3, v2;
	v3 =	vmul.f32 v57, v56  }
0x447: {  	v19 =	vor.u32 $0xF, v1;
	v18 =	vld.idx.msk [tilespmem:v58+s11+$0x0], $0xffff  }
0x448: {  	v20 =	vld.idx.msk [tilespmem:v61+s10+$0x0], $0xffff;
	v2 =	vadd.f32 v3, v2;
	v3 =	vmul.f32 v60, v59  }
0x449: {  	v22 =	vor.u32 $0x10, v1;
	v21 =	vld.idx.msk [tilespmem:v61+s11+$0x0], $0xffff  }
0x44a: {  	v23 =	vld.idx.msk [tilespmem:v16+s10+$0x0], $0xffff;
	v2 =	vadd.f32 v3, v2;
	v3 =	vmul.f32 v63, v62  }
0x44b: {  	v25 =	vor.u32 $0x11, v1;
	v24 =	vld.idx.msk [tilespmem:v16+s11+$0x0], $0xffff  }
0x44c: {  	v26 =	vld.idx.msk [tilespmem:v19+s10+$0x0], $0xffff;
	v2 =	vadd.f32 v3, v2;
	v3 =	vmul.f32 v18, v17  }
0x44d: {  	v28 =	vor.u32 $0x12, v1;
	v27 =	vld.idx.msk [tilespmem:v19+s11+$0x0], $0xffff  }
0x44e: {  	v29 =	vld.idx.msk [tilespmem:v22+s10+$0x0], $0xffff;
	v2 =	vadd.f32 v3, v2;
	v3 =	vmul.f32 v21, v20  }
0x44f: {  	v31 =	vor.u32 $0x13, v1;
	v30 =	vld.idx.msk [tilespmem:v22+s11+$0x0], $0xffff  }
0x450: {  	v32 =	vld.idx.msk [tilespmem:v25+s10+$0x0], $0xffff;
	v2 =	vadd.f32 v3, v2;
	v3 =	vmul.f32 v24, v23  }
0x451: {  	v34 =	vor.u32 $0x14, v1;
	v33 =	vld.idx.msk [tilespmem:v25+s11+$0x0], $0xffff  }
0x452: {  	v35 =	vld.idx.msk [tilespmem:v28+s10+$0x0], $0xffff;
	v2 =	vadd.f32 v3, v2;
	v3 =	vmul.f32 v27, v26  }
0x453: {  	v37 =	vor.u32 $0x15, v1;
	v36 =	vld.idx.msk [tilespmem:v28+s11+$0x0], $0xffff  }
0x454: {  	v38 =	vld.idx.msk [tilespmem:v31+s10+$0x0], $0xffff;
	v2 =	vadd.f32 v3, v2;
	v3 =	vmul.f32 v30, v29  }
0x455: {  	v40 =	vor.u32 $0x16, v1;
	v39 =	vld.idx.msk [tilespmem:v31+s11+$0x0], $0xffff  }
0x456: {  	v41 =	vld.idx.msk [tilespmem:v34+s10+$0x0], $0xffff;
	v2 =	vadd.f32 v3, v2;
	v3 =	vmul.f32 v33, v32  }
0x457: {  	v43 =	vor.u32 $0x17, v1;
	v42 =	vld.idx.msk [tilespmem:v34+s11+$0x0], $0xffff  }
0x458: {  	v44 =	vld.idx.msk [tilespmem:v37+s10+$0x0], $0xffff;
	v2 =	vadd.f32 v3, v2;
	v3 =	vmul.f32 v36, v35  }
0x459: {  	v46 =	vor.u32 $0x18, v1;
	v45 =	vld.idx.msk [tilespmem:v37+s11+$0x0], $0xffff  }
0x45a: {  	v47 =	vld.idx.msk [tilespmem:v40+s10+$0x0], $0xffff;
	v2 =	vadd.f32 v3, v2;
	v3 =	vmul.f32 v39, v38  }
0x45b: {  	v49 =	vor.u32 $0x19, v1;
	v48 =	vld.idx.msk [tilespmem:v40+s11+$0x0], $0xffff  }
0x45c: {  	v50 =	vld.idx.msk [tilespmem:v43+s10+$0x0], $0xffff;
	v2 =	vadd.f32 v3, v2;
	v3 =	vmul.f32 v42, v41  }
0x45d: {  	v52 =	vor.u32 $0x1A, v1;
	v51 =	vld.idx.msk [tilespmem:v43+s11+$0x0], $0xffff  }
0x45e: {  	v53 =	vld.idx.msk [tilespmem:v46+s10+$0x0], $0xffff;
	v2 =	vadd.f32 v3, v2;
	v3 =	vmul.f32 v45, v44  }
0x45f: {  	v55 =	vor.u32 $0x1B, v1;
	v54 =	vld.idx.msk [tilespmem:v46+s11+$0x0], $0xffff  }
0x460: {  	v56 =	vld.idx.msk [tilespmem:v49+s10+$0x0], $0xffff;
	v2 =	vadd.f32 v3, v2;
	v3 =	vmul.f32 v48, v47  }
0x461: {  	v58 =	vor.u32 $0x1C, v1;
	v57 =	vld.idx.msk [tilespmem:v49+s11+$0x0], $0xffff  }
0x462: {  	v59 =	vld.idx.msk [tilespmem:v52+s10+$0x0], $0xffff;
	v2 =	vadd.f32 v3, v2;
	v3 =	vmul.f32 v51, v50  }
0x463: {  	v61 =	vor.u32 $0x1D, v1;
	v60 =	vld.idx.msk [tilespmem:v52+s11+$0x0], $0xffff  }
0x464: {  	v62 =	vld.idx.msk [tilespmem:v55+s10+$0x0], $0xffff;
	v2 =	vadd.f32 v3, v2;
	v3 =	vmul.f32 v54, v53  }
0x465: {  	v16 =	vor.u32 $0x1E, v1;
	v63 =	vld.idx.msk [tilespmem:v55+s11+$0x0], $0xffff  }
0x466: {  	v17 =	vld.idx.msk [tilespmem:v58+s10+$0x0], $0xffff;
	v2 =	vadd.f32 v3, v2;
	v3 =	vmul.f32 v57, v56  }
0x467: {  	v1 =	vor.u32 $0x1F, v1;
	v18 =	vld.idx.msk [tilespmem:v58+s11+$0x0], $0xffff  }
0x468: {  	v19 =	vld.idx.msk [tilespmem:v61+s10+$0x0], $0xffff;
	v2 =	vadd.f32 v3, v2;
	v3 =	vmul.f32 v60, v59  }
0x469: {  	v20 =	vld.idx.msk [tilespmem:v61+s11+$0x0], $0xffff  }
0x46a: {  	v22 =	vld.idx.msk [tilespmem:v16+s11+$0x0], $0xffff;
	v2 =	vadd.f32 v3, v2;
	v3 =	vmul.f32 v63, v62  }
0x46b: {  	v21 =	vld.idx.msk [tilespmem:v16+s10+$0x0], $0xffff  }
0x46c: {  	v23 =	vld.idx.msk [tilespmem:v1+s10+$0x0], $0xffff;
	v2 =	vadd.f32 v3, v2;
	v3 =	vmul.f32 v18, v17  }
0x46d: {  	v1 =	vld.idx.msk [tilespmem:v1+s11+$0x0], $0xffff  }
0x46e: {  	v2 =	vadd.f32 v3, v2;
	v3 =	vmul.f32 v20, v19;
	_ =	sdelay $0x1  }
0x46f: {  	v2 =	vadd.f32 v3, v2;
	v3 =	vmul.f32 v22, v21;
	_ =	sdelay $0x1  }
0x470: {  	v1 =	vmul.f32 v1, v23;
	v2 =	vadd.f32 v3, v2;
	_ =	sdelay $0x1  }
0x471: {  	v1 =	vadd.f32 v1, v2;
	_ =	sdelay $0x1  }
0x472: {  	v1 =	vsub.f32 $0.0e+00, v1;
	_ =	sdelay $0x1  }
0x473: {  	v1 =	vmul.f32 $1.442695020e+00, v1;
	_ =	sdelay $0x1  }
0x474: {  	(erf) = vpow2.f32 v1;
	_ =	sdelay $0x8  }
0x475: {  	v1 =	vpop (erf)  }
0x476: {  	v1 =	vadd.f32 $1.000000000e+00, v1;
	_ =	sdelay $0x1  }
0x477: {  	(erf) = vrcp.f32 v1;
	_ =	sdelay $0x2  }
0x478: {  	s30 =	simm.s32 $0x10  }
0x479: {  	v1 =	vmov s30  }
0x47a: {  	v1 =	vshll.u32 v1, $0x7  }
0x47b: {  	v1 =	vor.u32 v0, v1;
	_ =	sdelay $0x1  }
0x47c: {  	v2 =	vor.u32 $0x1, v1  }
0x47d: {  	s17 =	simm.s32 $0x10500;
	v3 =	vpop (erf)  }
0x47e: {  	v24 =	vor.u32 $0x2, v1;
	[tilespmem:s17+$0x0] =	vst v3  }
0x47f: {  	v3 =	vld.idx.msk [tilespmem:v1+s11+$0x0], $0xffff  }
0x480: {  	v26 =	vor.u32 $0x3, v1;
	v25 =	vld.idx.msk [tilespmem:v1+s10+$0x0], $0xffff  }
0x481: {  	v27 =	vld.idx.msk [tilespmem:v2+s10+$0x0], $0xffff  }
0x482: {  	v28 =	vor.u32 $0x4, v1;
	v2 =	vld.idx.msk [tilespmem:v2+s11+$0x0], $0xffff  }
0x483: {  	v29 =	vld.idx.msk [tilespmem:v24+s10+$0x0], $0xffff  }
0x484: {  	v30 =	vor.u32 $0x5, v1;
	v4 =	vld.idx.msk [tilespmem:v24+s11+$0x0], $0xffff  }
0x485: {  	v31 =	vld.idx.msk [tilespmem:v26+s10+$0x0], $0xffff  }
0x486: {  	v32 =	vor.u32 $0x6, v1;
	v6 =	vld.idx.msk [tilespmem:v26+s11+$0x0], $0xffff  }
0x487: {  	v33 =	vld.idx.msk [tilespmem:v28+s10+$0x0], $0xffff;
	v3 =	vmul.f32 v3, v25;
	v2 =	vmul.f32 v2, v27  }
0x488: {  	v35 =	vor.u32 $0x7, v1;
	v34 =	vld.idx.msk [tilespmem:v28+s11+$0x0], $0xffff  }
0x489: {  	v36 =	vld.idx.msk [tilespmem:v30+s10+$0x0], $0xffff;
	v2 =	vadd.f32 v2, v3;
	v3 =	vmul.f32 v4, v29  }
0x48a: {  	v38 =	vor.u32 $0x8, v1;
	v37 =	vld.idx.msk [tilespmem:v30+s11+$0x0], $0xffff  }
0x48b: {  	v39 =	vld.idx.msk [tilespmem:v32+s10+$0x0], $0xffff;
	v2 =	vadd.f32 v3, v2;
	v3 =	vmul.f32 v6, v31  }
0x48c: {  	v41 =	vor.u32 $0x9, v1;
	v40 =	vld.idx.msk [tilespmem:v32+s11+$0x0], $0xffff  }
0x48d: {  	v42 =	vld.idx.msk [tilespmem:v35+s10+$0x0], $0xffff;
	v2 =	vadd.f32 v3, v2;
	v3 =	vmul.f32 v34, v33  }
0x48e: {  	v44 =	vor.u32 $0xA, v1;
	v43 =	vld.idx.msk [tilespmem:v35+s11+$0x0], $0xffff  }
0x48f: {  	v45 =	vld.idx.msk [tilespmem:v38+s10+$0x0], $0xffff;
	v2 =	vadd.f32 v3, v2;
	v3 =	vmul.f32 v37, v36  }
0x490: {  	v47 =	vor.u32 $0xB, v1;
	v46 =	vld.idx.msk [tilespmem:v38+s11+$0x0], $0xffff  }
0x491: {  	v48 =	vld.idx.msk [tilespmem:v41+s10+$0x0], $0xffff;
	v2 =	vadd.f32 v3, v2;
	v3 =	vmul.f32 v40, v39  }
0x492: {  	v50 =	vor.u32 $0xC, v1;
	v49 =	vld.idx.msk [tilespmem:v41+s11+$0x0], $0xffff  }
0x493: {  	v51 =	vld.idx.msk [tilespmem:v44+s10+$0x0], $0xffff;
	v2 =	vadd.f32 v3, v2;
	v3 =	vmul.f32 v43, v42  }
0x494: {  	v53 =	vor.u32 $0xD, v1;
	v52 =	vld.idx.msk [tilespmem:v44+s11+$0x0], $0xffff  }
0x495: {  	v54 =	vld.idx.msk [tilespmem:v47+s10+$0x0], $0xffff;
	v2 =	vadd.f32 v3, v2;
	v3 =	vmul.f32 v46, v45  }
0x496: {  	v56 =	vor.u32 $0xE, v1;
	v55 =	vld.idx.msk [tilespmem:v47+s11+$0x0], $0xffff  }
0x497: {  	v57 =	vld.idx.msk [tilespmem:v50+s10+$0x0], $0xffff;
	v2 =	vadd.f32 v3, v2;
	v3 =	vmul.f32 v49, v48  }
0x498: {  	v59 =	vor.u32 $0xF, v1;
	v58 =	vld.idx.msk [tilespmem:v50+s11+$0x0], $0xffff  }
0x499: {  	v60 =	vld.idx.msk [tilespmem:v53+s10+$0x0], $0xffff;
	v2 =	vadd.f32 v3, v2;
	v3 =	vmul.f32 v52, v51  }
0x49a: {  	v62 =	vor.u32 $0x10, v1;
	v61 =	vld.idx.msk [tilespmem:v53+s11+$0x0], $0xffff  }
0x49b: {  	v63 =	vld.idx.msk [tilespmem:v56+s10+$0x0], $0xffff;
	v2 =	vadd.f32 v3, v2;
	v3 =	vmul.f32 v55, v54  }
0x49c: {  	v17 =	vor.u32 $0x11, v1;
	v16 =	vld.idx.msk [tilespmem:v56+s11+$0x0], $0xffff  }
0x49d: {  	v18 =	vld.idx.msk [tilespmem:v59+s10+$0x0], $0xffff;
	v2 =	vadd.f32 v3, v2;
	v3 =	vmul.f32 v58, v57  }
0x49e: {  	v20 =	vor.u32 $0x12, v1;
	v19 =	vld.idx.msk [tilespmem:v59+s11+$0x0], $0xffff  }
0x49f: {  	v21 =	vld.idx.msk [tilespmem:v62+s10+$0x0], $0xffff;
	v2 =	vadd.f32 v3, v2;
	v3 =	vmul.f32 v61, v60  }
0x4a0: {  	v23 =	vor.u32 $0x13, v1;
	v22 =	vld.idx.msk [tilespmem:v62+s11+$0x0], $0xffff  }
0x4a1: {  	v24 =	vld.idx.msk [tilespmem:v17+s10+$0x0], $0xffff;
	v2 =	vadd.f32 v3, v2;
	v3 =	vmul.f32 v16, v63  }
0x4a2: {  	v26 =	vor.u32 $0x14, v1;
	v25 =	vld.idx.msk [tilespmem:v17+s11+$0x0], $0xffff  }
0x4a3: {  	v28 =	vld.idx.msk [tilespmem:v20+s11+$0x0], $0xffff;
	v2 =	vadd.f32 v3, v2;
	v3 =	vmul.f32 v19, v18  }
0x4a4: {  	v27 =	vld.idx.msk [tilespmem:v20+s10+$0x0], $0xffff;
	v29 =	vor.u32 $0x15, v1  }
0x4a5: {  	v30 =	vld.idx.msk [tilespmem:v23+s10+$0x0], $0xffff;
	v2 =	vadd.f32 v3, v2;
	v3 =	vmul.f32 v22, v21  }
0x4a6: {  	v32 =	vor.u32 $0x16, v1;
	v31 =	vld.idx.msk [tilespmem:v23+s11+$0x0], $0xffff  }
0x4a7: {  	v33 =	vld.idx.msk [tilespmem:v26+s10+$0x0], $0xffff;
	v2 =	vadd.f32 v3, v2;
	v3 =	vmul.f32 v25, v24  }
0x4a8: {  	v35 =	vor.u32 $0x17, v1;
	v34 =	vld.idx.msk [tilespmem:v26+s11+$0x0], $0xffff  }
0x4a9: {  	v36 =	vld.idx.msk [tilespmem:v29+s10+$0x0], $0xffff;
	v2 =	vadd.f32 v3, v2;
	v3 =	vmul.f32 v28, v27  }
0x4aa: {  	v38 =	vor.u32 $0x18, v1;
	v37 =	vld.idx.msk [tilespmem:v29+s11+$0x0], $0xffff  }
0x4ab: {  	v39 =	vld.idx.msk [tilespmem:v32+s10+$0x0], $0xffff;
	v2 =	vadd.f32 v3, v2;
	v3 =	vmul.f32 v31, v30  }
0x4ac: {  	v41 =	vor.u32 $0x19, v1;
	v40 =	vld.idx.msk [tilespmem:v32+s11+$0x0], $0xffff  }
0x4ad: {  	v42 =	vld.idx.msk [tilespmem:v35+s10+$0x0], $0xffff;
	v2 =	vadd.f32 v3, v2;
	v3 =	vmul.f32 v34, v33  }
0x4ae: {  	v44 =	vor.u32 $0x1A, v1;
	v43 =	vld.idx.msk [tilespmem:v35+s11+$0x0], $0xffff  }
0x4af: {  	v45 =	vld.idx.msk [tilespmem:v38+s10+$0x0], $0xffff;
	v2 =	vadd.f32 v3, v2;
	v3 =	vmul.f32 v37, v36  }
0x4b0: {  	v47 =	vor.u32 $0x1B, v1;
	v46 =	vld.idx.msk [tilespmem:v38+s11+$0x0], $0xffff  }
0x4b1: {  	v48 =	vld.idx.msk [tilespmem:v41+s10+$0x0], $0xffff;
	v2 =	vadd.f32 v3, v2;
	v3 =	vmul.f32 v40, v39  }
0x4b2: {  	v50 =	vor.u32 $0x1C, v1;
	v49 =	vld.idx.msk [tilespmem:v41+s11+$0x0], $0xffff  }
0x4b3: {  	v51 =	vld.idx.msk [tilespmem:v44+s10+$0x0], $0xffff;
	v2 =	vadd.f32 v3, v2;
	v3 =	vmul.f32 v43, v42  }
0x4b4: {  	v53 =	vor.u32 $0x1D, v1;
	v52 =	vld.idx.msk [tilespmem:v44+s11+$0x0], $0xffff  }
0x4b5: {  	v54 =	vld.idx.msk [tilespmem:v47+s10+$0x0], $0xffff;
	v2 =	vadd.f32 v3, v2;
	v3 =	vmul.f32 v46, v45  }
0x4b6: {  	v56 =	vor.u32 $0x1E, v1;
	v55 =	vld.idx.msk [tilespmem:v47+s11+$0x0], $0xffff  }
0x4b7: {  	v57 =	vld.idx.msk [tilespmem:v50+s10+$0x0], $0xffff;
	v2 =	vadd.f32 v3, v2;
	v3 =	vmul.f32 v49, v48  }
0x4b8: {  	v1 =	vor.u32 $0x1F, v1;
	v58 =	vld.idx.msk [tilespmem:v50+s11+$0x0], $0xffff  }
0x4b9: {  	v59 =	vld.idx.msk [tilespmem:v53+s10+$0x0], $0xffff;
	v2 =	vadd.f32 v3, v2;
	v3 =	vmul.f32 v52, v51  }
0x4ba: {  	v60 =	vld.idx.msk [tilespmem:v53+s11+$0x0], $0xffff  }
0x4bb: {  	v62 =	vld.idx.msk [tilespmem:v56+s11+$0x0], $0xffff;
	v2 =	vadd.f32 v3, v2;
	v3 =	vmul.f32 v55, v54  }
0x4bc: {  	v61 =	vld.idx.msk [tilespmem:v56+s10+$0x0], $0xffff  }
0x4bd: {  	v63 =	vld.idx.msk [tilespmem:v1+s10+$0x0], $0xffff;
	v2 =	vadd.f32 v3, v2;
	v3 =	vmul.f32 v58, v57  }
0x4be: {  	v1 =	vld.idx.msk [tilespmem:v1+s11+$0x0], $0xffff  }
0x4bf: {  	v2 =	vadd.f32 v3, v2;
	v3 =	vmul.f32 v60, v59;
	_ =	sdelay $0x1  }
0x4c0: {  	v2 =	vadd.f32 v3, v2;
	v3 =	vmul.f32 v62, v61;
	_ =	sdelay $0x1  }
0x4c1: {  	v1 =	vmul.f32 v1, v63;
	v2 =	vadd.f32 v3, v2;
	_ =	sdelay $0x1  }
0x4c2: {  	v1 =	vadd.f32 v1, v2;
	_ =	sdelay $0x1  }
0x4c3: {  	v1 =	vsub.f32 $0.0e+00, v1;
	_ =	sdelay $0x1  }
0x4c4: {  	v1 =	vmul.f32 $1.442695020e+00, v1;
	_ =	sdelay $0x1  }
0x4c5: {  	(erf) = vpow2.f32 v1;
	_ =	sdelay $0x8  }
0x4c6: {  	v1 =	vpop (erf)  }
0x4c7: {  	v1 =	vadd.f32 $1.000000000e+00, v1;
	_ =	sdelay $0x1  }
0x4c8: {  	(erf) = vrcp.f32 v1;
	_ =	sdelay $0x2  }
0x4c9: {  	s31 =	simm.s32 $0x20  }
0x4ca: {  	v2 =	vmov s31  }
0x4cb: {  	v2 =	vshll.u32 v2, $0x7  }
0x4cc: {  	s18 =	simm.s32 $0x30;
	v1 =	vor.u32 v0, v2  }
.LBB2_14:
0x4cd: {  	p0 =	sne.s32 s18, $0x70  }
0x4ce: {  	v2 =	vor.u32 $0x1, v1  }
0x4cf: {  	s17 =	sadd.s32 $0x10, s17;
	v3 =	vpop (erf)  }
0x4d0: {  	v4 =	vor.u32 $0x2, v1;
	[tilespmem:s17+$0x0] =	vst v3  }
0x4d1: {  	v3 =	vld.idx.msk [tilespmem:v1+s11+$0x0], $0xffff  }
0x4d2: {  	v6 =	vor.u32 $0x3, v1;
	v5 =	vld.idx.msk [tilespmem:v1+s10+$0x0], $0xffff  }
0x4d3: {  	v7 =	vld.idx.msk [tilespmem:v2+s10+$0x0], $0xffff  }
0x4d4: {  	v8 =	vor.u32 $0x4, v1;
	v2 =	vld.idx.msk [tilespmem:v2+s11+$0x0], $0xffff  }
0x4d5: {  	v9 =	vld.idx.msk [tilespmem:v4+s10+$0x0], $0xffff  }
0x4d6: {  	v10 =	vor.u32 $0x5, v1;
	v4 =	vld.idx.msk [tilespmem:v4+s11+$0x0], $0xffff  }
0x4d7: {  	v11 =	vld.idx.msk [tilespmem:v6+s10+$0x0], $0xffff  }
0x4d8: {  	v12 =	vor.u32 $0x6, v1;
	v6 =	vld.idx.msk [tilespmem:v6+s11+$0x0], $0xffff  }
0x4d9: {  	v13 =	vld.idx.msk [tilespmem:v8+s10+$0x0], $0xffff  }
0x4da: {  	v3 =	vmul.f32 v3, v5;
	v2 =	vmul.f32 v2, v7;
	v7 =	vor.u32 $0x7, v1;
	v5 =	vld.idx.msk [tilespmem:v8+s11+$0x0], $0xffff  }
0x4db: {  	v8 =	vld.idx.msk [tilespmem:v10+s10+$0x0], $0xffff  }
0x4dc: {  	v2 =	vadd.f32 v2, v3;
	v3 =	vmul.f32 v4, v9;
	v9 =	vor.u32 $0x8, v1;
	v4 =	vld.idx.msk [tilespmem:v10+s11+$0x0], $0xffff  }
0x4dd: {  	v10 =	vld.idx.msk [tilespmem:v12+s10+$0x0], $0xffff  }
0x4de: {  	v2 =	vadd.f32 v3, v2;
	v3 =	vmul.f32 v6, v11;
	v11 =	vor.u32 $0x9, v1;
	v6 =	vld.idx.msk [tilespmem:v12+s11+$0x0], $0xffff  }
0x4df: {  	v12 =	vld.idx.msk [tilespmem:v7+s10+$0x0], $0xffff  }
0x4e0: {  	v2 =	vadd.f32 v3, v2;
	v3 =	vmul.f32 v5, v13;
	v5 =	vld.idx.msk [tilespmem:v7+s11+$0x0], $0xffff;
	v7 =	vor.u32 $0xA, v1  }
0x4e1: {  	v13 =	vld.idx.msk [tilespmem:v9+s10+$0x0], $0xffff  }
0x4e2: {  	v2 =	vadd.f32 v3, v2;
	v3 =	vmul.f32 v4, v8;
	v8 =	vor.u32 $0xB, v1;
	v4 =	vld.idx.msk [tilespmem:v9+s11+$0x0], $0xffff  }
0x4e3: {  	v9 =	vld.idx.msk [tilespmem:v11+s10+$0x0], $0xffff  }
0x4e4: {  	v2 =	vadd.f32 v3, v2;
	v3 =	vmul.f32 v6, v10;
	v10 =	vor.u32 $0xC, v1;
	v6 =	vld.idx.msk [tilespmem:v11+s11+$0x0], $0xffff  }
0x4e5: {  	v11 =	vld.idx.msk [tilespmem:v7+s10+$0x0], $0xffff  }
0x4e6: {  	v2 =	vadd.f32 v3, v2;
	v3 =	vmul.f32 v5, v12;
	v5 =	vld.idx.msk [tilespmem:v7+s11+$0x0], $0xffff;
	v7 =	vor.u32 $0xD, v1  }
0x4e7: {  	v12 =	vld.idx.msk [tilespmem:v8+s10+$0x0], $0xffff  }
0x4e8: {  	v2 =	vadd.f32 v3, v2;
	v3 =	vmul.f32 v4, v13;
	v4 =	vld.idx.msk [tilespmem:v8+s11+$0x0], $0xffff;
	v8 =	vor.u32 $0xE, v1  }
0x4e9: {  	v13 =	vld.idx.msk [tilespmem:v10+s10+$0x0], $0xffff  }
0x4ea: {  	v2 =	vadd.f32 v3, v2;
	v3 =	vmul.f32 v6, v9;
	v9 =	vor.u32 $0xF, v1;
	v6 =	vld.idx.msk [tilespmem:v10+s11+$0x0], $0xffff  }
0x4eb: {  	v10 =	vld.idx.msk [tilespmem:v7+s10+$0x0], $0xffff  }
0x4ec: {  	v2 =	vadd.f32 v3, v2;
	v3 =	vmul.f32 v5, v11;
	v5 =	vld.idx.msk [tilespmem:v7+s11+$0x0], $0xffff;
	v7 =	vor.u32 $0x10, v1  }
0x4ed: {  	v11 =	vld.idx.msk [tilespmem:v8+s10+$0x0], $0xffff  }
0x4ee: {  	v2 =	vadd.f32 v3, v2;
	v3 =	vmul.f32 v4, v12;
	v4 =	vld.idx.msk [tilespmem:v8+s11+$0x0], $0xffff;
	v8 =	vor.u32 $0x11, v1  }
0x4ef: {  	v12 =	vld.idx.msk [tilespmem:v9+s10+$0x0], $0xffff  }
0x4f0: {  	v2 =	vadd.f32 v3, v2;
	v3 =	vmul.f32 v6, v13;
	v6 =	vld.idx.msk [tilespmem:v9+s11+$0x0], $0xffff;
	v9 =	vor.u32 $0x12, v1  }
0x4f1: {  	v13 =	vld.idx.msk [tilespmem:v7+s10+$0x0], $0xffff  }
0x4f2: {  	v2 =	vadd.f32 v3, v2;
	v3 =	vmul.f32 v5, v10;
	v5 =	vld.idx.msk [tilespmem:v7+s11+$0x0], $0xffff;
	v7 =	vor.u32 $0x13, v1  }
0x4f3: {  	v10 =	vld.idx.msk [tilespmem:v8+s10+$0x0], $0xffff  }
0x4f4: {  	v2 =	vadd.f32 v3, v2;
	v3 =	vmul.f32 v4, v11;
	v4 =	vld.idx.msk [tilespmem:v8+s11+$0x0], $0xffff;
	v8 =	vor.u32 $0x14, v1  }
0x4f5: {  	v11 =	vld.idx.msk [tilespmem:v9+s10+$0x0], $0xffff  }
0x4f6: {  	v2 =	vadd.f32 v3, v2;
	v3 =	vmul.f32 v6, v12;
	v6 =	vld.idx.msk [tilespmem:v9+s11+$0x0], $0xffff;
	v9 =	vor.u32 $0x15, v1  }
0x4f7: {  	v12 =	vld.idx.msk [tilespmem:v7+s10+$0x0], $0xffff  }
0x4f8: {  	v2 =	vadd.f32 v3, v2;
	v3 =	vmul.f32 v5, v13;
	v5 =	vld.idx.msk [tilespmem:v7+s11+$0x0], $0xffff;
	v7 =	vor.u32 $0x16, v1  }
0x4f9: {  	v13 =	vld.idx.msk [tilespmem:v8+s10+$0x0], $0xffff  }
0x4fa: {  	v2 =	vadd.f32 v3, v2;
	v3 =	vmul.f32 v4, v10;
	v4 =	vld.idx.msk [tilespmem:v8+s11+$0x0], $0xffff;
	v8 =	vor.u32 $0x17, v1  }
0x4fb: {  	v10 =	vld.idx.msk [tilespmem:v9+s10+$0x0], $0xffff  }
0x4fc: {  	v2 =	vadd.f32 v3, v2;
	v3 =	vmul.f32 v6, v11;
	v6 =	vld.idx.msk [tilespmem:v9+s11+$0x0], $0xffff;
	v9 =	vor.u32 $0x18, v1  }
0x4fd: {  	v11 =	vld.idx.msk [tilespmem:v7+s10+$0x0], $0xffff  }
0x4fe: {  	v2 =	vadd.f32 v3, v2;
	v3 =	vmul.f32 v5, v12;
	v5 =	vld.idx.msk [tilespmem:v7+s11+$0x0], $0xffff;
	v7 =	vor.u32 $0x19, v1  }
0x4ff: {  	v12 =	vld.idx.msk [tilespmem:v8+s10+$0x0], $0xffff  }
0x500: {  	v2 =	vadd.f32 v3, v2;
	v3 =	vmul.f32 v4, v13;
	v4 =	vld.idx.msk [tilespmem:v8+s11+$0x0], $0xffff;
	v8 =	vor.u32 $0x1A, v1  }
0x501: {  	v13 =	vld.idx.msk [tilespmem:v9+s10+$0x0], $0xffff  }
0x502: {  	v2 =	vadd.f32 v3, v2;
	v3 =	vmul.f32 v6, v10;
	v6 =	vld.idx.msk [tilespmem:v9+s11+$0x0], $0xffff;
	v9 =	vor.u32 $0x1B, v1  }
0x503: {  	v10 =	vld.idx.msk [tilespmem:v7+s10+$0x0], $0xffff  }
0x504: {  	v2 =	vadd.f32 v3, v2;
	v3 =	vmul.f32 v5, v11;
	v5 =	vld.idx.msk [tilespmem:v7+s11+$0x0], $0xffff;
	v7 =	vor.u32 $0x1C, v1  }
0x505: {  	v11 =	vld.idx.msk [tilespmem:v8+s10+$0x0], $0xffff  }
0x506: {  	v2 =	vadd.f32 v3, v2;
	v3 =	vmul.f32 v4, v12;
	v4 =	vld.idx.msk [tilespmem:v8+s11+$0x0], $0xffff;
	v8 =	vor.u32 $0x1D, v1  }
0x507: {  	v12 =	vld.idx.msk [tilespmem:v9+s10+$0x0], $0xffff  }
0x508: {  	v2 =	vadd.f32 v3, v2;
	v3 =	vmul.f32 v6, v13;
	v6 =	vld.idx.msk [tilespmem:v9+s11+$0x0], $0xffff;
	v9 =	vor.u32 $0x1E, v1  }
0x509: {  	v13 =	vld.idx.msk [tilespmem:v7+s10+$0x0], $0xffff  }
0x50a: {  	v1 =	vor.u32 $0x1F, v1;
	v2 =	vadd.f32 v3, v2;
	v3 =	vmul.f32 v5, v10;
	v5 =	vld.idx.msk [tilespmem:v7+s11+$0x0], $0xffff  }
0x50b: {  	v7 =	vld.idx.msk [tilespmem:v8+s10+$0x0], $0xffff  }
0x50c: {  	v2 =	vadd.f32 v3, v2;
	v3 =	vmul.f32 v4, v11;
	v4 =	vld.idx.msk [tilespmem:v8+s11+$0x0], $0xffff  }
0x50d: {  	v8 =	vld.idx.msk [tilespmem:v9+s10+$0x0], $0xffff  }
0x50e: {  	v2 =	vadd.f32 v3, v2;
	v3 =	vmul.f32 v6, v12;
	v6 =	vld.idx.msk [tilespmem:v9+s11+$0x0], $0xffff  }
0x50f: {  	v9 =	vld.idx.msk [tilespmem:v1+s10+$0x0], $0xffff  }
0x510: {  	v2 =	vadd.f32 v3, v2;
	v3 =	vmul.f32 v5, v13;
	v1 =	vld.idx.msk [tilespmem:v1+s11+$0x0], $0xffff;
	_ =	sdelay $0x1  }
0x511: {  	v2 =	vadd.f32 v3, v2;
	v3 =	vmul.f32 v4, v7;
	_ =	sdelay $0x1  }
0x512: {  	v2 =	vadd.f32 v3, v2;
	v3 =	vmul.f32 v6, v8;
	_ =	sdelay $0x1  }
0x513: {  	v2 =	vadd.f32 v3, v2;
	v1 =	vmul.f32 v1, v9;
	_ =	sdelay $0x1  }
0x514: {  	v1 =	vadd.f32 v1, v2;
	_ =	sdelay $0x1  }
0x515: {  	v1 =	vsub.f32 $0.0e+00, v1;
	_ =	sdelay $0x1  }
0x516: {  	v1 =	vmul.f32 $1.442695020e+00, v1;
	_ =	sdelay $0x1  }
0x517: {  	(erf) = vpow2.f32 v1;
	_ =	sdelay $0x8  }
0x518: {  	v1 =	vpop (erf)  }
0x519: {  	v1 =	vadd.f32 $1.000000000e+00, v1;
	_ =	sdelay $0x1  }
0x51a: {  	(erf) = vrcp.f32 v1;
	_ =	sdelay $0x1  }
.Ltmp6:
0x51b: {  	(pc) =	sbr.rel @p0 .LBB2_14-.Ltmp6, $4  }
0x51c: {  	_ = 	snop  }
0x51d: {  	v1 =	vmov s18  }
0x51e: {  	v1 =	vshll.u32 v1, $0x7  }
0x51f: {  	s18 =	sadd.s32 $0x10, s18;
	v1 =	vor.u32 v0, v1  }
0x520: {  	_ = 	snop  }
0x521: {  	v2 =	vor.u32 $0x1, v1  }
0x522: {  	s17 =	sadd.s32 $0x10, s17;
	v3 =	vpop (erf)  }
0x523: {  	v4 =	vor.u32 $0x2, v1;
	[tilespmem:s17+$0x0] =	vst v3  }
0x524: {  	v3 =	vld.idx.msk [tilespmem:v1+s11+$0x0], $0xffff  }
0x525: {  	v6 =	vor.u32 $0x3, v1;
	v5 =	vld.idx.msk [tilespmem:v1+s10+$0x0], $0xffff  }
0x526: {  	v7 =	vld.idx.msk [tilespmem:v2+s10+$0x0], $0xffff  }
0x527: {  	v8 =	vor.u32 $0x4, v1;
	v2 =	vld.idx.msk [tilespmem:v2+s11+$0x0], $0xffff  }
0x528: {  	v9 =	vld.idx.msk [tilespmem:v4+s10+$0x0], $0xffff  }
0x529: {  	v10 =	vor.u32 $0x5, v1;
	v4 =	vld.idx.msk [tilespmem:v4+s11+$0x0], $0xffff  }
0x52a: {  	v11 =	vld.idx.msk [tilespmem:v6+s10+$0x0], $0xffff  }
0x52b: {  	v12 =	vor.u32 $0x6, v1;
	v6 =	vld.idx.msk [tilespmem:v6+s11+$0x0], $0xffff  }
0x52c: {  	v13 =	vld.idx.msk [tilespmem:v8+s10+$0x0], $0xffff;
	v3 =	vmul.f32 v3, v5;
	v2 =	vmul.f32 v2, v7  }
0x52d: {  	v51 =	vor.u32 $0x7, v1;
	v50 =	vld.idx.msk [tilespmem:v8+s11+$0x0], $0xffff  }
0x52e: {  	v52 =	vld.idx.msk [tilespmem:v10+s10+$0x0], $0xffff;
	v2 =	vadd.f32 v2, v3;
	v3 =	vmul.f32 v4, v9  }
0x52f: {  	v54 =	vor.u32 $0x8, v1;
	v53 =	vld.idx.msk [tilespmem:v10+s11+$0x0], $0xffff  }
0x530: {  	v55 =	vld.idx.msk [tilespmem:v12+s10+$0x0], $0xffff;
	v2 =	vadd.f32 v3, v2;
	v3 =	vmul.f32 v6, v11  }
0x531: {  	v57 =	vor.u32 $0x9, v1;
	v56 =	vld.idx.msk [tilespmem:v12+s11+$0x0], $0xffff  }
0x532: {  	v58 =	vld.idx.msk [tilespmem:v51+s10+$0x0], $0xffff;
	v2 =	vadd.f32 v3, v2;
	v3 =	vmul.f32 v50, v13  }
0x533: {  	v60 =	vor.u32 $0xA, v1;
	v59 =	vld.idx.msk [tilespmem:v51+s11+$0x0], $0xffff  }
0x534: {  	v61 =	vld.idx.msk [tilespmem:v54+s10+$0x0], $0xffff;
	v2 =	vadd.f32 v3, v2;
	v3 =	vmul.f32 v53, v52  }
0x535: {  	v63 =	vor.u32 $0xB, v1;
	v62 =	vld.idx.msk [tilespmem:v54+s11+$0x0], $0xffff  }
0x536: {  	v16 =	vld.idx.msk [tilespmem:v57+s10+$0x0], $0xffff;
	v2 =	vadd.f32 v3, v2;
	v3 =	vmul.f32 v56, v55  }
0x537: {  	v18 =	vor.u32 $0xC, v1;
	v17 =	vld.idx.msk [tilespmem:v57+s11+$0x0], $0xffff  }
0x538: {  	v19 =	vld.idx.msk [tilespmem:v60+s10+$0x0], $0xffff;
	v2 =	vadd.f32 v3, v2;
	v3 =	vmul.f32 v59, v58  }
0x539: {  	v21 =	vor.u32 $0xD, v1;
	v20 =	vld.idx.msk [tilespmem:v60+s11+$0x0], $0xffff  }
0x53a: {  	v22 =	vld.idx.msk [tilespmem:v63+s10+$0x0], $0xffff;
	v2 =	vadd.f32 v3, v2;
	v3 =	vmul.f32 v62, v61  }
0x53b: {  	v24 =	vor.u32 $0xE, v1;
	v23 =	vld.idx.msk [tilespmem:v63+s11+$0x0], $0xffff  }
0x53c: {  	v25 =	vld.idx.msk [tilespmem:v18+s10+$0x0], $0xffff;
	v2 =	vadd.f32 v3, v2;
	v3 =	vmul.f32 v17, v16  }
0x53d: {  	v27 =	vor.u32 $0xF, v1;
	v26 =	vld.idx.msk [tilespmem:v18+s11+$0x0], $0xffff  }
0x53e: {  	v28 =	vld.idx.msk [tilespmem:v21+s10+$0x0], $0xffff;
	v2 =	vadd.f32 v3, v2;
	v3 =	vmul.f32 v20, v19  }
0x53f: {  	v30 =	vor.u32 $0x10, v1;
	v29 =	vld.idx.msk [tilespmem:v21+s11+$0x0], $0xffff  }
0x540: {  	v31 =	vld.idx.msk [tilespmem:v24+s10+$0x0], $0xffff;
	v2 =	vadd.f32 v3, v2;
	v3 =	vmul.f32 v23, v22  }
0x541: {  	v33 =	vor.u32 $0x11, v1;
	v32 =	vld.idx.msk [tilespmem:v24+s11+$0x0], $0xffff  }
0x542: {  	v34 =	vld.idx.msk [tilespmem:v27+s10+$0x0], $0xffff;
	v2 =	vadd.f32 v3, v2;
	v3 =	vmul.f32 v26, v25  }
0x543: {  	v36 =	vor.u32 $0x12, v1;
	v35 =	vld.idx.msk [tilespmem:v27+s11+$0x0], $0xffff  }
0x544: {  	v37 =	vld.idx.msk [tilespmem:v30+s10+$0x0], $0xffff;
	v2 =	vadd.f32 v3, v2;
	v3 =	vmul.f32 v29, v28  }
0x545: {  	v39 =	vor.u32 $0x13, v1;
	v38 =	vld.idx.msk [tilespmem:v30+s11+$0x0], $0xffff  }
0x546: {  	v40 =	vld.idx.msk [tilespmem:v33+s10+$0x0], $0xffff;
	v2 =	vadd.f32 v3, v2;
	v3 =	vmul.f32 v32, v31  }
0x547: {  	v42 =	vor.u32 $0x14, v1;
	v41 =	vld.idx.msk [tilespmem:v33+s11+$0x0], $0xffff  }
0x548: {  	v43 =	vld.idx.msk [tilespmem:v36+s10+$0x0], $0xffff;
	v2 =	vadd.f32 v3, v2;
	v3 =	vmul.f32 v35, v34  }
0x549: {  	v45 =	vor.u32 $0x15, v1;
	v44 =	vld.idx.msk [tilespmem:v36+s11+$0x0], $0xffff  }
0x54a: {  	v46 =	vld.idx.msk [tilespmem:v39+s10+$0x0], $0xffff;
	v2 =	vadd.f32 v3, v2;
	v3 =	vmul.f32 v38, v37  }
0x54b: {  	v48 =	vor.u32 $0x16, v1;
	v47 =	vld.idx.msk [tilespmem:v39+s11+$0x0], $0xffff  }
0x54c: {  	v49 =	vld.idx.msk [tilespmem:v42+s10+$0x0], $0xffff;
	v2 =	vadd.f32 v3, v2;
	v3 =	vmul.f32 v41, v40  }
0x54d: {  	v51 =	vor.u32 $0x17, v1;
	v50 =	vld.idx.msk [tilespmem:v42+s11+$0x0], $0xffff  }
0x54e: {  	v52 =	vld.idx.msk [tilespmem:v45+s10+$0x0], $0xffff;
	v2 =	vadd.f32 v3, v2;
	v3 =	vmul.f32 v44, v43  }
0x54f: {  	v54 =	vor.u32 $0x18, v1;
	v53 =	vld.idx.msk [tilespmem:v45+s11+$0x0], $0xffff  }
0x550: {  	v55 =	vld.idx.msk [tilespmem:v48+s10+$0x0], $0xffff;
	v2 =	vadd.f32 v3, v2;
	v3 =	vmul.f32 v47, v46  }
0x551: {  	v57 =	vor.u32 $0x19, v1;
	v56 =	vld.idx.msk [tilespmem:v48+s11+$0x0], $0xffff  }
0x552: {  	v58 =	vld.idx.msk [tilespmem:v51+s10+$0x0], $0xffff;
	v2 =	vadd.f32 v3, v2;
	v3 =	vmul.f32 v50, v49  }
0x553: {  	v60 =	vor.u32 $0x1A, v1;
	v59 =	vld.idx.msk [tilespmem:v51+s11+$0x0], $0xffff  }
0x554: {  	v61 =	vld.idx.msk [tilespmem:v54+s10+$0x0], $0xffff;
	v2 =	vadd.f32 v3, v2;
	v3 =	vmul.f32 v53, v52  }
0x555: {  	v63 =	vor.u32 $0x1B, v1;
	v62 =	vld.idx.msk [tilespmem:v54+s11+$0x0], $0xffff  }
0x556: {  	v16 =	vld.idx.msk [tilespmem:v57+s10+$0x0], $0xffff;
	v2 =	vadd.f32 v3, v2;
	v3 =	vmul.f32 v56, v55  }
0x557: {  	v18 =	vor.u32 $0x1C, v1;
	v17 =	vld.idx.msk [tilespmem:v57+s11+$0x0], $0xffff  }
0x558: {  	v19 =	vld.idx.msk [tilespmem:v60+s10+$0x0], $0xffff;
	v2 =	vadd.f32 v3, v2;
	v3 =	vmul.f32 v59, v58  }
0x559: {  	v21 =	vor.u32 $0x1D, v1;
	v20 =	vld.idx.msk [tilespmem:v60+s11+$0x0], $0xffff  }
0x55a: {  	v22 =	vld.idx.msk [tilespmem:v63+s10+$0x0], $0xffff;
	v2 =	vadd.f32 v3, v2;
	v3 =	vmul.f32 v62, v61  }
0x55b: {  	v24 =	vor.u32 $0x1E, v1;
	v23 =	vld.idx.msk [tilespmem:v63+s11+$0x0], $0xffff  }
0x55c: {  	v25 =	vld.idx.msk [tilespmem:v18+s10+$0x0], $0xffff;
	v2 =	vadd.f32 v3, v2;
	v3 =	vmul.f32 v17, v16  }
0x55d: {  	v1 =	vor.u32 $0x1F, v1;
	v26 =	vld.idx.msk [tilespmem:v18+s11+$0x0], $0xffff  }
0x55e: {  	v27 =	vld.idx.msk [tilespmem:v21+s10+$0x0], $0xffff;
	v2 =	vadd.f32 v3, v2;
	v3 =	vmul.f32 v20, v19  }
0x55f: {  	v28 =	vld.idx.msk [tilespmem:v21+s11+$0x0], $0xffff  }
0x560: {  	v30 =	vld.idx.msk [tilespmem:v24+s11+$0x0], $0xffff;
	v2 =	vadd.f32 v3, v2;
	v3 =	vmul.f32 v23, v22  }
0x561: {  	v29 =	vld.idx.msk [tilespmem:v24+s10+$0x0], $0xffff  }
0x562: {  	v31 =	vld.idx.msk [tilespmem:v1+s10+$0x0], $0xffff;
	v2 =	vadd.f32 v3, v2;
	v3 =	vmul.f32 v26, v25  }
0x563: {  	v1 =	vld.idx.msk [tilespmem:v1+s11+$0x0], $0xffff  }
0x564: {  	v2 =	vadd.f32 v3, v2;
	v3 =	vmul.f32 v28, v27;
	_ =	sdelay $0x1  }
0x565: {  	v2 =	vadd.f32 v3, v2;
	v3 =	vmul.f32 v30, v29;
	_ =	sdelay $0x1  }
0x566: {  	v1 =	vmul.f32 v1, v31;
	v2 =	vadd.f32 v3, v2;
	_ =	sdelay $0x1  }
0x567: {  	v1 =	vadd.f32 v1, v2;
	_ =	sdelay $0x1  }
0x568: {  	v1 =	vsub.f32 $0.0e+00, v1;
	_ =	sdelay $0x1  }
0x569: {  	v1 =	vmul.f32 $1.442695020e+00, v1;
	_ =	sdelay $0x1  }
0x56a: {  	(erf) = vpow2.f32 v1;
	_ =	sdelay $0x8  }
0x56b: {  	v1 =	vpop (erf)  }
0x56c: {  	v1 =	vadd.f32 $1.000000000e+00, v1;
	_ =	sdelay $0x1  }
0x56d: {  	(erf) = vrcp.f32 v1;
	_ =	sdelay $0x8  }
0x56e: {  	s1 =	simm.s32 $0x0;
	s0 =	sadd.s32 $0x10, s17;
	v1 =	vpop (erf)  }
0x56f: {  	[tilespmem:s0+$0x0] =	vst v1;
	v1 =	vmov s1  }
0x570: {  	_ =	swait.ge [sflag:s12], $0x4000;
	v1 =	vshll.u32 v1, $0x7  }
0x571: {  	[sflag:s12] =	ssyncset.done $0x0;
	v1 =	vor.u32 v0, v1  }
0x572: {  	[sflag:s12] =	ssyncadd.s32 $0xFFFFC000  }
0x573: {  	v2 =	vor.u32 $0x1, v1;
	_ =	swait.ge [sflag:s12], $0x4000  }
0x574: {  	[sflag:s12] =	ssyncset.done $0x0  }
0x575: {  	v3 =	vor.u32 $0x2, v1;
	[sflag:s12] =	ssyncadd.s32 $0xFFFFC000  }
0x576: {  	v32 =	vld.idx.msk [tilespmem:v1+s14+$0x0], $0xffff  }
0x577: {  	v34 =	vor.u32 $0x3, v1;
	v33 =	vld.idx.msk [tilespmem:v1+s13+$0x0], $0xffff  }
0x578: {  	v35 =	vld.idx.msk [tilespmem:v2+s13+$0x0], $0xffff  }
0x579: {  	v36 =	vor.u32 $0x4, v1;
	v2 =	vld.idx.msk [tilespmem:v2+s14+$0x0], $0xffff  }
0x57a: {  	v37 =	vld.idx.msk [tilespmem:v3+s13+$0x0], $0xffff  }
0x57b: {  	v38 =	vor.u32 $0x5, v1;
	v3 =	vld.idx.msk [tilespmem:v3+s14+$0x0], $0xffff  }
0x57c: {  	v39 =	vld.idx.msk [tilespmem:v34+s13+$0x0], $0xffff  }
0x57d: {  	v40 =	vor.u32 $0x6, v1;
	v6 =	vld.idx.msk [tilespmem:v34+s14+$0x0], $0xffff  }
0x57e: {  	v41 =	vld.idx.msk [tilespmem:v36+s13+$0x0], $0xffff;
	v4 =	vmul.f32 v32, v33;
	v2 =	vmul.f32 v2, v35  }
0x57f: {  	v43 =	vor.u32 $0x7, v1;
	v42 =	vld.idx.msk [tilespmem:v36+s14+$0x0], $0xffff  }
0x580: {  	v44 =	vld.idx.msk [tilespmem:v38+s13+$0x0], $0xffff;
	v3 =	vmul.f32 v3, v37;
	v2 =	vadd.f32 v2, v4  }
0x581: {  	v46 =	vor.u32 $0x8, v1;
	v45 =	vld.idx.msk [tilespmem:v38+s14+$0x0], $0xffff  }
0x582: {  	v47 =	vld.idx.msk [tilespmem:v40+s13+$0x0], $0xffff;
	v2 =	vadd.f32 v3, v2;
	v3 =	vmul.f32 v6, v39  }
0x583: {  	v49 =	vor.u32 $0x9, v1;
	v48 =	vld.idx.msk [tilespmem:v40+s14+$0x0], $0xffff  }
0x584: {  	v50 =	vld.idx.msk [tilespmem:v43+s13+$0x0], $0xffff;
	v2 =	vadd.f32 v3, v2;
	v3 =	vmul.f32 v42, v41  }
0x585: {  	v52 =	vor.u32 $0xA, v1;
	v51 =	vld.idx.msk [tilespmem:v43+s14+$0x0], $0xffff  }
0x586: {  	v53 =	vld.idx.msk [tilespmem:v46+s13+$0x0], $0xffff;
	v2 =	vadd.f32 v3, v2;
	v3 =	vmul.f32 v45, v44  }
0x587: {  	v55 =	vor.u32 $0xB, v1;
	v54 =	vld.idx.msk [tilespmem:v46+s14+$0x0], $0xffff  }
0x588: {  	v56 =	vld.idx.msk [tilespmem:v49+s13+$0x0], $0xffff;
	v2 =	vadd.f32 v3, v2;
	v3 =	vmul.f32 v48, v47  }
0x589: {  	v58 =	vor.u32 $0xC, v1;
	v57 =	vld.idx.msk [tilespmem:v49+s14+$0x0], $0xffff  }
0x58a: {  	v59 =	vld.idx.msk [tilespmem:v52+s13+$0x0], $0xffff;
	v2 =	vadd.f32 v3, v2;
	v3 =	vmul.f32 v51, v50  }
0x58b: {  	v61 =	vor.u32 $0xD, v1;
	v60 =	vld.idx.msk [tilespmem:v52+s14+$0x0], $0xffff  }
0x58c: {  	v62 =	vld.idx.msk [tilespmem:v55+s13+$0x0], $0xffff;
	v2 =	vadd.f32 v3, v2;
	v3 =	vmul.f32 v54, v53  }
0x58d: {  	v16 =	vor.u32 $0xE, v1;
	v63 =	vld.idx.msk [tilespmem:v55+s14+$0x0], $0xffff  }
0x58e: {  	v17 =	vld.idx.msk [tilespmem:v58+s13+$0x0], $0xffff;
	v2 =	vadd.f32 v3, v2;
	v3 =	vmul.f32 v57, v56  }
0x58f: {  	v19 =	vor.u32 $0xF, v1;
	v18 =	vld.idx.msk [tilespmem:v58+s14+$0x0], $0xffff  }
0x590: {  	v20 =	vld.idx.msk [tilespmem:v61+s13+$0x0], $0xffff;
	v2 =	vadd.f32 v3, v2;
	v3 =	vmul.f32 v60, v59  }
0x591: {  	v22 =	vor.u32 $0x10, v1;
	v21 =	vld.idx.msk [tilespmem:v61+s14+$0x0], $0xffff  }
0x592: {  	v23 =	vld.idx.msk [tilespmem:v16+s13+$0x0], $0xffff;
	v2 =	vadd.f32 v3, v2;
	v3 =	vmul.f32 v63, v62  }
0x593: {  	v25 =	vor.u32 $0x11, v1;
	v24 =	vld.idx.msk [tilespmem:v16+s14+$0x0], $0xffff  }
0x594: {  	v26 =	vld.idx.msk [tilespmem:v19+s13+$0x0], $0xffff;
	v2 =	vadd.f32 v3, v2;
	v3 =	vmul.f32 v18, v17  }
0x595: {  	v28 =	vor.u32 $0x12, v1;
	v27 =	vld.idx.msk [tilespmem:v19+s14+$0x0], $0xffff  }
0x596: {  	v29 =	vld.idx.msk [tilespmem:v22+s13+$0x0], $0xffff;
	v2 =	vadd.f32 v3, v2;
	v3 =	vmul.f32 v21, v20  }
0x597: {  	v31 =	vor.u32 $0x13, v1;
	v30 =	vld.idx.msk [tilespmem:v22+s14+$0x0], $0xffff  }
0x598: {  	v32 =	vld.idx.msk [tilespmem:v25+s13+$0x0], $0xffff;
	v2 =	vadd.f32 v3, v2;
	v3 =	vmul.f32 v24, v23  }
0x599: {  	v34 =	vor.u32 $0x14, v1;
	v33 =	vld.idx.msk [tilespmem:v25+s14+$0x0], $0xffff  }
0x59a: {  	v36 =	vld.idx.msk [tilespmem:v28+s14+$0x0], $0xffff;
	v2 =	vadd.f32 v3, v2;
	v3 =	vmul.f32 v27, v26  }
0x59b: {  	v35 =	vld.idx.msk [tilespmem:v28+s13+$0x0], $0xffff;
	v37 =	vor.u32 $0x15, v1  }
0x59c: {  	v38 =	vld.idx.msk [tilespmem:v31+s13+$0x0], $0xffff;
	v2 =	vadd.f32 v3, v2;
	v3 =	vmul.f32 v30, v29  }
0x59d: {  	v40 =	vor.u32 $0x16, v1;
	v39 =	vld.idx.msk [tilespmem:v31+s14+$0x0], $0xffff  }
0x59e: {  	v41 =	vld.idx.msk [tilespmem:v34+s13+$0x0], $0xffff;
	v2 =	vadd.f32 v3, v2;
	v3 =	vmul.f32 v33, v32  }
0x59f: {  	v43 =	vor.u32 $0x17, v1;
	v42 =	vld.idx.msk [tilespmem:v34+s14+$0x0], $0xffff  }
0x5a0: {  	v44 =	vld.idx.msk [tilespmem:v37+s13+$0x0], $0xffff;
	v2 =	vadd.f32 v3, v2;
	v3 =	vmul.f32 v36, v35  }
0x5a1: {  	v46 =	vor.u32 $0x18, v1;
	v45 =	vld.idx.msk [tilespmem:v37+s14+$0x0], $0xffff  }
0x5a2: {  	v47 =	vld.idx.msk [tilespmem:v40+s13+$0x0], $0xffff;
	v2 =	vadd.f32 v3, v2;
	v3 =	vmul.f32 v39, v38  }
0x5a3: {  	v49 =	vor.u32 $0x19, v1;
	v48 =	vld.idx.msk [tilespmem:v40+s14+$0x0], $0xffff  }
0x5a4: {  	v50 =	vld.idx.msk [tilespmem:v43+s13+$0x0], $0xffff;
	v2 =	vadd.f32 v3, v2;
	v3 =	vmul.f32 v42, v41  }
0x5a5: {  	v52 =	vor.u32 $0x1A, v1;
	v51 =	vld.idx.msk [tilespmem:v43+s14+$0x0], $0xffff  }
0x5a6: {  	v53 =	vld.idx.msk [tilespmem:v46+s13+$0x0], $0xffff;
	v2 =	vadd.f32 v3, v2;
	v3 =	vmul.f32 v45, v44  }
0x5a7: {  	v55 =	vor.u32 $0x1B, v1;
	v54 =	vld.idx.msk [tilespmem:v46+s14+$0x0], $0xffff  }
0x5a8: {  	v56 =	vld.idx.msk [tilespmem:v49+s13+$0x0], $0xffff;
	v2 =	vadd.f32 v3, v2;
	v3 =	vmul.f32 v48, v47  }
0x5a9: {  	v58 =	vor.u32 $0x1C, v1;
	v57 =	vld.idx.msk [tilespmem:v49+s14+$0x0], $0xffff  }
0x5aa: {  	v59 =	vld.idx.msk [tilespmem:v52+s13+$0x0], $0xffff;
	v2 =	vadd.f32 v3, v2;
	v3 =	vmul.f32 v51, v50  }
0x5ab: {  	v61 =	vor.u32 $0x1D, v1;
	v60 =	vld.idx.msk [tilespmem:v52+s14+$0x0], $0xffff  }
0x5ac: {  	v62 =	vld.idx.msk [tilespmem:v55+s13+$0x0], $0xffff;
	v2 =	vadd.f32 v3, v2;
	v3 =	vmul.f32 v54, v53  }
0x5ad: {  	v16 =	vor.u32 $0x1E, v1;
	v63 =	vld.idx.msk [tilespmem:v55+s14+$0x0], $0xffff  }
0x5ae: {  	v17 =	vld.idx.msk [tilespmem:v58+s13+$0x0], $0xffff;
	v2 =	vadd.f32 v3, v2;
	v3 =	vmul.f32 v57, v56  }
0x5af: {  	v1 =	vor.u32 $0x1F, v1;
	v18 =	vld.idx.msk [tilespmem:v58+s14+$0x0], $0xffff  }
0x5b0: {  	v19 =	vld.idx.msk [tilespmem:v61+s13+$0x0], $0xffff;
	v2 =	vadd.f32 v3, v2;
	v3 =	vmul.f32 v60, v59  }
0x5b1: {  	v20 =	vld.idx.msk [tilespmem:v61+s14+$0x0], $0xffff  }
0x5b2: {  	v22 =	vld.idx.msk [tilespmem:v16+s14+$0x0], $0xffff;
	v2 =	vadd.f32 v3, v2;
	v3 =	vmul.f32 v63, v62  }
0x5b3: {  	v21 =	vld.idx.msk [tilespmem:v16+s13+$0x0], $0xffff  }
0x5b4: {  	v23 =	vld.idx.msk [tilespmem:v1+s13+$0x0], $0xffff;
	v2 =	vadd.f32 v3, v2;
	v3 =	vmul.f32 v18, v17  }
0x5b5: {  	v1 =	vld.idx.msk [tilespmem:v1+s14+$0x0], $0xffff  }
0x5b6: {  	v2 =	vadd.f32 v3, v2;
	v3 =	vmul.f32 v20, v19;
	_ =	sdelay $0x1  }
0x5b7: {  	v2 =	vadd.f32 v3, v2;
	v3 =	vmul.f32 v22, v21;
	_ =	sdelay $0x1  }
0x5b8: {  	v1 =	vmul.f32 v1, v23;
	v2 =	vadd.f32 v3, v2;
	_ =	sdelay $0x1  }
0x5b9: {  	v1 =	vadd.f32 v1, v2;
	_ =	sdelay $0x1  }
0x5ba: {  	v1 =	vsub.f32 $0.0e+00, v1;
	_ =	sdelay $0x1  }
0x5bb: {  	v1 =	vmul.f32 $1.442695020e+00, v1;
	_ =	sdelay $0x1  }
0x5bc: {  	(erf) = vpow2.f32 v1;
	_ =	sdelay $0x8  }
0x5bd: {  	v1 =	vpop (erf)  }
0x5be: {  	v1 =	vadd.f32 $1.000000000e+00, v1;
	_ =	sdelay $0x1  }
0x5bf: {  	(erf) = vrcp.f32 v1;
	_ =	sdelay $0x2  }
0x5c0: {  	s30 =	simm.s32 $0x10  }
0x5c1: {  	v1 =	vmov s30  }
0x5c2: {  	v1 =	vshll.u32 v1, $0x7  }
0x5c3: {  	v1 =	vor.u32 v0, v1;
	_ =	sdelay $0x1  }
0x5c4: {  	v2 =	vor.u32 $0x1, v1  }
0x5c5: {  	s17 =	simm.s32 $0x10580;
	v3 =	vpop (erf)  }
0x5c6: {  	v24 =	vor.u32 $0x2, v1;
	[tilespmem:s17+$0x0] =	vst v3  }
0x5c7: {  	v3 =	vld.idx.msk [tilespmem:v1+s14+$0x0], $0xffff  }
0x5c8: {  	v26 =	vor.u32 $0x3, v1;
	v25 =	vld.idx.msk [tilespmem:v1+s13+$0x0], $0xffff  }
0x5c9: {  	v27 =	vld.idx.msk [tilespmem:v2+s13+$0x0], $0xffff  }
0x5ca: {  	v28 =	vor.u32 $0x4, v1;
	v2 =	vld.idx.msk [tilespmem:v2+s14+$0x0], $0xffff  }
0x5cb: {  	v29 =	vld.idx.msk [tilespmem:v24+s13+$0x0], $0xffff  }
0x5cc: {  	v30 =	vor.u32 $0x5, v1;
	v4 =	vld.idx.msk [tilespmem:v24+s14+$0x0], $0xffff  }
0x5cd: {  	v31 =	vld.idx.msk [tilespmem:v26+s13+$0x0], $0xffff  }
0x5ce: {  	v32 =	vor.u32 $0x6, v1;
	v6 =	vld.idx.msk [tilespmem:v26+s14+$0x0], $0xffff  }
0x5cf: {  	v33 =	vld.idx.msk [tilespmem:v28+s13+$0x0], $0xffff;
	v3 =	vmul.f32 v3, v25;
	v2 =	vmul.f32 v2, v27  }
0x5d0: {  	v35 =	vor.u32 $0x7, v1;
	v34 =	vld.idx.msk [tilespmem:v28+s14+$0x0], $0xffff  }
0x5d1: {  	v36 =	vld.idx.msk [tilespmem:v30+s13+$0x0], $0xffff;
	v2 =	vadd.f32 v2, v3;
	v3 =	vmul.f32 v4, v29  }
0x5d2: {  	v38 =	vor.u32 $0x8, v1;
	v37 =	vld.idx.msk [tilespmem:v30+s14+$0x0], $0xffff  }
0x5d3: {  	v39 =	vld.idx.msk [tilespmem:v32+s13+$0x0], $0xffff;
	v2 =	vadd.f32 v3, v2;
	v3 =	vmul.f32 v6, v31  }
0x5d4: {  	v41 =	vor.u32 $0x9, v1;
	v40 =	vld.idx.msk [tilespmem:v32+s14+$0x0], $0xffff  }
0x5d5: {  	v42 =	vld.idx.msk [tilespmem:v35+s13+$0x0], $0xffff;
	v2 =	vadd.f32 v3, v2;
	v3 =	vmul.f32 v34, v33  }
0x5d6: {  	v44 =	vor.u32 $0xA, v1;
	v43 =	vld.idx.msk [tilespmem:v35+s14+$0x0], $0xffff  }
0x5d7: {  	v45 =	vld.idx.msk [tilespmem:v38+s13+$0x0], $0xffff;
	v2 =	vadd.f32 v3, v2;
	v3 =	vmul.f32 v37, v36  }
0x5d8: {  	v47 =	vor.u32 $0xB, v1;
	v46 =	vld.idx.msk [tilespmem:v38+s14+$0x0], $0xffff  }
0x5d9: {  	v48 =	vld.idx.msk [tilespmem:v41+s13+$0x0], $0xffff;
	v2 =	vadd.f32 v3, v2;
	v3 =	vmul.f32 v40, v39  }
0x5da: {  	v50 =	vor.u32 $0xC, v1;
	v49 =	vld.idx.msk [tilespmem:v41+s14+$0x0], $0xffff  }
0x5db: {  	v51 =	vld.idx.msk [tilespmem:v44+s13+$0x0], $0xffff;
	v2 =	vadd.f32 v3, v2;
	v3 =	vmul.f32 v43, v42  }
0x5dc: {  	v53 =	vor.u32 $0xD, v1;
	v52 =	vld.idx.msk [tilespmem:v44+s14+$0x0], $0xffff  }
0x5dd: {  	v54 =	vld.idx.msk [tilespmem:v47+s13+$0x0], $0xffff;
	v2 =	vadd.f32 v3, v2;
	v3 =	vmul.f32 v46, v45  }
0x5de: {  	v56 =	vor.u32 $0xE, v1;
	v55 =	vld.idx.msk [tilespmem:v47+s14+$0x0], $0xffff  }
0x5df: {  	v57 =	vld.idx.msk [tilespmem:v50+s13+$0x0], $0xffff;
	v2 =	vadd.f32 v3, v2;
	v3 =	vmul.f32 v49, v48  }
0x5e0: {  	v59 =	vor.u32 $0xF, v1;
	v58 =	vld.idx.msk [tilespmem:v50+s14+$0x0], $0xffff  }
0x5e1: {  	v60 =	vld.idx.msk [tilespmem:v53+s13+$0x0], $0xffff;
	v2 =	vadd.f32 v3, v2;
	v3 =	vmul.f32 v52, v51  }
0x5e2: {  	v62 =	vor.u32 $0x10, v1;
	v61 =	vld.idx.msk [tilespmem:v53+s14+$0x0], $0xffff  }
0x5e3: {  	v63 =	vld.idx.msk [tilespmem:v56+s13+$0x0], $0xffff;
	v2 =	vadd.f32 v3, v2;
	v3 =	vmul.f32 v55, v54  }
0x5e4: {  	v17 =	vor.u32 $0x11, v1;
	v16 =	vld.idx.msk [tilespmem:v56+s14+$0x0], $0xffff  }
0x5e5: {  	v18 =	vld.idx.msk [tilespmem:v59+s13+$0x0], $0xffff;
	v2 =	vadd.f32 v3, v2;
	v3 =	vmul.f32 v58, v57  }
0x5e6: {  	v20 =	vor.u32 $0x12, v1;
	v19 =	vld.idx.msk [tilespmem:v59+s14+$0x0], $0xffff  }
0x5e7: {  	v21 =	vld.idx.msk [tilespmem:v62+s13+$0x0], $0xffff;
	v2 =	vadd.f32 v3, v2;
	v3 =	vmul.f32 v61, v60  }
0x5e8: {  	v23 =	vor.u32 $0x13, v1;
	v22 =	vld.idx.msk [tilespmem:v62+s14+$0x0], $0xffff  }
0x5e9: {  	v24 =	vld.idx.msk [tilespmem:v17+s13+$0x0], $0xffff;
	v2 =	vadd.f32 v3, v2;
	v3 =	vmul.f32 v16, v63  }
0x5ea: {  	v26 =	vor.u32 $0x14, v1;
	v25 =	vld.idx.msk [tilespmem:v17+s14+$0x0], $0xffff  }
0x5eb: {  	v28 =	vld.idx.msk [tilespmem:v20+s14+$0x0], $0xffff;
	v2 =	vadd.f32 v3, v2;
	v3 =	vmul.f32 v19, v18  }
0x5ec: {  	v27 =	vld.idx.msk [tilespmem:v20+s13+$0x0], $0xffff;
	v29 =	vor.u32 $0x15, v1  }
0x5ed: {  	v30 =	vld.idx.msk [tilespmem:v23+s13+$0x0], $0xffff;
	v2 =	vadd.f32 v3, v2;
	v3 =	vmul.f32 v22, v21  }
0x5ee: {  	v32 =	vor.u32 $0x16, v1;
	v31 =	vld.idx.msk [tilespmem:v23+s14+$0x0], $0xffff  }
0x5ef: {  	v33 =	vld.idx.msk [tilespmem:v26+s13+$0x0], $0xffff;
	v2 =	vadd.f32 v3, v2;
	v3 =	vmul.f32 v25, v24  }
0x5f0: {  	v35 =	vor.u32 $0x17, v1;
	v34 =	vld.idx.msk [tilespmem:v26+s14+$0x0], $0xffff  }
0x5f1: {  	v36 =	vld.idx.msk [tilespmem:v29+s13+$0x0], $0xffff;
	v2 =	vadd.f32 v3, v2;
	v3 =	vmul.f32 v28, v27  }
0x5f2: {  	v38 =	vor.u32 $0x18, v1;
	v37 =	vld.idx.msk [tilespmem:v29+s14+$0x0], $0xffff  }
0x5f3: {  	v39 =	vld.idx.msk [tilespmem:v32+s13+$0x0], $0xffff;
	v2 =	vadd.f32 v3, v2;
	v3 =	vmul.f32 v31, v30  }
0x5f4: {  	v41 =	vor.u32 $0x19, v1;
	v40 =	vld.idx.msk [tilespmem:v32+s14+$0x0], $0xffff  }
0x5f5: {  	v42 =	vld.idx.msk [tilespmem:v35+s13+$0x0], $0xffff;
	v2 =	vadd.f32 v3, v2;
	v3 =	vmul.f32 v34, v33  }
0x5f6: {  	v44 =	vor.u32 $0x1A, v1;
	v43 =	vld.idx.msk [tilespmem:v35+s14+$0x0], $0xffff  }
0x5f7: {  	v45 =	vld.idx.msk [tilespmem:v38+s13+$0x0], $0xffff;
	v2 =	vadd.f32 v3, v2;
	v3 =	vmul.f32 v37, v36  }
0x5f8: {  	v47 =	vor.u32 $0x1B, v1;
	v46 =	vld.idx.msk [tilespmem:v38+s14+$0x0], $0xffff  }
0x5f9: {  	v48 =	vld.idx.msk [tilespmem:v41+s13+$0x0], $0xffff;
	v2 =	vadd.f32 v3, v2;
	v3 =	vmul.f32 v40, v39  }
0x5fa: {  	v50 =	vor.u32 $0x1C, v1;
	v49 =	vld.idx.msk [tilespmem:v41+s14+$0x0], $0xffff  }
0x5fb: {  	v51 =	vld.idx.msk [tilespmem:v44+s13+$0x0], $0xffff;
	v2 =	vadd.f32 v3, v2;
	v3 =	vmul.f32 v43, v42  }
0x5fc: {  	v53 =	vor.u32 $0x1D, v1;
	v52 =	vld.idx.msk [tilespmem:v44+s14+$0x0], $0xffff  }
0x5fd: {  	v54 =	vld.idx.msk [tilespmem:v47+s13+$0x0], $0xffff;
	v2 =	vadd.f32 v3, v2;
	v3 =	vmul.f32 v46, v45  }
0x5fe: {  	v56 =	vor.u32 $0x1E, v1;
	v55 =	vld.idx.msk [tilespmem:v47+s14+$0x0], $0xffff  }
0x5ff: {  	v57 =	vld.idx.msk [tilespmem:v50+s13+$0x0], $0xffff;
	v2 =	vadd.f32 v3, v2;
	v3 =	vmul.f32 v49, v48  }
0x600: {  	v1 =	vor.u32 $0x1F, v1;
	v58 =	vld.idx.msk [tilespmem:v50+s14+$0x0], $0xffff  }
0x601: {  	v59 =	vld.idx.msk [tilespmem:v53+s13+$0x0], $0xffff;
	v2 =	vadd.f32 v3, v2;
	v3 =	vmul.f32 v52, v51  }
0x602: {  	v60 =	vld.idx.msk [tilespmem:v53+s14+$0x0], $0xffff  }
0x603: {  	v62 =	vld.idx.msk [tilespmem:v56+s14+$0x0], $0xffff;
	v2 =	vadd.f32 v3, v2;
	v3 =	vmul.f32 v55, v54  }
0x604: {  	v61 =	vld.idx.msk [tilespmem:v56+s13+$0x0], $0xffff  }
0x605: {  	v63 =	vld.idx.msk [tilespmem:v1+s13+$0x0], $0xffff;
	v2 =	vadd.f32 v3, v2;
	v3 =	vmul.f32 v58, v57  }
0x606: {  	v1 =	vld.idx.msk [tilespmem:v1+s14+$0x0], $0xffff  }
0x607: {  	v2 =	vadd.f32 v3, v2;
	v3 =	vmul.f32 v60, v59;
	_ =	sdelay $0x1  }
0x608: {  	v2 =	vadd.f32 v3, v2;
	v3 =	vmul.f32 v62, v61;
	_ =	sdelay $0x1  }
0x609: {  	v1 =	vmul.f32 v1, v63;
	v2 =	vadd.f32 v3, v2;
	_ =	sdelay $0x1  }
0x60a: {  	v1 =	vadd.f32 v1, v2;
	_ =	sdelay $0x1  }
0x60b: {  	v1 =	vsub.f32 $0.0e+00, v1;
	_ =	sdelay $0x1  }
0x60c: {  	v1 =	vmul.f32 $1.442695020e+00, v1;
	_ =	sdelay $0x1  }
0x60d: {  	(erf) = vpow2.f32 v1;
	_ =	sdelay $0x8  }
0x60e: {  	v1 =	vpop (erf)  }
0x60f: {  	v1 =	vadd.f32 $1.000000000e+00, v1;
	_ =	sdelay $0x1  }
0x610: {  	(erf) = vrcp.f32 v1;
	_ =	sdelay $0x2  }
0x611: {  	s31 =	simm.s32 $0x20  }
0x612: {  	v2 =	vmov s31  }
0x613: {  	v2 =	vshll.u32 v2, $0x7  }
0x614: {  	s18 =	simm.s32 $0x30;
	v1 =	vor.u32 v0, v2  }
.LBB2_16:
0x615: {  	p0 =	sne.s32 s18, $0x70  }
0x616: {  	v2 =	vor.u32 $0x1, v1  }
0x617: {  	s17 =	sadd.s32 $0x10, s17;
	v3 =	vpop (erf)  }
0x618: {  	v4 =	vor.u32 $0x2, v1;
	[tilespmem:s17+$0x0] =	vst v3  }
0x619: {  	v3 =	vld.idx.msk [tilespmem:v1+s14+$0x0], $0xffff  }
0x61a: {  	v6 =	vor.u32 $0x3, v1;
	v5 =	vld.idx.msk [tilespmem:v1+s13+$0x0], $0xffff  }
0x61b: {  	v7 =	vld.idx.msk [tilespmem:v2+s13+$0x0], $0xffff  }
0x61c: {  	v8 =	vor.u32 $0x4, v1;
	v2 =	vld.idx.msk [tilespmem:v2+s14+$0x0], $0xffff  }
0x61d: {  	v9 =	vld.idx.msk [tilespmem:v4+s13+$0x0], $0xffff  }
0x61e: {  	v10 =	vor.u32 $0x5, v1;
	v4 =	vld.idx.msk [tilespmem:v4+s14+$0x0], $0xffff  }
0x61f: {  	v11 =	vld.idx.msk [tilespmem:v6+s13+$0x0], $0xffff  }
0x620: {  	v12 =	vor.u32 $0x6, v1;
	v6 =	vld.idx.msk [tilespmem:v6+s14+$0x0], $0xffff  }
0x621: {  	v13 =	vld.idx.msk [tilespmem:v8+s13+$0x0], $0xffff  }
0x622: {  	v3 =	vmul.f32 v3, v5;
	v2 =	vmul.f32 v2, v7;
	v7 =	vor.u32 $0x7, v1;
	v5 =	vld.idx.msk [tilespmem:v8+s14+$0x0], $0xffff  }
0x623: {  	v8 =	vld.idx.msk [tilespmem:v10+s13+$0x0], $0xffff  }
0x624: {  	v2 =	vadd.f32 v2, v3;
	v3 =	vmul.f32 v4, v9;
	v9 =	vor.u32 $0x8, v1;
	v4 =	vld.idx.msk [tilespmem:v10+s14+$0x0], $0xffff  }
0x625: {  	v10 =	vld.idx.msk [tilespmem:v12+s13+$0x0], $0xffff  }
0x626: {  	v2 =	vadd.f32 v3, v2;
	v3 =	vmul.f32 v6, v11;
	v11 =	vor.u32 $0x9, v1;
	v6 =	vld.idx.msk [tilespmem:v12+s14+$0x0], $0xffff  }
0x627: {  	v12 =	vld.idx.msk [tilespmem:v7+s13+$0x0], $0xffff  }
0x628: {  	v2 =	vadd.f32 v3, v2;
	v3 =	vmul.f32 v5, v13;
	v5 =	vld.idx.msk [tilespmem:v7+s14+$0x0], $0xffff;
	v7 =	vor.u32 $0xA, v1  }
0x629: {  	v13 =	vld.idx.msk [tilespmem:v9+s13+$0x0], $0xffff  }
0x62a: {  	v2 =	vadd.f32 v3, v2;
	v3 =	vmul.f32 v4, v8;
	v8 =	vor.u32 $0xB, v1;
	v4 =	vld.idx.msk [tilespmem:v9+s14+$0x0], $0xffff  }
0x62b: {  	v9 =	vld.idx.msk [tilespmem:v11+s13+$0x0], $0xffff  }
0x62c: {  	v2 =	vadd.f32 v3, v2;
	v3 =	vmul.f32 v6, v10;
	v10 =	vor.u32 $0xC, v1;
	v6 =	vld.idx.msk [tilespmem:v11+s14+$0x0], $0xffff  }
0x62d: {  	v11 =	vld.idx.msk [tilespmem:v7+s13+$0x0], $0xffff  }
0x62e: {  	v2 =	vadd.f32 v3, v2;
	v3 =	vmul.f32 v5, v12;
	v5 =	vld.idx.msk [tilespmem:v7+s14+$0x0], $0xffff;
	v7 =	vor.u32 $0xD, v1  }
0x62f: {  	v12 =	vld.idx.msk [tilespmem:v8+s13+$0x0], $0xffff  }
0x630: {  	v2 =	vadd.f32 v3, v2;
	v3 =	vmul.f32 v4, v13;
	v4 =	vld.idx.msk [tilespmem:v8+s14+$0x0], $0xffff;
	v8 =	vor.u32 $0xE, v1  }
0x631: {  	v13 =	vld.idx.msk [tilespmem:v10+s13+$0x0], $0xffff  }
0x632: {  	v2 =	vadd.f32 v3, v2;
	v3 =	vmul.f32 v6, v9;
	v9 =	vor.u32 $0xF, v1;
	v6 =	vld.idx.msk [tilespmem:v10+s14+$0x0], $0xffff  }
0x633: {  	v10 =	vld.idx.msk [tilespmem:v7+s13+$0x0], $0xffff  }
0x634: {  	v2 =	vadd.f32 v3, v2;
	v3 =	vmul.f32 v5, v11;
	v5 =	vld.idx.msk [tilespmem:v7+s14+$0x0], $0xffff;
	v7 =	vor.u32 $0x10, v1  }
0x635: {  	v11 =	vld.idx.msk [tilespmem:v8+s13+$0x0], $0xffff  }
0x636: {  	v2 =	vadd.f32 v3, v2;
	v3 =	vmul.f32 v4, v12;
	v4 =	vld.idx.msk [tilespmem:v8+s14+$0x0], $0xffff;
	v8 =	vor.u32 $0x11, v1  }
0x637: {  	v12 =	vld.idx.msk [tilespmem:v9+s13+$0x0], $0xffff  }
0x638: {  	v2 =	vadd.f32 v3, v2;
	v3 =	vmul.f32 v6, v13;
	v6 =	vld.idx.msk [tilespmem:v9+s14+$0x0], $0xffff;
	v9 =	vor.u32 $0x12, v1  }
0x639: {  	v13 =	vld.idx.msk [tilespmem:v7+s13+$0x0], $0xffff  }
0x63a: {  	v2 =	vadd.f32 v3, v2;
	v3 =	vmul.f32 v5, v10;
	v5 =	vld.idx.msk [tilespmem:v7+s14+$0x0], $0xffff;
	v7 =	vor.u32 $0x13, v1  }
0x63b: {  	v10 =	vld.idx.msk [tilespmem:v8+s13+$0x0], $0xffff  }
0x63c: {  	v2 =	vadd.f32 v3, v2;
	v3 =	vmul.f32 v4, v11;
	v4 =	vld.idx.msk [tilespmem:v8+s14+$0x0], $0xffff;
	v8 =	vor.u32 $0x14, v1  }
0x63d: {  	v11 =	vld.idx.msk [tilespmem:v9+s13+$0x0], $0xffff  }
0x63e: {  	v2 =	vadd.f32 v3, v2;
	v3 =	vmul.f32 v6, v12;
	v6 =	vld.idx.msk [tilespmem:v9+s14+$0x0], $0xffff;
	v9 =	vor.u32 $0x15, v1  }
0x63f: {  	v12 =	vld.idx.msk [tilespmem:v7+s13+$0x0], $0xffff  }
0x640: {  	v2 =	vadd.f32 v3, v2;
	v3 =	vmul.f32 v5, v13;
	v5 =	vld.idx.msk [tilespmem:v7+s14+$0x0], $0xffff;
	v7 =	vor.u32 $0x16, v1  }
0x641: {  	v13 =	vld.idx.msk [tilespmem:v8+s13+$0x0], $0xffff  }
0x642: {  	v2 =	vadd.f32 v3, v2;
	v3 =	vmul.f32 v4, v10;
	v4 =	vld.idx.msk [tilespmem:v8+s14+$0x0], $0xffff;
	v8 =	vor.u32 $0x17, v1  }
0x643: {  	v10 =	vld.idx.msk [tilespmem:v9+s13+$0x0], $0xffff  }
0x644: {  	v2 =	vadd.f32 v3, v2;
	v3 =	vmul.f32 v6, v11;
	v6 =	vld.idx.msk [tilespmem:v9+s14+$0x0], $0xffff;
	v9 =	vor.u32 $0x18, v1  }
0x645: {  	v11 =	vld.idx.msk [tilespmem:v7+s13+$0x0], $0xffff  }
0x646: {  	v2 =	vadd.f32 v3, v2;
	v3 =	vmul.f32 v5, v12;
	v5 =	vld.idx.msk [tilespmem:v7+s14+$0x0], $0xffff;
	v7 =	vor.u32 $0x19, v1  }
0x647: {  	v12 =	vld.idx.msk [tilespmem:v8+s13+$0x0], $0xffff  }
0x648: {  	v2 =	vadd.f32 v3, v2;
	v3 =	vmul.f32 v4, v13;
	v4 =	vld.idx.msk [tilespmem:v8+s14+$0x0], $0xffff;
	v8 =	vor.u32 $0x1A, v1  }
0x649: {  	v13 =	vld.idx.msk [tilespmem:v9+s13+$0x0], $0xffff  }
0x64a: {  	v2 =	vadd.f32 v3, v2;
	v3 =	vmul.f32 v6, v10;
	v6 =	vld.idx.msk [tilespmem:v9+s14+$0x0], $0xffff;
	v9 =	vor.u32 $0x1B, v1  }
0x64b: {  	v10 =	vld.idx.msk [tilespmem:v7+s13+$0x0], $0xffff  }
0x64c: {  	v2 =	vadd.f32 v3, v2;
	v3 =	vmul.f32 v5, v11;
	v5 =	vld.idx.msk [tilespmem:v7+s14+$0x0], $0xffff;
	v7 =	vor.u32 $0x1C, v1  }
0x64d: {  	v11 =	vld.idx.msk [tilespmem:v8+s13+$0x0], $0xffff  }
0x64e: {  	v2 =	vadd.f32 v3, v2;
	v3 =	vmul.f32 v4, v12;
	v4 =	vld.idx.msk [tilespmem:v8+s14+$0x0], $0xffff;
	v8 =	vor.u32 $0x1D, v1  }
0x64f: {  	v12 =	vld.idx.msk [tilespmem:v9+s13+$0x0], $0xffff  }
0x650: {  	v2 =	vadd.f32 v3, v2;
	v3 =	vmul.f32 v6, v13;
	v6 =	vld.idx.msk [tilespmem:v9+s14+$0x0], $0xffff;
	v9 =	vor.u32 $0x1E, v1  }
0x651: {  	v13 =	vld.idx.msk [tilespmem:v7+s13+$0x0], $0xffff  }
0x652: {  	v1 =	vor.u32 $0x1F, v1;
	v2 =	vadd.f32 v3, v2;
	v3 =	vmul.f32 v5, v10;
	v5 =	vld.idx.msk [tilespmem:v7+s14+$0x0], $0xffff  }
0x653: {  	v7 =	vld.idx.msk [tilespmem:v8+s13+$0x0], $0xffff  }
0x654: {  	v2 =	vadd.f32 v3, v2;
	v3 =	vmul.f32 v4, v11;
	v4 =	vld.idx.msk [tilespmem:v8+s14+$0x0], $0xffff  }
0x655: {  	v8 =	vld.idx.msk [tilespmem:v9+s13+$0x0], $0xffff  }
0x656: {  	v2 =	vadd.f32 v3, v2;
	v3 =	vmul.f32 v6, v12;
	v6 =	vld.idx.msk [tilespmem:v9+s14+$0x0], $0xffff  }
0x657: {  	v9 =	vld.idx.msk [tilespmem:v1+s13+$0x0], $0xffff  }
0x658: {  	v2 =	vadd.f32 v3, v2;
	v3 =	vmul.f32 v5, v13;
	v1 =	vld.idx.msk [tilespmem:v1+s14+$0x0], $0xffff;
	_ =	sdelay $0x1  }
0x659: {  	v2 =	vadd.f32 v3, v2;
	v3 =	vmul.f32 v4, v7;
	_ =	sdelay $0x1  }
0x65a: {  	v2 =	vadd.f32 v3, v2;
	v3 =	vmul.f32 v6, v8;
	_ =	sdelay $0x1  }
0x65b: {  	v2 =	vadd.f32 v3, v2;
	v1 =	vmul.f32 v1, v9;
	_ =	sdelay $0x1  }
0x65c: {  	v1 =	vadd.f32 v1, v2;
	_ =	sdelay $0x1  }
0x65d: {  	v1 =	vsub.f32 $0.0e+00, v1;
	_ =	sdelay $0x1  }
0x65e: {  	v1 =	vmul.f32 $1.442695020e+00, v1;
	_ =	sdelay $0x1  }
0x65f: {  	(erf) = vpow2.f32 v1;
	_ =	sdelay $0x8  }
0x660: {  	v1 =	vpop (erf)  }
0x661: {  	v1 =	vadd.f32 $1.000000000e+00, v1;
	_ =	sdelay $0x1  }
0x662: {  	(erf) = vrcp.f32 v1;
	_ =	sdelay $0x1  }
.Ltmp7:
0x663: {  	(pc) =	sbr.rel @p0 .LBB2_16-.Ltmp7, $4  }
0x664: {  	_ = 	snop  }
0x665: {  	v1 =	vmov s18  }
0x666: {  	v1 =	vshll.u32 v1, $0x7  }
0x667: {  	s18 =	sadd.s32 $0x10, s18;
	v1 =	vor.u32 v0, v1  }
0x668: {  	_ = 	snop  }
0x669: {  	v2 =	vor.u32 $0x1, v1  }
0x66a: {  	s17 =	sadd.s32 $0x10, s17;
	v3 =	vpop (erf)  }
0x66b: {  	v4 =	vor.u32 $0x2, v1;
	[tilespmem:s17+$0x0] =	vst v3  }
0x66c: {  	v3 =	vld.idx.msk [tilespmem:v1+s14+$0x0], $0xffff  }
0x66d: {  	v6 =	vor.u32 $0x3, v1;
	v5 =	vld.idx.msk [tilespmem:v1+s13+$0x0], $0xffff  }
0x66e: {  	v7 =	vld.idx.msk [tilespmem:v2+s13+$0x0], $0xffff  }
0x66f: {  	v8 =	vor.u32 $0x4, v1;
	v2 =	vld.idx.msk [tilespmem:v2+s14+$0x0], $0xffff  }
0x670: {  	v9 =	vld.idx.msk [tilespmem:v4+s13+$0x0], $0xffff  }
0x671: {  	v10 =	vor.u32 $0x5, v1;
	v4 =	vld.idx.msk [tilespmem:v4+s14+$0x0], $0xffff  }
0x672: {  	v11 =	vld.idx.msk [tilespmem:v6+s13+$0x0], $0xffff  }
0x673: {  	v12 =	vor.u32 $0x6, v1;
	v6 =	vld.idx.msk [tilespmem:v6+s14+$0x0], $0xffff  }
0x674: {  	v13 =	vld.idx.msk [tilespmem:v8+s13+$0x0], $0xffff;
	v3 =	vmul.f32 v3, v5;
	v2 =	vmul.f32 v2, v7  }
0x675: {  	v35 =	vor.u32 $0x7, v1;
	v34 =	vld.idx.msk [tilespmem:v8+s14+$0x0], $0xffff  }
0x676: {  	v36 =	vld.idx.msk [tilespmem:v10+s13+$0x0], $0xffff;
	v2 =	vadd.f32 v2, v3;
	v3 =	vmul.f32 v4, v9  }
0x677: {  	v38 =	vor.u32 $0x8, v1;
	v37 =	vld.idx.msk [tilespmem:v10+s14+$0x0], $0xffff  }
0x678: {  	v39 =	vld.idx.msk [tilespmem:v12+s13+$0x0], $0xffff;
	v2 =	vadd.f32 v3, v2;
	v3 =	vmul.f32 v6, v11  }
0x679: {  	v41 =	vor.u32 $0x9, v1;
	v40 =	vld.idx.msk [tilespmem:v12+s14+$0x0], $0xffff  }
0x67a: {  	v42 =	vld.idx.msk [tilespmem:v35+s13+$0x0], $0xffff;
	v2 =	vadd.f32 v3, v2;
	v3 =	vmul.f32 v34, v13  }
0x67b: {  	v44 =	vor.u32 $0xA, v1;
	v43 =	vld.idx.msk [tilespmem:v35+s14+$0x0], $0xffff  }
0x67c: {  	v45 =	vld.idx.msk [tilespmem:v38+s13+$0x0], $0xffff;
	v2 =	vadd.f32 v3, v2;
	v3 =	vmul.f32 v37, v36  }
0x67d: {  	v47 =	vor.u32 $0xB, v1;
	v46 =	vld.idx.msk [tilespmem:v38+s14+$0x0], $0xffff  }
0x67e: {  	v48 =	vld.idx.msk [tilespmem:v41+s13+$0x0], $0xffff;
	v2 =	vadd.f32 v3, v2;
	v3 =	vmul.f32 v40, v39  }
0x67f: {  	v50 =	vor.u32 $0xC, v1;
	v49 =	vld.idx.msk [tilespmem:v41+s14+$0x0], $0xffff  }
0x680: {  	v51 =	vld.idx.msk [tilespmem:v44+s13+$0x0], $0xffff;
	v2 =	vadd.f32 v3, v2;
	v3 =	vmul.f32 v43, v42  }
0x681: {  	v53 =	vor.u32 $0xD, v1;
	v52 =	vld.idx.msk [tilespmem:v44+s14+$0x0], $0xffff  }
0x682: {  	v54 =	vld.idx.msk [tilespmem:v47+s13+$0x0], $0xffff;
	v2 =	vadd.f32 v3, v2;
	v3 =	vmul.f32 v46, v45  }
0x683: {  	v56 =	vor.u32 $0xE, v1;
	v55 =	vld.idx.msk [tilespmem:v47+s14+$0x0], $0xffff  }
0x684: {  	v57 =	vld.idx.msk [tilespmem:v50+s13+$0x0], $0xffff;
	v2 =	vadd.f32 v3, v2;
	v3 =	vmul.f32 v49, v48  }
0x685: {  	v59 =	vor.u32 $0xF, v1;
	v58 =	vld.idx.msk [tilespmem:v50+s14+$0x0], $0xffff  }
0x686: {  	v60 =	vld.idx.msk [tilespmem:v53+s13+$0x0], $0xffff;
	v2 =	vadd.f32 v3, v2;
	v3 =	vmul.f32 v52, v51  }
0x687: {  	v62 =	vor.u32 $0x10, v1;
	v61 =	vld.idx.msk [tilespmem:v53+s14+$0x0], $0xffff  }
0x688: {  	v63 =	vld.idx.msk [tilespmem:v56+s13+$0x0], $0xffff;
	v2 =	vadd.f32 v3, v2;
	v3 =	vmul.f32 v55, v54  }
0x689: {  	v17 =	vor.u32 $0x11, v1;
	v16 =	vld.idx.msk [tilespmem:v56+s14+$0x0], $0xffff  }
0x68a: {  	v18 =	vld.idx.msk [tilespmem:v59+s13+$0x0], $0xffff;
	v2 =	vadd.f32 v3, v2;
	v3 =	vmul.f32 v58, v57  }
0x68b: {  	v20 =	vor.u32 $0x12, v1;
	v19 =	vld.idx.msk [tilespmem:v59+s14+$0x0], $0xffff  }
0x68c: {  	v21 =	vld.idx.msk [tilespmem:v62+s13+$0x0], $0xffff;
	v2 =	vadd.f32 v3, v2;
	v3 =	vmul.f32 v61, v60  }
0x68d: {  	v23 =	vor.u32 $0x13, v1;
	v22 =	vld.idx.msk [tilespmem:v62+s14+$0x0], $0xffff  }
0x68e: {  	v24 =	vld.idx.msk [tilespmem:v17+s13+$0x0], $0xffff;
	v2 =	vadd.f32 v3, v2;
	v3 =	vmul.f32 v16, v63  }
0x68f: {  	v26 =	vor.u32 $0x14, v1;
	v25 =	vld.idx.msk [tilespmem:v17+s14+$0x0], $0xffff  }
0x690: {  	v27 =	vld.idx.msk [tilespmem:v20+s13+$0x0], $0xffff;
	v2 =	vadd.f32 v3, v2;
	v3 =	vmul.f32 v19, v18  }
0x691: {  	v29 =	vor.u32 $0x15, v1;
	v28 =	vld.idx.msk [tilespmem:v20+s14+$0x0], $0xffff  }
0x692: {  	v30 =	vld.idx.msk [tilespmem:v23+s13+$0x0], $0xffff;
	v2 =	vadd.f32 v3, v2;
	v3 =	vmul.f32 v22, v21  }
0x693: {  	v32 =	vor.u32 $0x16, v1;
	v31 =	vld.idx.msk [tilespmem:v23+s14+$0x0], $0xffff  }
0x694: {  	v33 =	vld.idx.msk [tilespmem:v26+s13+$0x0], $0xffff;
	v2 =	vadd.f32 v3, v2;
	v3 =	vmul.f32 v25, v24  }
0x695: {  	v35 =	vor.u32 $0x17, v1;
	v34 =	vld.idx.msk [tilespmem:v26+s14+$0x0], $0xffff  }
0x696: {  	v36 =	vld.idx.msk [tilespmem:v29+s13+$0x0], $0xffff;
	v2 =	vadd.f32 v3, v2;
	v3 =	vmul.f32 v28, v27  }
0x697: {  	v38 =	vor.u32 $0x18, v1;
	v37 =	vld.idx.msk [tilespmem:v29+s14+$0x0], $0xffff  }
0x698: {  	v39 =	vld.idx.msk [tilespmem:v32+s13+$0x0], $0xffff;
	v2 =	vadd.f32 v3, v2;
	v3 =	vmul.f32 v31, v30  }
0x699: {  	v41 =	vor.u32 $0x19, v1;
	v40 =	vld.idx.msk [tilespmem:v32+s14+$0x0], $0xffff  }
0x69a: {  	v42 =	vld.idx.msk [tilespmem:v35+s13+$0x0], $0xffff;
	v2 =	vadd.f32 v3, v2;
	v3 =	vmul.f32 v34, v33  }
0x69b: {  	v44 =	vor.u32 $0x1A, v1;
	v43 =	vld.idx.msk [tilespmem:v35+s14+$0x0], $0xffff  }
0x69c: {  	v45 =	vld.idx.msk [tilespmem:v38+s13+$0x0], $0xffff;
	v2 =	vadd.f32 v3, v2;
	v3 =	vmul.f32 v37, v36  }
0x69d: {  	v47 =	vor.u32 $0x1B, v1;
	v46 =	vld.idx.msk [tilespmem:v38+s14+$0x0], $0xffff  }
0x69e: {  	v48 =	vld.idx.msk [tilespmem:v41+s13+$0x0], $0xffff;
	v2 =	vadd.f32 v3, v2;
	v3 =	vmul.f32 v40, v39  }
0x69f: {  	v50 =	vor.u32 $0x1C, v1;
	v49 =	vld.idx.msk [tilespmem:v41+s14+$0x0], $0xffff  }
0x6a0: {  	v51 =	vld.idx.msk [tilespmem:v44+s13+$0x0], $0xffff;
	v2 =	vadd.f32 v3, v2;
	v3 =	vmul.f32 v43, v42  }
0x6a1: {  	v53 =	vor.u32 $0x1D, v1;
	v52 =	vld.idx.msk [tilespmem:v44+s14+$0x0], $0xffff  }
0x6a2: {  	v54 =	vld.idx.msk [tilespmem:v47+s13+$0x0], $0xffff;
	v2 =	vadd.f32 v3, v2;
	v3 =	vmul.f32 v46, v45  }
0x6a3: {  	v56 =	vor.u32 $0x1E, v1;
	v55 =	vld.idx.msk [tilespmem:v47+s14+$0x0], $0xffff  }
0x6a4: {  	v57 =	vld.idx.msk [tilespmem:v50+s13+$0x0], $0xffff;
	v2 =	vadd.f32 v3, v2;
	v3 =	vmul.f32 v49, v48  }
0x6a5: {  	v1 =	vor.u32 $0x1F, v1;
	v58 =	vld.idx.msk [tilespmem:v50+s14+$0x0], $0xffff  }
0x6a6: {  	v59 =	vld.idx.msk [tilespmem:v53+s13+$0x0], $0xffff;
	v2 =	vadd.f32 v3, v2;
	v3 =	vmul.f32 v52, v51  }
0x6a7: {  	v60 =	vld.idx.msk [tilespmem:v53+s14+$0x0], $0xffff  }
0x6a8: {  	v62 =	vld.idx.msk [tilespmem:v56+s14+$0x0], $0xffff;
	v2 =	vadd.f32 v3, v2;
	v3 =	vmul.f32 v55, v54  }
0x6a9: {  	v61 =	vld.idx.msk [tilespmem:v56+s13+$0x0], $0xffff  }
0x6aa: {  	v63 =	vld.idx.msk [tilespmem:v1+s13+$0x0], $0xffff;
	v2 =	vadd.f32 v3, v2;
	v3 =	vmul.f32 v58, v57  }
0x6ab: {  	v1 =	vld.idx.msk [tilespmem:v1+s14+$0x0], $0xffff  }
0x6ac: {  	v2 =	vadd.f32 v3, v2;
	v3 =	vmul.f32 v60, v59;
	_ =	sdelay $0x1  }
0x6ad: {  	v2 =	vadd.f32 v3, v2;
	v3 =	vmul.f32 v62, v61;
	_ =	sdelay $0x1  }
0x6ae: {  	v1 =	vmul.f32 v1, v63;
	v2 =	vadd.f32 v3, v2;
	_ =	sdelay $0x1  }
0x6af: {  	v1 =	vadd.f32 v1, v2;
	_ =	sdelay $0x1  }
0x6b0: {  	v1 =	vsub.f32 $0.0e+00, v1;
	_ =	sdelay $0x1  }
0x6b1: {  	v1 =	vmul.f32 $1.442695020e+00, v1;
	_ =	sdelay $0x1  }
0x6b2: {  	(erf) = vpow2.f32 v1;
	_ =	sdelay $0x8  }
0x6b3: {  	v1 =	vpop (erf)  }
0x6b4: {  	v1 =	vadd.f32 $1.000000000e+00, v1;
	_ =	sdelay $0x1  }
0x6b5: {  	(erf) = vrcp.f32 v1;
	_ =	sdelay $0x8  }
0x6b6: {  	s0 =	sadd.s32 $0x10, s17;
	v1 =	vpop (erf)  }
0x6b7: {  	s30 =	rddreg [dreg:$0x4];
	s1 =	simm.s32 $0x10400;
	[tilespmem:s0+$0x0] =	vst v1  }
0x6b8: {  	[hbm4b:s30+s2] =	stream.linear.scatter [tilespmem:s1], [sflag:$0x3], $0x200, $0x38;
	[tilespmem:$0x10600] =	vst v63  }
0x6b9: {  	s1 =	simm.s32 $0x3  }
0x6ba: {  	_ =	swait.ge [sflag:s1], $0x200  }
0x6bb: {  	s16 =	sadd.s32 $0x1, s16;
	s31 =	rddreg [dreg:$0x5]  }
0x6bc: {  	p0 =	sne.s32 s16, s31  }
.Ltmp8:
0x6bd: {  	_ = 	snop;
	(pc) =	sbr.rel @p0 .LBB2_1-.Ltmp8, $3  }
0x6be: {  	_ =	sdelay $0x1  }
0x6bf: {  	[sflag:s1] =	ssyncset.done $0x0  }
0x6c0: {  	[sflag:s1] =	ssyncadd.s32 $0xFFFFFE00  }
0x6c1: {  	_ =	sfence.sel $0x180000  }
0x6c2: {  	[bflag:$0x0] =	sbarrier.arrive $0xFFFF  }
0x6c3: {  	_ =	strace $0x90000047  }
0x6c4: {  	s0 =	stileid.u32;
	[bflag:$0x2] =	sbarrier.arrive $0xFFFF  }
0x6c5: {  	p0 =	sne.s32 s0, $0x0;
	s0 =	rddreg [dreg:$0x2]  }
0x6c6: {  	s0 =	sadd.s32 @!p0 $0x100000, s0  }
0x6c7: {  	[sflag:s0] =	ssyncadd.tile.s32 @!p0 $0x1;
	_ =	shalt  }
.Lfunc_end2:
_tile_overlayer_lowered:
.L_overlay_start_2:
0x6c8: {  	(tag) =	ssettag $0x2  }
0x6c9: {  	s0 =	rddreg [dreg:$0x0];
	s2 =	stileid.u32  }
0x6ca: {  	s1 =	rddreg [dreg:$0x1];
	p0 =	sne.s32 s2, $0x0  }
0x6cb: {  	s3 =	rddreg [dreg:$0x2];
	[bflag:$0x3] =	sbarrier.arrive $0xFFFF;
	s2 =	simm.s32 @!p0 $0x1C03  }
0x6cc: {  	[timem:s3], [sflag:s2] =	dma.local @!p0 [hbm:s0], s1  }
0x6cd: {  	s0 =	simm.s32 @!p0 $0x3  }
0x6ce: {  	_ =	swait.ge @!p0 [sflag:s0], s1  }
0x6cf: {  	s1 =	ssub.s32 @!p0 $0x0, s1;
	[sflag:s0] =	ssyncset.done @!p0 $0x0  }
0x6d0: {  	[sflag:s0] =	ssyncadd.s32 @!p0 s1  }
0x6d1: {  	[bflag:$0x3] =	sbarrier.arrive $0xFFFF  }
0x6d2: {  	_ =	shalt  }

</sc_bundles>
